<compile_context>
chip_gen: v7x
topology: tpu7x:2x2x1
jax: 0.10.2.dev20260603
libtpu: 0.0.44.dev20260713+nightly
codegen_flags: <defaults>
</compile_context>

<pallas_src>
import functools

import jax
import jax.numpy as jnp
from jax import lax
from jax.experimental import pallas as pl
from jax.experimental.pallas import tpu as pltpu
from jax.experimental.pallas import tpu_sc as plsc

NW = 32
CHUNK = 128
LANES = 16
NBUF = 5
PITCH = CHUNK + 1
RPI = 4


def _build(vocab, dim, hist):
    mesh = plsc.VectorSubcoreMesh(core_axis_name="c", subcore_axis_name="s")

    @functools.partial(
        pl.kernel,
        mesh=mesh,
        compiler_params=pltpu.CompilerParams(
            use_tc_tiling_on_sc=False, needs_layout_passes=False
        ),
        out_type=jax.ShapeDtypeStruct((hist, dim // 8, NW, 8, CHUNK), jnp.float32),
        scratch_types=[
            pltpu.VMEM((hist, CHUNK), jnp.int32),
            pltpu.VMEM((NBUF, CHUNK, dim), jnp.float32),
            pltpu.VMEM((NBUF, dim // 8, 8, PITCH), jnp.float32),
        ]
        + [pltpu.SemaphoreType.DMA] * (2 * NBUF),
    )
    def fractal_gather(idx_hbm, table_hbm, out_hbm, idx_v, in_v, out_v, *sems):
        gsems, ssems = sems[:NBUF], sems[NBUF:]
        wid = lax.axis_index("s") * 2 + lax.axis_index("c")
        pltpu.sync_copy(idx_hbm.at[wid], idx_v)
        dbs, sss = [], []
        for s in range(0, dim, LANES):
            dvec = lax.iota(jnp.int32, LANES) + s
            dbs.append(dvec // 8)
            sss.append(dvec % 8)
        for b in range(NBUF):
            pltpu.async_copy(table_hbm.at[idx_v.at[b]], in_v.at[b], gsems[b])

        def outer(g, carry):
            for b in range(NBUF):
                h = g * NBUF + b
                pltpu.make_async_copy(
                    table_hbm.at[idx_v.at[h]], in_v.at[b], gsems[b]
                ).wait()

                @pl.when(g > 0)
                def _wait_store():
                    pltpu.make_async_copy(
                        out_v.at[b, :, :, pl.ds(0, CHUNK)],
                        out_hbm.at[0, :, 0],
                        ssems[b],
                    ).wait()

                @plsc.parallel_loop(0, CHUNK // RPI, step=1)
                def _compute(t4):
                    cs, tvecs = [], []
                    for rr in range(RPI):
                        t = t4 * RPI + rr
                        tvecs.append(jnp.full((LANES,), t, jnp.int32))
                        for s in range(0, dim, LANES):
                            cs.append(in_v[b, t, pl.ds(s, LANES)])
                    zs = list(cs)
                    for _ in range(9):
                        zs = [z * z + c for z, c in zip(zs, cs)]
                    i = 0
                    for rr in range(RPI):
                        for k in range(dim // LANES):
                            plsc.store_scatter(
                                out_v.at[b], [dbs[k], sss[k], tvecs[rr]], zs[i]
                            )
                            i += 1

                @pl.when(h + NBUF < hist)
                def _next_gather():
                    pltpu.async_copy(
                        table_hbm.at[idx_v.at[h + NBUF]], in_v.at[b], gsems[b]
                    )

                pltpu.async_copy(
                    out_v.at[b, :, :, pl.ds(0, CHUNK)],
                    out_hbm.at[h, :, wid],
                    ssems[b],
                )
            return carry

        lax.fori_loop(0, hist // NBUF, outer, 0)
        for b in range(NBUF):
            pltpu.make_async_copy(
                out_v.at[b, :, :, pl.ds(0, CHUNK)], out_hbm.at[0, :, 0], ssems[b]
            ).wait()

    return fractal_gather


def kernel(token_id, weights):
    batch, hist = token_id.shape
    vocab, dim = weights.shape
    assert batch == NW * CHUNK and dim % LANES == 0 and hist % NBUF == 0
    idx = token_id.reshape(NW, CHUNK, hist).transpose(0, 2, 1).astype(jnp.int32)
    out5 = _build(vocab, dim, hist)(idx, weights)
    out = out5.transpose(2, 4, 0, 1, 3).reshape(batch, hist, dim)
    return out

# --- scband reference (transcript-rebuilt; emitter-appended) ---
"""Pipeline reference for scband-fractal-embedding-9019431321770 (READ-ONLY COPY).

The authoritative reference and input builder live on the scoring server;
editing this copy changes nothing except your own understanding.
"""

import jax, jax.numpy as jnp
import numpy as np

VOCAB = 1000000
EMBED_DIM = 32
BATCH = 4096
HIST = 50
N_ITERS = 10


def setup_inputs(seed: int = 0) -> dict:
    key = jax.random.key(seed)
    k_idx, k_w = jax.random.split(key)
    token_id = jax.random.randint(k_idx, (BATCH, HIST), 0, VOCAB)
    weights = jax.random.normal(k_w, (VOCAB, EMBED_DIM), dtype=jnp.float32)
    return {"token_id": token_id, "weights": weights}


def reference(token_id, weights):
    # Faithful translation of FractalEmbedding.__call__
    c = jnp.take(weights, token_id, axis=0)  # gather: [B, L, D]
    z = jnp.zeros_like(c)
    # fori_loop(0, 10, lambda i, z: z**2 + c, z) unrolled (static trip count)
    for _ in range(N_ITERS):
        z = z ** 2 + c
    # z.real on a real-dtype array is the identity
    return z

if __name__ == "__main__":
    import jax
    _d = setup_inputs()
    print(jax.jit(kernel)(*tuple(_d.values())))

</pallas_src>

<mosaic_0001>
#map = affine_map<(d0, d1) -> (0, 0, 0)>
#map1 = affine_map<(d0, d1) -> (0, 0)>
#map2 = affine_map<(d0, d1) -> (0, 0, 0, 0, 0)>
module attributes {stable_mosaic.version = 14 : i64} {
  func.func @fractal_gather(%arg0: i32, %arg1: i32, %arg2: memref<32x50x128xi32, #tpu.memory_space<hbm>>, %arg3: memref<1000000x32xf32, #tpu.memory_space<hbm>>, %arg4: memref<50x4x32x8x128xf32, #tpu.memory_space<hbm>>, %arg5: memref<50x128xi32, #tpu.memory_space<vmem>>, %arg6: memref<5x128x32xf32, #tpu.memory_space<vmem>>, %arg7: memref<5x4x8x129xf32, #tpu.memory_space<vmem>>, %arg8: memref<!tpu.dma_semaphore, #tpu.memory_space<semaphore_mem>>, %arg9: memref<!tpu.dma_semaphore, #tpu.memory_space<semaphore_mem>>, %arg10: memref<!tpu.dma_semaphore, #tpu.memory_space<semaphore_mem>>, %arg11: memref<!tpu.dma_semaphore, #tpu.memory_space<semaphore_mem>>, %arg12: memref<!tpu.dma_semaphore, #tpu.memory_space<semaphore_mem>>, %arg13: memref<!tpu.dma_semaphore, #tpu.memory_space<semaphore_mem>>, %arg14: memref<!tpu.dma_semaphore, #tpu.memory_space<semaphore_mem>>, %arg15: memref<!tpu.dma_semaphore, #tpu.memory_space<semaphore_mem>>, %arg16: memref<!tpu.dma_semaphore, #tpu.memory_space<semaphore_mem>>, %arg17: memref<!tpu.dma_semaphore, #tpu.memory_space<semaphore_mem>>) attributes {dimension_semantics = [#tpu.dimension_semantics<core_parallel>, #tpu.dimension_semantics<subcore_parallel>], iteration_bounds = array<i64: 2, 16>, scalar_prefetch = 0 : i64, scratch_operands = 13 : i64, tpu.core_type = #tpu.core_type<sc_vector_subcore>, window_params = [{transform_indices = #map}, {transform_indices = #map1}, {transform_indices = #map2}]} {
    %mul3A = arith.constant 2 : i32
    %mul3A_0 = arith.muli %arg1, %mul3A : i32
    %add3A = arith.addi %mul3A_0, %arg0 : i32
    "tpu.region"() ({
      %run_scoped3A = tpu.sem_alloc : memref<!tpu.dma_semaphore, #tpu.memory_space<semaphore_mem>>
      %dma_start3A_282 = arith.constant 0 : i32
      %dma_start3A_283 = arith.constant 0 : i32
      %dma_start3A_284 = tpu.memref_slice %arg2[%add3A, %dma_start3A_282, %dma_start3A_283] : memref<32x50x128xi32, #tpu.memory_space<hbm>> -> memref<1x50x128xi32, #tpu.memory_space<hbm>>
      %dma_start3A_285 = tpu.memref_squeeze %dma_start3A_284 : memref<1x50x128xi32, #tpu.memory_space<hbm>> -> memref<50x128xi32, #tpu.memory_space<hbm>>
      %dma_start3A_286 = arith.constant 0 : i32
      %dma_start3A_287 = arith.constant 0 : i32
      %dma_start3A_288 = tpu.memref_slice %arg2[%add3A, %dma_start3A_286, %dma_start3A_287] : memref<32x50x128xi32, #tpu.memory_space<hbm>> -> memref<1x50x128xi32, #tpu.memory_space<hbm>>
      %dma_start3A_289 = tpu.memref_squeeze %dma_start3A_288 : memref<1x50x128xi32, #tpu.memory_space<hbm>> -> memref<50x128xi32, #tpu.memory_space<hbm>>
      tpu.enqueue_dma source(%dma_start3A_289 : memref<50x128xi32, #tpu.memory_space<hbm>>) target(%arg5 : memref<50x128xi32, #tpu.memory_space<vmem>>) target_semaphore(%run_scoped3A : memref<!tpu.dma_semaphore, #tpu.memory_space<semaphore_mem>>)
      %dma_wait3A_290 = arith.constant 0 : i32
      %dma_wait3A_291 = arith.constant 0 : i32
      %dma_wait3A_292 = tpu.memref_slice %arg2[%add3A, %dma_wait3A_290, %dma_wait3A_291] : memref<32x50x128xi32, #tpu.memory_space<hbm>> -> memref<1x50x128xi32, #tpu.memory_space<hbm>>
      %dma_wait3A_293 = tpu.memref_squeeze %dma_wait3A_292 : memref<1x50x128xi32, #tpu.memory_space<hbm>> -> memref<50x128xi32, #tpu.memory_space<hbm>>
      %dma_wait3A_294 = arith.constant 0 : i32
      %dma_wait3A_295 = arith.constant 0 : i32
      %dma_wait3A_296 = tpu.memref_slice %arg2[%add3A, %dma_wait3A_294, %dma_wait3A_295] : memref<32x50x128xi32, #tpu.memory_space<hbm>> -> memref<1x50x128xi32, #tpu.memory_space<hbm>>
      %dma_wait3A_297 = tpu.memref_squeeze %dma_wait3A_296 : memref<1x50x128xi32, #tpu.memory_space<hbm>> -> memref<50x128xi32, #tpu.memory_space<hbm>>
      tpu.wait_dma2 semaphore(%run_scoped3A : memref<!tpu.dma_semaphore, #tpu.memory_space<semaphore_mem>>) src(%dma_wait3A_297 : memref<50x128xi32, #tpu.memory_space<hbm>>) dst(%arg5 : memref<50x128xi32, #tpu.memory_space<vmem>>)
      tpu.yield
    }) : () -> ()
    %iota3A = tpu.iota {dimensions = array<i32: 0>} : vector<16xi32>
    %add3A_1 = arith.constant 0 : i32
    %add3A_2 = vector.broadcast %add3A_1 : i32 to vector<16xi32>
    %add3A_3 = arith.addi %iota3A, %add3A_2 : vector<16xi32>
    %jit3A = arith.constant 8 : i32
    %div3A = vector.broadcast %jit3A : i32 to vector<16xi32>
    %div3A_4 = arith.divsi %add3A_3, %div3A : vector<16xi32>
    %sign3A = arith.constant 0 : i32
    %sign3A_5 = vector.broadcast %sign3A : i32 to vector<16xi32>
    %sign3A_6 = arith.cmpi sgt, %add3A_3, %sign3A_5 : vector<16xi32>
    %sign3A_7 = arith.extui %sign3A_6 : vector<16xi1> to vector<16xi32>
    %sign3A_8 = arith.constant 0 : i32
    %sign3A_9 = vector.broadcast %sign3A_8 : i32 to vector<16xi32>
    %sign3A_10 = arith.cmpi slt, %add3A_3, %sign3A_9 : vector<16xi32>
    %sign3A_11 = arith.extui %sign3A_10 : vector<16xi1> to vector<16xi32>
    %sign3A_12 = arith.subi %sign3A_7, %sign3A_11 : vector<16xi32>
    %sign3A_13 = arith.constant 0 : i32
    %sign3A_14 = arith.cmpi sgt, %jit3A, %sign3A_13 : i32
    %sign3A_15 = arith.extui %sign3A_14 : i1 to i32
    %sign3A_16 = arith.constant 0 : i32
    %sign3A_17 = arith.cmpi slt, %jit3A, %sign3A_16 : i32
    %sign3A_18 = arith.extui %sign3A_17 : i1 to i32
    %sign3A_19 = arith.subi %sign3A_15, %sign3A_18 : i32
    %ne3A = vector.broadcast %sign3A_19 : i32 to vector<16xi32>
    %ne3A_20 = arith.cmpi ne, %sign3A_12, %ne3A : vector<16xi32>
    %rem3A = vector.broadcast %jit3A : i32 to vector<16xi32>
    %rem3A_21 = arith.remsi %add3A_3, %rem3A : vector<16xi32>
    %ne3A_22 = arith.constant 0 : i32
    %ne3A_23 = vector.broadcast %ne3A_22 : i32 to vector<16xi32>
    %ne3A_24 = arith.cmpi ne, %rem3A_21, %ne3A_23 : vector<16xi32>
    %and3A = arith.andi %ne3A_20, %ne3A_24 : vector<16xi1>
    %sub3A = arith.constant 1 : i32
    %sub3A_25 = vector.broadcast %sub3A : i32 to vector<16xi32>
    %sub3A_26 = arith.subi %div3A_4, %sub3A_25 : vector<16xi32>
    %select_n3A = arith.select %and3A, %sub3A_26, %div3A_4 : vector<16xi1>, vector<16xi32>
    %jit3A_27 = arith.constant 8 : i32
    %eq3A = arith.constant 0 : i32
    %eq3A_28 = arith.cmpi eq, %jit3A_27, %eq3A : i32
    %jit3A_29 = arith.constant 1 : i32
    %select_n3A_30 = arith.select %eq3A_28, %jit3A_29, %jit3A_27 : i32
    %rem3A_31 = vector.broadcast %select_n3A_30 : i32 to vector<16xi32>
    %rem3A_32 = arith.remsi %add3A_3, %rem3A_31 : vector<16xi32>
    %ne3A_33 = arith.constant 0 : i32
    %ne3A_34 = vector.broadcast %ne3A_33 : i32 to vector<16xi32>
    %ne3A_35 = arith.cmpi ne, %rem3A_32, %ne3A_34 : vector<16xi32>
    %lt3A = arith.constant 0 : i32
    %lt3A_36 = vector.broadcast %lt3A : i32 to vector<16xi32>
    %lt3A_37 = arith.cmpi slt, %rem3A_32, %lt3A_36 : vector<16xi32>
    %lt3A_38 = arith.constant 0 : i32
    %lt3A_39 = arith.cmpi slt, %select_n3A_30, %lt3A_38 : i32
    %ne3A_40 = vector.broadcast %lt3A_39 : i1 to vector<16xi1>
    %ne3A_41 = vector.broadcast %ne3A_40 : vector<16xi1> to vector<16xi1>
    %ne3A_42 = arith.xori %lt3A_37, %ne3A_41 : vector<16xi1>
    %and3A_43 = arith.andi %ne3A_42, %ne3A_35 : vector<16xi1>
    %add3A_44 = vector.broadcast %select_n3A_30 : i32 to vector<16xi32>
    %add3A_45 = arith.addi %rem3A_32, %add3A_44 : vector<16xi32>
    %select_n3A_46 = arith.select %and3A_43, %add3A_45, %rem3A_32 : vector<16xi1>, vector<16xi32>
    %iota3A_47 = tpu.iota {dimensions = array<i32: 0>} : vector<16xi32>
    %add3A_48 = arith.constant 16 : i32
    %add3A_49 = vector.broadcast %add3A_48 : i32 to vector<16xi32>
    %add3A_50 = arith.addi %iota3A_47, %add3A_49 : vector<16xi32>
    %jit3A_51 = arith.constant 8 : i32
    %div3A_52 = vector.broadcast %jit3A_51 : i32 to vector<16xi32>
    %div3A_53 = arith.divsi %add3A_50, %div3A_52 : vector<16xi32>
    %sign3A_54 = arith.constant 0 : i32
    %sign3A_55 = vector.broadcast %sign3A_54 : i32 to vector<16xi32>
    %sign3A_56 = arith.cmpi sgt, %add3A_50, %sign3A_55 : vector<16xi32>
    %sign3A_57 = arith.extui %sign3A_56 : vector<16xi1> to vector<16xi32>
    %sign3A_58 = arith.constant 0 : i32
    %sign3A_59 = vector.broadcast %sign3A_58 : i32 to vector<16xi32>
    %sign3A_60 = arith.cmpi slt, %add3A_50, %sign3A_59 : vector<16xi32>
    %sign3A_61 = arith.extui %sign3A_60 : vector<16xi1> to vector<16xi32>
    %sign3A_62 = arith.subi %sign3A_57, %sign3A_61 : vector<16xi32>
    %sign3A_63 = arith.constant 0 : i32
    %sign3A_64 = arith.cmpi sgt, %jit3A_51, %sign3A_63 : i32
    %sign3A_65 = arith.extui %sign3A_64 : i1 to i32
    %sign3A_66 = arith.constant 0 : i32
    %sign3A_67 = arith.cmpi slt, %jit3A_51, %sign3A_66 : i32
    %sign3A_68 = arith.extui %sign3A_67 : i1 to i32
    %sign3A_69 = arith.subi %sign3A_65, %sign3A_68 : i32
    %ne3A_70 = vector.broadcast %sign3A_69 : i32 to vector<16xi32>
    %ne3A_71 = arith.cmpi ne, %sign3A_62, %ne3A_70 : vector<16xi32>
    %rem3A_72 = vector.broadcast %jit3A_51 : i32 to vector<16xi32>
    %rem3A_73 = arith.remsi %add3A_50, %rem3A_72 : vector<16xi32>
    %ne3A_74 = arith.constant 0 : i32
    %ne3A_75 = vector.broadcast %ne3A_74 : i32 to vector<16xi32>
    %ne3A_76 = arith.cmpi ne, %rem3A_73, %ne3A_75 : vector<16xi32>
    %and3A_77 = arith.andi %ne3A_71, %ne3A_76 : vector<16xi1>
    %sub3A_78 = arith.constant 1 : i32
    %sub3A_79 = vector.broadcast %sub3A_78 : i32 to vector<16xi32>
    %sub3A_80 = arith.subi %div3A_53, %sub3A_79 : vector<16xi32>
    %select_n3A_81 = arith.select %and3A_77, %sub3A_80, %div3A_53 : vector<16xi1>, vector<16xi32>
    %jit3A_82 = arith.constant 8 : i32
    %eq3A_83 = arith.constant 0 : i32
    %eq3A_84 = arith.cmpi eq, %jit3A_82, %eq3A_83 : i32
    %jit3A_85 = arith.constant 1 : i32
    %select_n3A_86 = arith.select %eq3A_84, %jit3A_85, %jit3A_82 : i32
    %rem3A_87 = vector.broadcast %select_n3A_86 : i32 to vector<16xi32>
    %rem3A_88 = arith.remsi %add3A_50, %rem3A_87 : vector<16xi32>
    %ne3A_89 = arith.constant 0 : i32
    %ne3A_90 = vector.broadcast %ne3A_89 : i32 to vector<16xi32>
    %ne3A_91 = arith.cmpi ne, %rem3A_88, %ne3A_90 : vector<16xi32>
    %lt3A_92 = arith.constant 0 : i32
    %lt3A_93 = vector.broadcast %lt3A_92 : i32 to vector<16xi32>
    %lt3A_94 = arith.cmpi slt, %rem3A_88, %lt3A_93 : vector<16xi32>
    %lt3A_95 = arith.constant 0 : i32
    %lt3A_96 = arith.cmpi slt, %select_n3A_86, %lt3A_95 : i32
    %ne3A_97 = vector.broadcast %lt3A_96 : i1 to vector<16xi1>
    %ne3A_98 = vector.broadcast %ne3A_97 : vector<16xi1> to vector<16xi1>
    %ne3A_99 = arith.xori %lt3A_94, %ne3A_98 : vector<16xi1>
    %and3A_100 = arith.andi %ne3A_99, %ne3A_91 : vector<16xi1>
    %add3A_101 = vector.broadcast %select_n3A_86 : i32 to vector<16xi32>
    %add3A_102 = arith.addi %rem3A_88, %add3A_101 : vector<16xi32>
    %select_n3A_103 = arith.select %and3A_100, %add3A_102, %rem3A_88 : vector<16xi1>, vector<16xi32>
    %dma_start3A = arith.constant 0 : i32
    %dma_start3A_104 = arith.constant 0 : i32
    %dma_start3A_105 = arith.constant 0 : i32
    %dma_start3A_106 = arith.constant 0 : i32
    %dma_start3A_107 = tpu.memref_slice %arg6[%dma_start3A_104, %dma_start3A_105, %dma_start3A_106] : memref<5x128x32xf32, #tpu.memory_space<vmem>> -> memref<1x128x32xf32, #tpu.memory_space<vmem>>
    %dma_start3A_108 = tpu.memref_squeeze %dma_start3A_107 : memref<1x128x32xf32, #tpu.memory_space<vmem>> -> memref<128x32xf32, #tpu.memory_space<vmem>>
    %dma_start3A_109 = arith.constant 0 : i32
    %dma_start3A_110 = tpu.memref_slice %arg5[%dma_start3A, %dma_start3A_109] : memref<50x128xi32, #tpu.memory_space<vmem>> -> memref<1x128xi32, #tpu.memory_space<vmem>>
    %dma_start3A_111 = tpu.memref_squeeze %dma_start3A_110 : memref<1x128xi32, #tpu.memory_space<vmem>> -> memref<128xi32, #tpu.memory_space<vmem>>
    %dma_start3A_112 = arith.constant 0 : i32
    %dma_start3A_113 = arith.constant 0 : i32
    %dma_start3A_114 = tpu.memref_slice %arg3[%dma_start3A_112, %dma_start3A_113] : memref<1000000x32xf32, #tpu.memory_space<hbm>> -> memref<1000000x32xf32, #tpu.memory_space<hbm>>
    tpu.enqueue_indirect_dma source(%dma_start3A_114 : memref<1000000x32xf32, #tpu.memory_space<hbm>>) target(%dma_start3A_108 : memref<128x32xf32, #tpu.memory_space<vmem>>) offsets(%dma_start3A_111 : memref<128xi32, #tpu.memory_space<vmem>>) semaphore(%arg8 : memref<!tpu.dma_semaphore, #tpu.memory_space<semaphore_mem>>)
    %dma_start3A_115 = arith.constant 1 : i32
    %dma_start3A_116 = arith.constant 1 : i32
    %dma_start3A_117 = arith.constant 0 : i32
    %dma_start3A_118 = arith.constant 0 : i32
    %dma_start3A_119 = tpu.memref_slice %arg6[%dma_start3A_116, %dma_start3A_117, %dma_start3A_118] : memref<5x128x32xf32, #tpu.memory_space<vmem>> -> memref<1x128x32xf32, #tpu.memory_space<vmem>>
    %dma_start3A_120 = tpu.memref_squeeze %dma_start3A_119 : memref<1x128x32xf32, #tpu.memory_space<vmem>> -> memref<128x32xf32, #tpu.memory_space<vmem>>
    %dma_start3A_121 = arith.constant 0 : i32
    %dma_start3A_122 = tpu.memref_slice %arg5[%dma_start3A_115, %dma_start3A_121] : memref<50x128xi32, #tpu.memory_space<vmem>> -> memref<1x128xi32, #tpu.memory_space<vmem>>
    %dma_start3A_123 = tpu.memref_squeeze %dma_start3A_122 : memref<1x128xi32, #tpu.memory_space<vmem>> -> memref<128xi32, #tpu.memory_space<vmem>>
    %dma_start3A_124 = arith.constant 0 : i32
    %dma_start3A_125 = arith.constant 0 : i32
    %dma_start3A_126 = tpu.memref_slice %arg3[%dma_start3A_124, %dma_start3A_125] : memref<1000000x32xf32, #tpu.memory_space<hbm>> -> memref<1000000x32xf32, #tpu.memory_space<hbm>>
    tpu.enqueue_indirect_dma source(%dma_start3A_126 : memref<1000000x32xf32, #tpu.memory_space<hbm>>) target(%dma_start3A_120 : memref<128x32xf32, #tpu.memory_space<vmem>>) offsets(%dma_start3A_123 : memref<128xi32, #tpu.memory_space<vmem>>) semaphore(%arg9 : memref<!tpu.dma_semaphore, #tpu.memory_space<semaphore_mem>>)
    %dma_start3A_127 = arith.constant 2 : i32
    %dma_start3A_128 = arith.constant 2 : i32
    %dma_start3A_129 = arith.constant 0 : i32
    %dma_start3A_130 = arith.constant 0 : i32
    %dma_start3A_131 = tpu.memref_slice %arg6[%dma_start3A_128, %dma_start3A_129, %dma_start3A_130] : memref<5x128x32xf32, #tpu.memory_space<vmem>> -> memref<1x128x32xf32, #tpu.memory_space<vmem>>
    %dma_start3A_132 = tpu.memref_squeeze %dma_start3A_131 : memref<1x128x32xf32, #tpu.memory_space<vmem>> -> memref<128x32xf32, #tpu.memory_space<vmem>>
    %dma_start3A_133 = arith.constant 0 : i32
    %dma_start3A_134 = tpu.memref_slice %arg5[%dma_start3A_127, %dma_start3A_133] : memref<50x128xi32, #tpu.memory_space<vmem>> -> memref<1x128xi32, #tpu.memory_space<vmem>>
    %dma_start3A_135 = tpu.memref_squeeze %dma_start3A_134 : memref<1x128xi32, #tpu.memory_space<vmem>> -> memref<128xi32, #tpu.memory_space<vmem>>
    %dma_start3A_136 = arith.constant 0 : i32
    %dma_start3A_137 = arith.constant 0 : i32
    %dma_start3A_138 = tpu.memref_slice %arg3[%dma_start3A_136, %dma_start3A_137] : memref<1000000x32xf32, #tpu.memory_space<hbm>> -> memref<1000000x32xf32, #tpu.memory_space<hbm>>
    tpu.enqueue_indirect_dma source(%dma_start3A_138 : memref<1000000x32xf32, #tpu.memory_space<hbm>>) target(%dma_start3A_132 : memref<128x32xf32, #tpu.memory_space<vmem>>) offsets(%dma_start3A_135 : memref<128xi32, #tpu.memory_space<vmem>>) semaphore(%arg10 : memref<!tpu.dma_semaphore, #tpu.memory_space<semaphore_mem>>)
    %dma_start3A_139 = arith.constant 3 : i32
    %dma_start3A_140 = arith.constant 3 : i32
    %dma_start3A_141 = arith.constant 0 : i32
    %dma_start3A_142 = arith.constant 0 : i32
    %dma_start3A_143 = tpu.memref_slice %arg6[%dma_start3A_140, %dma_start3A_141, %dma_start3A_142] : memref<5x128x32xf32, #tpu.memory_space<vmem>> -> memref<1x128x32xf32, #tpu.memory_space<vmem>>
    %dma_start3A_144 = tpu.memref_squeeze %dma_start3A_143 : memref<1x128x32xf32, #tpu.memory_space<vmem>> -> memref<128x32xf32, #tpu.memory_space<vmem>>
    %dma_start3A_145 = arith.constant 0 : i32
    %dma_start3A_146 = tpu.memref_slice %arg5[%dma_start3A_139, %dma_start3A_145] : memref<50x128xi32, #tpu.memory_space<vmem>> -> memref<1x128xi32, #tpu.memory_space<vmem>>
    %dma_start3A_147 = tpu.memref_squeeze %dma_start3A_146 : memref<1x128xi32, #tpu.memory_space<vmem>> -> memref<128xi32, #tpu.memory_space<vmem>>
    %dma_start3A_148 = arith.constant 0 : i32
    %dma_start3A_149 = arith.constant 0 : i32
    %dma_start3A_150 = tpu.memref_slice %arg3[%dma_start3A_148, %dma_start3A_149] : memref<1000000x32xf32, #tpu.memory_space<hbm>> -> memref<1000000x32xf32, #tpu.memory_space<hbm>>
    tpu.enqueue_indirect_dma source(%dma_start3A_150 : memref<1000000x32xf32, #tpu.memory_space<hbm>>) target(%dma_start3A_144 : memref<128x32xf32, #tpu.memory_space<vmem>>) offsets(%dma_start3A_147 : memref<128xi32, #tpu.memory_space<vmem>>) semaphore(%arg11 : memref<!tpu.dma_semaphore, #tpu.memory_space<semaphore_mem>>)
    %dma_start3A_151 = arith.constant 4 : i32
    %dma_start3A_152 = arith.constant 4 : i32
    %dma_start3A_153 = arith.constant 0 : i32
    %dma_start3A_154 = arith.constant 0 : i32
    %dma_start3A_155 = tpu.memref_slice %arg6[%dma_start3A_152, %dma_start3A_153, %dma_start3A_154] : memref<5x128x32xf32, #tpu.memory_space<vmem>> -> memref<1x128x32xf32, #tpu.memory_space<vmem>>
    %dma_start3A_156 = tpu.memref_squeeze %dma_start3A_155 : memref<1x128x32xf32, #tpu.memory_space<vmem>> -> memref<128x32xf32, #tpu.memory_space<vmem>>
    %dma_start3A_157 = arith.constant 0 : i32
    %dma_start3A_158 = tpu.memref_slice %arg5[%dma_start3A_151, %dma_start3A_157] : memref<50x128xi32, #tpu.memory_space<vmem>> -> memref<1x128xi32, #tpu.memory_space<vmem>>
    %dma_start3A_159 = tpu.memref_squeeze %dma_start3A_158 : memref<1x128xi32, #tpu.memory_space<vmem>> -> memref<128xi32, #tpu.memory_space<vmem>>
    %dma_start3A_160 = arith.constant 0 : i32
    %dma_start3A_161 = arith.constant 0 : i32
    %dma_start3A_162 = tpu.memref_slice %arg3[%dma_start3A_160, %dma_start3A_161] : memref<1000000x32xf32, #tpu.memory_space<hbm>> -> memref<1000000x32xf32, #tpu.memory_space<hbm>>
    tpu.enqueue_indirect_dma source(%dma_start3A_162 : memref<1000000x32xf32, #tpu.memory_space<hbm>>) target(%dma_start3A_156 : memref<128x32xf32, #tpu.memory_space<vmem>>) offsets(%dma_start3A_159 : memref<128xi32, #tpu.memory_space<vmem>>) semaphore(%arg12 : memref<!tpu.dma_semaphore, #tpu.memory_space<semaphore_mem>>)
    %scan3A = arith.constant 0 : i32
    %scan3A_163 = arith.constant 0 : i32
    %scan3A_164 = arith.constant 10 : i32
    %scan3A_165 = arith.addi %scan3A_163, %scan3A_164 : i32
    %scan3A_166 = arith.constant 1 : i32
    scf.for %scan3A_282 = %scan3A_163 to %scan3A_165 step %scan3A_166  : i32 {
      %mul3A_283 = arith.constant 5 : i32
      %mul3A_284 = arith.muli %scan3A_282, %mul3A_283 : i32
      %add3A_285 = arith.constant 0 : i32
      %add3A_286 = arith.addi %mul3A_284, %add3A_285 : i32
      %dma_wait3A_287 = arith.constant 0 : i32
      %dma_wait3A_288 = arith.constant 0 : i32
      %dma_wait3A_289 = arith.constant 0 : i32
      %dma_wait3A_290 = tpu.memref_slice %arg6[%dma_wait3A_287, %dma_wait3A_288, %dma_wait3A_289] : memref<5x128x32xf32, #tpu.memory_space<vmem>> -> memref<1x128x32xf32, #tpu.memory_space<vmem>>
      %dma_wait3A_291 = tpu.memref_squeeze %dma_wait3A_290 : memref<1x128x32xf32, #tpu.memory_space<vmem>> -> memref<128x32xf32, #tpu.memory_space<vmem>>
      %dma_wait3A_292 = arith.constant 0 : i32
      %dma_wait3A_293 = tpu.memref_slice %arg5[%add3A_286, %dma_wait3A_292] : memref<50x128xi32, #tpu.memory_space<vmem>> -> memref<1x128xi32, #tpu.memory_space<vmem>>
      %dma_wait3A_294 = tpu.memref_squeeze %dma_wait3A_293 : memref<1x128xi32, #tpu.memory_space<vmem>> -> memref<128xi32, #tpu.memory_space<vmem>>
      %dma_wait3A_295 = arith.constant 0 : i32
      %dma_wait3A_296 = arith.constant 0 : i32
      %dma_wait3A_297 = tpu.memref_slice %arg3[%dma_wait3A_295, %dma_wait3A_296] : memref<1000000x32xf32, #tpu.memory_space<hbm>> -> memref<1000000x32xf32, #tpu.memory_space<hbm>>
      tpu.wait_indirect_dma semaphore(%arg8 : memref<!tpu.dma_semaphore, #tpu.memory_space<semaphore_mem>>) src(%dma_wait3A_297 : memref<1000000x32xf32, #tpu.memory_space<hbm>>) dst(%dma_wait3A_291 : memref<128x32xf32, #tpu.memory_space<vmem>>)
      %gt3A = arith.constant 0 : i32
      %gt3A_298 = arith.cmpi sgt, %scan3A_282, %gt3A : i32
      %convert_element_type3A = arith.extui %gt3A_298 : i1 to i32
      %cond3A = arith.constant 0 : i32
      %cond3A_299 = arith.cmpi ne, %convert_element_type3A, %cond3A : i32
      scf.if %cond3A_299 {
        %dma_wait3A_534 = arith.constant 0 : i32
        %dma_wait3A_535 = arith.constant 0 : i32
        %dma_wait3A_536 = arith.constant 0 : i32
        %dma_wait3A_537 = arith.constant 0 : i32
        %dma_wait3A_538 = arith.constant 0 : i32
        %dma_wait3A_539 = arith.constant 0 : i32
        %dma_wait3A_540 = tpu.memref_slice %arg7[%dma_wait3A_534, %dma_wait3A_537, %dma_wait3A_538, %dma_wait3A_539] : memref<5x4x8x129xf32, #tpu.memory_space<vmem>> -> memref<1x4x8x128xf32, #tpu.memory_space<vmem>>
        %dma_wait3A_541 = tpu.memref_squeeze %dma_wait3A_540 : memref<1x4x8x128xf32, #tpu.memory_space<vmem>> -> memref<4x8x128xf32, #tpu.memory_space<vmem>>
        %dma_wait3A_542 = arith.constant 0 : i32
        %dma_wait3A_543 = arith.constant 0 : i32
        %dma_wait3A_544 = arith.constant 0 : i32
        %dma_wait3A_545 = tpu.memref_slice %arg4[%dma_wait3A_535, %dma_wait3A_542, %dma_wait3A_536, %dma_wait3A_543, %dma_wait3A_544] : memref<50x4x32x8x128xf32, #tpu.memory_space<hbm>> -> memref<1x4x1x8x128xf32, #tpu.memory_space<hbm>>
        %dma_wait3A_546 = tpu.memref_squeeze %dma_wait3A_545 : memref<1x4x1x8x128xf32, #tpu.memory_space<hbm>> -> memref<4x8x128xf32, #tpu.memory_space<hbm>>
        %dma_wait3A_547 = arith.constant 0 : i32
        %dma_wait3A_548 = arith.constant 0 : i32
        %dma_wait3A_549 = arith.constant 0 : i32
        %dma_wait3A_550 = tpu.memref_slice %arg4[%dma_wait3A_535, %dma_wait3A_547, %dma_wait3A_536, %dma_wait3A_548, %dma_wait3A_549] : memref<50x4x32x8x128xf32, #tpu.memory_space<hbm>> -> memref<1x4x1x8x128xf32, #tpu.memory_space<hbm>>
        %dma_wait3A_551 = tpu.memref_squeeze %dma_wait3A_550 : memref<1x4x1x8x128xf32, #tpu.memory_space<hbm>> -> memref<4x8x128xf32, #tpu.memory_space<hbm>>
        %dma_wait3A_552 = arith.constant 0 : i32
        %dma_wait3A_553 = arith.constant 0 : i32
        %dma_wait3A_554 = arith.constant 0 : i32
        %dma_wait3A_555 = tpu.memref_slice %arg7[%dma_wait3A_534, %dma_wait3A_552, %dma_wait3A_553, %dma_wait3A_554] : memref<5x4x8x129xf32, #tpu.memory_space<vmem>> -> memref<1x4x8x128xf32, #tpu.memory_space<vmem>>
        %dma_wait3A_556 = tpu.memref_squeeze %dma_wait3A_555 : memref<1x4x8x128xf32, #tpu.memory_space<vmem>> -> memref<4x8x128xf32, #tpu.memory_space<vmem>>
        tpu.wait_dma2 semaphore(%arg13 : memref<!tpu.dma_semaphore, #tpu.memory_space<semaphore_mem>>) src(%dma_wait3A_556 : memref<4x8x128xf32, #tpu.memory_space<vmem>>) dst(%dma_wait3A_551 : memref<4x8x128xf32, #tpu.memory_space<hbm>>)
      } else {
      }
      %parallel_loop3A = arith.constant 0 : i32
      %parallel_loop3A_300 = arith.constant 32 : i32
      %parallel_loop3A_301 = arith.constant 1 : i32
      scf.for %parallel_loop3A_534 = %parallel_loop3A to %parallel_loop3A_300 step %parallel_loop3A_301  : i32 {
        %parallel_loop3A_535 = arith.constant 4 : i32
        %parallel_loop3A_536 = arith.muli %parallel_loop3A_534, %parallel_loop3A_535 : i32
        %parallel_loop3A_537 = arith.constant 0 : i32
        %parallel_loop3A_538 = arith.addi %parallel_loop3A_536, %parallel_loop3A_537 : i32
        %parallel_loop3A_539 = vector.broadcast %parallel_loop3A_538 : i32 to vector<16xi32>
        %parallel_loop3A_540 = arith.constant 0 : i32
        %parallel_loop3A_541 = arith.index_cast %parallel_loop3A_540 : i32 to index
        %parallel_loop3A_542 = arith.index_cast %parallel_loop3A_538 : i32 to index
        %parallel_loop3A_543 = arith.constant 0 : index
        %parallel_loop3A_544 = tpu.vector_load %arg6[%parallel_loop3A_541, %parallel_loop3A_542, %parallel_loop3A_543] {strides = array<i32>} : memref<5x128x32xf32, #tpu.memory_space<vmem>>, vector<16xf32>,
        %parallel_loop3A_545 = arith.constant 0 : i32
        %parallel_loop3A_546 = arith.index_cast %parallel_loop3A_545 : i32 to index
        %parallel_loop3A_547 = arith.index_cast %parallel_loop3A_538 : i32 to index
        %parallel_loop3A_548 = arith.constant 16 : index
        %parallel_loop3A_549 = tpu.vector_load %arg6[%parallel_loop3A_546, %parallel_loop3A_547, %parallel_loop3A_548] {strides = array<i32>} : memref<5x128x32xf32, #tpu.memory_space<vmem>>, vector<16xf32>,
        %parallel_loop3A_550 = arith.constant 4 : i32
        %parallel_loop3A_551 = arith.muli %parallel_loop3A_534, %parallel_loop3A_550 : i32
        %parallel_loop3A_552 = arith.constant 1 : i32
        %parallel_loop3A_553 = arith.addi %parallel_loop3A_551, %parallel_loop3A_552 : i32
        %parallel_loop3A_554 = vector.broadcast %parallel_loop3A_553 : i32 to vector<16xi32>
        %parallel_loop3A_555 = arith.constant 0 : i32
        %parallel_loop3A_556 = arith.index_cast %parallel_loop3A_555 : i32 to index
        %parallel_loop3A_557 = arith.index_cast %parallel_loop3A_553 : i32 to index
        %parallel_loop3A_558 = arith.constant 0 : index
        %parallel_loop3A_559 = tpu.vector_load %arg6[%parallel_loop3A_556, %parallel_loop3A_557, %parallel_loop3A_558] {strides = array<i32>} : memref<5x128x32xf32, #tpu.memory_space<vmem>>, vector<16xf32>,
        %parallel_loop3A_560 = arith.constant 0 : i32
        %parallel_loop3A_561 = arith.index_cast %parallel_loop3A_560 : i32 to index
        %parallel_loop3A_562 = arith.index_cast %parallel_loop3A_553 : i32 to index
        %parallel_loop3A_563 = arith.constant 16 : index
        %parallel_loop3A_564 = tpu.vector_load %arg6[%parallel_loop3A_561, %parallel_loop3A_562, %parallel_loop3A_563] {strides = array<i32>} : memref<5x128x32xf32, #tpu.memory_space<vmem>>, vector<16xf32>,
        %parallel_loop3A_565 = arith.constant 4 : i32
        %parallel_loop3A_566 = arith.muli %parallel_loop3A_534, %parallel_loop3A_565 : i32
        %parallel_loop3A_567 = arith.constant 2 : i32
        %parallel_loop3A_568 = arith.addi %parallel_loop3A_566, %parallel_loop3A_567 : i32
        %parallel_loop3A_569 = vector.broadcast %parallel_loop3A_568 : i32 to vector<16xi32>
        %parallel_loop3A_570 = arith.constant 0 : i32
        %parallel_loop3A_571 = arith.index_cast %parallel_loop3A_570 : i32 to index
        %parallel_loop3A_572 = arith.index_cast %parallel_loop3A_568 : i32 to index
        %parallel_loop3A_573 = arith.constant 0 : index
        %parallel_loop3A_574 = tpu.vector_load %arg6[%parallel_loop3A_571, %parallel_loop3A_572, %parallel_loop3A_573] {strides = array<i32>} : memref<5x128x32xf32, #tpu.memory_space<vmem>>, vector<16xf32>,
        %parallel_loop3A_575 = arith.constant 0 : i32
        %parallel_loop3A_576 = arith.index_cast %parallel_loop3A_575 : i32 to index
        %parallel_loop3A_577 = arith.index_cast %parallel_loop3A_568 : i32 to index
        %parallel_loop3A_578 = arith.constant 16 : index
        %parallel_loop3A_579 = tpu.vector_load %arg6[%parallel_loop3A_576, %parallel_loop3A_577, %parallel_loop3A_578] {strides = array<i32>} : memref<5x128x32xf32, #tpu.memory_space<vmem>>, vector<16xf32>,
        %parallel_loop3A_580 = arith.constant 4 : i32
        %parallel_loop3A_581 = arith.muli %parallel_loop3A_534, %parallel_loop3A_580 : i32
        %parallel_loop3A_582 = arith.constant 3 : i32
        %parallel_loop3A_583 = arith.addi %parallel_loop3A_581, %parallel_loop3A_582 : i32
        %parallel_loop3A_584 = vector.broadcast %parallel_loop3A_583 : i32 to vector<16xi32>
        %parallel_loop3A_585 = arith.constant 0 : i32
        %parallel_loop3A_586 = arith.index_cast %parallel_loop3A_585 : i32 to index
        %parallel_loop3A_587 = arith.index_cast %parallel_loop3A_583 : i32 to index
        %parallel_loop3A_588 = arith.constant 0 : index
        %parallel_loop3A_589 = tpu.vector_load %arg6[%parallel_loop3A_586, %parallel_loop3A_587, %parallel_loop3A_588] {strides = array<i32>} : memref<5x128x32xf32, #tpu.memory_space<vmem>>, vector<16xf32>,
        %parallel_loop3A_590 = arith.constant 0 : i32
        %parallel_loop3A_591 = arith.index_cast %parallel_loop3A_590 : i32 to index
        %parallel_loop3A_592 = arith.index_cast %parallel_loop3A_583 : i32 to index
        %parallel_loop3A_593 = arith.constant 16 : index
        %parallel_loop3A_594 = tpu.vector_load %arg6[%parallel_loop3A_591, %parallel_loop3A_592, %parallel_loop3A_593] {strides = array<i32>} : memref<5x128x32xf32, #tpu.memory_space<vmem>>, vector<16xf32>,
        %parallel_loop3A_595 = arith.mulf %parallel_loop3A_544, %parallel_loop3A_544 : vector<16xf32>
        %parallel_loop3A_596 = arith.addf %parallel_loop3A_595, %parallel_loop3A_544 : vector<16xf32>
        %parallel_loop3A_597 = arith.mulf %parallel_loop3A_549, %parallel_loop3A_549 : vector<16xf32>
        %parallel_loop3A_598 = arith.addf %parallel_loop3A_597, %parallel_loop3A_549 : vector<16xf32>
        %parallel_loop3A_599 = arith.mulf %parallel_loop3A_559, %parallel_loop3A_559 : vector<16xf32>
        %parallel_loop3A_600 = arith.addf %parallel_loop3A_599, %parallel_loop3A_559 : vector<16xf32>
        %parallel_loop3A_601 = arith.mulf %parallel_loop3A_564, %parallel_loop3A_564 : vector<16xf32>
        %parallel_loop3A_602 = arith.addf %parallel_loop3A_601, %parallel_loop3A_564 : vector<16xf32>
        %parallel_loop3A_603 = arith.mulf %parallel_loop3A_574, %parallel_loop3A_574 : vector<16xf32>
        %parallel_loop3A_604 = arith.addf %parallel_loop3A_603, %parallel_loop3A_574 : vector<16xf32>
        %parallel_loop3A_605 = arith.mulf %parallel_loop3A_579, %parallel_loop3A_579 : vector<16xf32>
        %parallel_loop3A_606 = arith.addf %parallel_loop3A_605, %parallel_loop3A_579 : vector<16xf32>
        %parallel_loop3A_607 = arith.mulf %parallel_loop3A_589, %parallel_loop3A_589 : vector<16xf32>
        %parallel_loop3A_608 = arith.addf %parallel_loop3A_607, %parallel_loop3A_589 : vector<16xf32>
        %parallel_loop3A_609 = arith.mulf %parallel_loop3A_594, %parallel_loop3A_594 : vector<16xf32>
        %parallel_loop3A_610 = arith.addf %parallel_loop3A_609, %parallel_loop3A_594 : vector<16xf32>
        %parallel_loop3A_611 = arith.mulf %parallel_loop3A_596, %parallel_loop3A_596 : vector<16xf32>
        %parallel_loop3A_612 = arith.addf %parallel_loop3A_611, %parallel_loop3A_544 : vector<16xf32>
        %parallel_loop3A_613 = arith.mulf %parallel_loop3A_598, %parallel_loop3A_598 : vector<16xf32>
        %parallel_loop3A_614 = arith.addf %parallel_loop3A_613, %parallel_loop3A_549 : vector<16xf32>
        %parallel_loop3A_615 = arith.mulf %parallel_loop3A_600, %parallel_loop3A_600 : vector<16xf32>
        %parallel_loop3A_616 = arith.addf %parallel_loop3A_615, %parallel_loop3A_559 : vector<16xf32>
        %parallel_loop3A_617 = arith.mulf %parallel_loop3A_602, %parallel_loop3A_602 : vector<16xf32>
        %parallel_loop3A_618 = arith.addf %parallel_loop3A_617, %parallel_loop3A_564 : vector<16xf32>
        %parallel_loop3A_619 = arith.mulf %parallel_loop3A_604, %parallel_loop3A_604 : vector<16xf32>
        %parallel_loop3A_620 = arith.addf %parallel_loop3A_619, %parallel_loop3A_574 : vector<16xf32>
        %parallel_loop3A_621 = arith.mulf %parallel_loop3A_606, %parallel_loop3A_606 : vector<16xf32>
        %parallel_loop3A_622 = arith.addf %parallel_loop3A_621, %parallel_loop3A_579 : vector<16xf32>
        %parallel_loop3A_623 = arith.mulf %parallel_loop3A_608, %parallel_loop3A_608 : vector<16xf32>
        %parallel_loop3A_624 = arith.addf %parallel_loop3A_623, %parallel_loop3A_589 : vector<16xf32>
        %parallel_loop3A_625 = arith.mulf %parallel_loop3A_610, %parallel_loop3A_610 : vector<16xf32>
        %parallel_loop3A_626 = arith.addf %parallel_loop3A_625, %parallel_loop3A_594 : vector<16xf32>
        %parallel_loop3A_627 = arith.mulf %parallel_loop3A_612, %parallel_loop3A_612 : vector<16xf32>
        %parallel_loop3A_628 = arith.addf %parallel_loop3A_627, %parallel_loop3A_544 : vector<16xf32>
        %parallel_loop3A_629 = arith.mulf %parallel_loop3A_614, %parallel_loop3A_614 : vector<16xf32>
        %parallel_loop3A_630 = arith.addf %parallel_loop3A_629, %parallel_loop3A_549 : vector<16xf32>
        %parallel_loop3A_631 = arith.mulf %parallel_loop3A_616, %parallel_loop3A_616 : vector<16xf32>
        %parallel_loop3A_632 = arith.addf %parallel_loop3A_631, %parallel_loop3A_559 : vector<16xf32>
        %parallel_loop3A_633 = arith.mulf %parallel_loop3A_618, %parallel_loop3A_618 : vector<16xf32>
        %parallel_loop3A_634 = arith.addf %parallel_loop3A_633, %parallel_loop3A_564 : vector<16xf32>
        %parallel_loop3A_635 = arith.mulf %parallel_loop3A_620, %parallel_loop3A_620 : vector<16xf32>
        %parallel_loop3A_636 = arith.addf %parallel_loop3A_635, %parallel_loop3A_574 : vector<16xf32>
        %parallel_loop3A_637 = arith.mulf %parallel_loop3A_622, %parallel_loop3A_622 : vector<16xf32>
        %parallel_loop3A_638 = arith.addf %parallel_loop3A_637, %parallel_loop3A_579 : vector<16xf32>
        %parallel_loop3A_639 = arith.mulf %parallel_loop3A_624, %parallel_loop3A_624 : vector<16xf32>
        %parallel_loop3A_640 = arith.addf %parallel_loop3A_639, %parallel_loop3A_589 : vector<16xf32>
        %parallel_loop3A_641 = arith.mulf %parallel_loop3A_626, %parallel_loop3A_626 : vector<16xf32>
        %parallel_loop3A_642 = arith.addf %parallel_loop3A_641, %parallel_loop3A_594 : vector<16xf32>
        %parallel_loop3A_643 = arith.mulf %parallel_loop3A_628, %parallel_loop3A_628 : vector<16xf32>
        %parallel_loop3A_644 = arith.addf %parallel_loop3A_643, %parallel_loop3A_544 : vector<16xf32>
        %parallel_loop3A_645 = arith.mulf %parallel_loop3A_630, %parallel_loop3A_630 : vector<16xf32>
        %parallel_loop3A_646 = arith.addf %parallel_loop3A_645, %parallel_loop3A_549 : vector<16xf32>
        %parallel_loop3A_647 = arith.mulf %parallel_loop3A_632, %parallel_loop3A_632 : vector<16xf32>
        %parallel_loop3A_648 = arith.addf %parallel_loop3A_647, %parallel_loop3A_559 : vector<16xf32>
        %parallel_loop3A_649 = arith.mulf %parallel_loop3A_634, %parallel_loop3A_634 : vector<16xf32>
        %parallel_loop3A_650 = arith.addf %parallel_loop3A_649, %parallel_loop3A_564 : vector<16xf32>
        %parallel_loop3A_651 = arith.mulf %parallel_loop3A_636, %parallel_loop3A_636 : vector<16xf32>
        %parallel_loop3A_652 = arith.addf %parallel_loop3A_651, %parallel_loop3A_574 : vector<16xf32>
        %parallel_loop3A_653 = arith.mulf %parallel_loop3A_638, %parallel_loop3A_638 : vector<16xf32>
        %parallel_loop3A_654 = arith.addf %parallel_loop3A_653, %parallel_loop3A_579 : vector<16xf32>
        %parallel_loop3A_655 = arith.mulf %parallel_loop3A_640, %parallel_loop3A_640 : vector<16xf32>
        %parallel_loop3A_656 = arith.addf %parallel_loop3A_655, %parallel_loop3A_589 : vector<16xf32>
        %parallel_loop3A_657 = arith.mulf %parallel_loop3A_642, %parallel_loop3A_642 : vector<16xf32>
        %parallel_loop3A_658 = arith.addf %parallel_loop3A_657, %parallel_loop3A_594 : vector<16xf32>
        %parallel_loop3A_659 = arith.mulf %parallel_loop3A_644, %parallel_loop3A_644 : vector<16xf32>
        %parallel_loop3A_660 = arith.addf %parallel_loop3A_659, %parallel_loop3A_544 : vector<16xf32>
        %parallel_loop3A_661 = arith.mulf %parallel_loop3A_646, %parallel_loop3A_646 : vector<16xf32>
        %parallel_loop3A_662 = arith.addf %parallel_loop3A_661, %parallel_loop3A_549 : vector<16xf32>
        %parallel_loop3A_663 = arith.mulf %parallel_loop3A_648, %parallel_loop3A_648 : vector<16xf32>
        %parallel_loop3A_664 = arith.addf %parallel_loop3A_663, %parallel_loop3A_559 : vector<16xf32>
        %parallel_loop3A_665 = arith.mulf %parallel_loop3A_650, %parallel_loop3A_650 : vector<16xf32>
        %parallel_loop3A_666 = arith.addf %parallel_loop3A_665, %parallel_loop3A_564 : vector<16xf32>
        %parallel_loop3A_667 = arith.mulf %parallel_loop3A_652, %parallel_loop3A_652 : vector<16xf32>
        %parallel_loop3A_668 = arith.addf %parallel_loop3A_667, %parallel_loop3A_574 : vector<16xf32>
        %parallel_loop3A_669 = arith.mulf %parallel_loop3A_654, %parallel_loop3A_654 : vector<16xf32>
        %parallel_loop3A_670 = arith.addf %parallel_loop3A_669, %parallel_loop3A_579 : vector<16xf32>
        %parallel_loop3A_671 = arith.mulf %parallel_loop3A_656, %parallel_loop3A_656 : vector<16xf32>
        %parallel_loop3A_672 = arith.addf %parallel_loop3A_671, %parallel_loop3A_589 : vector<16xf32>
        %parallel_loop3A_673 = arith.mulf %parallel_loop3A_658, %parallel_loop3A_658 : vector<16xf32>
        %parallel_loop3A_674 = arith.addf %parallel_loop3A_673, %parallel_loop3A_594 : vector<16xf32>
        %parallel_loop3A_675 = arith.mulf %parallel_loop3A_660, %parallel_loop3A_660 : vector<16xf32>
        %parallel_loop3A_676 = arith.addf %parallel_loop3A_675, %parallel_loop3A_544 : vector<16xf32>
        %parallel_loop3A_677 = arith.mulf %parallel_loop3A_662, %parallel_loop3A_662 : vector<16xf32>
        %parallel_loop3A_678 = arith.addf %parallel_loop3A_677, %parallel_loop3A_549 : vector<16xf32>
        %parallel_loop3A_679 = arith.mulf %parallel_loop3A_664, %parallel_loop3A_664 : vector<16xf32>
        %parallel_loop3A_680 = arith.addf %parallel_loop3A_679, %parallel_loop3A_559 : vector<16xf32>
        %parallel_loop3A_681 = arith.mulf %parallel_loop3A_666, %parallel_loop3A_666 : vector<16xf32>
        %parallel_loop3A_682 = arith.addf %parallel_loop3A_681, %parallel_loop3A_564 : vector<16xf32>
        %parallel_loop3A_683 = arith.mulf %parallel_loop3A_668, %parallel_loop3A_668 : vector<16xf32>
        %parallel_loop3A_684 = arith.addf %parallel_loop3A_683, %parallel_loop3A_574 : vector<16xf32>
        %parallel_loop3A_685 = arith.mulf %parallel_loop3A_670, %parallel_loop3A_670 : vector<16xf32>
        %parallel_loop3A_686 = arith.addf %parallel_loop3A_685, %parallel_loop3A_579 : vector<16xf32>
        %parallel_loop3A_687 = arith.mulf %parallel_loop3A_672, %parallel_loop3A_672 : vector<16xf32>
        %parallel_loop3A_688 = arith.addf %parallel_loop3A_687, %parallel_loop3A_589 : vector<16xf32>
        %parallel_loop3A_689 = arith.mulf %parallel_loop3A_674, %parallel_loop3A_674 : vector<16xf32>
        %parallel_loop3A_690 = arith.addf %parallel_loop3A_689, %parallel_loop3A_594 : vector<16xf32>
        %parallel_loop3A_691 = arith.mulf %parallel_loop3A_676, %parallel_loop3A_676 : vector<16xf32>
        %parallel_loop3A_692 = arith.addf %parallel_loop3A_691, %parallel_loop3A_544 : vector<16xf32>
        %parallel_loop3A_693 = arith.mulf %parallel_loop3A_678, %parallel_loop3A_678 : vector<16xf32>
        %parallel_loop3A_694 = arith.addf %parallel_loop3A_693, %parallel_loop3A_549 : vector<16xf32>
        %parallel_loop3A_695 = arith.mulf %parallel_loop3A_680, %parallel_loop3A_680 : vector<16xf32>
        %parallel_loop3A_696 = arith.addf %parallel_loop3A_695, %parallel_loop3A_559 : vector<16xf32>
        %parallel_loop3A_697 = arith.mulf %parallel_loop3A_682, %parallel_loop3A_682 : vector<16xf32>
        %parallel_loop3A_698 = arith.addf %parallel_loop3A_697, %parallel_loop3A_564 : vector<16xf32>
        %parallel_loop3A_699 = arith.mulf %parallel_loop3A_684, %parallel_loop3A_684 : vector<16xf32>
        %parallel_loop3A_700 = arith.addf %parallel_loop3A_699, %parallel_loop3A_574 : vector<16xf32>
        %parallel_loop3A_701 = arith.mulf %parallel_loop3A_686, %parallel_loop3A_686 : vector<16xf32>
        %parallel_loop3A_702 = arith.addf %parallel_loop3A_701, %parallel_loop3A_579 : vector<16xf32>
        %parallel_loop3A_703 = arith.mulf %parallel_loop3A_688, %parallel_loop3A_688 : vector<16xf32>
        %parallel_loop3A_704 = arith.addf %parallel_loop3A_703, %parallel_loop3A_589 : vector<16xf32>
        %parallel_loop3A_705 = arith.mulf %parallel_loop3A_690, %parallel_loop3A_690 : vector<16xf32>
        %parallel_loop3A_706 = arith.addf %parallel_loop3A_705, %parallel_loop3A_594 : vector<16xf32>
        %parallel_loop3A_707 = arith.mulf %parallel_loop3A_692, %parallel_loop3A_692 : vector<16xf32>
        %parallel_loop3A_708 = arith.addf %parallel_loop3A_707, %parallel_loop3A_544 : vector<16xf32>
        %parallel_loop3A_709 = arith.mulf %parallel_loop3A_694, %parallel_loop3A_694 : vector<16xf32>
        %parallel_loop3A_710 = arith.addf %parallel_loop3A_709, %parallel_loop3A_549 : vector<16xf32>
        %parallel_loop3A_711 = arith.mulf %parallel_loop3A_696, %parallel_loop3A_696 : vector<16xf32>
        %parallel_loop3A_712 = arith.addf %parallel_loop3A_711, %parallel_loop3A_559 : vector<16xf32>
        %parallel_loop3A_713 = arith.mulf %parallel_loop3A_698, %parallel_loop3A_698 : vector<16xf32>
        %parallel_loop3A_714 = arith.addf %parallel_loop3A_713, %parallel_loop3A_564 : vector<16xf32>
        %parallel_loop3A_715 = arith.mulf %parallel_loop3A_700, %parallel_loop3A_700 : vector<16xf32>
        %parallel_loop3A_716 = arith.addf %parallel_loop3A_715, %parallel_loop3A_574 : vector<16xf32>
        %parallel_loop3A_717 = arith.mulf %parallel_loop3A_702, %parallel_loop3A_702 : vector<16xf32>
        %parallel_loop3A_718 = arith.addf %parallel_loop3A_717, %parallel_loop3A_579 : vector<16xf32>
        %parallel_loop3A_719 = arith.mulf %parallel_loop3A_704, %parallel_loop3A_704 : vector<16xf32>
        %parallel_loop3A_720 = arith.addf %parallel_loop3A_719, %parallel_loop3A_589 : vector<16xf32>
        %parallel_loop3A_721 = arith.mulf %parallel_loop3A_706, %parallel_loop3A_706 : vector<16xf32>
        %parallel_loop3A_722 = arith.addf %parallel_loop3A_721, %parallel_loop3A_594 : vector<16xf32>
        %parallel_loop3A_723 = arith.mulf %parallel_loop3A_708, %parallel_loop3A_708 : vector<16xf32>
        %parallel_loop3A_724 = arith.addf %parallel_loop3A_723, %parallel_loop3A_544 : vector<16xf32>
        %parallel_loop3A_725 = arith.mulf %parallel_loop3A_710, %parallel_loop3A_710 : vector<16xf32>
        %parallel_loop3A_726 = arith.addf %parallel_loop3A_725, %parallel_loop3A_549 : vector<16xf32>
        %parallel_loop3A_727 = arith.mulf %parallel_loop3A_712, %parallel_loop3A_712 : vector<16xf32>
        %parallel_loop3A_728 = arith.addf %parallel_loop3A_727, %parallel_loop3A_559 : vector<16xf32>
        %parallel_loop3A_729 = arith.mulf %parallel_loop3A_714, %parallel_loop3A_714 : vector<16xf32>
        %parallel_loop3A_730 = arith.addf %parallel_loop3A_729, %parallel_loop3A_564 : vector<16xf32>
        %parallel_loop3A_731 = arith.mulf %parallel_loop3A_716, %parallel_loop3A_716 : vector<16xf32>
        %parallel_loop3A_732 = arith.addf %parallel_loop3A_731, %parallel_loop3A_574 : vector<16xf32>
        %parallel_loop3A_733 = arith.mulf %parallel_loop3A_718, %parallel_loop3A_718 : vector<16xf32>
        %parallel_loop3A_734 = arith.addf %parallel_loop3A_733, %parallel_loop3A_579 : vector<16xf32>
        %parallel_loop3A_735 = arith.mulf %parallel_loop3A_720, %parallel_loop3A_720 : vector<16xf32>
        %parallel_loop3A_736 = arith.addf %parallel_loop3A_735, %parallel_loop3A_589 : vector<16xf32>
        %parallel_loop3A_737 = arith.mulf %parallel_loop3A_722, %parallel_loop3A_722 : vector<16xf32>
        %parallel_loop3A_738 = arith.addf %parallel_loop3A_737, %parallel_loop3A_594 : vector<16xf32>
        %parallel_loop3A_739 = arith.constant 0 : i32
        %parallel_loop3A_740 = arith.constant 0 : i32
        %parallel_loop3A_741 = arith.constant 0 : i32
        %parallel_loop3A_742 = arith.constant 0 : i32
        %parallel_loop3A_743 = tpu.memref_slice %arg7[%parallel_loop3A_739, %parallel_loop3A_740, %parallel_loop3A_741, %parallel_loop3A_742] : memref<5x4x8x129xf32, #tpu.memory_space<vmem>> -> memref<1x4x8x129xf32, #tpu.memory_space<vmem>>
        %parallel_loop3A_744 = tpu.memref_squeeze %parallel_loop3A_743 : memref<1x4x8x129xf32, #tpu.memory_space<vmem>> -> memref<4x8x129xf32, #tpu.memory_space<vmem>>
        tpu.vector_store_idx %parallel_loop3A_744[%select_n3A, %select_n3A_46, %parallel_loop3A_539], %parallel_loop3A_724 : memref<4x8x129xf32, #tpu.memory_space<vmem>>[vector<16xi32>, vector<16xi32>, vector<16xi32>], vector<16xf32>,
        %parallel_loop3A_745 = arith.constant 0 : i32
        %parallel_loop3A_746 = arith.constant 0 : i32
        %parallel_loop3A_747 = arith.constant 0 : i32
        %parallel_loop3A_748 = arith.constant 0 : i32
        %parallel_loop3A_749 = tpu.memref_slice %arg7[%parallel_loop3A_745, %parallel_loop3A_746, %parallel_loop3A_747, %parallel_loop3A_748] : memref<5x4x8x129xf32, #tpu.memory_space<vmem>> -> memref<1x4x8x129xf32, #tpu.memory_space<vmem>>
        %parallel_loop3A_750 = tpu.memref_squeeze %parallel_loop3A_749 : memref<1x4x8x129xf32, #tpu.memory_space<vmem>> -> memref<4x8x129xf32, #tpu.memory_space<vmem>>
        tpu.vector_store_idx %parallel_loop3A_750[%select_n3A_81, %select_n3A_103, %parallel_loop3A_539], %parallel_loop3A_726 : memref<4x8x129xf32, #tpu.memory_space<vmem>>[vector<16xi32>, vector<16xi32>, vector<16xi32>], vector<16xf32>,
        %parallel_loop3A_751 = arith.constant 0 : i32
        %parallel_loop3A_752 = arith.constant 0 : i32
        %parallel_loop3A_753 = arith.constant 0 : i32
        %parallel_loop3A_754 = arith.constant 0 : i32
        %parallel_loop3A_755 = tpu.memref_slice %arg7[%parallel_loop3A_751, %parallel_loop3A_752, %parallel_loop3A_753, %parallel_loop3A_754] : memref<5x4x8x129xf32, #tpu.memory_space<vmem>> -> memref<1x4x8x129xf32, #tpu.memory_space<vmem>>
        %parallel_loop3A_756 = tpu.memref_squeeze %parallel_loop3A_755 : memref<1x4x8x129xf32, #tpu.memory_space<vmem>> -> memref<4x8x129xf32, #tpu.memory_space<vmem>>
        tpu.vector_store_idx %parallel_loop3A_756[%select_n3A, %select_n3A_46, %parallel_loop3A_554], %parallel_loop3A_728 : memref<4x8x129xf32, #tpu.memory_space<vmem>>[vector<16xi32>, vector<16xi32>, vector<16xi32>], vector<16xf32>,
        %parallel_loop3A_757 = arith.constant 0 : i32
        %parallel_loop3A_758 = arith.constant 0 : i32
        %parallel_loop3A_759 = arith.constant 0 : i32
        %parallel_loop3A_760 = arith.constant 0 : i32
        %parallel_loop3A_761 = tpu.memref_slice %arg7[%parallel_loop3A_757, %parallel_loop3A_758, %parallel_loop3A_759, %parallel_loop3A_760] : memref<5x4x8x129xf32, #tpu.memory_space<vmem>> -> memref<1x4x8x129xf32, #tpu.memory_space<vmem>>
        %parallel_loop3A_762 = tpu.memref_squeeze %parallel_loop3A_761 : memref<1x4x8x129xf32, #tpu.memory_space<vmem>> -> memref<4x8x129xf32, #tpu.memory_space<vmem>>
        tpu.vector_store_idx %parallel_loop3A_762[%select_n3A_81, %select_n3A_103, %parallel_loop3A_554], %parallel_loop3A_730 : memref<4x8x129xf32, #tpu.memory_space<vmem>>[vector<16xi32>, vector<16xi32>, vector<16xi32>], vector<16xf32>,
        %parallel_loop3A_763 = arith.constant 0 : i32
        %parallel_loop3A_764 = arith.constant 0 : i32
        %parallel_loop3A_765 = arith.constant 0 : i32
        %parallel_loop3A_766 = arith.constant 0 : i32
        %parallel_loop3A_767 = tpu.memref_slice %arg7[%parallel_loop3A_763, %parallel_loop3A_764, %parallel_loop3A_765, %parallel_loop3A_766] : memref<5x4x8x129xf32, #tpu.memory_space<vmem>> -> memref<1x4x8x129xf32, #tpu.memory_space<vmem>>
        %parallel_loop3A_768 = tpu.memref_squeeze %parallel_loop3A_767 : memref<1x4x8x129xf32, #tpu.memory_space<vmem>> -> memref<4x8x129xf32, #tpu.memory_space<vmem>>
        tpu.vector_store_idx %parallel_loop3A_768[%select_n3A, %select_n3A_46, %parallel_loop3A_569], %parallel_loop3A_732 : memref<4x8x129xf32, #tpu.memory_space<vmem>>[vector<16xi32>, vector<16xi32>, vector<16xi32>], vector<16xf32>,
        %parallel_loop3A_769 = arith.constant 0 : i32
        %parallel_loop3A_770 = arith.constant 0 : i32
        %parallel_loop3A_771 = arith.constant 0 : i32
        %parallel_loop3A_772 = arith.constant 0 : i32
        %parallel_loop3A_773 = tpu.memref_slice %arg7[%parallel_loop3A_769, %parallel_loop3A_770, %parallel_loop3A_771, %parallel_loop3A_772] : memref<5x4x8x129xf32, #tpu.memory_space<vmem>> -> memref<1x4x8x129xf32, #tpu.memory_space<vmem>>
        %parallel_loop3A_774 = tpu.memref_squeeze %parallel_loop3A_773 : memref<1x4x8x129xf32, #tpu.memory_space<vmem>> -> memref<4x8x129xf32, #tpu.memory_space<vmem>>
        tpu.vector_store_idx %parallel_loop3A_774[%select_n3A_81, %select_n3A_103, %parallel_loop3A_569], %parallel_loop3A_734 : memref<4x8x129xf32, #tpu.memory_space<vmem>>[vector<16xi32>, vector<16xi32>, vector<16xi32>], vector<16xf32>,
        %parallel_loop3A_775 = arith.constant 0 : i32
        %parallel_loop3A_776 = arith.constant 0 : i32
        %parallel_loop3A_777 = arith.constant 0 : i32
        %parallel_loop3A_778 = arith.constant 0 : i32
        %parallel_loop3A_779 = tpu.memref_slice %arg7[%parallel_loop3A_775, %parallel_loop3A_776, %parallel_loop3A_777, %parallel_loop3A_778] : memref<5x4x8x129xf32, #tpu.memory_space<vmem>> -> memref<1x4x8x129xf32, #tpu.memory_space<vmem>>
        %parallel_loop3A_780 = tpu.memref_squeeze %parallel_loop3A_779 : memref<1x4x8x129xf32, #tpu.memory_space<vmem>> -> memref<4x8x129xf32, #tpu.memory_space<vmem>>
        tpu.vector_store_idx %parallel_loop3A_780[%select_n3A, %select_n3A_46, %parallel_loop3A_584], %parallel_loop3A_736 : memref<4x8x129xf32, #tpu.memory_space<vmem>>[vector<16xi32>, vector<16xi32>, vector<16xi32>], vector<16xf32>,
        %parallel_loop3A_781 = arith.constant 0 : i32
        %parallel_loop3A_782 = arith.constant 0 : i32
        %parallel_loop3A_783 = arith.constant 0 : i32
        %parallel_loop3A_784 = arith.constant 0 : i32
        %parallel_loop3A_785 = tpu.memref_slice %arg7[%parallel_loop3A_781, %parallel_loop3A_782, %parallel_loop3A_783, %parallel_loop3A_784] : memref<5x4x8x129xf32, #tpu.memory_space<vmem>> -> memref<1x4x8x129xf32, #tpu.memory_space<vmem>>
        %parallel_loop3A_786 = tpu.memref_squeeze %parallel_loop3A_785 : memref<1x4x8x129xf32, #tpu.memory_space<vmem>> -> memref<4x8x129xf32, #tpu.memory_space<vmem>>
        tpu.vector_store_idx %parallel_loop3A_786[%select_n3A_81, %select_n3A_103, %parallel_loop3A_584], %parallel_loop3A_738 : memref<4x8x129xf32, #tpu.memory_space<vmem>>[vector<16xi32>, vector<16xi32>, vector<16xi32>], vector<16xf32>,
      } {sc.loop_unroll_factor = 1 : i64, sc.parallel_access}
      %add3A_302 = arith.constant 5 : i32
      %add3A_303 = arith.addi %add3A_286, %add3A_302 : i32
      %lt3A_304 = arith.constant 50 : i32
      %lt3A_305 = arith.cmpi slt, %add3A_303, %lt3A_304 : i32
      %convert_element_type3A_306 = arith.extui %lt3A_305 : i1 to i32
      %cond3A_307 = arith.constant 0 : i32
      %cond3A_308 = arith.cmpi ne, %convert_element_type3A_306, %cond3A_307 : i32
      scf.if %cond3A_308 {
        %add3A_534 = arith.constant 5 : i32
        %add3A_535 = arith.addi %add3A_286, %add3A_534 : i32
        %dma_start3A_536 = arith.constant 0 : i32
        %dma_start3A_537 = arith.constant 0 : i32
        %dma_start3A_538 = arith.constant 0 : i32
        %dma_start3A_539 = tpu.memref_slice %arg6[%dma_start3A_536, %dma_start3A_537, %dma_start3A_538] : memref<5x128x32xf32, #tpu.memory_space<vmem>> -> memref<1x128x32xf32, #tpu.memory_space<vmem>>
        %dma_start3A_540 = tpu.memref_squeeze %dma_start3A_539 : memref<1x128x32xf32, #tpu.memory_space<vmem>> -> memref<128x32xf32, #tpu.memory_space<vmem>>
        %dma_start3A_541 = arith.constant 0 : i32
        %dma_start3A_542 = tpu.memref_slice %arg5[%add3A_535, %dma_start3A_541] : memref<50x128xi32, #tpu.memory_space<vmem>> -> memref<1x128xi32, #tpu.memory_space<vmem>>
        %dma_start3A_543 = tpu.memref_squeeze %dma_start3A_542 : memref<1x128xi32, #tpu.memory_space<vmem>> -> memref<128xi32, #tpu.memory_space<vmem>>
        %dma_start3A_544 = arith.constant 0 : i32
        %dma_start3A_545 = arith.constant 0 : i32
        %dma_start3A_546 = tpu.memref_slice %arg3[%dma_start3A_544, %dma_start3A_545] : memref<1000000x32xf32, #tpu.memory_space<hbm>> -> memref<1000000x32xf32, #tpu.memory_space<hbm>>
        tpu.enqueue_indirect_dma source(%dma_start3A_546 : memref<1000000x32xf32, #tpu.memory_space<hbm>>) target(%dma_start3A_540 : memref<128x32xf32, #tpu.memory_space<vmem>>) offsets(%dma_start3A_543 : memref<128xi32, #tpu.memory_space<vmem>>) semaphore(%arg8 : memref<!tpu.dma_semaphore, #tpu.memory_space<semaphore_mem>>)
      } else {
      }
      %dma_start3A_309 = arith.constant 0 : i32
      %dma_start3A_310 = arith.constant 0 : i32
      %dma_start3A_311 = arith.constant 0 : i32
      %dma_start3A_312 = arith.constant 0 : i32
      %dma_start3A_313 = tpu.memref_slice %arg7[%dma_start3A_309, %dma_start3A_310, %dma_start3A_311, %dma_start3A_312] : memref<5x4x8x129xf32, #tpu.memory_space<vmem>> -> memref<1x4x8x128xf32, #tpu.memory_space<vmem>>
      %dma_start3A_314 = tpu.memref_squeeze %dma_start3A_313 : memref<1x4x8x128xf32, #tpu.memory_space<vmem>> -> memref<4x8x128xf32, #tpu.memory_space<vmem>>
      %dma_start3A_315 = arith.constant 0 : i32
      %dma_start3A_316 = arith.constant 0 : i32
      %dma_start3A_317 = arith.constant 0 : i32
      %dma_start3A_318 = tpu.memref_slice %arg4[%add3A_286, %dma_start3A_315, %add3A, %dma_start3A_316, %dma_start3A_317] : memref<50x4x32x8x128xf32, #tpu.memory_space<hbm>> -> memref<1x4x1x8x128xf32, #tpu.memory_space<hbm>>
      %dma_start3A_319 = tpu.memref_squeeze %dma_start3A_318 : memref<1x4x1x8x128xf32, #tpu.memory_space<hbm>> -> memref<4x8x128xf32, #tpu.memory_space<hbm>>
      %dma_start3A_320 = arith.constant 0 : i32
      %dma_start3A_321 = arith.constant 0 : i32
      %dma_start3A_322 = arith.constant 0 : i32
      %dma_start3A_323 = tpu.memref_slice %arg4[%add3A_286, %dma_start3A_320, %add3A, %dma_start3A_321, %dma_start3A_322] : memref<50x4x32x8x128xf32, #tpu.memory_space<hbm>> -> memref<1x4x1x8x128xf32, #tpu.memory_space<hbm>>
      %dma_start3A_324 = tpu.memref_squeeze %dma_start3A_323 : memref<1x4x1x8x128xf32, #tpu.memory_space<hbm>> -> memref<4x8x128xf32, #tpu.memory_space<hbm>>
      %dma_start3A_325 = arith.constant 0 : i32
      %dma_start3A_326 = arith.constant 0 : i32
      %dma_start3A_327 = arith.constant 0 : i32
      %dma_start3A_328 = tpu.memref_slice %arg7[%dma_start3A_309, %dma_start3A_325, %dma_start3A_326, %dma_start3A_327] : memref<5x4x8x129xf32, #tpu.memory_space<vmem>> -> memref<1x4x8x128xf32, #tpu.memory_space<vmem>>
      %dma_start3A_329 = tpu.memref_squeeze %dma_start3A_328 : memref<1x4x8x128xf32, #tpu.memory_space<vmem>> -> memref<4x8x128xf32, #tpu.memory_space<vmem>>
      tpu.enqueue_dma source(%dma_start3A_329 : memref<4x8x128xf32, #tpu.memory_space<vmem>>) target(%dma_start3A_324 : memref<4x8x128xf32, #tpu.memory_space<hbm>>) target_semaphore(%arg13 : memref<!tpu.dma_semaphore, #tpu.memory_space<semaphore_mem>>)
      %mul3A_330 = arith.constant 5 : i32
      %mul3A_331 = arith.muli %scan3A_282, %mul3A_330 : i32
      %add3A_332 = arith.constant 1 : i32
      %add3A_333 = arith.addi %mul3A_331, %add3A_332 : i32
      %dma_wait3A_334 = arith.constant 1 : i32
      %dma_wait3A_335 = arith.constant 0 : i32
      %dma_wait3A_336 = arith.constant 0 : i32
      %dma_wait3A_337 = tpu.memref_slice %arg6[%dma_wait3A_334, %dma_wait3A_335, %dma_wait3A_336] : memref<5x128x32xf32, #tpu.memory_space<vmem>> -> memref<1x128x32xf32, #tpu.memory_space<vmem>>
      %dma_wait3A_338 = tpu.memref_squeeze %dma_wait3A_337 : memref<1x128x32xf32, #tpu.memory_space<vmem>> -> memref<128x32xf32, #tpu.memory_space<vmem>>
      %dma_wait3A_339 = arith.constant 0 : i32
      %dma_wait3A_340 = tpu.memref_slice %arg5[%add3A_333, %dma_wait3A_339] : memref<50x128xi32, #tpu.memory_space<vmem>> -> memref<1x128xi32, #tpu.memory_space<vmem>>
      %dma_wait3A_341 = tpu.memref_squeeze %dma_wait3A_340 : memref<1x128xi32, #tpu.memory_space<vmem>> -> memref<128xi32, #tpu.memory_space<vmem>>
      %dma_wait3A_342 = arith.constant 0 : i32
      %dma_wait3A_343 = arith.constant 0 : i32
      %dma_wait3A_344 = tpu.memref_slice %arg3[%dma_wait3A_342, %dma_wait3A_343] : memref<1000000x32xf32, #tpu.memory_space<hbm>> -> memref<1000000x32xf32, #tpu.memory_space<hbm>>
      tpu.wait_indirect_dma semaphore(%arg9 : memref<!tpu.dma_semaphore, #tpu.memory_space<semaphore_mem>>) src(%dma_wait3A_344 : memref<1000000x32xf32, #tpu.memory_space<hbm>>) dst(%dma_wait3A_338 : memref<128x32xf32, #tpu.memory_space<vmem>>)
      %gt3A_345 = arith.constant 0 : i32
      %gt3A_346 = arith.cmpi sgt, %scan3A_282, %gt3A_345 : i32
      %convert_element_type3A_347 = arith.extui %gt3A_346 : i1 to i32
      %cond3A_348 = arith.constant 0 : i32
      %cond3A_349 = arith.cmpi ne, %convert_element_type3A_347, %cond3A_348 : i32
      scf.if %cond3A_349 {
        %dma_wait3A_534 = arith.constant 1 : i32
        %dma_wait3A_535 = arith.constant 0 : i32
        %dma_wait3A_536 = arith.constant 0 : i32
        %dma_wait3A_537 = arith.constant 0 : i32
        %dma_wait3A_538 = arith.constant 0 : i32
        %dma_wait3A_539 = arith.constant 0 : i32
        %dma_wait3A_540 = tpu.memref_slice %arg7[%dma_wait3A_534, %dma_wait3A_537, %dma_wait3A_538, %dma_wait3A_539] : memref<5x4x8x129xf32, #tpu.memory_space<vmem>> -> memref<1x4x8x128xf32, #tpu.memory_space<vmem>>
        %dma_wait3A_541 = tpu.memref_squeeze %dma_wait3A_540 : memref<1x4x8x128xf32, #tpu.memory_space<vmem>> -> memref<4x8x128xf32, #tpu.memory_space<vmem>>
        %dma_wait3A_542 = arith.constant 0 : i32
        %dma_wait3A_543 = arith.constant 0 : i32
        %dma_wait3A_544 = arith.constant 0 : i32
        %dma_wait3A_545 = tpu.memref_slice %arg4[%dma_wait3A_535, %dma_wait3A_542, %dma_wait3A_536, %dma_wait3A_543, %dma_wait3A_544] : memref<50x4x32x8x128xf32, #tpu.memory_space<hbm>> -> memref<1x4x1x8x128xf32, #tpu.memory_space<hbm>>
        %dma_wait3A_546 = tpu.memref_squeeze %dma_wait3A_545 : memref<1x4x1x8x128xf32, #tpu.memory_space<hbm>> -> memref<4x8x128xf32, #tpu.memory_space<hbm>>
        %dma_wait3A_547 = arith.constant 0 : i32
        %dma_wait3A_548 = arith.constant 0 : i32
        %dma_wait3A_549 = arith.constant 0 : i32
        %dma_wait3A_550 = tpu.memref_slice %arg4[%dma_wait3A_535, %dma_wait3A_547, %dma_wait3A_536, %dma_wait3A_548, %dma_wait3A_549] : memref<50x4x32x8x128xf32, #tpu.memory_space<hbm>> -> memref<1x4x1x8x128xf32, #tpu.memory_space<hbm>>
        %dma_wait3A_551 = tpu.memref_squeeze %dma_wait3A_550 : memref<1x4x1x8x128xf32, #tpu.memory_space<hbm>> -> memref<4x8x128xf32, #tpu.memory_space<hbm>>
        %dma_wait3A_552 = arith.constant 0 : i32
        %dma_wait3A_553 = arith.constant 0 : i32
        %dma_wait3A_554 = arith.constant 0 : i32
        %dma_wait3A_555 = tpu.memref_slice %arg7[%dma_wait3A_534, %dma_wait3A_552, %dma_wait3A_553, %dma_wait3A_554] : memref<5x4x8x129xf32, #tpu.memory_space<vmem>> -> memref<1x4x8x128xf32, #tpu.memory_space<vmem>>
        %dma_wait3A_556 = tpu.memref_squeeze %dma_wait3A_555 : memref<1x4x8x128xf32, #tpu.memory_space<vmem>> -> memref<4x8x128xf32, #tpu.memory_space<vmem>>
        tpu.wait_dma2 semaphore(%arg14 : memref<!tpu.dma_semaphore, #tpu.memory_space<semaphore_mem>>) src(%dma_wait3A_556 : memref<4x8x128xf32, #tpu.memory_space<vmem>>) dst(%dma_wait3A_551 : memref<4x8x128xf32, #tpu.memory_space<hbm>>)
      } else {
      }
      %parallel_loop3A_350 = arith.constant 0 : i32
      %parallel_loop3A_351 = arith.constant 32 : i32
      %parallel_loop3A_352 = arith.constant 1 : i32
      scf.for %parallel_loop3A_534 = %parallel_loop3A_350 to %parallel_loop3A_351 step %parallel_loop3A_352  : i32 {
        %parallel_loop3A_535 = arith.constant 4 : i32
        %parallel_loop3A_536 = arith.muli %parallel_loop3A_534, %parallel_loop3A_535 : i32
        %parallel_loop3A_537 = arith.constant 0 : i32
        %parallel_loop3A_538 = arith.addi %parallel_loop3A_536, %parallel_loop3A_537 : i32
        %parallel_loop3A_539 = vector.broadcast %parallel_loop3A_538 : i32 to vector<16xi32>
        %parallel_loop3A_540 = arith.constant 1 : i32
        %parallel_loop3A_541 = arith.index_cast %parallel_loop3A_540 : i32 to index
        %parallel_loop3A_542 = arith.index_cast %parallel_loop3A_538 : i32 to index
        %parallel_loop3A_543 = arith.constant 0 : index
        %parallel_loop3A_544 = tpu.vector_load %arg6[%parallel_loop3A_541, %parallel_loop3A_542, %parallel_loop3A_543] {strides = array<i32>} : memref<5x128x32xf32, #tpu.memory_space<vmem>>, vector<16xf32>,
        %parallel_loop3A_545 = arith.constant 1 : i32
        %parallel_loop3A_546 = arith.index_cast %parallel_loop3A_545 : i32 to index
        %parallel_loop3A_547 = arith.index_cast %parallel_loop3A_538 : i32 to index
        %parallel_loop3A_548 = arith.constant 16 : index
        %parallel_loop3A_549 = tpu.vector_load %arg6[%parallel_loop3A_546, %parallel_loop3A_547, %parallel_loop3A_548] {strides = array<i32>} : memref<5x128x32xf32, #tpu.memory_space<vmem>>, vector<16xf32>,
        %parallel_loop3A_550 = arith.constant 4 : i32
        %parallel_loop3A_551 = arith.muli %parallel_loop3A_534, %parallel_loop3A_550 : i32
        %parallel_loop3A_552 = arith.constant 1 : i32
        %parallel_loop3A_553 = arith.addi %parallel_loop3A_551, %parallel_loop3A_552 : i32
        %parallel_loop3A_554 = vector.broadcast %parallel_loop3A_553 : i32 to vector<16xi32>
        %parallel_loop3A_555 = arith.constant 1 : i32
        %parallel_loop3A_556 = arith.index_cast %parallel_loop3A_555 : i32 to index
        %parallel_loop3A_557 = arith.index_cast %parallel_loop3A_553 : i32 to index
        %parallel_loop3A_558 = arith.constant 0 : index
        %parallel_loop3A_559 = tpu.vector_load %arg6[%parallel_loop3A_556, %parallel_loop3A_557, %parallel_loop3A_558] {strides = array<i32>} : memref<5x128x32xf32, #tpu.memory_space<vmem>>, vector<16xf32>,
        %parallel_loop3A_560 = arith.constant 1 : i32
        %parallel_loop3A_561 = arith.index_cast %parallel_loop3A_560 : i32 to index
        %parallel_loop3A_562 = arith.index_cast %parallel_loop3A_553 : i32 to index
        %parallel_loop3A_563 = arith.constant 16 : index
        %parallel_loop3A_564 = tpu.vector_load %arg6[%parallel_loop3A_561, %parallel_loop3A_562, %parallel_loop3A_563] {strides = array<i32>} : memref<5x128x32xf32, #tpu.memory_space<vmem>>, vector<16xf32>,
        %parallel_loop3A_565 = arith.constant 4 : i32
        %parallel_loop3A_566 = arith.muli %parallel_loop3A_534, %parallel_loop3A_565 : i32
        %parallel_loop3A_567 = arith.constant 2 : i32
        %parallel_loop3A_568 = arith.addi %parallel_loop3A_566, %parallel_loop3A_567 : i32
        %parallel_loop3A_569 = vector.broadcast %parallel_loop3A_568 : i32 to vector<16xi32>
        %parallel_loop3A_570 = arith.constant 1 : i32
        %parallel_loop3A_571 = arith.index_cast %parallel_loop3A_570 : i32 to index
        %parallel_loop3A_572 = arith.index_cast %parallel_loop3A_568 : i32 to index
        %parallel_loop3A_573 = arith.constant 0 : index
        %parallel_loop3A_574 = tpu.vector_load %arg6[%parallel_loop3A_571, %parallel_loop3A_572, %parallel_loop3A_573] {strides = array<i32>} : memref<5x128x32xf32, #tpu.memory_space<vmem>>, vector<16xf32>,
        %parallel_loop3A_575 = arith.constant 1 : i32
        %parallel_loop3A_576 = arith.index_cast %parallel_loop3A_575 : i32 to index
        %parallel_loop3A_577 = arith.index_cast %parallel_loop3A_568 : i32 to index
        %parallel_loop3A_578 = arith.constant 16 : index
        %parallel_loop3A_579 = tpu.vector_load %arg6[%parallel_loop3A_576, %parallel_loop3A_577, %parallel_loop3A_578] {strides = array<i32>} : memref<5x128x32xf32, #tpu.memory_space<vmem>>, vector<16xf32>,
        %parallel_loop3A_580 = arith.constant 4 : i32
        %parallel_loop3A_581 = arith.muli %parallel_loop3A_534, %parallel_loop3A_580 : i32
        %parallel_loop3A_582 = arith.constant 3 : i32
        %parallel_loop3A_583 = arith.addi %parallel_loop3A_581, %parallel_loop3A_582 : i32
        %parallel_loop3A_584 = vector.broadcast %parallel_loop3A_583 : i32 to vector<16xi32>
        %parallel_loop3A_585 = arith.constant 1 : i32
        %parallel_loop3A_586 = arith.index_cast %parallel_loop3A_585 : i32 to index
        %parallel_loop3A_587 = arith.index_cast %parallel_loop3A_583 : i32 to index
        %parallel_loop3A_588 = arith.constant 0 : index
        %parallel_loop3A_589 = tpu.vector_load %arg6[%parallel_loop3A_586, %parallel_loop3A_587, %parallel_loop3A_588] {strides = array<i32>} : memref<5x128x32xf32, #tpu.memory_space<vmem>>, vector<16xf32>,
        %parallel_loop3A_590 = arith.constant 1 : i32
        %parallel_loop3A_591 = arith.index_cast %parallel_loop3A_590 : i32 to index
        %parallel_loop3A_592 = arith.index_cast %parallel_loop3A_583 : i32 to index
        %parallel_loop3A_593 = arith.constant 16 : index
        %parallel_loop3A_594 = tpu.vector_load %arg6[%parallel_loop3A_591, %parallel_loop3A_592, %parallel_loop3A_593] {strides = array<i32>} : memref<5x128x32xf32, #tpu.memory_space<vmem>>, vector<16xf32>,
        %parallel_loop3A_595 = arith.mulf %parallel_loop3A_544, %parallel_loop3A_544 : vector<16xf32>
        %parallel_loop3A_596 = arith.addf %parallel_loop3A_595, %parallel_loop3A_544 : vector<16xf32>
        %parallel_loop3A_597 = arith.mulf %parallel_loop3A_549, %parallel_loop3A_549 : vector<16xf32>
        %parallel_loop3A_598 = arith.addf %parallel_loop3A_597, %parallel_loop3A_549 : vector<16xf32>
        %parallel_loop3A_599 = arith.mulf %parallel_loop3A_559, %parallel_loop3A_559 : vector<16xf32>
        %parallel_loop3A_600 = arith.addf %parallel_loop3A_599, %parallel_loop3A_559 : vector<16xf32>
        %parallel_loop3A_601 = arith.mulf %parallel_loop3A_564, %parallel_loop3A_564 : vector<16xf32>
        %parallel_loop3A_602 = arith.addf %parallel_loop3A_601, %parallel_loop3A_564 : vector<16xf32>
        %parallel_loop3A_603 = arith.mulf %parallel_loop3A_574, %parallel_loop3A_574 : vector<16xf32>
        %parallel_loop3A_604 = arith.addf %parallel_loop3A_603, %parallel_loop3A_574 : vector<16xf32>
        %parallel_loop3A_605 = arith.mulf %parallel_loop3A_579, %parallel_loop3A_579 : vector<16xf32>
        %parallel_loop3A_606 = arith.addf %parallel_loop3A_605, %parallel_loop3A_579 : vector<16xf32>
        %parallel_loop3A_607 = arith.mulf %parallel_loop3A_589, %parallel_loop3A_589 : vector<16xf32>
        %parallel_loop3A_608 = arith.addf %parallel_loop3A_607, %parallel_loop3A_589 : vector<16xf32>
        %parallel_loop3A_609 = arith.mulf %parallel_loop3A_594, %parallel_loop3A_594 : vector<16xf32>
        %parallel_loop3A_610 = arith.addf %parallel_loop3A_609, %parallel_loop3A_594 : vector<16xf32>
        %parallel_loop3A_611 = arith.mulf %parallel_loop3A_596, %parallel_loop3A_596 : vector<16xf32>
        %parallel_loop3A_612 = arith.addf %parallel_loop3A_611, %parallel_loop3A_544 : vector<16xf32>
        %parallel_loop3A_613 = arith.mulf %parallel_loop3A_598, %parallel_loop3A_598 : vector<16xf32>
        %parallel_loop3A_614 = arith.addf %parallel_loop3A_613, %parallel_loop3A_549 : vector<16xf32>
        %parallel_loop3A_615 = arith.mulf %parallel_loop3A_600, %parallel_loop3A_600 : vector<16xf32>
        %parallel_loop3A_616 = arith.addf %parallel_loop3A_615, %parallel_loop3A_559 : vector<16xf32>
        %parallel_loop3A_617 = arith.mulf %parallel_loop3A_602, %parallel_loop3A_602 : vector<16xf32>
        %parallel_loop3A_618 = arith.addf %parallel_loop3A_617, %parallel_loop3A_564 : vector<16xf32>
        %parallel_loop3A_619 = arith.mulf %parallel_loop3A_604, %parallel_loop3A_604 : vector<16xf32>
        %parallel_loop3A_620 = arith.addf %parallel_loop3A_619, %parallel_loop3A_574 : vector<16xf32>
        %parallel_loop3A_621 = arith.mulf %parallel_loop3A_606, %parallel_loop3A_606 : vector<16xf32>
        %parallel_loop3A_622 = arith.addf %parallel_loop3A_621, %parallel_loop3A_579 : vector<16xf32>
        %parallel_loop3A_623 = arith.mulf %parallel_loop3A_608, %parallel_loop3A_608 : vector<16xf32>
        %parallel_loop3A_624 = arith.addf %parallel_loop3A_623, %parallel_loop3A_589 : vector<16xf32>
        %parallel_loop3A_625 = arith.mulf %parallel_loop3A_610, %parallel_loop3A_610 : vector<16xf32>
        %parallel_loop3A_626 = arith.addf %parallel_loop3A_625, %parallel_loop3A_594 : vector<16xf32>
        %parallel_loop3A_627 = arith.mulf %parallel_loop3A_612, %parallel_loop3A_612 : vector<16xf32>
        %parallel_loop3A_628 = arith.addf %parallel_loop3A_627, %parallel_loop3A_544 : vector<16xf32>
        %parallel_loop3A_629 = arith.mulf %parallel_loop3A_614, %parallel_loop3A_614 : vector<16xf32>
        %parallel_loop3A_630 = arith.addf %parallel_loop3A_629, %parallel_loop3A_549 : vector<16xf32>
        %parallel_loop3A_631 = arith.mulf %parallel_loop3A_616, %parallel_loop3A_616 : vector<16xf32>
        %parallel_loop3A_632 = arith.addf %parallel_loop3A_631, %parallel_loop3A_559 : vector<16xf32>
        %parallel_loop3A_633 = arith.mulf %parallel_loop3A_618, %parallel_loop3A_618 : vector<16xf32>
        %parallel_loop3A_634 = arith.addf %parallel_loop3A_633, %parallel_loop3A_564 : vector<16xf32>
        %parallel_loop3A_635 = arith.mulf %parallel_loop3A_620, %parallel_loop3A_620 : vector<16xf32>
        %parallel_loop3A_636 = arith.addf %parallel_loop3A_635, %parallel_loop3A_574 : vector<16xf32>
        %parallel_loop3A_637 = arith.mulf %parallel_loop3A_622, %parallel_loop3A_622 : vector<16xf32>
        %parallel_loop3A_638 = arith.addf %parallel_loop3A_637, %parallel_loop3A_579 : vector<16xf32>
        %parallel_loop3A_639 = arith.mulf %parallel_loop3A_624, %parallel_loop3A_624 : vector<16xf32>
        %parallel_loop3A_640 = arith.addf %parallel_loop3A_639, %parallel_loop3A_589 : vector<16xf32>
        %parallel_loop3A_641 = arith.mulf %parallel_loop3A_626, %parallel_loop3A_626 : vector<16xf32>
        %parallel_loop3A_642 = arith.addf %parallel_loop3A_641, %parallel_loop3A_594 : vector<16xf32>
        %parallel_loop3A_643 = arith.mulf %parallel_loop3A_628, %parallel_loop3A_628 : vector<16xf32>
        %parallel_loop3A_644 = arith.addf %parallel_loop3A_643, %parallel_loop3A_544 : vector<16xf32>
        %parallel_loop3A_645 = arith.mulf %parallel_loop3A_630, %parallel_loop3A_630 : vector<16xf32>
        %parallel_loop3A_646 = arith.addf %parallel_loop3A_645, %parallel_loop3A_549 : vector<16xf32>
        %parallel_loop3A_647 = arith.mulf %parallel_loop3A_632, %parallel_loop3A_632 : vector<16xf32>
        %parallel_loop3A_648 = arith.addf %parallel_loop3A_647, %parallel_loop3A_559 : vector<16xf32>
        %parallel_loop3A_649 = arith.mulf %parallel_loop3A_634, %parallel_loop3A_634 : vector<16xf32>
        %parallel_loop3A_650 = arith.addf %parallel_loop3A_649, %parallel_loop3A_564 : vector<16xf32>
        %parallel_loop3A_651 = arith.mulf %parallel_loop3A_636, %parallel_loop3A_636 : vector<16xf32>
        %parallel_loop3A_652 = arith.addf %parallel_loop3A_651, %parallel_loop3A_574 : vector<16xf32>
        %parallel_loop3A_653 = arith.mulf %parallel_loop3A_638, %parallel_loop3A_638 : vector<16xf32>
        %parallel_loop3A_654 = arith.addf %parallel_loop3A_653, %parallel_loop3A_579 : vector<16xf32>
        %parallel_loop3A_655 = arith.mulf %parallel_loop3A_640, %parallel_loop3A_640 : vector<16xf32>
        %parallel_loop3A_656 = arith.addf %parallel_loop3A_655, %parallel_loop3A_589 : vector<16xf32>
        %parallel_loop3A_657 = arith.mulf %parallel_loop3A_642, %parallel_loop3A_642 : vector<16xf32>
        %parallel_loop3A_658 = arith.addf %parallel_loop3A_657, %parallel_loop3A_594 : vector<16xf32>
        %parallel_loop3A_659 = arith.mulf %parallel_loop3A_644, %parallel_loop3A_644 : vector<16xf32>
        %parallel_loop3A_660 = arith.addf %parallel_loop3A_659, %parallel_loop3A_544 : vector<16xf32>
        %parallel_loop3A_661 = arith.mulf %parallel_loop3A_646, %parallel_loop3A_646 : vector<16xf32>
        %parallel_loop3A_662 = arith.addf %parallel_loop3A_661, %parallel_loop3A_549 : vector<16xf32>
        %parallel_loop3A_663 = arith.mulf %parallel_loop3A_648, %parallel_loop3A_648 : vector<16xf32>
        %parallel_loop3A_664 = arith.addf %parallel_loop3A_663, %parallel_loop3A_559 : vector<16xf32>
        %parallel_loop3A_665 = arith.mulf %parallel_loop3A_650, %parallel_loop3A_650 : vector<16xf32>
        %parallel_loop3A_666 = arith.addf %parallel_loop3A_665, %parallel_loop3A_564 : vector<16xf32>
        %parallel_loop3A_667 = arith.mulf %parallel_loop3A_652, %parallel_loop3A_652 : vector<16xf32>
        %parallel_loop3A_668 = arith.addf %parallel_loop3A_667, %parallel_loop3A_574 : vector<16xf32>
        %parallel_loop3A_669 = arith.mulf %parallel_loop3A_654, %parallel_loop3A_654 : vector<16xf32>
        %parallel_loop3A_670 = arith.addf %parallel_loop3A_669, %parallel_loop3A_579 : vector<16xf32>
        %parallel_loop3A_671 = arith.mulf %parallel_loop3A_656, %parallel_loop3A_656 : vector<16xf32>
        %parallel_loop3A_672 = arith.addf %parallel_loop3A_671, %parallel_loop3A_589 : vector<16xf32>
        %parallel_loop3A_673 = arith.mulf %parallel_loop3A_658, %parallel_loop3A_658 : vector<16xf32>
        %parallel_loop3A_674 = arith.addf %parallel_loop3A_673, %parallel_loop3A_594 : vector<16xf32>
        %parallel_loop3A_675 = arith.mulf %parallel_loop3A_660, %parallel_loop3A_660 : vector<16xf32>
        %parallel_loop3A_676 = arith.addf %parallel_loop3A_675, %parallel_loop3A_544 : vector<16xf32>
        %parallel_loop3A_677 = arith.mulf %parallel_loop3A_662, %parallel_loop3A_662 : vector<16xf32>
        %parallel_loop3A_678 = arith.addf %parallel_loop3A_677, %parallel_loop3A_549 : vector<16xf32>
        %parallel_loop3A_679 = arith.mulf %parallel_loop3A_664, %parallel_loop3A_664 : vector<16xf32>
        %parallel_loop3A_680 = arith.addf %parallel_loop3A_679, %parallel_loop3A_559 : vector<16xf32>
        %parallel_loop3A_681 = arith.mulf %parallel_loop3A_666, %parallel_loop3A_666 : vector<16xf32>
        %parallel_loop3A_682 = arith.addf %parallel_loop3A_681, %parallel_loop3A_564 : vector<16xf32>
        %parallel_loop3A_683 = arith.mulf %parallel_loop3A_668, %parallel_loop3A_668 : vector<16xf32>
        %parallel_loop3A_684 = arith.addf %parallel_loop3A_683, %parallel_loop3A_574 : vector<16xf32>
        %parallel_loop3A_685 = arith.mulf %parallel_loop3A_670, %parallel_loop3A_670 : vector<16xf32>
        %parallel_loop3A_686 = arith.addf %parallel_loop3A_685, %parallel_loop3A_579 : vector<16xf32>
        %parallel_loop3A_687 = arith.mulf %parallel_loop3A_672, %parallel_loop3A_672 : vector<16xf32>
        %parallel_loop3A_688 = arith.addf %parallel_loop3A_687, %parallel_loop3A_589 : vector<16xf32>
        %parallel_loop3A_689 = arith.mulf %parallel_loop3A_674, %parallel_loop3A_674 : vector<16xf32>
        %parallel_loop3A_690 = arith.addf %parallel_loop3A_689, %parallel_loop3A_594 : vector<16xf32>
        %parallel_loop3A_691 = arith.mulf %parallel_loop3A_676, %parallel_loop3A_676 : vector<16xf32>
        %parallel_loop3A_692 = arith.addf %parallel_loop3A_691, %parallel_loop3A_544 : vector<16xf32>
        %parallel_loop3A_693 = arith.mulf %parallel_loop3A_678, %parallel_loop3A_678 : vector<16xf32>
        %parallel_loop3A_694 = arith.addf %parallel_loop3A_693, %parallel_loop3A_549 : vector<16xf32>
        %parallel_loop3A_695 = arith.mulf %parallel_loop3A_680, %parallel_loop3A_680 : vector<16xf32>
        %parallel_loop3A_696 = arith.addf %parallel_loop3A_695, %parallel_loop3A_559 : vector<16xf32>
        %parallel_loop3A_697 = arith.mulf %parallel_loop3A_682, %parallel_loop3A_682 : vector<16xf32>
        %parallel_loop3A_698 = arith.addf %parallel_loop3A_697, %parallel_loop3A_564 : vector<16xf32>
        %parallel_loop3A_699 = arith.mulf %parallel_loop3A_684, %parallel_loop3A_684 : vector<16xf32>
        %parallel_loop3A_700 = arith.addf %parallel_loop3A_699, %parallel_loop3A_574 : vector<16xf32>
        %parallel_loop3A_701 = arith.mulf %parallel_loop3A_686, %parallel_loop3A_686 : vector<16xf32>
        %parallel_loop3A_702 = arith.addf %parallel_loop3A_701, %parallel_loop3A_579 : vector<16xf32>
        %parallel_loop3A_703 = arith.mulf %parallel_loop3A_688, %parallel_loop3A_688 : vector<16xf32>
        %parallel_loop3A_704 = arith.addf %parallel_loop3A_703, %parallel_loop3A_589 : vector<16xf32>
        %parallel_loop3A_705 = arith.mulf %parallel_loop3A_690, %parallel_loop3A_690 : vector<16xf32>
        %parallel_loop3A_706 = arith.addf %parallel_loop3A_705, %parallel_loop3A_594 : vector<16xf32>
        %parallel_loop3A_707 = arith.mulf %parallel_loop3A_692, %parallel_loop3A_692 : vector<16xf32>
        %parallel_loop3A_708 = arith.addf %parallel_loop3A_707, %parallel_loop3A_544 : vector<16xf32>
        %parallel_loop3A_709 = arith.mulf %parallel_loop3A_694, %parallel_loop3A_694 : vector<16xf32>
        %parallel_loop3A_710 = arith.addf %parallel_loop3A_709, %parallel_loop3A_549 : vector<16xf32>
        %parallel_loop3A_711 = arith.mulf %parallel_loop3A_696, %parallel_loop3A_696 : vector<16xf32>
        %parallel_loop3A_712 = arith.addf %parallel_loop3A_711, %parallel_loop3A_559 : vector<16xf32>
        %parallel_loop3A_713 = arith.mulf %parallel_loop3A_698, %parallel_loop3A_698 : vector<16xf32>
        %parallel_loop3A_714 = arith.addf %parallel_loop3A_713, %parallel_loop3A_564 : vector<16xf32>
        %parallel_loop3A_715 = arith.mulf %parallel_loop3A_700, %parallel_loop3A_700 : vector<16xf32>
        %parallel_loop3A_716 = arith.addf %parallel_loop3A_715, %parallel_loop3A_574 : vector<16xf32>
        %parallel_loop3A_717 = arith.mulf %parallel_loop3A_702, %parallel_loop3A_702 : vector<16xf32>
        %parallel_loop3A_718 = arith.addf %parallel_loop3A_717, %parallel_loop3A_579 : vector<16xf32>
        %parallel_loop3A_719 = arith.mulf %parallel_loop3A_704, %parallel_loop3A_704 : vector<16xf32>
        %parallel_loop3A_720 = arith.addf %parallel_loop3A_719, %parallel_loop3A_589 : vector<16xf32>
        %parallel_loop3A_721 = arith.mulf %parallel_loop3A_706, %parallel_loop3A_706 : vector<16xf32>
        %parallel_loop3A_722 = arith.addf %parallel_loop3A_721, %parallel_loop3A_594 : vector<16xf32>
        %parallel_loop3A_723 = arith.mulf %parallel_loop3A_708, %parallel_loop3A_708 : vector<16xf32>
        %parallel_loop3A_724 = arith.addf %parallel_loop3A_723, %parallel_loop3A_544 : vector<16xf32>
        %parallel_loop3A_725 = arith.mulf %parallel_loop3A_710, %parallel_loop3A_710 : vector<16xf32>
        %parallel_loop3A_726 = arith.addf %parallel_loop3A_725, %parallel_loop3A_549 : vector<16xf32>
        %parallel_loop3A_727 = arith.mulf %parallel_loop3A_712, %parallel_loop3A_712 : vector<16xf32>
        %parallel_loop3A_728 = arith.addf %parallel_loop3A_727, %parallel_loop3A_559 : vector<16xf32>
        %parallel_loop3A_729 = arith.mulf %parallel_loop3A_714, %parallel_loop3A_714 : vector<16xf32>
        %parallel_loop3A_730 = arith.addf %parallel_loop3A_729, %parallel_loop3A_564 : vector<16xf32>
        %parallel_loop3A_731 = arith.mulf %parallel_loop3A_716, %parallel_loop3A_716 : vector<16xf32>
        %parallel_loop3A_732 = arith.addf %parallel_loop3A_731, %parallel_loop3A_574 : vector<16xf32>
        %parallel_loop3A_733 = arith.mulf %parallel_loop3A_718, %parallel_loop3A_718 : vector<16xf32>
        %parallel_loop3A_734 = arith.addf %parallel_loop3A_733, %parallel_loop3A_579 : vector<16xf32>
        %parallel_loop3A_735 = arith.mulf %parallel_loop3A_720, %parallel_loop3A_720 : vector<16xf32>
        %parallel_loop3A_736 = arith.addf %parallel_loop3A_735, %parallel_loop3A_589 : vector<16xf32>
        %parallel_loop3A_737 = arith.mulf %parallel_loop3A_722, %parallel_loop3A_722 : vector<16xf32>
        %parallel_loop3A_738 = arith.addf %parallel_loop3A_737, %parallel_loop3A_594 : vector<16xf32>
        %parallel_loop3A_739 = arith.constant 1 : i32
        %parallel_loop3A_740 = arith.constant 0 : i32
        %parallel_loop3A_741 = arith.constant 0 : i32
        %parallel_loop3A_742 = arith.constant 0 : i32
        %parallel_loop3A_743 = tpu.memref_slice %arg7[%parallel_loop3A_739, %parallel_loop3A_740, %parallel_loop3A_741, %parallel_loop3A_742] : memref<5x4x8x129xf32, #tpu.memory_space<vmem>> -> memref<1x4x8x129xf32, #tpu.memory_space<vmem>>
        %parallel_loop3A_744 = tpu.memref_squeeze %parallel_loop3A_743 : memref<1x4x8x129xf32, #tpu.memory_space<vmem>> -> memref<4x8x129xf32, #tpu.memory_space<vmem>>
        tpu.vector_store_idx %parallel_loop3A_744[%select_n3A, %select_n3A_46, %parallel_loop3A_539], %parallel_loop3A_724 : memref<4x8x129xf32, #tpu.memory_space<vmem>>[vector<16xi32>, vector<16xi32>, vector<16xi32>], vector<16xf32>,
        %parallel_loop3A_745 = arith.constant 1 : i32
        %parallel_loop3A_746 = arith.constant 0 : i32
        %parallel_loop3A_747 = arith.constant 0 : i32
        %parallel_loop3A_748 = arith.constant 0 : i32
        %parallel_loop3A_749 = tpu.memref_slice %arg7[%parallel_loop3A_745, %parallel_loop3A_746, %parallel_loop3A_747, %parallel_loop3A_748] : memref<5x4x8x129xf32, #tpu.memory_space<vmem>> -> memref<1x4x8x129xf32, #tpu.memory_space<vmem>>
        %parallel_loop3A_750 = tpu.memref_squeeze %parallel_loop3A_749 : memref<1x4x8x129xf32, #tpu.memory_space<vmem>> -> memref<4x8x129xf32, #tpu.memory_space<vmem>>
        tpu.vector_store_idx %parallel_loop3A_750[%select_n3A_81, %select_n3A_103, %parallel_loop3A_539], %parallel_loop3A_726 : memref<4x8x129xf32, #tpu.memory_space<vmem>>[vector<16xi32>, vector<16xi32>, vector<16xi32>], vector<16xf32>,
        %parallel_loop3A_751 = arith.constant 1 : i32
        %parallel_loop3A_752 = arith.constant 0 : i32
        %parallel_loop3A_753 = arith.constant 0 : i32
        %parallel_loop3A_754 = arith.constant 0 : i32
        %parallel_loop3A_755 = tpu.memref_slice %arg7[%parallel_loop3A_751, %parallel_loop3A_752, %parallel_loop3A_753, %parallel_loop3A_754] : memref<5x4x8x129xf32, #tpu.memory_space<vmem>> -> memref<1x4x8x129xf32, #tpu.memory_space<vmem>>
        %parallel_loop3A_756 = tpu.memref_squeeze %parallel_loop3A_755 : memref<1x4x8x129xf32, #tpu.memory_space<vmem>> -> memref<4x8x129xf32, #tpu.memory_space<vmem>>
        tpu.vector_store_idx %parallel_loop3A_756[%select_n3A, %select_n3A_46, %parallel_loop3A_554], %parallel_loop3A_728 : memref<4x8x129xf32, #tpu.memory_space<vmem>>[vector<16xi32>, vector<16xi32>, vector<16xi32>], vector<16xf32>,
        %parallel_loop3A_757 = arith.constant 1 : i32
        %parallel_loop3A_758 = arith.constant 0 : i32
        %parallel_loop3A_759 = arith.constant 0 : i32
        %parallel_loop3A_760 = arith.constant 0 : i32
        %parallel_loop3A_761 = tpu.memref_slice %arg7[%parallel_loop3A_757, %parallel_loop3A_758, %parallel_loop3A_759, %parallel_loop3A_760] : memref<5x4x8x129xf32, #tpu.memory_space<vmem>> -> memref<1x4x8x129xf32, #tpu.memory_space<vmem>>
        %parallel_loop3A_762 = tpu.memref_squeeze %parallel_loop3A_761 : memref<1x4x8x129xf32, #tpu.memory_space<vmem>> -> memref<4x8x129xf32, #tpu.memory_space<vmem>>
        tpu.vector_store_idx %parallel_loop3A_762[%select_n3A_81, %select_n3A_103, %parallel_loop3A_554], %parallel_loop3A_730 : memref<4x8x129xf32, #tpu.memory_space<vmem>>[vector<16xi32>, vector<16xi32>, vector<16xi32>], vector<16xf32>,
        %parallel_loop3A_763 = arith.constant 1 : i32
        %parallel_loop3A_764 = arith.constant 0 : i32
        %parallel_loop3A_765 = arith.constant 0 : i32
        %parallel_loop3A_766 = arith.constant 0 : i32
        %parallel_loop3A_767 = tpu.memref_slice %arg7[%parallel_loop3A_763, %parallel_loop3A_764, %parallel_loop3A_765, %parallel_loop3A_766] : memref<5x4x8x129xf32, #tpu.memory_space<vmem>> -> memref<1x4x8x129xf32, #tpu.memory_space<vmem>>
        %parallel_loop3A_768 = tpu.memref_squeeze %parallel_loop3A_767 : memref<1x4x8x129xf32, #tpu.memory_space<vmem>> -> memref<4x8x129xf32, #tpu.memory_space<vmem>>
        tpu.vector_store_idx %parallel_loop3A_768[%select_n3A, %select_n3A_46, %parallel_loop3A_569], %parallel_loop3A_732 : memref<4x8x129xf32, #tpu.memory_space<vmem>>[vector<16xi32>, vector<16xi32>, vector<16xi32>], vector<16xf32>,
        %parallel_loop3A_769 = arith.constant 1 : i32
        %parallel_loop3A_770 = arith.constant 0 : i32
        %parallel_loop3A_771 = arith.constant 0 : i32
        %parallel_loop3A_772 = arith.constant 0 : i32
        %parallel_loop3A_773 = tpu.memref_slice %arg7[%parallel_loop3A_769, %parallel_loop3A_770, %parallel_loop3A_771, %parallel_loop3A_772] : memref<5x4x8x129xf32, #tpu.memory_space<vmem>> -> memref<1x4x8x129xf32, #tpu.memory_space<vmem>>
        %parallel_loop3A_774 = tpu.memref_squeeze %parallel_loop3A_773 : memref<1x4x8x129xf32, #tpu.memory_space<vmem>> -> memref<4x8x129xf32, #tpu.memory_space<vmem>>
        tpu.vector_store_idx %parallel_loop3A_774[%select_n3A_81, %select_n3A_103, %parallel_loop3A_569], %parallel_loop3A_734 : memref<4x8x129xf32, #tpu.memory_space<vmem>>[vector<16xi32>, vector<16xi32>, vector<16xi32>], vector<16xf32>,
        %parallel_loop3A_775 = arith.constant 1 : i32
        %parallel_loop3A_776 = arith.constant 0 : i32
        %parallel_loop3A_777 = arith.constant 0 : i32
        %parallel_loop3A_778 = arith.constant 0 : i32
        %parallel_loop3A_779 = tpu.memref_slice %arg7[%parallel_loop3A_775, %parallel_loop3A_776, %parallel_loop3A_777, %parallel_loop3A_778] : memref<5x4x8x129xf32, #tpu.memory_space<vmem>> -> memref<1x4x8x129xf32, #tpu.memory_space<vmem>>
        %parallel_loop3A_780 = tpu.memref_squeeze %parallel_loop3A_779 : memref<1x4x8x129xf32, #tpu.memory_space<vmem>> -> memref<4x8x129xf32, #tpu.memory_space<vmem>>
        tpu.vector_store_idx %parallel_loop3A_780[%select_n3A, %select_n3A_46, %parallel_loop3A_584], %parallel_loop3A_736 : memref<4x8x129xf32, #tpu.memory_space<vmem>>[vector<16xi32>, vector<16xi32>, vector<16xi32>], vector<16xf32>,
        %parallel_loop3A_781 = arith.constant 1 : i32
        %parallel_loop3A_782 = arith.constant 0 : i32
        %parallel_loop3A_783 = arith.constant 0 : i32
        %parallel_loop3A_784 = arith.constant 0 : i32
        %parallel_loop3A_785 = tpu.memref_slice %arg7[%parallel_loop3A_781, %parallel_loop3A_782, %parallel_loop3A_783, %parallel_loop3A_784] : memref<5x4x8x129xf32, #tpu.memory_space<vmem>> -> memref<1x4x8x129xf32, #tpu.memory_space<vmem>>
        %parallel_loop3A_786 = tpu.memref_squeeze %parallel_loop3A_785 : memref<1x4x8x129xf32, #tpu.memory_space<vmem>> -> memref<4x8x129xf32, #tpu.memory_space<vmem>>
        tpu.vector_store_idx %parallel_loop3A_786[%select_n3A_81, %select_n3A_103, %parallel_loop3A_584], %parallel_loop3A_738 : memref<4x8x129xf32, #tpu.memory_space<vmem>>[vector<16xi32>, vector<16xi32>, vector<16xi32>], vector<16xf32>,
      } {sc.loop_unroll_factor = 1 : i64, sc.parallel_access}
      %add3A_353 = arith.constant 5 : i32
      %add3A_354 = arith.addi %add3A_333, %add3A_353 : i32
      %lt3A_355 = arith.constant 50 : i32
      %lt3A_356 = arith.cmpi slt, %add3A_354, %lt3A_355 : i32
      %convert_element_type3A_357 = arith.extui %lt3A_356 : i1 to i32
      %cond3A_358 = arith.constant 0 : i32
      %cond3A_359 = arith.cmpi ne, %convert_element_type3A_357, %cond3A_358 : i32
      scf.if %cond3A_359 {
        %add3A_534 = arith.constant 5 : i32
        %add3A_535 = arith.addi %add3A_333, %add3A_534 : i32
        %dma_start3A_536 = arith.constant 1 : i32
        %dma_start3A_537 = arith.constant 0 : i32
        %dma_start3A_538 = arith.constant 0 : i32
        %dma_start3A_539 = tpu.memref_slice %arg6[%dma_start3A_536, %dma_start3A_537, %dma_start3A_538] : memref<5x128x32xf32, #tpu.memory_space<vmem>> -> memref<1x128x32xf32, #tpu.memory_space<vmem>>
        %dma_start3A_540 = tpu.memref_squeeze %dma_start3A_539 : memref<1x128x32xf32, #tpu.memory_space<vmem>> -> memref<128x32xf32, #tpu.memory_space<vmem>>
        %dma_start3A_541 = arith.constant 0 : i32
        %dma_start3A_542 = tpu.memref_slice %arg5[%add3A_535, %dma_start3A_541] : memref<50x128xi32, #tpu.memory_space<vmem>> -> memref<1x128xi32, #tpu.memory_space<vmem>>
        %dma_start3A_543 = tpu.memref_squeeze %dma_start3A_542 : memref<1x128xi32, #tpu.memory_space<vmem>> -> memref<128xi32, #tpu.memory_space<vmem>>
        %dma_start3A_544 = arith.constant 0 : i32
        %dma_start3A_545 = arith.constant 0 : i32
        %dma_start3A_546 = tpu.memref_slice %arg3[%dma_start3A_544, %dma_start3A_545] : memref<1000000x32xf32, #tpu.memory_space<hbm>> -> memref<1000000x32xf32, #tpu.memory_space<hbm>>
        tpu.enqueue_indirect_dma source(%dma_start3A_546 : memref<1000000x32xf32, #tpu.memory_space<hbm>>) target(%dma_start3A_540 : memref<128x32xf32, #tpu.memory_space<vmem>>) offsets(%dma_start3A_543 : memref<128xi32, #tpu.memory_space<vmem>>) semaphore(%arg9 : memref<!tpu.dma_semaphore, #tpu.memory_space<semaphore_mem>>)
      } else {
      }
      %dma_start3A_360 = arith.constant 1 : i32
      %dma_start3A_361 = arith.constant 0 : i32
      %dma_start3A_362 = arith.constant 0 : i32
      %dma_start3A_363 = arith.constant 0 : i32
      %dma_start3A_364 = tpu.memref_slice %arg7[%dma_start3A_360, %dma_start3A_361, %dma_start3A_362, %dma_start3A_363] : memref<5x4x8x129xf32, #tpu.memory_space<vmem>> -> memref<1x4x8x128xf32, #tpu.memory_space<vmem>>
      %dma_start3A_365 = tpu.memref_squeeze %dma_start3A_364 : memref<1x4x8x128xf32, #tpu.memory_space<vmem>> -> memref<4x8x128xf32, #tpu.memory_space<vmem>>
      %dma_start3A_366 = arith.constant 0 : i32
      %dma_start3A_367 = arith.constant 0 : i32
      %dma_start3A_368 = arith.constant 0 : i32
      %dma_start3A_369 = tpu.memref_slice %arg4[%add3A_333, %dma_start3A_366, %add3A, %dma_start3A_367, %dma_start3A_368] : memref<50x4x32x8x128xf32, #tpu.memory_space<hbm>> -> memref<1x4x1x8x128xf32, #tpu.memory_space<hbm>>
      %dma_start3A_370 = tpu.memref_squeeze %dma_start3A_369 : memref<1x4x1x8x128xf32, #tpu.memory_space<hbm>> -> memref<4x8x128xf32, #tpu.memory_space<hbm>>
      %dma_start3A_371 = arith.constant 0 : i32
      %dma_start3A_372 = arith.constant 0 : i32
      %dma_start3A_373 = arith.constant 0 : i32
      %dma_start3A_374 = tpu.memref_slice %arg4[%add3A_333, %dma_start3A_371, %add3A, %dma_start3A_372, %dma_start3A_373] : memref<50x4x32x8x128xf32, #tpu.memory_space<hbm>> -> memref<1x4x1x8x128xf32, #tpu.memory_space<hbm>>
      %dma_start3A_375 = tpu.memref_squeeze %dma_start3A_374 : memref<1x4x1x8x128xf32, #tpu.memory_space<hbm>> -> memref<4x8x128xf32, #tpu.memory_space<hbm>>
      %dma_start3A_376 = arith.constant 0 : i32
      %dma_start3A_377 = arith.constant 0 : i32
      %dma_start3A_378 = arith.constant 0 : i32
      %dma_start3A_379 = tpu.memref_slice %arg7[%dma_start3A_360, %dma_start3A_376, %dma_start3A_377, %dma_start3A_378] : memref<5x4x8x129xf32, #tpu.memory_space<vmem>> -> memref<1x4x8x128xf32, #tpu.memory_space<vmem>>
      %dma_start3A_380 = tpu.memref_squeeze %dma_start3A_379 : memref<1x4x8x128xf32, #tpu.memory_space<vmem>> -> memref<4x8x128xf32, #tpu.memory_space<vmem>>
      tpu.enqueue_dma source(%dma_start3A_380 : memref<4x8x128xf32, #tpu.memory_space<vmem>>) target(%dma_start3A_375 : memref<4x8x128xf32, #tpu.memory_space<hbm>>) target_semaphore(%arg14 : memref<!tpu.dma_semaphore, #tpu.memory_space<semaphore_mem>>)
      %mul3A_381 = arith.constant 5 : i32
      %mul3A_382 = arith.muli %scan3A_282, %mul3A_381 : i32
      %add3A_383 = arith.constant 2 : i32
      %add3A_384 = arith.addi %mul3A_382, %add3A_383 : i32
      %dma_wait3A_385 = arith.constant 2 : i32
      %dma_wait3A_386 = arith.constant 0 : i32
      %dma_wait3A_387 = arith.constant 0 : i32
      %dma_wait3A_388 = tpu.memref_slice %arg6[%dma_wait3A_385, %dma_wait3A_386, %dma_wait3A_387] : memref<5x128x32xf32, #tpu.memory_space<vmem>> -> memref<1x128x32xf32, #tpu.memory_space<vmem>>
      %dma_wait3A_389 = tpu.memref_squeeze %dma_wait3A_388 : memref<1x128x32xf32, #tpu.memory_space<vmem>> -> memref<128x32xf32, #tpu.memory_space<vmem>>
      %dma_wait3A_390 = arith.constant 0 : i32
      %dma_wait3A_391 = tpu.memref_slice %arg5[%add3A_384, %dma_wait3A_390] : memref<50x128xi32, #tpu.memory_space<vmem>> -> memref<1x128xi32, #tpu.memory_space<vmem>>
      %dma_wait3A_392 = tpu.memref_squeeze %dma_wait3A_391 : memref<1x128xi32, #tpu.memory_space<vmem>> -> memref<128xi32, #tpu.memory_space<vmem>>
      %dma_wait3A_393 = arith.constant 0 : i32
      %dma_wait3A_394 = arith.constant 0 : i32
      %dma_wait3A_395 = tpu.memref_slice %arg3[%dma_wait3A_393, %dma_wait3A_394] : memref<1000000x32xf32, #tpu.memory_space<hbm>> -> memref<1000000x32xf32, #tpu.memory_space<hbm>>
      tpu.wait_indirect_dma semaphore(%arg10 : memref<!tpu.dma_semaphore, #tpu.memory_space<semaphore_mem>>) src(%dma_wait3A_395 : memref<1000000x32xf32, #tpu.memory_space<hbm>>) dst(%dma_wait3A_389 : memref<128x32xf32, #tpu.memory_space<vmem>>)
      %gt3A_396 = arith.constant 0 : i32
      %gt3A_397 = arith.cmpi sgt, %scan3A_282, %gt3A_396 : i32
      %convert_element_type3A_398 = arith.extui %gt3A_397 : i1 to i32
      %cond3A_399 = arith.constant 0 : i32
      %cond3A_400 = arith.cmpi ne, %convert_element_type3A_398, %cond3A_399 : i32
      scf.if %cond3A_400 {
        %dma_wait3A_534 = arith.constant 2 : i32
        %dma_wait3A_535 = arith.constant 0 : i32
        %dma_wait3A_536 = arith.constant 0 : i32
        %dma_wait3A_537 = arith.constant 0 : i32
        %dma_wait3A_538 = arith.constant 0 : i32
        %dma_wait3A_539 = arith.constant 0 : i32
        %dma_wait3A_540 = tpu.memref_slice %arg7[%dma_wait3A_534, %dma_wait3A_537, %dma_wait3A_538, %dma_wait3A_539] : memref<5x4x8x129xf32, #tpu.memory_space<vmem>> -> memref<1x4x8x128xf32, #tpu.memory_space<vmem>>
        %dma_wait3A_541 = tpu.memref_squeeze %dma_wait3A_540 : memref<1x4x8x128xf32, #tpu.memory_space<vmem>> -> memref<4x8x128xf32, #tpu.memory_space<vmem>>
        %dma_wait3A_542 = arith.constant 0 : i32
        %dma_wait3A_543 = arith.constant 0 : i32
        %dma_wait3A_544 = arith.constant 0 : i32
        %dma_wait3A_545 = tpu.memref_slice %arg4[%dma_wait3A_535, %dma_wait3A_542, %dma_wait3A_536, %dma_wait3A_543, %dma_wait3A_544] : memref<50x4x32x8x128xf32, #tpu.memory_space<hbm>> -> memref<1x4x1x8x128xf32, #tpu.memory_space<hbm>>
        %dma_wait3A_546 = tpu.memref_squeeze %dma_wait3A_545 : memref<1x4x1x8x128xf32, #tpu.memory_space<hbm>> -> memref<4x8x128xf32, #tpu.memory_space<hbm>>
        %dma_wait3A_547 = arith.constant 0 : i32
        %dma_wait3A_548 = arith.constant 0 : i32
        %dma_wait3A_549 = arith.constant 0 : i32
        %dma_wait3A_550 = tpu.memref_slice %arg4[%dma_wait3A_535, %dma_wait3A_547, %dma_wait3A_536, %dma_wait3A_548, %dma_wait3A_549] : memref<50x4x32x8x128xf32, #tpu.memory_space<hbm>> -> memref<1x4x1x8x128xf32, #tpu.memory_space<hbm>>
        %dma_wait3A_551 = tpu.memref_squeeze %dma_wait3A_550 : memref<1x4x1x8x128xf32, #tpu.memory_space<hbm>> -> memref<4x8x128xf32, #tpu.memory_space<hbm>>
        %dma_wait3A_552 = arith.constant 0 : i32
        %dma_wait3A_553 = arith.constant 0 : i32
        %dma_wait3A_554 = arith.constant 0 : i32
        %dma_wait3A_555 = tpu.memref_slice %arg7[%dma_wait3A_534, %dma_wait3A_552, %dma_wait3A_553, %dma_wait3A_554] : memref<5x4x8x129xf32, #tpu.memory_space<vmem>> -> memref<1x4x8x128xf32, #tpu.memory_space<vmem>>
        %dma_wait3A_556 = tpu.memref_squeeze %dma_wait3A_555 : memref<1x4x8x128xf32, #tpu.memory_space<vmem>> -> memref<4x8x128xf32, #tpu.memory_space<vmem>>
        tpu.wait_dma2 semaphore(%arg15 : memref<!tpu.dma_semaphore, #tpu.memory_space<semaphore_mem>>) src(%dma_wait3A_556 : memref<4x8x128xf32, #tpu.memory_space<vmem>>) dst(%dma_wait3A_551 : memref<4x8x128xf32, #tpu.memory_space<hbm>>)
      } else {
      }
      %parallel_loop3A_401 = arith.constant 0 : i32
      %parallel_loop3A_402 = arith.constant 32 : i32
      %parallel_loop3A_403 = arith.constant 1 : i32
      scf.for %parallel_loop3A_534 = %parallel_loop3A_401 to %parallel_loop3A_402 step %parallel_loop3A_403  : i32 {
        %parallel_loop3A_535 = arith.constant 4 : i32
        %parallel_loop3A_536 = arith.muli %parallel_loop3A_534, %parallel_loop3A_535 : i32
        %parallel_loop3A_537 = arith.constant 0 : i32
        %parallel_loop3A_538 = arith.addi %parallel_loop3A_536, %parallel_loop3A_537 : i32
        %parallel_loop3A_539 = vector.broadcast %parallel_loop3A_538 : i32 to vector<16xi32>
        %parallel_loop3A_540 = arith.constant 2 : i32
        %parallel_loop3A_541 = arith.index_cast %parallel_loop3A_540 : i32 to index
        %parallel_loop3A_542 = arith.index_cast %parallel_loop3A_538 : i32 to index
        %parallel_loop3A_543 = arith.constant 0 : index
        %parallel_loop3A_544 = tpu.vector_load %arg6[%parallel_loop3A_541, %parallel_loop3A_542, %parallel_loop3A_543] {strides = array<i32>} : memref<5x128x32xf32, #tpu.memory_space<vmem>>, vector<16xf32>,
        %parallel_loop3A_545 = arith.constant 2 : i32
        %parallel_loop3A_546 = arith.index_cast %parallel_loop3A_545 : i32 to index
        %parallel_loop3A_547 = arith.index_cast %parallel_loop3A_538 : i32 to index
        %parallel_loop3A_548 = arith.constant 16 : index
        %parallel_loop3A_549 = tpu.vector_load %arg6[%parallel_loop3A_546, %parallel_loop3A_547, %parallel_loop3A_548] {strides = array<i32>} : memref<5x128x32xf32, #tpu.memory_space<vmem>>, vector<16xf32>,
        %parallel_loop3A_550 = arith.constant 4 : i32
        %parallel_loop3A_551 = arith.muli %parallel_loop3A_534, %parallel_loop3A_550 : i32
        %parallel_loop3A_552 = arith.constant 1 : i32
        %parallel_loop3A_553 = arith.addi %parallel_loop3A_551, %parallel_loop3A_552 : i32
        %parallel_loop3A_554 = vector.broadcast %parallel_loop3A_553 : i32 to vector<16xi32>
        %parallel_loop3A_555 = arith.constant 2 : i32
        %parallel_loop3A_556 = arith.index_cast %parallel_loop3A_555 : i32 to index
        %parallel_loop3A_557 = arith.index_cast %parallel_loop3A_553 : i32 to index
        %parallel_loop3A_558 = arith.constant 0 : index
        %parallel_loop3A_559 = tpu.vector_load %arg6[%parallel_loop3A_556, %parallel_loop3A_557, %parallel_loop3A_558] {strides = array<i32>} : memref<5x128x32xf32, #tpu.memory_space<vmem>>, vector<16xf32>,
        %parallel_loop3A_560 = arith.constant 2 : i32
        %parallel_loop3A_561 = arith.index_cast %parallel_loop3A_560 : i32 to index
        %parallel_loop3A_562 = arith.index_cast %parallel_loop3A_553 : i32 to index
        %parallel_loop3A_563 = arith.constant 16 : index
        %parallel_loop3A_564 = tpu.vector_load %arg6[%parallel_loop3A_561, %parallel_loop3A_562, %parallel_loop3A_563] {strides = array<i32>} : memref<5x128x32xf32, #tpu.memory_space<vmem>>, vector<16xf32>,
        %parallel_loop3A_565 = arith.constant 4 : i32
        %parallel_loop3A_566 = arith.muli %parallel_loop3A_534, %parallel_loop3A_565 : i32
        %parallel_loop3A_567 = arith.constant 2 : i32
        %parallel_loop3A_568 = arith.addi %parallel_loop3A_566, %parallel_loop3A_567 : i32
        %parallel_loop3A_569 = vector.broadcast %parallel_loop3A_568 : i32 to vector<16xi32>
        %parallel_loop3A_570 = arith.constant 2 : i32
        %parallel_loop3A_571 = arith.index_cast %parallel_loop3A_570 : i32 to index
        %parallel_loop3A_572 = arith.index_cast %parallel_loop3A_568 : i32 to index
        %parallel_loop3A_573 = arith.constant 0 : index
        %parallel_loop3A_574 = tpu.vector_load %arg6[%parallel_loop3A_571, %parallel_loop3A_572, %parallel_loop3A_573] {strides = array<i32>} : memref<5x128x32xf32, #tpu.memory_space<vmem>>, vector<16xf32>,
        %parallel_loop3A_575 = arith.constant 2 : i32
        %parallel_loop3A_576 = arith.index_cast %parallel_loop3A_575 : i32 to index
        %parallel_loop3A_577 = arith.index_cast %parallel_loop3A_568 : i32 to index
        %parallel_loop3A_578 = arith.constant 16 : index
        %parallel_loop3A_579 = tpu.vector_load %arg6[%parallel_loop3A_576, %parallel_loop3A_577, %parallel_loop3A_578] {strides = array<i32>} : memref<5x128x32xf32, #tpu.memory_space<vmem>>, vector<16xf32>,
        %parallel_loop3A_580 = arith.constant 4 : i32
        %parallel_loop3A_581 = arith.muli %parallel_loop3A_534, %parallel_loop3A_580 : i32
        %parallel_loop3A_582 = arith.constant 3 : i32
        %parallel_loop3A_583 = arith.addi %parallel_loop3A_581, %parallel_loop3A_582 : i32
        %parallel_loop3A_584 = vector.broadcast %parallel_loop3A_583 : i32 to vector<16xi32>
        %parallel_loop3A_585 = arith.constant 2 : i32
        %parallel_loop3A_586 = arith.index_cast %parallel_loop3A_585 : i32 to index
        %parallel_loop3A_587 = arith.index_cast %parallel_loop3A_583 : i32 to index
        %parallel_loop3A_588 = arith.constant 0 : index
        %parallel_loop3A_589 = tpu.vector_load %arg6[%parallel_loop3A_586, %parallel_loop3A_587, %parallel_loop3A_588] {strides = array<i32>} : memref<5x128x32xf32, #tpu.memory_space<vmem>>, vector<16xf32>,
        %parallel_loop3A_590 = arith.constant 2 : i32
        %parallel_loop3A_591 = arith.index_cast %parallel_loop3A_590 : i32 to index
        %parallel_loop3A_592 = arith.index_cast %parallel_loop3A_583 : i32 to index
        %parallel_loop3A_593 = arith.constant 16 : index
        %parallel_loop3A_594 = tpu.vector_load %arg6[%parallel_loop3A_591, %parallel_loop3A_592, %parallel_loop3A_593] {strides = array<i32>} : memref<5x128x32xf32, #tpu.memory_space<vmem>>, vector<16xf32>,
        %parallel_loop3A_595 = arith.mulf %parallel_loop3A_544, %parallel_loop3A_544 : vector<16xf32>
        %parallel_loop3A_596 = arith.addf %parallel_loop3A_595, %parallel_loop3A_544 : vector<16xf32>
        %parallel_loop3A_597 = arith.mulf %parallel_loop3A_549, %parallel_loop3A_549 : vector<16xf32>
        %parallel_loop3A_598 = arith.addf %parallel_loop3A_597, %parallel_loop3A_549 : vector<16xf32>
        %parallel_loop3A_599 = arith.mulf %parallel_loop3A_559, %parallel_loop3A_559 : vector<16xf32>
        %parallel_loop3A_600 = arith.addf %parallel_loop3A_599, %parallel_loop3A_559 : vector<16xf32>
        %parallel_loop3A_601 = arith.mulf %parallel_loop3A_564, %parallel_loop3A_564 : vector<16xf32>
        %parallel_loop3A_602 = arith.addf %parallel_loop3A_601, %parallel_loop3A_564 : vector<16xf32>
        %parallel_loop3A_603 = arith.mulf %parallel_loop3A_574, %parallel_loop3A_574 : vector<16xf32>
        %parallel_loop3A_604 = arith.addf %parallel_loop3A_603, %parallel_loop3A_574 : vector<16xf32>
        %parallel_loop3A_605 = arith.mulf %parallel_loop3A_579, %parallel_loop3A_579 : vector<16xf32>
        %parallel_loop3A_606 = arith.addf %parallel_loop3A_605, %parallel_loop3A_579 : vector<16xf32>
        %parallel_loop3A_607 = arith.mulf %parallel_loop3A_589, %parallel_loop3A_589 : vector<16xf32>
        %parallel_loop3A_608 = arith.addf %parallel_loop3A_607, %parallel_loop3A_589 : vector<16xf32>
        %parallel_loop3A_609 = arith.mulf %parallel_loop3A_594, %parallel_loop3A_594 : vector<16xf32>
        %parallel_loop3A_610 = arith.addf %parallel_loop3A_609, %parallel_loop3A_594 : vector<16xf32>
        %parallel_loop3A_611 = arith.mulf %parallel_loop3A_596, %parallel_loop3A_596 : vector<16xf32>
        %parallel_loop3A_612 = arith.addf %parallel_loop3A_611, %parallel_loop3A_544 : vector<16xf32>
        %parallel_loop3A_613 = arith.mulf %parallel_loop3A_598, %parallel_loop3A_598 : vector<16xf32>
        %parallel_loop3A_614 = arith.addf %parallel_loop3A_613, %parallel_loop3A_549 : vector<16xf32>
        %parallel_loop3A_615 = arith.mulf %parallel_loop3A_600, %parallel_loop3A_600 : vector<16xf32>
        %parallel_loop3A_616 = arith.addf %parallel_loop3A_615, %parallel_loop3A_559 : vector<16xf32>
        %parallel_loop3A_617 = arith.mulf %parallel_loop3A_602, %parallel_loop3A_602 : vector<16xf32>
        %parallel_loop3A_618 = arith.addf %parallel_loop3A_617, %parallel_loop3A_564 : vector<16xf32>
        %parallel_loop3A_619 = arith.mulf %parallel_loop3A_604, %parallel_loop3A_604 : vector<16xf32>
        %parallel_loop3A_620 = arith.addf %parallel_loop3A_619, %parallel_loop3A_574 : vector<16xf32>
        %parallel_loop3A_621 = arith.mulf %parallel_loop3A_606, %parallel_loop3A_606 : vector<16xf32>
        %parallel_loop3A_622 = arith.addf %parallel_loop3A_621, %parallel_loop3A_579 : vector<16xf32>
        %parallel_loop3A_623 = arith.mulf %parallel_loop3A_608, %parallel_loop3A_608 : vector<16xf32>
        %parallel_loop3A_624 = arith.addf %parallel_loop3A_623, %parallel_loop3A_589 : vector<16xf32>
        %parallel_loop3A_625 = arith.mulf %parallel_loop3A_610, %parallel_loop3A_610 : vector<16xf32>
        %parallel_loop3A_626 = arith.addf %parallel_loop3A_625, %parallel_loop3A_594 : vector<16xf32>
        %parallel_loop3A_627 = arith.mulf %parallel_loop3A_612, %parallel_loop3A_612 : vector<16xf32>
        %parallel_loop3A_628 = arith.addf %parallel_loop3A_627, %parallel_loop3A_544 : vector<16xf32>
        %parallel_loop3A_629 = arith.mulf %parallel_loop3A_614, %parallel_loop3A_614 : vector<16xf32>
        %parallel_loop3A_630 = arith.addf %parallel_loop3A_629, %parallel_loop3A_549 : vector<16xf32>
        %parallel_loop3A_631 = arith.mulf %parallel_loop3A_616, %parallel_loop3A_616 : vector<16xf32>
        %parallel_loop3A_632 = arith.addf %parallel_loop3A_631, %parallel_loop3A_559 : vector<16xf32>
        %parallel_loop3A_633 = arith.mulf %parallel_loop3A_618, %parallel_loop3A_618 : vector<16xf32>
        %parallel_loop3A_634 = arith.addf %parallel_loop3A_633, %parallel_loop3A_564 : vector<16xf32>
        %parallel_loop3A_635 = arith.mulf %parallel_loop3A_620, %parallel_loop3A_620 : vector<16xf32>
        %parallel_loop3A_636 = arith.addf %parallel_loop3A_635, %parallel_loop3A_574 : vector<16xf32>
        %parallel_loop3A_637 = arith.mulf %parallel_loop3A_622, %parallel_loop3A_622 : vector<16xf32>
        %parallel_loop3A_638 = arith.addf %parallel_loop3A_637, %parallel_loop3A_579 : vector<16xf32>
        %parallel_loop3A_639 = arith.mulf %parallel_loop3A_624, %parallel_loop3A_624 : vector<16xf32>
        %parallel_loop3A_640 = arith.addf %parallel_loop3A_639, %parallel_loop3A_589 : vector<16xf32>
        %parallel_loop3A_641 = arith.mulf %parallel_loop3A_626, %parallel_loop3A_626 : vector<16xf32>
        %parallel_loop3A_642 = arith.addf %parallel_loop3A_641, %parallel_loop3A_594 : vector<16xf32>
        %parallel_loop3A_643 = arith.mulf %parallel_loop3A_628, %parallel_loop3A_628 : vector<16xf32>
        %parallel_loop3A_644 = arith.addf %parallel_loop3A_643, %parallel_loop3A_544 : vector<16xf32>
        %parallel_loop3A_645 = arith.mulf %parallel_loop3A_630, %parallel_loop3A_630 : vector<16xf32>
        %parallel_loop3A_646 = arith.addf %parallel_loop3A_645, %parallel_loop3A_549 : vector<16xf32>
        %parallel_loop3A_647 = arith.mulf %parallel_loop3A_632, %parallel_loop3A_632 : vector<16xf32>
        %parallel_loop3A_648 = arith.addf %parallel_loop3A_647, %parallel_loop3A_559 : vector<16xf32>
        %parallel_loop3A_649 = arith.mulf %parallel_loop3A_634, %parallel_loop3A_634 : vector<16xf32>
        %parallel_loop3A_650 = arith.addf %parallel_loop3A_649, %parallel_loop3A_564 : vector<16xf32>
        %parallel_loop3A_651 = arith.mulf %parallel_loop3A_636, %parallel_loop3A_636 : vector<16xf32>
        %parallel_loop3A_652 = arith.addf %parallel_loop3A_651, %parallel_loop3A_574 : vector<16xf32>
        %parallel_loop3A_653 = arith.mulf %parallel_loop3A_638, %parallel_loop3A_638 : vector<16xf32>
        %parallel_loop3A_654 = arith.addf %parallel_loop3A_653, %parallel_loop3A_579 : vector<16xf32>
        %parallel_loop3A_655 = arith.mulf %parallel_loop3A_640, %parallel_loop3A_640 : vector<16xf32>
        %parallel_loop3A_656 = arith.addf %parallel_loop3A_655, %parallel_loop3A_589 : vector<16xf32>
        %parallel_loop3A_657 = arith.mulf %parallel_loop3A_642, %parallel_loop3A_642 : vector<16xf32>
        %parallel_loop3A_658 = arith.addf %parallel_loop3A_657, %parallel_loop3A_594 : vector<16xf32>
        %parallel_loop3A_659 = arith.mulf %parallel_loop3A_644, %parallel_loop3A_644 : vector<16xf32>
        %parallel_loop3A_660 = arith.addf %parallel_loop3A_659, %parallel_loop3A_544 : vector<16xf32>
        %parallel_loop3A_661 = arith.mulf %parallel_loop3A_646, %parallel_loop3A_646 : vector<16xf32>
        %parallel_loop3A_662 = arith.addf %parallel_loop3A_661, %parallel_loop3A_549 : vector<16xf32>
        %parallel_loop3A_663 = arith.mulf %parallel_loop3A_648, %parallel_loop3A_648 : vector<16xf32>
        %parallel_loop3A_664 = arith.addf %parallel_loop3A_663, %parallel_loop3A_559 : vector<16xf32>
        %parallel_loop3A_665 = arith.mulf %parallel_loop3A_650, %parallel_loop3A_650 : vector<16xf32>
        %parallel_loop3A_666 = arith.addf %parallel_loop3A_665, %parallel_loop3A_564 : vector<16xf32>
        %parallel_loop3A_667 = arith.mulf %parallel_loop3A_652, %parallel_loop3A_652 : vector<16xf32>
        %parallel_loop3A_668 = arith.addf %parallel_loop3A_667, %parallel_loop3A_574 : vector<16xf32>
        %parallel_loop3A_669 = arith.mulf %parallel_loop3A_654, %parallel_loop3A_654 : vector<16xf32>
        %parallel_loop3A_670 = arith.addf %parallel_loop3A_669, %parallel_loop3A_579 : vector<16xf32>
        %parallel_loop3A_671 = arith.mulf %parallel_loop3A_656, %parallel_loop3A_656 : vector<16xf32>
        %parallel_loop3A_672 = arith.addf %parallel_loop3A_671, %parallel_loop3A_589 : vector<16xf32>
        %parallel_loop3A_673 = arith.mulf %parallel_loop3A_658, %parallel_loop3A_658 : vector<16xf32>
        %parallel_loop3A_674 = arith.addf %parallel_loop3A_673, %parallel_loop3A_594 : vector<16xf32>
        %parallel_loop3A_675 = arith.mulf %parallel_loop3A_660, %parallel_loop3A_660 : vector<16xf32>
        %parallel_loop3A_676 = arith.addf %parallel_loop3A_675, %parallel_loop3A_544 : vector<16xf32>
        %parallel_loop3A_677 = arith.mulf %parallel_loop3A_662, %parallel_loop3A_662 : vector<16xf32>
        %parallel_loop3A_678 = arith.addf %parallel_loop3A_677, %parallel_loop3A_549 : vector<16xf32>
        %parallel_loop3A_679 = arith.mulf %parallel_loop3A_664, %parallel_loop3A_664 : vector<16xf32>
        %parallel_loop3A_680 = arith.addf %parallel_loop3A_679, %parallel_loop3A_559 : vector<16xf32>
        %parallel_loop3A_681 = arith.mulf %parallel_loop3A_666, %parallel_loop3A_666 : vector<16xf32>
        %parallel_loop3A_682 = arith.addf %parallel_loop3A_681, %parallel_loop3A_564 : vector<16xf32>
        %parallel_loop3A_683 = arith.mulf %parallel_loop3A_668, %parallel_loop3A_668 : vector<16xf32>
        %parallel_loop3A_684 = arith.addf %parallel_loop3A_683, %parallel_loop3A_574 : vector<16xf32>
        %parallel_loop3A_685 = arith.mulf %parallel_loop3A_670, %parallel_loop3A_670 : vector<16xf32>
        %parallel_loop3A_686 = arith.addf %parallel_loop3A_685, %parallel_loop3A_579 : vector<16xf32>
        %parallel_loop3A_687 = arith.mulf %parallel_loop3A_672, %parallel_loop3A_672 : vector<16xf32>
        %parallel_loop3A_688 = arith.addf %parallel_loop3A_687, %parallel_loop3A_589 : vector<16xf32>
        %parallel_loop3A_689 = arith.mulf %parallel_loop3A_674, %parallel_loop3A_674 : vector<16xf32>
        %parallel_loop3A_690 = arith.addf %parallel_loop3A_689, %parallel_loop3A_594 : vector<16xf32>
        %parallel_loop3A_691 = arith.mulf %parallel_loop3A_676, %parallel_loop3A_676 : vector<16xf32>
        %parallel_loop3A_692 = arith.addf %parallel_loop3A_691, %parallel_loop3A_544 : vector<16xf32>
        %parallel_loop3A_693 = arith.mulf %parallel_loop3A_678, %parallel_loop3A_678 : vector<16xf32>
        %parallel_loop3A_694 = arith.addf %parallel_loop3A_693, %parallel_loop3A_549 : vector<16xf32>
        %parallel_loop3A_695 = arith.mulf %parallel_loop3A_680, %parallel_loop3A_680 : vector<16xf32>
        %parallel_loop3A_696 = arith.addf %parallel_loop3A_695, %parallel_loop3A_559 : vector<16xf32>
        %parallel_loop3A_697 = arith.mulf %parallel_loop3A_682, %parallel_loop3A_682 : vector<16xf32>
        %parallel_loop3A_698 = arith.addf %parallel_loop3A_697, %parallel_loop3A_564 : vector<16xf32>
        %parallel_loop3A_699 = arith.mulf %parallel_loop3A_684, %parallel_loop3A_684 : vector<16xf32>
        %parallel_loop3A_700 = arith.addf %parallel_loop3A_699, %parallel_loop3A_574 : vector<16xf32>
        %parallel_loop3A_701 = arith.mulf %parallel_loop3A_686, %parallel_loop3A_686 : vector<16xf32>
        %parallel_loop3A_702 = arith.addf %parallel_loop3A_701, %parallel_loop3A_579 : vector<16xf32>
        %parallel_loop3A_703 = arith.mulf %parallel_loop3A_688, %parallel_loop3A_688 : vector<16xf32>
        %parallel_loop3A_704 = arith.addf %parallel_loop3A_703, %parallel_loop3A_589 : vector<16xf32>
        %parallel_loop3A_705 = arith.mulf %parallel_loop3A_690, %parallel_loop3A_690 : vector<16xf32>
        %parallel_loop3A_706 = arith.addf %parallel_loop3A_705, %parallel_loop3A_594 : vector<16xf32>
        %parallel_loop3A_707 = arith.mulf %parallel_loop3A_692, %parallel_loop3A_692 : vector<16xf32>
        %parallel_loop3A_708 = arith.addf %parallel_loop3A_707, %parallel_loop3A_544 : vector<16xf32>
        %parallel_loop3A_709 = arith.mulf %parallel_loop3A_694, %parallel_loop3A_694 : vector<16xf32>
        %parallel_loop3A_710 = arith.addf %parallel_loop3A_709, %parallel_loop3A_549 : vector<16xf32>
        %parallel_loop3A_711 = arith.mulf %parallel_loop3A_696, %parallel_loop3A_696 : vector<16xf32>
        %parallel_loop3A_712 = arith.addf %parallel_loop3A_711, %parallel_loop3A_559 : vector<16xf32>
        %parallel_loop3A_713 = arith.mulf %parallel_loop3A_698, %parallel_loop3A_698 : vector<16xf32>
        %parallel_loop3A_714 = arith.addf %parallel_loop3A_713, %parallel_loop3A_564 : vector<16xf32>
        %parallel_loop3A_715 = arith.mulf %parallel_loop3A_700, %parallel_loop3A_700 : vector<16xf32>
        %parallel_loop3A_716 = arith.addf %parallel_loop3A_715, %parallel_loop3A_574 : vector<16xf32>
        %parallel_loop3A_717 = arith.mulf %parallel_loop3A_702, %parallel_loop3A_702 : vector<16xf32>
        %parallel_loop3A_718 = arith.addf %parallel_loop3A_717, %parallel_loop3A_579 : vector<16xf32>
        %parallel_loop3A_719 = arith.mulf %parallel_loop3A_704, %parallel_loop3A_704 : vector<16xf32>
        %parallel_loop3A_720 = arith.addf %parallel_loop3A_719, %parallel_loop3A_589 : vector<16xf32>
        %parallel_loop3A_721 = arith.mulf %parallel_loop3A_706, %parallel_loop3A_706 : vector<16xf32>
        %parallel_loop3A_722 = arith.addf %parallel_loop3A_721, %parallel_loop3A_594 : vector<16xf32>
        %parallel_loop3A_723 = arith.mulf %parallel_loop3A_708, %parallel_loop3A_708 : vector<16xf32>
        %parallel_loop3A_724 = arith.addf %parallel_loop3A_723, %parallel_loop3A_544 : vector<16xf32>
        %parallel_loop3A_725 = arith.mulf %parallel_loop3A_710, %parallel_loop3A_710 : vector<16xf32>
        %parallel_loop3A_726 = arith.addf %parallel_loop3A_725, %parallel_loop3A_549 : vector<16xf32>
        %parallel_loop3A_727 = arith.mulf %parallel_loop3A_712, %parallel_loop3A_712 : vector<16xf32>
        %parallel_loop3A_728 = arith.addf %parallel_loop3A_727, %parallel_loop3A_559 : vector<16xf32>
        %parallel_loop3A_729 = arith.mulf %parallel_loop3A_714, %parallel_loop3A_714 : vector<16xf32>
        %parallel_loop3A_730 = arith.addf %parallel_loop3A_729, %parallel_loop3A_564 : vector<16xf32>
        %parallel_loop3A_731 = arith.mulf %parallel_loop3A_716, %parallel_loop3A_716 : vector<16xf32>
        %parallel_loop3A_732 = arith.addf %parallel_loop3A_731, %parallel_loop3A_574 : vector<16xf32>
        %parallel_loop3A_733 = arith.mulf %parallel_loop3A_718, %parallel_loop3A_718 : vector<16xf32>
        %parallel_loop3A_734 = arith.addf %parallel_loop3A_733, %parallel_loop3A_579 : vector<16xf32>
        %parallel_loop3A_735 = arith.mulf %parallel_loop3A_720, %parallel_loop3A_720 : vector<16xf32>
        %parallel_loop3A_736 = arith.addf %parallel_loop3A_735, %parallel_loop3A_589 : vector<16xf32>
        %parallel_loop3A_737 = arith.mulf %parallel_loop3A_722, %parallel_loop3A_722 : vector<16xf32>
        %parallel_loop3A_738 = arith.addf %parallel_loop3A_737, %parallel_loop3A_594 : vector<16xf32>
        %parallel_loop3A_739 = arith.constant 2 : i32
        %parallel_loop3A_740 = arith.constant 0 : i32
        %parallel_loop3A_741 = arith.constant 0 : i32
        %parallel_loop3A_742 = arith.constant 0 : i32
        %parallel_loop3A_743 = tpu.memref_slice %arg7[%parallel_loop3A_739, %parallel_loop3A_740, %parallel_loop3A_741, %parallel_loop3A_742] : memref<5x4x8x129xf32, #tpu.memory_space<vmem>> -> memref<1x4x8x129xf32, #tpu.memory_space<vmem>>
        %parallel_loop3A_744 = tpu.memref_squeeze %parallel_loop3A_743 : memref<1x4x8x129xf32, #tpu.memory_space<vmem>> -> memref<4x8x129xf32, #tpu.memory_space<vmem>>
        tpu.vector_store_idx %parallel_loop3A_744[%select_n3A, %select_n3A_46, %parallel_loop3A_539], %parallel_loop3A_724 : memref<4x8x129xf32, #tpu.memory_space<vmem>>[vector<16xi32>, vector<16xi32>, vector<16xi32>], vector<16xf32>,
        %parallel_loop3A_745 = arith.constant 2 : i32
        %parallel_loop3A_746 = arith.constant 0 : i32
        %parallel_loop3A_747 = arith.constant 0 : i32
        %parallel_loop3A_748 = arith.constant 0 : i32
        %parallel_loop3A_749 = tpu.memref_slice %arg7[%parallel_loop3A_745, %parallel_loop3A_746, %parallel_loop3A_747, %parallel_loop3A_748] : memref<5x4x8x129xf32, #tpu.memory_space<vmem>> -> memref<1x4x8x129xf32, #tpu.memory_space<vmem>>
        %parallel_loop3A_750 = tpu.memref_squeeze %parallel_loop3A_749 : memref<1x4x8x129xf32, #tpu.memory_space<vmem>> -> memref<4x8x129xf32, #tpu.memory_space<vmem>>
        tpu.vector_store_idx %parallel_loop3A_750[%select_n3A_81, %select_n3A_103, %parallel_loop3A_539], %parallel_loop3A_726 : memref<4x8x129xf32, #tpu.memory_space<vmem>>[vector<16xi32>, vector<16xi32>, vector<16xi32>], vector<16xf32>,
        %parallel_loop3A_751 = arith.constant 2 : i32
        %parallel_loop3A_752 = arith.constant 0 : i32
        %parallel_loop3A_753 = arith.constant 0 : i32
        %parallel_loop3A_754 = arith.constant 0 : i32
        %parallel_loop3A_755 = tpu.memref_slice %arg7[%parallel_loop3A_751, %parallel_loop3A_752, %parallel_loop3A_753, %parallel_loop3A_754] : memref<5x4x8x129xf32, #tpu.memory_space<vmem>> -> memref<1x4x8x129xf32, #tpu.memory_space<vmem>>
        %parallel_loop3A_756 = tpu.memref_squeeze %parallel_loop3A_755 : memref<1x4x8x129xf32, #tpu.memory_space<vmem>> -> memref<4x8x129xf32, #tpu.memory_space<vmem>>
        tpu.vector_store_idx %parallel_loop3A_756[%select_n3A, %select_n3A_46, %parallel_loop3A_554], %parallel_loop3A_728 : memref<4x8x129xf32, #tpu.memory_space<vmem>>[vector<16xi32>, vector<16xi32>, vector<16xi32>], vector<16xf32>,
        %parallel_loop3A_757 = arith.constant 2 : i32
        %parallel_loop3A_758 = arith.constant 0 : i32
        %parallel_loop3A_759 = arith.constant 0 : i32
        %parallel_loop3A_760 = arith.constant 0 : i32
        %parallel_loop3A_761 = tpu.memref_slice %arg7[%parallel_loop3A_757, %parallel_loop3A_758, %parallel_loop3A_759, %parallel_loop3A_760] : memref<5x4x8x129xf32, #tpu.memory_space<vmem>> -> memref<1x4x8x129xf32, #tpu.memory_space<vmem>>
        %parallel_loop3A_762 = tpu.memref_squeeze %parallel_loop3A_761 : memref<1x4x8x129xf32, #tpu.memory_space<vmem>> -> memref<4x8x129xf32, #tpu.memory_space<vmem>>
        tpu.vector_store_idx %parallel_loop3A_762[%select_n3A_81, %select_n3A_103, %parallel_loop3A_554], %parallel_loop3A_730 : memref<4x8x129xf32, #tpu.memory_space<vmem>>[vector<16xi32>, vector<16xi32>, vector<16xi32>], vector<16xf32>,
        %parallel_loop3A_763 = arith.constant 2 : i32
        %parallel_loop3A_764 = arith.constant 0 : i32
        %parallel_loop3A_765 = arith.constant 0 : i32
        %parallel_loop3A_766 = arith.constant 0 : i32
        %parallel_loop3A_767 = tpu.memref_slice %arg7[%parallel_loop3A_763, %parallel_loop3A_764, %parallel_loop3A_765, %parallel_loop3A_766] : memref<5x4x8x129xf32, #tpu.memory_space<vmem>> -> memref<1x4x8x129xf32, #tpu.memory_space<vmem>>
        %parallel_loop3A_768 = tpu.memref_squeeze %parallel_loop3A_767 : memref<1x4x8x129xf32, #tpu.memory_space<vmem>> -> memref<4x8x129xf32, #tpu.memory_space<vmem>>
        tpu.vector_store_idx %parallel_loop3A_768[%select_n3A, %select_n3A_46, %parallel_loop3A_569], %parallel_loop3A_732 : memref<4x8x129xf32, #tpu.memory_space<vmem>>[vector<16xi32>, vector<16xi32>, vector<16xi32>], vector<16xf32>,
        %parallel_loop3A_769 = arith.constant 2 : i32
        %parallel_loop3A_770 = arith.constant 0 : i32
        %parallel_loop3A_771 = arith.constant 0 : i32
        %parallel_loop3A_772 = arith.constant 0 : i32
        %parallel_loop3A_773 = tpu.memref_slice %arg7[%parallel_loop3A_769, %parallel_loop3A_770, %parallel_loop3A_771, %parallel_loop3A_772] : memref<5x4x8x129xf32, #tpu.memory_space<vmem>> -> memref<1x4x8x129xf32, #tpu.memory_space<vmem>>
        %parallel_loop3A_774 = tpu.memref_squeeze %parallel_loop3A_773 : memref<1x4x8x129xf32, #tpu.memory_space<vmem>> -> memref<4x8x129xf32, #tpu.memory_space<vmem>>
        tpu.vector_store_idx %parallel_loop3A_774[%select_n3A_81, %select_n3A_103, %parallel_loop3A_569], %parallel_loop3A_734 : memref<4x8x129xf32, #tpu.memory_space<vmem>>[vector<16xi32>, vector<16xi32>, vector<16xi32>], vector<16xf32>,
        %parallel_loop3A_775 = arith.constant 2 : i32
        %parallel_loop3A_776 = arith.constant 0 : i32
        %parallel_loop3A_777 = arith.constant 0 : i32
        %parallel_loop3A_778 = arith.constant 0 : i32
        %parallel_loop3A_779 = tpu.memref_slice %arg7[%parallel_loop3A_775, %parallel_loop3A_776, %parallel_loop3A_777, %parallel_loop3A_778] : memref<5x4x8x129xf32, #tpu.memory_space<vmem>> -> memref<1x4x8x129xf32, #tpu.memory_space<vmem>>
        %parallel_loop3A_780 = tpu.memref_squeeze %parallel_loop3A_779 : memref<1x4x8x129xf32, #tpu.memory_space<vmem>> -> memref<4x8x129xf32, #tpu.memory_space<vmem>>
        tpu.vector_store_idx %parallel_loop3A_780[%select_n3A, %select_n3A_46, %parallel_loop3A_584], %parallel_loop3A_736 : memref<4x8x129xf32, #tpu.memory_space<vmem>>[vector<16xi32>, vector<16xi32>, vector<16xi32>], vector<16xf32>,
        %parallel_loop3A_781 = arith.constant 2 : i32
        %parallel_loop3A_782 = arith.constant 0 : i32
        %parallel_loop3A_783 = arith.constant 0 : i32
        %parallel_loop3A_784 = arith.constant 0 : i32
        %parallel_loop3A_785 = tpu.memref_slice %arg7[%parallel_loop3A_781, %parallel_loop3A_782, %parallel_loop3A_783, %parallel_loop3A_784] : memref<5x4x8x129xf32, #tpu.memory_space<vmem>> -> memref<1x4x8x129xf32, #tpu.memory_space<vmem>>
        %parallel_loop3A_786 = tpu.memref_squeeze %parallel_loop3A_785 : memref<1x4x8x129xf32, #tpu.memory_space<vmem>> -> memref<4x8x129xf32, #tpu.memory_space<vmem>>
        tpu.vector_store_idx %parallel_loop3A_786[%select_n3A_81, %select_n3A_103, %parallel_loop3A_584], %parallel_loop3A_738 : memref<4x8x129xf32, #tpu.memory_space<vmem>>[vector<16xi32>, vector<16xi32>, vector<16xi32>], vector<16xf32>,
      } {sc.loop_unroll_factor = 1 : i64, sc.parallel_access}
      %add3A_404 = arith.constant 5 : i32
      %add3A_405 = arith.addi %add3A_384, %add3A_404 : i32
      %lt3A_406 = arith.constant 50 : i32
      %lt3A_407 = arith.cmpi slt, %add3A_405, %lt3A_406 : i32
      %convert_element_type3A_408 = arith.extui %lt3A_407 : i1 to i32
      %cond3A_409 = arith.constant 0 : i32
      %cond3A_410 = arith.cmpi ne, %convert_element_type3A_408, %cond3A_409 : i32
      scf.if %cond3A_410 {
        %add3A_534 = arith.constant 5 : i32
        %add3A_535 = arith.addi %add3A_384, %add3A_534 : i32
        %dma_start3A_536 = arith.constant 2 : i32
        %dma_start3A_537 = arith.constant 0 : i32
        %dma_start3A_538 = arith.constant 0 : i32
        %dma_start3A_539 = tpu.memref_slice %arg6[%dma_start3A_536, %dma_start3A_537, %dma_start3A_538] : memref<5x128x32xf32, #tpu.memory_space<vmem>> -> memref<1x128x32xf32, #tpu.memory_space<vmem>>
        %dma_start3A_540 = tpu.memref_squeeze %dma_start3A_539 : memref<1x128x32xf32, #tpu.memory_space<vmem>> -> memref<128x32xf32, #tpu.memory_space<vmem>>
        %dma_start3A_541 = arith.constant 0 : i32
        %dma_start3A_542 = tpu.memref_slice %arg5[%add3A_535, %dma_start3A_541] : memref<50x128xi32, #tpu.memory_space<vmem>> -> memref<1x128xi32, #tpu.memory_space<vmem>>
        %dma_start3A_543 = tpu.memref_squeeze %dma_start3A_542 : memref<1x128xi32, #tpu.memory_space<vmem>> -> memref<128xi32, #tpu.memory_space<vmem>>
        %dma_start3A_544 = arith.constant 0 : i32
        %dma_start3A_545 = arith.constant 0 : i32
        %dma_start3A_546 = tpu.memref_slice %arg3[%dma_start3A_544, %dma_start3A_545] : memref<1000000x32xf32, #tpu.memory_space<hbm>> -> memref<1000000x32xf32, #tpu.memory_space<hbm>>
        tpu.enqueue_indirect_dma source(%dma_start3A_546 : memref<1000000x32xf32, #tpu.memory_space<hbm>>) target(%dma_start3A_540 : memref<128x32xf32, #tpu.memory_space<vmem>>) offsets(%dma_start3A_543 : memref<128xi32, #tpu.memory_space<vmem>>) semaphore(%arg10 : memref<!tpu.dma_semaphore, #tpu.memory_space<semaphore_mem>>)
      } else {
      }
      %dma_start3A_411 = arith.constant 2 : i32
      %dma_start3A_412 = arith.constant 0 : i32
      %dma_start3A_413 = arith.constant 0 : i32
      %dma_start3A_414 = arith.constant 0 : i32
      %dma_start3A_415 = tpu.memref_slice %arg7[%dma_start3A_411, %dma_start3A_412, %dma_start3A_413, %dma_start3A_414] : memref<5x4x8x129xf32, #tpu.memory_space<vmem>> -> memref<1x4x8x128xf32, #tpu.memory_space<vmem>>
      %dma_start3A_416 = tpu.memref_squeeze %dma_start3A_415 : memref<1x4x8x128xf32, #tpu.memory_space<vmem>> -> memref<4x8x128xf32, #tpu.memory_space<vmem>>
      %dma_start3A_417 = arith.constant 0 : i32
      %dma_start3A_418 = arith.constant 0 : i32
      %dma_start3A_419 = arith.constant 0 : i32
      %dma_start3A_420 = tpu.memref_slice %arg4[%add3A_384, %dma_start3A_417, %add3A, %dma_start3A_418, %dma_start3A_419] : memref<50x4x32x8x128xf32, #tpu.memory_space<hbm>> -> memref<1x4x1x8x128xf32, #tpu.memory_space<hbm>>
      %dma_start3A_421 = tpu.memref_squeeze %dma_start3A_420 : memref<1x4x1x8x128xf32, #tpu.memory_space<hbm>> -> memref<4x8x128xf32, #tpu.memory_space<hbm>>
      %dma_start3A_422 = arith.constant 0 : i32
      %dma_start3A_423 = arith.constant 0 : i32
      %dma_start3A_424 = arith.constant 0 : i32
      %dma_start3A_425 = tpu.memref_slice %arg4[%add3A_384, %dma_start3A_422, %add3A, %dma_start3A_423, %dma_start3A_424] : memref<50x4x32x8x128xf32, #tpu.memory_space<hbm>> -> memref<1x4x1x8x128xf32, #tpu.memory_space<hbm>>
      %dma_start3A_426 = tpu.memref_squeeze %dma_start3A_425 : memref<1x4x1x8x128xf32, #tpu.memory_space<hbm>> -> memref<4x8x128xf32, #tpu.memory_space<hbm>>
      %dma_start3A_427 = arith.constant 0 : i32
      %dma_start3A_428 = arith.constant 0 : i32
      %dma_start3A_429 = arith.constant 0 : i32
      %dma_start3A_430 = tpu.memref_slice %arg7[%dma_start3A_411, %dma_start3A_427, %dma_start3A_428, %dma_start3A_429] : memref<5x4x8x129xf32, #tpu.memory_space<vmem>> -> memref<1x4x8x128xf32, #tpu.memory_space<vmem>>
      %dma_start3A_431 = tpu.memref_squeeze %dma_start3A_430 : memref<1x4x8x128xf32, #tpu.memory_space<vmem>> -> memref<4x8x128xf32, #tpu.memory_space<vmem>>
      tpu.enqueue_dma source(%dma_start3A_431 : memref<4x8x128xf32, #tpu.memory_space<vmem>>) target(%dma_start3A_426 : memref<4x8x128xf32, #tpu.memory_space<hbm>>) target_semaphore(%arg15 : memref<!tpu.dma_semaphore, #tpu.memory_space<semaphore_mem>>)
      %mul3A_432 = arith.constant 5 : i32
      %mul3A_433 = arith.muli %scan3A_282, %mul3A_432 : i32
      %add3A_434 = arith.constant 3 : i32
      %add3A_435 = arith.addi %mul3A_433, %add3A_434 : i32
      %dma_wait3A_436 = arith.constant 3 : i32
      %dma_wait3A_437 = arith.constant 0 : i32
      %dma_wait3A_438 = arith.constant 0 : i32
      %dma_wait3A_439 = tpu.memref_slice %arg6[%dma_wait3A_436, %dma_wait3A_437, %dma_wait3A_438] : memref<5x128x32xf32, #tpu.memory_space<vmem>> -> memref<1x128x32xf32, #tpu.memory_space<vmem>>
      %dma_wait3A_440 = tpu.memref_squeeze %dma_wait3A_439 : memref<1x128x32xf32, #tpu.memory_space<vmem>> -> memref<128x32xf32, #tpu.memory_space<vmem>>
      %dma_wait3A_441 = arith.constant 0 : i32
      %dma_wait3A_442 = tpu.memref_slice %arg5[%add3A_435, %dma_wait3A_441] : memref<50x128xi32, #tpu.memory_space<vmem>> -> memref<1x128xi32, #tpu.memory_space<vmem>>
      %dma_wait3A_443 = tpu.memref_squeeze %dma_wait3A_442 : memref<1x128xi32, #tpu.memory_space<vmem>> -> memref<128xi32, #tpu.memory_space<vmem>>
      %dma_wait3A_444 = arith.constant 0 : i32
      %dma_wait3A_445 = arith.constant 0 : i32
      %dma_wait3A_446 = tpu.memref_slice %arg3[%dma_wait3A_444, %dma_wait3A_445] : memref<1000000x32xf32, #tpu.memory_space<hbm>> -> memref<1000000x32xf32, #tpu.memory_space<hbm>>
      tpu.wait_indirect_dma semaphore(%arg11 : memref<!tpu.dma_semaphore, #tpu.memory_space<semaphore_mem>>) src(%dma_wait3A_446 : memref<1000000x32xf32, #tpu.memory_space<hbm>>) dst(%dma_wait3A_440 : memref<128x32xf32, #tpu.memory_space<vmem>>)
      %gt3A_447 = arith.constant 0 : i32
      %gt3A_448 = arith.cmpi sgt, %scan3A_282, %gt3A_447 : i32
      %convert_element_type3A_449 = arith.extui %gt3A_448 : i1 to i32
      %cond3A_450 = arith.constant 0 : i32
      %cond3A_451 = arith.cmpi ne, %convert_element_type3A_449, %cond3A_450 : i32
      scf.if %cond3A_451 {
        %dma_wait3A_534 = arith.constant 3 : i32
        %dma_wait3A_535 = arith.constant 0 : i32
        %dma_wait3A_536 = arith.constant 0 : i32
        %dma_wait3A_537 = arith.constant 0 : i32
        %dma_wait3A_538 = arith.constant 0 : i32
        %dma_wait3A_539 = arith.constant 0 : i32
        %dma_wait3A_540 = tpu.memref_slice %arg7[%dma_wait3A_534, %dma_wait3A_537, %dma_wait3A_538, %dma_wait3A_539] : memref<5x4x8x129xf32, #tpu.memory_space<vmem>> -> memref<1x4x8x128xf32, #tpu.memory_space<vmem>>
        %dma_wait3A_541 = tpu.memref_squeeze %dma_wait3A_540 : memref<1x4x8x128xf32, #tpu.memory_space<vmem>> -> memref<4x8x128xf32, #tpu.memory_space<vmem>>
        %dma_wait3A_542 = arith.constant 0 : i32
        %dma_wait3A_543 = arith.constant 0 : i32
        %dma_wait3A_544 = arith.constant 0 : i32
        %dma_wait3A_545 = tpu.memref_slice %arg4[%dma_wait3A_535, %dma_wait3A_542, %dma_wait3A_536, %dma_wait3A_543, %dma_wait3A_544] : memref<50x4x32x8x128xf32, #tpu.memory_space<hbm>> -> memref<1x4x1x8x128xf32, #tpu.memory_space<hbm>>
        %dma_wait3A_546 = tpu.memref_squeeze %dma_wait3A_545 : memref<1x4x1x8x128xf32, #tpu.memory_space<hbm>> -> memref<4x8x128xf32, #tpu.memory_space<hbm>>
        %dma_wait3A_547 = arith.constant 0 : i32
        %dma_wait3A_548 = arith.constant 0 : i32
        %dma_wait3A_549 = arith.constant 0 : i32
        %dma_wait3A_550 = tpu.memref_slice %arg4[%dma_wait3A_535, %dma_wait3A_547, %dma_wait3A_536, %dma_wait3A_548, %dma_wait3A_549] : memref<50x4x32x8x128xf32, #tpu.memory_space<hbm>> -> memref<1x4x1x8x128xf32, #tpu.memory_space<hbm>>
        %dma_wait3A_551 = tpu.memref_squeeze %dma_wait3A_550 : memref<1x4x1x8x128xf32, #tpu.memory_space<hbm>> -> memref<4x8x128xf32, #tpu.memory_space<hbm>>
        %dma_wait3A_552 = arith.constant 0 : i32
        %dma_wait3A_553 = arith.constant 0 : i32
        %dma_wait3A_554 = arith.constant 0 : i32
        %dma_wait3A_555 = tpu.memref_slice %arg7[%dma_wait3A_534, %dma_wait3A_552, %dma_wait3A_553, %dma_wait3A_554] : memref<5x4x8x129xf32, #tpu.memory_space<vmem>> -> memref<1x4x8x128xf32, #tpu.memory_space<vmem>>
        %dma_wait3A_556 = tpu.memref_squeeze %dma_wait3A_555 : memref<1x4x8x128xf32, #tpu.memory_space<vmem>> -> memref<4x8x128xf32, #tpu.memory_space<vmem>>
        tpu.wait_dma2 semaphore(%arg16 : memref<!tpu.dma_semaphore, #tpu.memory_space<semaphore_mem>>) src(%dma_wait3A_556 : memref<4x8x128xf32, #tpu.memory_space<vmem>>) dst(%dma_wait3A_551 : memref<4x8x128xf32, #tpu.memory_space<hbm>>)
      } else {
      }
      %parallel_loop3A_452 = arith.constant 0 : i32
      %parallel_loop3A_453 = arith.constant 32 : i32
      %parallel_loop3A_454 = arith.constant 1 : i32
      scf.for %parallel_loop3A_534 = %parallel_loop3A_452 to %parallel_loop3A_453 step %parallel_loop3A_454  : i32 {
        %parallel_loop3A_535 = arith.constant 4 : i32
        %parallel_loop3A_536 = arith.muli %parallel_loop3A_534, %parallel_loop3A_535 : i32
        %parallel_loop3A_537 = arith.constant 0 : i32
        %parallel_loop3A_538 = arith.addi %parallel_loop3A_536, %parallel_loop3A_537 : i32
        %parallel_loop3A_539 = vector.broadcast %parallel_loop3A_538 : i32 to vector<16xi32>
        %parallel_loop3A_540 = arith.constant 3 : i32
        %parallel_loop3A_541 = arith.index_cast %parallel_loop3A_540 : i32 to index
        %parallel_loop3A_542 = arith.index_cast %parallel_loop3A_538 : i32 to index
        %parallel_loop3A_543 = arith.constant 0 : index
        %parallel_loop3A_544 = tpu.vector_load %arg6[%parallel_loop3A_541, %parallel_loop3A_542, %parallel_loop3A_543] {strides = array<i32>} : memref<5x128x32xf32, #tpu.memory_space<vmem>>, vector<16xf32>,
        %parallel_loop3A_545 = arith.constant 3 : i32
        %parallel_loop3A_546 = arith.index_cast %parallel_loop3A_545 : i32 to index
        %parallel_loop3A_547 = arith.index_cast %parallel_loop3A_538 : i32 to index
        %parallel_loop3A_548 = arith.constant 16 : index
        %parallel_loop3A_549 = tpu.vector_load %arg6[%parallel_loop3A_546, %parallel_loop3A_547, %parallel_loop3A_548] {strides = array<i32>} : memref<5x128x32xf32, #tpu.memory_space<vmem>>, vector<16xf32>,
        %parallel_loop3A_550 = arith.constant 4 : i32
        %parallel_loop3A_551 = arith.muli %parallel_loop3A_534, %parallel_loop3A_550 : i32
        %parallel_loop3A_552 = arith.constant 1 : i32
        %parallel_loop3A_553 = arith.addi %parallel_loop3A_551, %parallel_loop3A_552 : i32
        %parallel_loop3A_554 = vector.broadcast %parallel_loop3A_553 : i32 to vector<16xi32>
        %parallel_loop3A_555 = arith.constant 3 : i32
        %parallel_loop3A_556 = arith.index_cast %parallel_loop3A_555 : i32 to index
        %parallel_loop3A_557 = arith.index_cast %parallel_loop3A_553 : i32 to index
        %parallel_loop3A_558 = arith.constant 0 : index
        %parallel_loop3A_559 = tpu.vector_load %arg6[%parallel_loop3A_556, %parallel_loop3A_557, %parallel_loop3A_558] {strides = array<i32>} : memref<5x128x32xf32, #tpu.memory_space<vmem>>, vector<16xf32>,
        %parallel_loop3A_560 = arith.constant 3 : i32
        %parallel_loop3A_561 = arith.index_cast %parallel_loop3A_560 : i32 to index
        %parallel_loop3A_562 = arith.index_cast %parallel_loop3A_553 : i32 to index
        %parallel_loop3A_563 = arith.constant 16 : index
        %parallel_loop3A_564 = tpu.vector_load %arg6[%parallel_loop3A_561, %parallel_loop3A_562, %parallel_loop3A_563] {strides = array<i32>} : memref<5x128x32xf32, #tpu.memory_space<vmem>>, vector<16xf32>,
        %parallel_loop3A_565 = arith.constant 4 : i32
        %parallel_loop3A_566 = arith.muli %parallel_loop3A_534, %parallel_loop3A_565 : i32
        %parallel_loop3A_567 = arith.constant 2 : i32
        %parallel_loop3A_568 = arith.addi %parallel_loop3A_566, %parallel_loop3A_567 : i32
        %parallel_loop3A_569 = vector.broadcast %parallel_loop3A_568 : i32 to vector<16xi32>
        %parallel_loop3A_570 = arith.constant 3 : i32
        %parallel_loop3A_571 = arith.index_cast %parallel_loop3A_570 : i32 to index
        %parallel_loop3A_572 = arith.index_cast %parallel_loop3A_568 : i32 to index
        %parallel_loop3A_573 = arith.constant 0 : index
        %parallel_loop3A_574 = tpu.vector_load %arg6[%parallel_loop3A_571, %parallel_loop3A_572, %parallel_loop3A_573] {strides = array<i32>} : memref<5x128x32xf32, #tpu.memory_space<vmem>>, vector<16xf32>,
        %parallel_loop3A_575 = arith.constant 3 : i32
        %parallel_loop3A_576 = arith.index_cast %parallel_loop3A_575 : i32 to index
        %parallel_loop3A_577 = arith.index_cast %parallel_loop3A_568 : i32 to index
        %parallel_loop3A_578 = arith.constant 16 : index
        %parallel_loop3A_579 = tpu.vector_load %arg6[%parallel_loop3A_576, %parallel_loop3A_577, %parallel_loop3A_578] {strides = array<i32>} : memref<5x128x32xf32, #tpu.memory_space<vmem>>, vector<16xf32>,
        %parallel_loop3A_580 = arith.constant 4 : i32
        %parallel_loop3A_581 = arith.muli %parallel_loop3A_534, %parallel_loop3A_580 : i32
        %parallel_loop3A_582 = arith.constant 3 : i32
        %parallel_loop3A_583 = arith.addi %parallel_loop3A_581, %parallel_loop3A_582 : i32
        %parallel_loop3A_584 = vector.broadcast %parallel_loop3A_583 : i32 to vector<16xi32>
        %parallel_loop3A_585 = arith.constant 3 : i32
        %parallel_loop3A_586 = arith.index_cast %parallel_loop3A_585 : i32 to index
        %parallel_loop3A_587 = arith.index_cast %parallel_loop3A_583 : i32 to index
        %parallel_loop3A_588 = arith.constant 0 : index
        %parallel_loop3A_589 = tpu.vector_load %arg6[%parallel_loop3A_586, %parallel_loop3A_587, %parallel_loop3A_588] {strides = array<i32>} : memref<5x128x32xf32, #tpu.memory_space<vmem>>, vector<16xf32>,
        %parallel_loop3A_590 = arith.constant 3 : i32
        %parallel_loop3A_591 = arith.index_cast %parallel_loop3A_590 : i32 to index
        %parallel_loop3A_592 = arith.index_cast %parallel_loop3A_583 : i32 to index
        %parallel_loop3A_593 = arith.constant 16 : index
        %parallel_loop3A_594 = tpu.vector_load %arg6[%parallel_loop3A_591, %parallel_loop3A_592, %parallel_loop3A_593] {strides = array<i32>} : memref<5x128x32xf32, #tpu.memory_space<vmem>>, vector<16xf32>,
        %parallel_loop3A_595 = arith.mulf %parallel_loop3A_544, %parallel_loop3A_544 : vector<16xf32>
        %parallel_loop3A_596 = arith.addf %parallel_loop3A_595, %parallel_loop3A_544 : vector<16xf32>
        %parallel_loop3A_597 = arith.mulf %parallel_loop3A_549, %parallel_loop3A_549 : vector<16xf32>
        %parallel_loop3A_598 = arith.addf %parallel_loop3A_597, %parallel_loop3A_549 : vector<16xf32>
        %parallel_loop3A_599 = arith.mulf %parallel_loop3A_559, %parallel_loop3A_559 : vector<16xf32>
        %parallel_loop3A_600 = arith.addf %parallel_loop3A_599, %parallel_loop3A_559 : vector<16xf32>
        %parallel_loop3A_601 = arith.mulf %parallel_loop3A_564, %parallel_loop3A_564 : vector<16xf32>
        %parallel_loop3A_602 = arith.addf %parallel_loop3A_601, %parallel_loop3A_564 : vector<16xf32>
        %parallel_loop3A_603 = arith.mulf %parallel_loop3A_574, %parallel_loop3A_574 : vector<16xf32>
        %parallel_loop3A_604 = arith.addf %parallel_loop3A_603, %parallel_loop3A_574 : vector<16xf32>
        %parallel_loop3A_605 = arith.mulf %parallel_loop3A_579, %parallel_loop3A_579 : vector<16xf32>
        %parallel_loop3A_606 = arith.addf %parallel_loop3A_605, %parallel_loop3A_579 : vector<16xf32>
        %parallel_loop3A_607 = arith.mulf %parallel_loop3A_589, %parallel_loop3A_589 : vector<16xf32>
        %parallel_loop3A_608 = arith.addf %parallel_loop3A_607, %parallel_loop3A_589 : vector<16xf32>
        %parallel_loop3A_609 = arith.mulf %parallel_loop3A_594, %parallel_loop3A_594 : vector<16xf32>
        %parallel_loop3A_610 = arith.addf %parallel_loop3A_609, %parallel_loop3A_594 : vector<16xf32>
        %parallel_loop3A_611 = arith.mulf %parallel_loop3A_596, %parallel_loop3A_596 : vector<16xf32>
        %parallel_loop3A_612 = arith.addf %parallel_loop3A_611, %parallel_loop3A_544 : vector<16xf32>
        %parallel_loop3A_613 = arith.mulf %parallel_loop3A_598, %parallel_loop3A_598 : vector<16xf32>
        %parallel_loop3A_614 = arith.addf %parallel_loop3A_613, %parallel_loop3A_549 : vector<16xf32>
        %parallel_loop3A_615 = arith.mulf %parallel_loop3A_600, %parallel_loop3A_600 : vector<16xf32>
        %parallel_loop3A_616 = arith.addf %parallel_loop3A_615, %parallel_loop3A_559 : vector<16xf32>
        %parallel_loop3A_617 = arith.mulf %parallel_loop3A_602, %parallel_loop3A_602 : vector<16xf32>
        %parallel_loop3A_618 = arith.addf %parallel_loop3A_617, %parallel_loop3A_564 : vector<16xf32>
        %parallel_loop3A_619 = arith.mulf %parallel_loop3A_604, %parallel_loop3A_604 : vector<16xf32>
        %parallel_loop3A_620 = arith.addf %parallel_loop3A_619, %parallel_loop3A_574 : vector<16xf32>
        %parallel_loop3A_621 = arith.mulf %parallel_loop3A_606, %parallel_loop3A_606 : vector<16xf32>
        %parallel_loop3A_622 = arith.addf %parallel_loop3A_621, %parallel_loop3A_579 : vector<16xf32>
        %parallel_loop3A_623 = arith.mulf %parallel_loop3A_608, %parallel_loop3A_608 : vector<16xf32>
        %parallel_loop3A_624 = arith.addf %parallel_loop3A_623, %parallel_loop3A_589 : vector<16xf32>
        %parallel_loop3A_625 = arith.mulf %parallel_loop3A_610, %parallel_loop3A_610 : vector<16xf32>
        %parallel_loop3A_626 = arith.addf %parallel_loop3A_625, %parallel_loop3A_594 : vector<16xf32>
        %parallel_loop3A_627 = arith.mulf %parallel_loop3A_612, %parallel_loop3A_612 : vector<16xf32>
        %parallel_loop3A_628 = arith.addf %parallel_loop3A_627, %parallel_loop3A_544 : vector<16xf32>
        %parallel_loop3A_629 = arith.mulf %parallel_loop3A_614, %parallel_loop3A_614 : vector<16xf32>
        %parallel_loop3A_630 = arith.addf %parallel_loop3A_629, %parallel_loop3A_549 : vector<16xf32>
        %parallel_loop3A_631 = arith.mulf %parallel_loop3A_616, %parallel_loop3A_616 : vector<16xf32>
        %parallel_loop3A_632 = arith.addf %parallel_loop3A_631, %parallel_loop3A_559 : vector<16xf32>
        %parallel_loop3A_633 = arith.mulf %parallel_loop3A_618, %parallel_loop3A_618 : vector<16xf32>
        %parallel_loop3A_634 = arith.addf %parallel_loop3A_633, %parallel_loop3A_564 : vector<16xf32>
        %parallel_loop3A_635 = arith.mulf %parallel_loop3A_620, %parallel_loop3A_620 : vector<16xf32>
        %parallel_loop3A_636 = arith.addf %parallel_loop3A_635, %parallel_loop3A_574 : vector<16xf32>
        %parallel_loop3A_637 = arith.mulf %parallel_loop3A_622, %parallel_loop3A_622 : vector<16xf32>
        %parallel_loop3A_638 = arith.addf %parallel_loop3A_637, %parallel_loop3A_579 : vector<16xf32>
        %parallel_loop3A_639 = arith.mulf %parallel_loop3A_624, %parallel_loop3A_624 : vector<16xf32>
        %parallel_loop3A_640 = arith.addf %parallel_loop3A_639, %parallel_loop3A_589 : vector<16xf32>
        %parallel_loop3A_641 = arith.mulf %parallel_loop3A_626, %parallel_loop3A_626 : vector<16xf32>
        %parallel_loop3A_642 = arith.addf %parallel_loop3A_641, %parallel_loop3A_594 : vector<16xf32>
        %parallel_loop3A_643 = arith.mulf %parallel_loop3A_628, %parallel_loop3A_628 : vector<16xf32>
        %parallel_loop3A_644 = arith.addf %parallel_loop3A_643, %parallel_loop3A_544 : vector<16xf32>
        %parallel_loop3A_645 = arith.mulf %parallel_loop3A_630, %parallel_loop3A_630 : vector<16xf32>
        %parallel_loop3A_646 = arith.addf %parallel_loop3A_645, %parallel_loop3A_549 : vector<16xf32>
        %parallel_loop3A_647 = arith.mulf %parallel_loop3A_632, %parallel_loop3A_632 : vector<16xf32>
        %parallel_loop3A_648 = arith.addf %parallel_loop3A_647, %parallel_loop3A_559 : vector<16xf32>
        %parallel_loop3A_649 = arith.mulf %parallel_loop3A_634, %parallel_loop3A_634 : vector<16xf32>
        %parallel_loop3A_650 = arith.addf %parallel_loop3A_649, %parallel_loop3A_564 : vector<16xf32>
        %parallel_loop3A_651 = arith.mulf %parallel_loop3A_636, %parallel_loop3A_636 : vector<16xf32>
        %parallel_loop3A_652 = arith.addf %parallel_loop3A_651, %parallel_loop3A_574 : vector<16xf32>
        %parallel_loop3A_653 = arith.mulf %parallel_loop3A_638, %parallel_loop3A_638 : vector<16xf32>
        %parallel_loop3A_654 = arith.addf %parallel_loop3A_653, %parallel_loop3A_579 : vector<16xf32>
        %parallel_loop3A_655 = arith.mulf %parallel_loop3A_640, %parallel_loop3A_640 : vector<16xf32>
        %parallel_loop3A_656 = arith.addf %parallel_loop3A_655, %parallel_loop3A_589 : vector<16xf32>
        %parallel_loop3A_657 = arith.mulf %parallel_loop3A_642, %parallel_loop3A_642 : vector<16xf32>
        %parallel_loop3A_658 = arith.addf %parallel_loop3A_657, %parallel_loop3A_594 : vector<16xf32>
        %parallel_loop3A_659 = arith.mulf %parallel_loop3A_644, %parallel_loop3A_644 : vector<16xf32>
        %parallel_loop3A_660 = arith.addf %parallel_loop3A_659, %parallel_loop3A_544 : vector<16xf32>
        %parallel_loop3A_661 = arith.mulf %parallel_loop3A_646, %parallel_loop3A_646 : vector<16xf32>
        %parallel_loop3A_662 = arith.addf %parallel_loop3A_661, %parallel_loop3A_549 : vector<16xf32>
        %parallel_loop3A_663 = arith.mulf %parallel_loop3A_648, %parallel_loop3A_648 : vector<16xf32>
        %parallel_loop3A_664 = arith.addf %parallel_loop3A_663, %parallel_loop3A_559 : vector<16xf32>
        %parallel_loop3A_665 = arith.mulf %parallel_loop3A_650, %parallel_loop3A_650 : vector<16xf32>
        %parallel_loop3A_666 = arith.addf %parallel_loop3A_665, %parallel_loop3A_564 : vector<16xf32>
        %parallel_loop3A_667 = arith.mulf %parallel_loop3A_652, %parallel_loop3A_652 : vector<16xf32>
        %parallel_loop3A_668 = arith.addf %parallel_loop3A_667, %parallel_loop3A_574 : vector<16xf32>
        %parallel_loop3A_669 = arith.mulf %parallel_loop3A_654, %parallel_loop3A_654 : vector<16xf32>
        %parallel_loop3A_670 = arith.addf %parallel_loop3A_669, %parallel_loop3A_579 : vector<16xf32>
        %parallel_loop3A_671 = arith.mulf %parallel_loop3A_656, %parallel_loop3A_656 : vector<16xf32>
        %parallel_loop3A_672 = arith.addf %parallel_loop3A_671, %parallel_loop3A_589 : vector<16xf32>
        %parallel_loop3A_673 = arith.mulf %parallel_loop3A_658, %parallel_loop3A_658 : vector<16xf32>
        %parallel_loop3A_674 = arith.addf %parallel_loop3A_673, %parallel_loop3A_594 : vector<16xf32>
        %parallel_loop3A_675 = arith.mulf %parallel_loop3A_660, %parallel_loop3A_660 : vector<16xf32>
        %parallel_loop3A_676 = arith.addf %parallel_loop3A_675, %parallel_loop3A_544 : vector<16xf32>
        %parallel_loop3A_677 = arith.mulf %parallel_loop3A_662, %parallel_loop3A_662 : vector<16xf32>
        %parallel_loop3A_678 = arith.addf %parallel_loop3A_677, %parallel_loop3A_549 : vector<16xf32>
        %parallel_loop3A_679 = arith.mulf %parallel_loop3A_664, %parallel_loop3A_664 : vector<16xf32>
        %parallel_loop3A_680 = arith.addf %parallel_loop3A_679, %parallel_loop3A_559 : vector<16xf32>
        %parallel_loop3A_681 = arith.mulf %parallel_loop3A_666, %parallel_loop3A_666 : vector<16xf32>
        %parallel_loop3A_682 = arith.addf %parallel_loop3A_681, %parallel_loop3A_564 : vector<16xf32>
        %parallel_loop3A_683 = arith.mulf %parallel_loop3A_668, %parallel_loop3A_668 : vector<16xf32>
        %parallel_loop3A_684 = arith.addf %parallel_loop3A_683, %parallel_loop3A_574 : vector<16xf32>
        %parallel_loop3A_685 = arith.mulf %parallel_loop3A_670, %parallel_loop3A_670 : vector<16xf32>
        %parallel_loop3A_686 = arith.addf %parallel_loop3A_685, %parallel_loop3A_579 : vector<16xf32>
        %parallel_loop3A_687 = arith.mulf %parallel_loop3A_672, %parallel_loop3A_672 : vector<16xf32>
        %parallel_loop3A_688 = arith.addf %parallel_loop3A_687, %parallel_loop3A_589 : vector<16xf32>
        %parallel_loop3A_689 = arith.mulf %parallel_loop3A_674, %parallel_loop3A_674 : vector<16xf32>
        %parallel_loop3A_690 = arith.addf %parallel_loop3A_689, %parallel_loop3A_594 : vector<16xf32>
        %parallel_loop3A_691 = arith.mulf %parallel_loop3A_676, %parallel_loop3A_676 : vector<16xf32>
        %parallel_loop3A_692 = arith.addf %parallel_loop3A_691, %parallel_loop3A_544 : vector<16xf32>
        %parallel_loop3A_693 = arith.mulf %parallel_loop3A_678, %parallel_loop3A_678 : vector<16xf32>
        %parallel_loop3A_694 = arith.addf %parallel_loop3A_693, %parallel_loop3A_549 : vector<16xf32>
        %parallel_loop3A_695 = arith.mulf %parallel_loop3A_680, %parallel_loop3A_680 : vector<16xf32>
        %parallel_loop3A_696 = arith.addf %parallel_loop3A_695, %parallel_loop3A_559 : vector<16xf32>
        %parallel_loop3A_697 = arith.mulf %parallel_loop3A_682, %parallel_loop3A_682 : vector<16xf32>
        %parallel_loop3A_698 = arith.addf %parallel_loop3A_697, %parallel_loop3A_564 : vector<16xf32>
        %parallel_loop3A_699 = arith.mulf %parallel_loop3A_684, %parallel_loop3A_684 : vector<16xf32>
        %parallel_loop3A_700 = arith.addf %parallel_loop3A_699, %parallel_loop3A_574 : vector<16xf32>
        %parallel_loop3A_701 = arith.mulf %parallel_loop3A_686, %parallel_loop3A_686 : vector<16xf32>
        %parallel_loop3A_702 = arith.addf %parallel_loop3A_701, %parallel_loop3A_579 : vector<16xf32>
        %parallel_loop3A_703 = arith.mulf %parallel_loop3A_688, %parallel_loop3A_688 : vector<16xf32>
        %parallel_loop3A_704 = arith.addf %parallel_loop3A_703, %parallel_loop3A_589 : vector<16xf32>
        %parallel_loop3A_705 = arith.mulf %parallel_loop3A_690, %parallel_loop3A_690 : vector<16xf32>
        %parallel_loop3A_706 = arith.addf %parallel_loop3A_705, %parallel_loop3A_594 : vector<16xf32>
        %parallel_loop3A_707 = arith.mulf %parallel_loop3A_692, %parallel_loop3A_692 : vector<16xf32>
        %parallel_loop3A_708 = arith.addf %parallel_loop3A_707, %parallel_loop3A_544 : vector<16xf32>
        %parallel_loop3A_709 = arith.mulf %parallel_loop3A_694, %parallel_loop3A_694 : vector<16xf32>
        %parallel_loop3A_710 = arith.addf %parallel_loop3A_709, %parallel_loop3A_549 : vector<16xf32>
        %parallel_loop3A_711 = arith.mulf %parallel_loop3A_696, %parallel_loop3A_696 : vector<16xf32>
        %parallel_loop3A_712 = arith.addf %parallel_loop3A_711, %parallel_loop3A_559 : vector<16xf32>
        %parallel_loop3A_713 = arith.mulf %parallel_loop3A_698, %parallel_loop3A_698 : vector<16xf32>
        %parallel_loop3A_714 = arith.addf %parallel_loop3A_713, %parallel_loop3A_564 : vector<16xf32>
        %parallel_loop3A_715 = arith.mulf %parallel_loop3A_700, %parallel_loop3A_700 : vector<16xf32>
        %parallel_loop3A_716 = arith.addf %parallel_loop3A_715, %parallel_loop3A_574 : vector<16xf32>
        %parallel_loop3A_717 = arith.mulf %parallel_loop3A_702, %parallel_loop3A_702 : vector<16xf32>
        %parallel_loop3A_718 = arith.addf %parallel_loop3A_717, %parallel_loop3A_579 : vector<16xf32>
        %parallel_loop3A_719 = arith.mulf %parallel_loop3A_704, %parallel_loop3A_704 : vector<16xf32>
        %parallel_loop3A_720 = arith.addf %parallel_loop3A_719, %parallel_loop3A_589 : vector<16xf32>
        %parallel_loop3A_721 = arith.mulf %parallel_loop3A_706, %parallel_loop3A_706 : vector<16xf32>
        %parallel_loop3A_722 = arith.addf %parallel_loop3A_721, %parallel_loop3A_594 : vector<16xf32>
        %parallel_loop3A_723 = arith.mulf %parallel_loop3A_708, %parallel_loop3A_708 : vector<16xf32>
        %parallel_loop3A_724 = arith.addf %parallel_loop3A_723, %parallel_loop3A_544 : vector<16xf32>
        %parallel_loop3A_725 = arith.mulf %parallel_loop3A_710, %parallel_loop3A_710 : vector<16xf32>
        %parallel_loop3A_726 = arith.addf %parallel_loop3A_725, %parallel_loop3A_549 : vector<16xf32>
        %parallel_loop3A_727 = arith.mulf %parallel_loop3A_712, %parallel_loop3A_712 : vector<16xf32>
        %parallel_loop3A_728 = arith.addf %parallel_loop3A_727, %parallel_loop3A_559 : vector<16xf32>
        %parallel_loop3A_729 = arith.mulf %parallel_loop3A_714, %parallel_loop3A_714 : vector<16xf32>
        %parallel_loop3A_730 = arith.addf %parallel_loop3A_729, %parallel_loop3A_564 : vector<16xf32>
        %parallel_loop3A_731 = arith.mulf %parallel_loop3A_716, %parallel_loop3A_716 : vector<16xf32>
        %parallel_loop3A_732 = arith.addf %parallel_loop3A_731, %parallel_loop3A_574 : vector<16xf32>
        %parallel_loop3A_733 = arith.mulf %parallel_loop3A_718, %parallel_loop3A_718 : vector<16xf32>
        %parallel_loop3A_734 = arith.addf %parallel_loop3A_733, %parallel_loop3A_579 : vector<16xf32>
        %parallel_loop3A_735 = arith.mulf %parallel_loop3A_720, %parallel_loop3A_720 : vector<16xf32>
        %parallel_loop3A_736 = arith.addf %parallel_loop3A_735, %parallel_loop3A_589 : vector<16xf32>
        %parallel_loop3A_737 = arith.mulf %parallel_loop3A_722, %parallel_loop3A_722 : vector<16xf32>
        %parallel_loop3A_738 = arith.addf %parallel_loop3A_737, %parallel_loop3A_594 : vector<16xf32>
        %parallel_loop3A_739 = arith.constant 3 : i32
        %parallel_loop3A_740 = arith.constant 0 : i32
        %parallel_loop3A_741 = arith.constant 0 : i32
        %parallel_loop3A_742 = arith.constant 0 : i32
        %parallel_loop3A_743 = tpu.memref_slice %arg7[%parallel_loop3A_739, %parallel_loop3A_740, %parallel_loop3A_741, %parallel_loop3A_742] : memref<5x4x8x129xf32, #tpu.memory_space<vmem>> -> memref<1x4x8x129xf32, #tpu.memory_space<vmem>>
        %parallel_loop3A_744 = tpu.memref_squeeze %parallel_loop3A_743 : memref<1x4x8x129xf32, #tpu.memory_space<vmem>> -> memref<4x8x129xf32, #tpu.memory_space<vmem>>
        tpu.vector_store_idx %parallel_loop3A_744[%select_n3A, %select_n3A_46, %parallel_loop3A_539], %parallel_loop3A_724 : memref<4x8x129xf32, #tpu.memory_space<vmem>>[vector<16xi32>, vector<16xi32>, vector<16xi32>], vector<16xf32>,
        %parallel_loop3A_745 = arith.constant 3 : i32
        %parallel_loop3A_746 = arith.constant 0 : i32
        %parallel_loop3A_747 = arith.constant 0 : i32
        %parallel_loop3A_748 = arith.constant 0 : i32
        %parallel_loop3A_749 = tpu.memref_slice %arg7[%parallel_loop3A_745, %parallel_loop3A_746, %parallel_loop3A_747, %parallel_loop3A_748] : memref<5x4x8x129xf32, #tpu.memory_space<vmem>> -> memref<1x4x8x129xf32, #tpu.memory_space<vmem>>
        %parallel_loop3A_750 = tpu.memref_squeeze %parallel_loop3A_749 : memref<1x4x8x129xf32, #tpu.memory_space<vmem>> -> memref<4x8x129xf32, #tpu.memory_space<vmem>>
        tpu.vector_store_idx %parallel_loop3A_750[%select_n3A_81, %select_n3A_103, %parallel_loop3A_539], %parallel_loop3A_726 : memref<4x8x129xf32, #tpu.memory_space<vmem>>[vector<16xi32>, vector<16xi32>, vector<16xi32>], vector<16xf32>,
        %parallel_loop3A_751 = arith.constant 3 : i32
        %parallel_loop3A_752 = arith.constant 0 : i32
        %parallel_loop3A_753 = arith.constant 0 : i32
        %parallel_loop3A_754 = arith.constant 0 : i32
        %parallel_loop3A_755 = tpu.memref_slice %arg7[%parallel_loop3A_751, %parallel_loop3A_752, %parallel_loop3A_753, %parallel_loop3A_754] : memref<5x4x8x129xf32, #tpu.memory_space<vmem>> -> memref<1x4x8x129xf32, #tpu.memory_space<vmem>>
        %parallel_loop3A_756 = tpu.memref_squeeze %parallel_loop3A_755 : memref<1x4x8x129xf32, #tpu.memory_space<vmem>> -> memref<4x8x129xf32, #tpu.memory_space<vmem>>
        tpu.vector_store_idx %parallel_loop3A_756[%select_n3A, %select_n3A_46, %parallel_loop3A_554], %parallel_loop3A_728 : memref<4x8x129xf32, #tpu.memory_space<vmem>>[vector<16xi32>, vector<16xi32>, vector<16xi32>], vector<16xf32>,
        %parallel_loop3A_757 = arith.constant 3 : i32
        %parallel_loop3A_758 = arith.constant 0 : i32
        %parallel_loop3A_759 = arith.constant 0 : i32
        %parallel_loop3A_760 = arith.constant 0 : i32
        %parallel_loop3A_761 = tpu.memref_slice %arg7[%parallel_loop3A_757, %parallel_loop3A_758, %parallel_loop3A_759, %parallel_loop3A_760] : memref<5x4x8x129xf32, #tpu.memory_space<vmem>> -> memref<1x4x8x129xf32, #tpu.memory_space<vmem>>
        %parallel_loop3A_762 = tpu.memref_squeeze %parallel_loop3A_761 : memref<1x4x8x129xf32, #tpu.memory_space<vmem>> -> memref<4x8x129xf32, #tpu.memory_space<vmem>>
        tpu.vector_store_idx %parallel_loop3A_762[%select_n3A_81, %select_n3A_103, %parallel_loop3A_554], %parallel_loop3A_730 : memref<4x8x129xf32, #tpu.memory_space<vmem>>[vector<16xi32>, vector<16xi32>, vector<16xi32>], vector<16xf32>,
        %parallel_loop3A_763 = arith.constant 3 : i32
        %parallel_loop3A_764 = arith.constant 0 : i32
        %parallel_loop3A_765 = arith.constant 0 : i32
        %parallel_loop3A_766 = arith.constant 0 : i32
        %parallel_loop3A_767 = tpu.memref_slice %arg7[%parallel_loop3A_763, %parallel_loop3A_764, %parallel_loop3A_765, %parallel_loop3A_766] : memref<5x4x8x129xf32, #tpu.memory_space<vmem>> -> memref<1x4x8x129xf32, #tpu.memory_space<vmem>>
        %parallel_loop3A_768 = tpu.memref_squeeze %parallel_loop3A_767 : memref<1x4x8x129xf32, #tpu.memory_space<vmem>> -> memref<4x8x129xf32, #tpu.memory_space<vmem>>
        tpu.vector_store_idx %parallel_loop3A_768[%select_n3A, %select_n3A_46, %parallel_loop3A_569], %parallel_loop3A_732 : memref<4x8x129xf32, #tpu.memory_space<vmem>>[vector<16xi32>, vector<16xi32>, vector<16xi32>], vector<16xf32>,
        %parallel_loop3A_769 = arith.constant 3 : i32
        %parallel_loop3A_770 = arith.constant 0 : i32
        %parallel_loop3A_771 = arith.constant 0 : i32
        %parallel_loop3A_772 = arith.constant 0 : i32
        %parallel_loop3A_773 = tpu.memref_slice %arg7[%parallel_loop3A_769, %parallel_loop3A_770, %parallel_loop3A_771, %parallel_loop3A_772] : memref<5x4x8x129xf32, #tpu.memory_space<vmem>> -> memref<1x4x8x129xf32, #tpu.memory_space<vmem>>
        %parallel_loop3A_774 = tpu.memref_squeeze %parallel_loop3A_773 : memref<1x4x8x129xf32, #tpu.memory_space<vmem>> -> memref<4x8x129xf32, #tpu.memory_space<vmem>>
        tpu.vector_store_idx %parallel_loop3A_774[%select_n3A_81, %select_n3A_103, %parallel_loop3A_569], %parallel_loop3A_734 : memref<4x8x129xf32, #tpu.memory_space<vmem>>[vector<16xi32>, vector<16xi32>, vector<16xi32>], vector<16xf32>,
        %parallel_loop3A_775 = arith.constant 3 : i32
        %parallel_loop3A_776 = arith.constant 0 : i32
        %parallel_loop3A_777 = arith.constant 0 : i32
        %parallel_loop3A_778 = arith.constant 0 : i32
        %parallel_loop3A_779 = tpu.memref_slice %arg7[%parallel_loop3A_775, %parallel_loop3A_776, %parallel_loop3A_777, %parallel_loop3A_778] : memref<5x4x8x129xf32, #tpu.memory_space<vmem>> -> memref<1x4x8x129xf32, #tpu.memory_space<vmem>>
        %parallel_loop3A_780 = tpu.memref_squeeze %parallel_loop3A_779 : memref<1x4x8x129xf32, #tpu.memory_space<vmem>> -> memref<4x8x129xf32, #tpu.memory_space<vmem>>
        tpu.vector_store_idx %parallel_loop3A_780[%select_n3A, %select_n3A_46, %parallel_loop3A_584], %parallel_loop3A_736 : memref<4x8x129xf32, #tpu.memory_space<vmem>>[vector<16xi32>, vector<16xi32>, vector<16xi32>], vector<16xf32>,
        %parallel_loop3A_781 = arith.constant 3 : i32
        %parallel_loop3A_782 = arith.constant 0 : i32
        %parallel_loop3A_783 = arith.constant 0 : i32
        %parallel_loop3A_784 = arith.constant 0 : i32
        %parallel_loop3A_785 = tpu.memref_slice %arg7[%parallel_loop3A_781, %parallel_loop3A_782, %parallel_loop3A_783, %parallel_loop3A_784] : memref<5x4x8x129xf32, #tpu.memory_space<vmem>> -> memref<1x4x8x129xf32, #tpu.memory_space<vmem>>
        %parallel_loop3A_786 = tpu.memref_squeeze %parallel_loop3A_785 : memref<1x4x8x129xf32, #tpu.memory_space<vmem>> -> memref<4x8x129xf32, #tpu.memory_space<vmem>>
        tpu.vector_store_idx %parallel_loop3A_786[%select_n3A_81, %select_n3A_103, %parallel_loop3A_584], %parallel_loop3A_738 : memref<4x8x129xf32, #tpu.memory_space<vmem>>[vector<16xi32>, vector<16xi32>, vector<16xi32>], vector<16xf32>,
      } {sc.loop_unroll_factor = 1 : i64, sc.parallel_access}
      %add3A_455 = arith.constant 5 : i32
      %add3A_456 = arith.addi %add3A_435, %add3A_455 : i32
      %lt3A_457 = arith.constant 50 : i32
      %lt3A_458 = arith.cmpi slt, %add3A_456, %lt3A_457 : i32
      %convert_element_type3A_459 = arith.extui %lt3A_458 : i1 to i32
      %cond3A_460 = arith.constant 0 : i32
      %cond3A_461 = arith.cmpi ne, %convert_element_type3A_459, %cond3A_460 : i32
      scf.if %cond3A_461 {
        %add3A_534 = arith.constant 5 : i32
        %add3A_535 = arith.addi %add3A_435, %add3A_534 : i32
        %dma_start3A_536 = arith.constant 3 : i32
        %dma_start3A_537 = arith.constant 0 : i32
        %dma_start3A_538 = arith.constant 0 : i32
        %dma_start3A_539 = tpu.memref_slice %arg6[%dma_start3A_536, %dma_start3A_537, %dma_start3A_538] : memref<5x128x32xf32, #tpu.memory_space<vmem>> -> memref<1x128x32xf32, #tpu.memory_space<vmem>>
        %dma_start3A_540 = tpu.memref_squeeze %dma_start3A_539 : memref<1x128x32xf32, #tpu.memory_space<vmem>> -> memref<128x32xf32, #tpu.memory_space<vmem>>
        %dma_start3A_541 = arith.constant 0 : i32
        %dma_start3A_542 = tpu.memref_slice %arg5[%add3A_535, %dma_start3A_541] : memref<50x128xi32, #tpu.memory_space<vmem>> -> memref<1x128xi32, #tpu.memory_space<vmem>>
        %dma_start3A_543 = tpu.memref_squeeze %dma_start3A_542 : memref<1x128xi32, #tpu.memory_space<vmem>> -> memref<128xi32, #tpu.memory_space<vmem>>
        %dma_start3A_544 = arith.constant 0 : i32
        %dma_start3A_545 = arith.constant 0 : i32
        %dma_start3A_546 = tpu.memref_slice %arg3[%dma_start3A_544, %dma_start3A_545] : memref<1000000x32xf32, #tpu.memory_space<hbm>> -> memref<1000000x32xf32, #tpu.memory_space<hbm>>
        tpu.enqueue_indirect_dma source(%dma_start3A_546 : memref<1000000x32xf32, #tpu.memory_space<hbm>>) target(%dma_start3A_540 : memref<128x32xf32, #tpu.memory_space<vmem>>) offsets(%dma_start3A_543 : memref<128xi32, #tpu.memory_space<vmem>>) semaphore(%arg11 : memref<!tpu.dma_semaphore, #tpu.memory_space<semaphore_mem>>)
      } else {
      }
      %dma_start3A_462 = arith.constant 3 : i32
      %dma_start3A_463 = arith.constant 0 : i32
      %dma_start3A_464 = arith.constant 0 : i32
      %dma_start3A_465 = arith.constant 0 : i32
      %dma_start3A_466 = tpu.memref_slice %arg7[%dma_start3A_462, %dma_start3A_463, %dma_start3A_464, %dma_start3A_465] : memref<5x4x8x129xf32, #tpu.memory_space<vmem>> -> memref<1x4x8x128xf32, #tpu.memory_space<vmem>>
      %dma_start3A_467 = tpu.memref_squeeze %dma_start3A_466 : memref<1x4x8x128xf32, #tpu.memory_space<vmem>> -> memref<4x8x128xf32, #tpu.memory_space<vmem>>
      %dma_start3A_468 = arith.constant 0 : i32
      %dma_start3A_469 = arith.constant 0 : i32
      %dma_start3A_470 = arith.constant 0 : i32
      %dma_start3A_471 = tpu.memref_slice %arg4[%add3A_435, %dma_start3A_468, %add3A, %dma_start3A_469, %dma_start3A_470] : memref<50x4x32x8x128xf32, #tpu.memory_space<hbm>> -> memref<1x4x1x8x128xf32, #tpu.memory_space<hbm>>
      %dma_start3A_472 = tpu.memref_squeeze %dma_start3A_471 : memref<1x4x1x8x128xf32, #tpu.memory_space<hbm>> -> memref<4x8x128xf32, #tpu.memory_space<hbm>>
      %dma_start3A_473 = arith.constant 0 : i32
      %dma_start3A_474 = arith.constant 0 : i32
      %dma_start3A_475 = arith.constant 0 : i32
      %dma_start3A_476 = tpu.memref_slice %arg4[%add3A_435, %dma_start3A_473, %add3A, %dma_start3A_474, %dma_start3A_475] : memref<50x4x32x8x128xf32, #tpu.memory_space<hbm>> -> memref<1x4x1x8x128xf32, #tpu.memory_space<hbm>>
      %dma_start3A_477 = tpu.memref_squeeze %dma_start3A_476 : memref<1x4x1x8x128xf32, #tpu.memory_space<hbm>> -> memref<4x8x128xf32, #tpu.memory_space<hbm>>
      %dma_start3A_478 = arith.constant 0 : i32
      %dma_start3A_479 = arith.constant 0 : i32
      %dma_start3A_480 = arith.constant 0 : i32
      %dma_start3A_481 = tpu.memref_slice %arg7[%dma_start3A_462, %dma_start3A_478, %dma_start3A_479, %dma_start3A_480] : memref<5x4x8x129xf32, #tpu.memory_space<vmem>> -> memref<1x4x8x128xf32, #tpu.memory_space<vmem>>
      %dma_start3A_482 = tpu.memref_squeeze %dma_start3A_481 : memref<1x4x8x128xf32, #tpu.memory_space<vmem>> -> memref<4x8x128xf32, #tpu.memory_space<vmem>>
      tpu.enqueue_dma source(%dma_start3A_482 : memref<4x8x128xf32, #tpu.memory_space<vmem>>) target(%dma_start3A_477 : memref<4x8x128xf32, #tpu.memory_space<hbm>>) target_semaphore(%arg16 : memref<!tpu.dma_semaphore, #tpu.memory_space<semaphore_mem>>)
      %mul3A_483 = arith.constant 5 : i32
      %mul3A_484 = arith.muli %scan3A_282, %mul3A_483 : i32
      %add3A_485 = arith.constant 4 : i32
      %add3A_486 = arith.addi %mul3A_484, %add3A_485 : i32
      %dma_wait3A_487 = arith.constant 4 : i32
      %dma_wait3A_488 = arith.constant 0 : i32
      %dma_wait3A_489 = arith.constant 0 : i32
      %dma_wait3A_490 = tpu.memref_slice %arg6[%dma_wait3A_487, %dma_wait3A_488, %dma_wait3A_489] : memref<5x128x32xf32, #tpu.memory_space<vmem>> -> memref<1x128x32xf32, #tpu.memory_space<vmem>>
      %dma_wait3A_491 = tpu.memref_squeeze %dma_wait3A_490 : memref<1x128x32xf32, #tpu.memory_space<vmem>> -> memref<128x32xf32, #tpu.memory_space<vmem>>
      %dma_wait3A_492 = arith.constant 0 : i32
      %dma_wait3A_493 = tpu.memref_slice %arg5[%add3A_486, %dma_wait3A_492] : memref<50x128xi32, #tpu.memory_space<vmem>> -> memref<1x128xi32, #tpu.memory_space<vmem>>
      %dma_wait3A_494 = tpu.memref_squeeze %dma_wait3A_493 : memref<1x128xi32, #tpu.memory_space<vmem>> -> memref<128xi32, #tpu.memory_space<vmem>>
      %dma_wait3A_495 = arith.constant 0 : i32
      %dma_wait3A_496 = arith.constant 0 : i32
      %dma_wait3A_497 = tpu.memref_slice %arg3[%dma_wait3A_495, %dma_wait3A_496] : memref<1000000x32xf32, #tpu.memory_space<hbm>> -> memref<1000000x32xf32, #tpu.memory_space<hbm>>
      tpu.wait_indirect_dma semaphore(%arg12 : memref<!tpu.dma_semaphore, #tpu.memory_space<semaphore_mem>>) src(%dma_wait3A_497 : memref<1000000x32xf32, #tpu.memory_space<hbm>>) dst(%dma_wait3A_491 : memref<128x32xf32, #tpu.memory_space<vmem>>)
      %gt3A_498 = arith.constant 0 : i32
      %gt3A_499 = arith.cmpi sgt, %scan3A_282, %gt3A_498 : i32
      %convert_element_type3A_500 = arith.extui %gt3A_499 : i1 to i32
      %cond3A_501 = arith.constant 0 : i32
      %cond3A_502 = arith.cmpi ne, %convert_element_type3A_500, %cond3A_501 : i32
      scf.if %cond3A_502 {
        %dma_wait3A_534 = arith.constant 4 : i32
        %dma_wait3A_535 = arith.constant 0 : i32
        %dma_wait3A_536 = arith.constant 0 : i32
        %dma_wait3A_537 = arith.constant 0 : i32
        %dma_wait3A_538 = arith.constant 0 : i32
        %dma_wait3A_539 = arith.constant 0 : i32
        %dma_wait3A_540 = tpu.memref_slice %arg7[%dma_wait3A_534, %dma_wait3A_537, %dma_wait3A_538, %dma_wait3A_539] : memref<5x4x8x129xf32, #tpu.memory_space<vmem>> -> memref<1x4x8x128xf32, #tpu.memory_space<vmem>>
        %dma_wait3A_541 = tpu.memref_squeeze %dma_wait3A_540 : memref<1x4x8x128xf32, #tpu.memory_space<vmem>> -> memref<4x8x128xf32, #tpu.memory_space<vmem>>
        %dma_wait3A_542 = arith.constant 0 : i32
        %dma_wait3A_543 = arith.constant 0 : i32
        %dma_wait3A_544 = arith.constant 0 : i32
        %dma_wait3A_545 = tpu.memref_slice %arg4[%dma_wait3A_535, %dma_wait3A_542, %dma_wait3A_536, %dma_wait3A_543, %dma_wait3A_544] : memref<50x4x32x8x128xf32, #tpu.memory_space<hbm>> -> memref<1x4x1x8x128xf32, #tpu.memory_space<hbm>>
        %dma_wait3A_546 = tpu.memref_squeeze %dma_wait3A_545 : memref<1x4x1x8x128xf32, #tpu.memory_space<hbm>> -> memref<4x8x128xf32, #tpu.memory_space<hbm>>
        %dma_wait3A_547 = arith.constant 0 : i32
        %dma_wait3A_548 = arith.constant 0 : i32
        %dma_wait3A_549 = arith.constant 0 : i32
        %dma_wait3A_550 = tpu.memref_slice %arg4[%dma_wait3A_535, %dma_wait3A_547, %dma_wait3A_536, %dma_wait3A_548, %dma_wait3A_549] : memref<50x4x32x8x128xf32, #tpu.memory_space<hbm>> -> memref<1x4x1x8x128xf32, #tpu.memory_space<hbm>>
        %dma_wait3A_551 = tpu.memref_squeeze %dma_wait3A_550 : memref<1x4x1x8x128xf32, #tpu.memory_space<hbm>> -> memref<4x8x128xf32, #tpu.memory_space<hbm>>
        %dma_wait3A_552 = arith.constant 0 : i32
        %dma_wait3A_553 = arith.constant 0 : i32
        %dma_wait3A_554 = arith.constant 0 : i32
        %dma_wait3A_555 = tpu.memref_slice %arg7[%dma_wait3A_534, %dma_wait3A_552, %dma_wait3A_553, %dma_wait3A_554] : memref<5x4x8x129xf32, #tpu.memory_space<vmem>> -> memref<1x4x8x128xf32, #tpu.memory_space<vmem>>
        %dma_wait3A_556 = tpu.memref_squeeze %dma_wait3A_555 : memref<1x4x8x128xf32, #tpu.memory_space<vmem>> -> memref<4x8x128xf32, #tpu.memory_space<vmem>>
        tpu.wait_dma2 semaphore(%arg17 : memref<!tpu.dma_semaphore, #tpu.memory_space<semaphore_mem>>) src(%dma_wait3A_556 : memref<4x8x128xf32, #tpu.memory_space<vmem>>) dst(%dma_wait3A_551 : memref<4x8x128xf32, #tpu.memory_space<hbm>>)
      } else {
      }
      %parallel_loop3A_503 = arith.constant 0 : i32
      %parallel_loop3A_504 = arith.constant 32 : i32
      %parallel_loop3A_505 = arith.constant 1 : i32
      scf.for %parallel_loop3A_534 = %parallel_loop3A_503 to %parallel_loop3A_504 step %parallel_loop3A_505  : i32 {
        %parallel_loop3A_535 = arith.constant 4 : i32
        %parallel_loop3A_536 = arith.muli %parallel_loop3A_534, %parallel_loop3A_535 : i32
        %parallel_loop3A_537 = arith.constant 0 : i32
        %parallel_loop3A_538 = arith.addi %parallel_loop3A_536, %parallel_loop3A_537 : i32
        %parallel_loop3A_539 = vector.broadcast %parallel_loop3A_538 : i32 to vector<16xi32>
        %parallel_loop3A_540 = arith.constant 4 : i32
        %parallel_loop3A_541 = arith.index_cast %parallel_loop3A_540 : i32 to index
        %parallel_loop3A_542 = arith.index_cast %parallel_loop3A_538 : i32 to index
        %parallel_loop3A_543 = arith.constant 0 : index
        %parallel_loop3A_544 = tpu.vector_load %arg6[%parallel_loop3A_541, %parallel_loop3A_542, %parallel_loop3A_543] {strides = array<i32>} : memref<5x128x32xf32, #tpu.memory_space<vmem>>, vector<16xf32>,
        %parallel_loop3A_545 = arith.constant 4 : i32
        %parallel_loop3A_546 = arith.index_cast %parallel_loop3A_545 : i32 to index
        %parallel_loop3A_547 = arith.index_cast %parallel_loop3A_538 : i32 to index
        %parallel_loop3A_548 = arith.constant 16 : index
        %parallel_loop3A_549 = tpu.vector_load %arg6[%parallel_loop3A_546, %parallel_loop3A_547, %parallel_loop3A_548] {strides = array<i32>} : memref<5x128x32xf32, #tpu.memory_space<vmem>>, vector<16xf32>,
        %parallel_loop3A_550 = arith.constant 4 : i32
        %parallel_loop3A_551 = arith.muli %parallel_loop3A_534, %parallel_loop3A_550 : i32
        %parallel_loop3A_552 = arith.constant 1 : i32
        %parallel_loop3A_553 = arith.addi %parallel_loop3A_551, %parallel_loop3A_552 : i32
        %parallel_loop3A_554 = vector.broadcast %parallel_loop3A_553 : i32 to vector<16xi32>
        %parallel_loop3A_555 = arith.constant 4 : i32
        %parallel_loop3A_556 = arith.index_cast %parallel_loop3A_555 : i32 to index
        %parallel_loop3A_557 = arith.index_cast %parallel_loop3A_553 : i32 to index
        %parallel_loop3A_558 = arith.constant 0 : index
        %parallel_loop3A_559 = tpu.vector_load %arg6[%parallel_loop3A_556, %parallel_loop3A_557, %parallel_loop3A_558] {strides = array<i32>} : memref<5x128x32xf32, #tpu.memory_space<vmem>>, vector<16xf32>,
        %parallel_loop3A_560 = arith.constant 4 : i32
        %parallel_loop3A_561 = arith.index_cast %parallel_loop3A_560 : i32 to index
        %parallel_loop3A_562 = arith.index_cast %parallel_loop3A_553 : i32 to index
        %parallel_loop3A_563 = arith.constant 16 : index
        %parallel_loop3A_564 = tpu.vector_load %arg6[%parallel_loop3A_561, %parallel_loop3A_562, %parallel_loop3A_563] {strides = array<i32>} : memref<5x128x32xf32, #tpu.memory_space<vmem>>, vector<16xf32>,
        %parallel_loop3A_565 = arith.constant 4 : i32
        %parallel_loop3A_566 = arith.muli %parallel_loop3A_534, %parallel_loop3A_565 : i32
        %parallel_loop3A_567 = arith.constant 2 : i32
        %parallel_loop3A_568 = arith.addi %parallel_loop3A_566, %parallel_loop3A_567 : i32
        %parallel_loop3A_569 = vector.broadcast %parallel_loop3A_568 : i32 to vector<16xi32>
        %parallel_loop3A_570 = arith.constant 4 : i32
        %parallel_loop3A_571 = arith.index_cast %parallel_loop3A_570 : i32 to index
        %parallel_loop3A_572 = arith.index_cast %parallel_loop3A_568 : i32 to index
        %parallel_loop3A_573 = arith.constant 0 : index
        %parallel_loop3A_574 = tpu.vector_load %arg6[%parallel_loop3A_571, %parallel_loop3A_572, %parallel_loop3A_573] {strides = array<i32>} : memref<5x128x32xf32, #tpu.memory_space<vmem>>, vector<16xf32>,
        %parallel_loop3A_575 = arith.constant 4 : i32
        %parallel_loop3A_576 = arith.index_cast %parallel_loop3A_575 : i32 to index
        %parallel_loop3A_577 = arith.index_cast %parallel_loop3A_568 : i32 to index
        %parallel_loop3A_578 = arith.constant 16 : index
        %parallel_loop3A_579 = tpu.vector_load %arg6[%parallel_loop3A_576, %parallel_loop3A_577, %parallel_loop3A_578] {strides = array<i32>} : memref<5x128x32xf32, #tpu.memory_space<vmem>>, vector<16xf32>,
        %parallel_loop3A_580 = arith.constant 4 : i32
        %parallel_loop3A_581 = arith.muli %parallel_loop3A_534, %parallel_loop3A_580 : i32
        %parallel_loop3A_582 = arith.constant 3 : i32
        %parallel_loop3A_583 = arith.addi %parallel_loop3A_581, %parallel_loop3A_582 : i32
        %parallel_loop3A_584 = vector.broadcast %parallel_loop3A_583 : i32 to vector<16xi32>
        %parallel_loop3A_585 = arith.constant 4 : i32
        %parallel_loop3A_586 = arith.index_cast %parallel_loop3A_585 : i32 to index
        %parallel_loop3A_587 = arith.index_cast %parallel_loop3A_583 : i32 to index
        %parallel_loop3A_588 = arith.constant 0 : index
        %parallel_loop3A_589 = tpu.vector_load %arg6[%parallel_loop3A_586, %parallel_loop3A_587, %parallel_loop3A_588] {strides = array<i32>} : memref<5x128x32xf32, #tpu.memory_space<vmem>>, vector<16xf32>,
        %parallel_loop3A_590 = arith.constant 4 : i32
        %parallel_loop3A_591 = arith.index_cast %parallel_loop3A_590 : i32 to index
        %parallel_loop3A_592 = arith.index_cast %parallel_loop3A_583 : i32 to index
        %parallel_loop3A_593 = arith.constant 16 : index
        %parallel_loop3A_594 = tpu.vector_load %arg6[%parallel_loop3A_591, %parallel_loop3A_592, %parallel_loop3A_593] {strides = array<i32>} : memref<5x128x32xf32, #tpu.memory_space<vmem>>, vector<16xf32>,
        %parallel_loop3A_595 = arith.mulf %parallel_loop3A_544, %parallel_loop3A_544 : vector<16xf32>
        %parallel_loop3A_596 = arith.addf %parallel_loop3A_595, %parallel_loop3A_544 : vector<16xf32>
        %parallel_loop3A_597 = arith.mulf %parallel_loop3A_549, %parallel_loop3A_549 : vector<16xf32>
        %parallel_loop3A_598 = arith.addf %parallel_loop3A_597, %parallel_loop3A_549 : vector<16xf32>
        %parallel_loop3A_599 = arith.mulf %parallel_loop3A_559, %parallel_loop3A_559 : vector<16xf32>
        %parallel_loop3A_600 = arith.addf %parallel_loop3A_599, %parallel_loop3A_559 : vector<16xf32>
        %parallel_loop3A_601 = arith.mulf %parallel_loop3A_564, %parallel_loop3A_564 : vector<16xf32>
        %parallel_loop3A_602 = arith.addf %parallel_loop3A_601, %parallel_loop3A_564 : vector<16xf32>
        %parallel_loop3A_603 = arith.mulf %parallel_loop3A_574, %parallel_loop3A_574 : vector<16xf32>
        %parallel_loop3A_604 = arith.addf %parallel_loop3A_603, %parallel_loop3A_574 : vector<16xf32>
        %parallel_loop3A_605 = arith.mulf %parallel_loop3A_579, %parallel_loop3A_579 : vector<16xf32>
        %parallel_loop3A_606 = arith.addf %parallel_loop3A_605, %parallel_loop3A_579 : vector<16xf32>
        %parallel_loop3A_607 = arith.mulf %parallel_loop3A_589, %parallel_loop3A_589 : vector<16xf32>
        %parallel_loop3A_608 = arith.addf %parallel_loop3A_607, %parallel_loop3A_589 : vector<16xf32>
        %parallel_loop3A_609 = arith.mulf %parallel_loop3A_594, %parallel_loop3A_594 : vector<16xf32>
        %parallel_loop3A_610 = arith.addf %parallel_loop3A_609, %parallel_loop3A_594 : vector<16xf32>
        %parallel_loop3A_611 = arith.mulf %parallel_loop3A_596, %parallel_loop3A_596 : vector<16xf32>
        %parallel_loop3A_612 = arith.addf %parallel_loop3A_611, %parallel_loop3A_544 : vector<16xf32>
        %parallel_loop3A_613 = arith.mulf %parallel_loop3A_598, %parallel_loop3A_598 : vector<16xf32>
        %parallel_loop3A_614 = arith.addf %parallel_loop3A_613, %parallel_loop3A_549 : vector<16xf32>
        %parallel_loop3A_615 = arith.mulf %parallel_loop3A_600, %parallel_loop3A_600 : vector<16xf32>
        %parallel_loop3A_616 = arith.addf %parallel_loop3A_615, %parallel_loop3A_559 : vector<16xf32>
        %parallel_loop3A_617 = arith.mulf %parallel_loop3A_602, %parallel_loop3A_602 : vector<16xf32>
        %parallel_loop3A_618 = arith.addf %parallel_loop3A_617, %parallel_loop3A_564 : vector<16xf32>
        %parallel_loop3A_619 = arith.mulf %parallel_loop3A_604, %parallel_loop3A_604 : vector<16xf32>
        %parallel_loop3A_620 = arith.addf %parallel_loop3A_619, %parallel_loop3A_574 : vector<16xf32>
        %parallel_loop3A_621 = arith.mulf %parallel_loop3A_606, %parallel_loop3A_606 : vector<16xf32>
        %parallel_loop3A_622 = arith.addf %parallel_loop3A_621, %parallel_loop3A_579 : vector<16xf32>
        %parallel_loop3A_623 = arith.mulf %parallel_loop3A_608, %parallel_loop3A_608 : vector<16xf32>
        %parallel_loop3A_624 = arith.addf %parallel_loop3A_623, %parallel_loop3A_589 : vector<16xf32>
        %parallel_loop3A_625 = arith.mulf %parallel_loop3A_610, %parallel_loop3A_610 : vector<16xf32>
        %parallel_loop3A_626 = arith.addf %parallel_loop3A_625, %parallel_loop3A_594 : vector<16xf32>
        %parallel_loop3A_627 = arith.mulf %parallel_loop3A_612, %parallel_loop3A_612 : vector<16xf32>
        %parallel_loop3A_628 = arith.addf %parallel_loop3A_627, %parallel_loop3A_544 : vector<16xf32>
        %parallel_loop3A_629 = arith.mulf %parallel_loop3A_614, %parallel_loop3A_614 : vector<16xf32>
        %parallel_loop3A_630 = arith.addf %parallel_loop3A_629, %parallel_loop3A_549 : vector<16xf32>
        %parallel_loop3A_631 = arith.mulf %parallel_loop3A_616, %parallel_loop3A_616 : vector<16xf32>
        %parallel_loop3A_632 = arith.addf %parallel_loop3A_631, %parallel_loop3A_559 : vector<16xf32>
        %parallel_loop3A_633 = arith.mulf %parallel_loop3A_618, %parallel_loop3A_618 : vector<16xf32>
        %parallel_loop3A_634 = arith.addf %parallel_loop3A_633, %parallel_loop3A_564 : vector<16xf32>
        %parallel_loop3A_635 = arith.mulf %parallel_loop3A_620, %parallel_loop3A_620 : vector<16xf32>
        %parallel_loop3A_636 = arith.addf %parallel_loop3A_635, %parallel_loop3A_574 : vector<16xf32>
        %parallel_loop3A_637 = arith.mulf %parallel_loop3A_622, %parallel_loop3A_622 : vector<16xf32>
        %parallel_loop3A_638 = arith.addf %parallel_loop3A_637, %parallel_loop3A_579 : vector<16xf32>
        %parallel_loop3A_639 = arith.mulf %parallel_loop3A_624, %parallel_loop3A_624 : vector<16xf32>
        %parallel_loop3A_640 = arith.addf %parallel_loop3A_639, %parallel_loop3A_589 : vector<16xf32>
        %parallel_loop3A_641 = arith.mulf %parallel_loop3A_626, %parallel_loop3A_626 : vector<16xf32>
        %parallel_loop3A_642 = arith.addf %parallel_loop3A_641, %parallel_loop3A_594 : vector<16xf32>
        %parallel_loop3A_643 = arith.mulf %parallel_loop3A_628, %parallel_loop3A_628 : vector<16xf32>
        %parallel_loop3A_644 = arith.addf %parallel_loop3A_643, %parallel_loop3A_544 : vector<16xf32>
        %parallel_loop3A_645 = arith.mulf %parallel_loop3A_630, %parallel_loop3A_630 : vector<16xf32>
        %parallel_loop3A_646 = arith.addf %parallel_loop3A_645, %parallel_loop3A_549 : vector<16xf32>
        %parallel_loop3A_647 = arith.mulf %parallel_loop3A_632, %parallel_loop3A_632 : vector<16xf32>
        %parallel_loop3A_648 = arith.addf %parallel_loop3A_647, %parallel_loop3A_559 : vector<16xf32>
        %parallel_loop3A_649 = arith.mulf %parallel_loop3A_634, %parallel_loop3A_634 : vector<16xf32>
        %parallel_loop3A_650 = arith.addf %parallel_loop3A_649, %parallel_loop3A_564 : vector<16xf32>
        %parallel_loop3A_651 = arith.mulf %parallel_loop3A_636, %parallel_loop3A_636 : vector<16xf32>
        %parallel_loop3A_652 = arith.addf %parallel_loop3A_651, %parallel_loop3A_574 : vector<16xf32>
        %parallel_loop3A_653 = arith.mulf %parallel_loop3A_638, %parallel_loop3A_638 : vector<16xf32>
        %parallel_loop3A_654 = arith.addf %parallel_loop3A_653, %parallel_loop3A_579 : vector<16xf32>
        %parallel_loop3A_655 = arith.mulf %parallel_loop3A_640, %parallel_loop3A_640 : vector<16xf32>
        %parallel_loop3A_656 = arith.addf %parallel_loop3A_655, %parallel_loop3A_589 : vector<16xf32>
        %parallel_loop3A_657 = arith.mulf %parallel_loop3A_642, %parallel_loop3A_642 : vector<16xf32>
        %parallel_loop3A_658 = arith.addf %parallel_loop3A_657, %parallel_loop3A_594 : vector<16xf32>
        %parallel_loop3A_659 = arith.mulf %parallel_loop3A_644, %parallel_loop3A_644 : vector<16xf32>
        %parallel_loop3A_660 = arith.addf %parallel_loop3A_659, %parallel_loop3A_544 : vector<16xf32>
        %parallel_loop3A_661 = arith.mulf %parallel_loop3A_646, %parallel_loop3A_646 : vector<16xf32>
        %parallel_loop3A_662 = arith.addf %parallel_loop3A_661, %parallel_loop3A_549 : vector<16xf32>
        %parallel_loop3A_663 = arith.mulf %parallel_loop3A_648, %parallel_loop3A_648 : vector<16xf32>
        %parallel_loop3A_664 = arith.addf %parallel_loop3A_663, %parallel_loop3A_559 : vector<16xf32>
        %parallel_loop3A_665 = arith.mulf %parallel_loop3A_650, %parallel_loop3A_650 : vector<16xf32>
        %parallel_loop3A_666 = arith.addf %parallel_loop3A_665, %parallel_loop3A_564 : vector<16xf32>
        %parallel_loop3A_667 = arith.mulf %parallel_loop3A_652, %parallel_loop3A_652 : vector<16xf32>
        %parallel_loop3A_668 = arith.addf %parallel_loop3A_667, %parallel_loop3A_574 : vector<16xf32>
        %parallel_loop3A_669 = arith.mulf %parallel_loop3A_654, %parallel_loop3A_654 : vector<16xf32>
        %parallel_loop3A_670 = arith.addf %parallel_loop3A_669, %parallel_loop3A_579 : vector<16xf32>
        %parallel_loop3A_671 = arith.mulf %parallel_loop3A_656, %parallel_loop3A_656 : vector<16xf32>
        %parallel_loop3A_672 = arith.addf %parallel_loop3A_671, %parallel_loop3A_589 : vector<16xf32>
        %parallel_loop3A_673 = arith.mulf %parallel_loop3A_658, %parallel_loop3A_658 : vector<16xf32>
        %parallel_loop3A_674 = arith.addf %parallel_loop3A_673, %parallel_loop3A_594 : vector<16xf32>
        %parallel_loop3A_675 = arith.mulf %parallel_loop3A_660, %parallel_loop3A_660 : vector<16xf32>
        %parallel_loop3A_676 = arith.addf %parallel_loop3A_675, %parallel_loop3A_544 : vector<16xf32>
        %parallel_loop3A_677 = arith.mulf %parallel_loop3A_662, %parallel_loop3A_662 : vector<16xf32>
        %parallel_loop3A_678 = arith.addf %parallel_loop3A_677, %parallel_loop3A_549 : vector<16xf32>
        %parallel_loop3A_679 = arith.mulf %parallel_loop3A_664, %parallel_loop3A_664 : vector<16xf32>
        %parallel_loop3A_680 = arith.addf %parallel_loop3A_679, %parallel_loop3A_559 : vector<16xf32>
        %parallel_loop3A_681 = arith.mulf %parallel_loop3A_666, %parallel_loop3A_666 : vector<16xf32>
        %parallel_loop3A_682 = arith.addf %parallel_loop3A_681, %parallel_loop3A_564 : vector<16xf32>
        %parallel_loop3A_683 = arith.mulf %parallel_loop3A_668, %parallel_loop3A_668 : vector<16xf32>
        %parallel_loop3A_684 = arith.addf %parallel_loop3A_683, %parallel_loop3A_574 : vector<16xf32>
        %parallel_loop3A_685 = arith.mulf %parallel_loop3A_670, %parallel_loop3A_670 : vector<16xf32>
        %parallel_loop3A_686 = arith.addf %parallel_loop3A_685, %parallel_loop3A_579 : vector<16xf32>
        %parallel_loop3A_687 = arith.mulf %parallel_loop3A_672, %parallel_loop3A_672 : vector<16xf32>
        %parallel_loop3A_688 = arith.addf %parallel_loop3A_687, %parallel_loop3A_589 : vector<16xf32>
        %parallel_loop3A_689 = arith.mulf %parallel_loop3A_674, %parallel_loop3A_674 : vector<16xf32>
        %parallel_loop3A_690 = arith.addf %parallel_loop3A_689, %parallel_loop3A_594 : vector<16xf32>
        %parallel_loop3A_691 = arith.mulf %parallel_loop3A_676, %parallel_loop3A_676 : vector<16xf32>
        %parallel_loop3A_692 = arith.addf %parallel_loop3A_691, %parallel_loop3A_544 : vector<16xf32>
        %parallel_loop3A_693 = arith.mulf %parallel_loop3A_678, %parallel_loop3A_678 : vector<16xf32>
        %parallel_loop3A_694 = arith.addf %parallel_loop3A_693, %parallel_loop3A_549 : vector<16xf32>
        %parallel_loop3A_695 = arith.mulf %parallel_loop3A_680, %parallel_loop3A_680 : vector<16xf32>
        %parallel_loop3A_696 = arith.addf %parallel_loop3A_695, %parallel_loop3A_559 : vector<16xf32>
        %parallel_loop3A_697 = arith.mulf %parallel_loop3A_682, %parallel_loop3A_682 : vector<16xf32>
        %parallel_loop3A_698 = arith.addf %parallel_loop3A_697, %parallel_loop3A_564 : vector<16xf32>
        %parallel_loop3A_699 = arith.mulf %parallel_loop3A_684, %parallel_loop3A_684 : vector<16xf32>
        %parallel_loop3A_700 = arith.addf %parallel_loop3A_699, %parallel_loop3A_574 : vector<16xf32>
        %parallel_loop3A_701 = arith.mulf %parallel_loop3A_686, %parallel_loop3A_686 : vector<16xf32>
        %parallel_loop3A_702 = arith.addf %parallel_loop3A_701, %parallel_loop3A_579 : vector<16xf32>
        %parallel_loop3A_703 = arith.mulf %parallel_loop3A_688, %parallel_loop3A_688 : vector<16xf32>
        %parallel_loop3A_704 = arith.addf %parallel_loop3A_703, %parallel_loop3A_589 : vector<16xf32>
        %parallel_loop3A_705 = arith.mulf %parallel_loop3A_690, %parallel_loop3A_690 : vector<16xf32>
        %parallel_loop3A_706 = arith.addf %parallel_loop3A_705, %parallel_loop3A_594 : vector<16xf32>
        %parallel_loop3A_707 = arith.mulf %parallel_loop3A_692, %parallel_loop3A_692 : vector<16xf32>
        %parallel_loop3A_708 = arith.addf %parallel_loop3A_707, %parallel_loop3A_544 : vector<16xf32>
        %parallel_loop3A_709 = arith.mulf %parallel_loop3A_694, %parallel_loop3A_694 : vector<16xf32>
        %parallel_loop3A_710 = arith.addf %parallel_loop3A_709, %parallel_loop3A_549 : vector<16xf32>
        %parallel_loop3A_711 = arith.mulf %parallel_loop3A_696, %parallel_loop3A_696 : vector<16xf32>
        %parallel_loop3A_712 = arith.addf %parallel_loop3A_711, %parallel_loop3A_559 : vector<16xf32>
        %parallel_loop3A_713 = arith.mulf %parallel_loop3A_698, %parallel_loop3A_698 : vector<16xf32>
        %parallel_loop3A_714 = arith.addf %parallel_loop3A_713, %parallel_loop3A_564 : vector<16xf32>
        %parallel_loop3A_715 = arith.mulf %parallel_loop3A_700, %parallel_loop3A_700 : vector<16xf32>
        %parallel_loop3A_716 = arith.addf %parallel_loop3A_715, %parallel_loop3A_574 : vector<16xf32>
        %parallel_loop3A_717 = arith.mulf %parallel_loop3A_702, %parallel_loop3A_702 : vector<16xf32>
        %parallel_loop3A_718 = arith.addf %parallel_loop3A_717, %parallel_loop3A_579 : vector<16xf32>
        %parallel_loop3A_719 = arith.mulf %parallel_loop3A_704, %parallel_loop3A_704 : vector<16xf32>
        %parallel_loop3A_720 = arith.addf %parallel_loop3A_719, %parallel_loop3A_589 : vector<16xf32>
        %parallel_loop3A_721 = arith.mulf %parallel_loop3A_706, %parallel_loop3A_706 : vector<16xf32>
        %parallel_loop3A_722 = arith.addf %parallel_loop3A_721, %parallel_loop3A_594 : vector<16xf32>
        %parallel_loop3A_723 = arith.mulf %parallel_loop3A_708, %parallel_loop3A_708 : vector<16xf32>
        %parallel_loop3A_724 = arith.addf %parallel_loop3A_723, %parallel_loop3A_544 : vector<16xf32>
        %parallel_loop3A_725 = arith.mulf %parallel_loop3A_710, %parallel_loop3A_710 : vector<16xf32>
        %parallel_loop3A_726 = arith.addf %parallel_loop3A_725, %parallel_loop3A_549 : vector<16xf32>
        %parallel_loop3A_727 = arith.mulf %parallel_loop3A_712, %parallel_loop3A_712 : vector<16xf32>
        %parallel_loop3A_728 = arith.addf %parallel_loop3A_727, %parallel_loop3A_559 : vector<16xf32>
        %parallel_loop3A_729 = arith.mulf %parallel_loop3A_714, %parallel_loop3A_714 : vector<16xf32>
        %parallel_loop3A_730 = arith.addf %parallel_loop3A_729, %parallel_loop3A_564 : vector<16xf32>
        %parallel_loop3A_731 = arith.mulf %parallel_loop3A_716, %parallel_loop3A_716 : vector<16xf32>
        %parallel_loop3A_732 = arith.addf %parallel_loop3A_731, %parallel_loop3A_574 : vector<16xf32>
        %parallel_loop3A_733 = arith.mulf %parallel_loop3A_718, %parallel_loop3A_718 : vector<16xf32>
        %parallel_loop3A_734 = arith.addf %parallel_loop3A_733, %parallel_loop3A_579 : vector<16xf32>
        %parallel_loop3A_735 = arith.mulf %parallel_loop3A_720, %parallel_loop3A_720 : vector<16xf32>
        %parallel_loop3A_736 = arith.addf %parallel_loop3A_735, %parallel_loop3A_589 : vector<16xf32>
        %parallel_loop3A_737 = arith.mulf %parallel_loop3A_722, %parallel_loop3A_722 : vector<16xf32>
        %parallel_loop3A_738 = arith.addf %parallel_loop3A_737, %parallel_loop3A_594 : vector<16xf32>
        %parallel_loop3A_739 = arith.constant 4 : i32
        %parallel_loop3A_740 = arith.constant 0 : i32
        %parallel_loop3A_741 = arith.constant 0 : i32
        %parallel_loop3A_742 = arith.constant 0 : i32
        %parallel_loop3A_743 = tpu.memref_slice %arg7[%parallel_loop3A_739, %parallel_loop3A_740, %parallel_loop3A_741, %parallel_loop3A_742] : memref<5x4x8x129xf32, #tpu.memory_space<vmem>> -> memref<1x4x8x129xf32, #tpu.memory_space<vmem>>
        %parallel_loop3A_744 = tpu.memref_squeeze %parallel_loop3A_743 : memref<1x4x8x129xf32, #tpu.memory_space<vmem>> -> memref<4x8x129xf32, #tpu.memory_space<vmem>>
        tpu.vector_store_idx %parallel_loop3A_744[%select_n3A, %select_n3A_46, %parallel_loop3A_539], %parallel_loop3A_724 : memref<4x8x129xf32, #tpu.memory_space<vmem>>[vector<16xi32>, vector<16xi32>, vector<16xi32>], vector<16xf32>,
        %parallel_loop3A_745 = arith.constant 4 : i32
        %parallel_loop3A_746 = arith.constant 0 : i32
        %parallel_loop3A_747 = arith.constant 0 : i32
        %parallel_loop3A_748 = arith.constant 0 : i32
        %parallel_loop3A_749 = tpu.memref_slice %arg7[%parallel_loop3A_745, %parallel_loop3A_746, %parallel_loop3A_747, %parallel_loop3A_748] : memref<5x4x8x129xf32, #tpu.memory_space<vmem>> -> memref<1x4x8x129xf32, #tpu.memory_space<vmem>>
        %parallel_loop3A_750 = tpu.memref_squeeze %parallel_loop3A_749 : memref<1x4x8x129xf32, #tpu.memory_space<vmem>> -> memref<4x8x129xf32, #tpu.memory_space<vmem>>
        tpu.vector_store_idx %parallel_loop3A_750[%select_n3A_81, %select_n3A_103, %parallel_loop3A_539], %parallel_loop3A_726 : memref<4x8x129xf32, #tpu.memory_space<vmem>>[vector<16xi32>, vector<16xi32>, vector<16xi32>], vector<16xf32>,
        %parallel_loop3A_751 = arith.constant 4 : i32
        %parallel_loop3A_752 = arith.constant 0 : i32
        %parallel_loop3A_753 = arith.constant 0 : i32
        %parallel_loop3A_754 = arith.constant 0 : i32
        %parallel_loop3A_755 = tpu.memref_slice %arg7[%parallel_loop3A_751, %parallel_loop3A_752, %parallel_loop3A_753, %parallel_loop3A_754] : memref<5x4x8x129xf32, #tpu.memory_space<vmem>> -> memref<1x4x8x129xf32, #tpu.memory_space<vmem>>
        %parallel_loop3A_756 = tpu.memref_squeeze %parallel_loop3A_755 : memref<1x4x8x129xf32, #tpu.memory_space<vmem>> -> memref<4x8x129xf32, #tpu.memory_space<vmem>>
        tpu.vector_store_idx %parallel_loop3A_756[%select_n3A, %select_n3A_46, %parallel_loop3A_554], %parallel_loop3A_728 : memref<4x8x129xf32, #tpu.memory_space<vmem>>[vector<16xi32>, vector<16xi32>, vector<16xi32>], vector<16xf32>,
        %parallel_loop3A_757 = arith.constant 4 : i32
        %parallel_loop3A_758 = arith.constant 0 : i32
        %parallel_loop3A_759 = arith.constant 0 : i32
        %parallel_loop3A_760 = arith.constant 0 : i32
        %parallel_loop3A_761 = tpu.memref_slice %arg7[%parallel_loop3A_757, %parallel_loop3A_758, %parallel_loop3A_759, %parallel_loop3A_760] : memref<5x4x8x129xf32, #tpu.memory_space<vmem>> -> memref<1x4x8x129xf32, #tpu.memory_space<vmem>>
        %parallel_loop3A_762 = tpu.memref_squeeze %parallel_loop3A_761 : memref<1x4x8x129xf32, #tpu.memory_space<vmem>> -> memref<4x8x129xf32, #tpu.memory_space<vmem>>
        tpu.vector_store_idx %parallel_loop3A_762[%select_n3A_81, %select_n3A_103, %parallel_loop3A_554], %parallel_loop3A_730 : memref<4x8x129xf32, #tpu.memory_space<vmem>>[vector<16xi32>, vector<16xi32>, vector<16xi32>], vector<16xf32>,
        %parallel_loop3A_763 = arith.constant 4 : i32
        %parallel_loop3A_764 = arith.constant 0 : i32
        %parallel_loop3A_765 = arith.constant 0 : i32
        %parallel_loop3A_766 = arith.constant 0 : i32
        %parallel_loop3A_767 = tpu.memref_slice %arg7[%parallel_loop3A_763, %parallel_loop3A_764, %parallel_loop3A_765, %parallel_loop3A_766] : memref<5x4x8x129xf32, #tpu.memory_space<vmem>> -> memref<1x4x8x129xf32, #tpu.memory_space<vmem>>
        %parallel_loop3A_768 = tpu.memref_squeeze %parallel_loop3A_767 : memref<1x4x8x129xf32, #tpu.memory_space<vmem>> -> memref<4x8x129xf32, #tpu.memory_space<vmem>>
        tpu.vector_store_idx %parallel_loop3A_768[%select_n3A, %select_n3A_46, %parallel_loop3A_569], %parallel_loop3A_732 : memref<4x8x129xf32, #tpu.memory_space<vmem>>[vector<16xi32>, vector<16xi32>, vector<16xi32>], vector<16xf32>,
        %parallel_loop3A_769 = arith.constant 4 : i32
        %parallel_loop3A_770 = arith.constant 0 : i32
        %parallel_loop3A_771 = arith.constant 0 : i32
        %parallel_loop3A_772 = arith.constant 0 : i32
        %parallel_loop3A_773 = tpu.memref_slice %arg7[%parallel_loop3A_769, %parallel_loop3A_770, %parallel_loop3A_771, %parallel_loop3A_772] : memref<5x4x8x129xf32, #tpu.memory_space<vmem>> -> memref<1x4x8x129xf32, #tpu.memory_space<vmem>>
        %parallel_loop3A_774 = tpu.memref_squeeze %parallel_loop3A_773 : memref<1x4x8x129xf32, #tpu.memory_space<vmem>> -> memref<4x8x129xf32, #tpu.memory_space<vmem>>
        tpu.vector_store_idx %parallel_loop3A_774[%select_n3A_81, %select_n3A_103, %parallel_loop3A_569], %parallel_loop3A_734 : memref<4x8x129xf32, #tpu.memory_space<vmem>>[vector<16xi32>, vector<16xi32>, vector<16xi32>], vector<16xf32>,
        %parallel_loop3A_775 = arith.constant 4 : i32
        %parallel_loop3A_776 = arith.constant 0 : i32
        %parallel_loop3A_777 = arith.constant 0 : i32
        %parallel_loop3A_778 = arith.constant 0 : i32
        %parallel_loop3A_779 = tpu.memref_slice %arg7[%parallel_loop3A_775, %parallel_loop3A_776, %parallel_loop3A_777, %parallel_loop3A_778] : memref<5x4x8x129xf32, #tpu.memory_space<vmem>> -> memref<1x4x8x129xf32, #tpu.memory_space<vmem>>
        %parallel_loop3A_780 = tpu.memref_squeeze %parallel_loop3A_779 : memref<1x4x8x129xf32, #tpu.memory_space<vmem>> -> memref<4x8x129xf32, #tpu.memory_space<vmem>>
        tpu.vector_store_idx %parallel_loop3A_780[%select_n3A, %select_n3A_46, %parallel_loop3A_584], %parallel_loop3A_736 : memref<4x8x129xf32, #tpu.memory_space<vmem>>[vector<16xi32>, vector<16xi32>, vector<16xi32>], vector<16xf32>,
        %parallel_loop3A_781 = arith.constant 4 : i32
        %parallel_loop3A_782 = arith.constant 0 : i32
        %parallel_loop3A_783 = arith.constant 0 : i32
        %parallel_loop3A_784 = arith.constant 0 : i32
        %parallel_loop3A_785 = tpu.memref_slice %arg7[%parallel_loop3A_781, %parallel_loop3A_782, %parallel_loop3A_783, %parallel_loop3A_784] : memref<5x4x8x129xf32, #tpu.memory_space<vmem>> -> memref<1x4x8x129xf32, #tpu.memory_space<vmem>>
        %parallel_loop3A_786 = tpu.memref_squeeze %parallel_loop3A_785 : memref<1x4x8x129xf32, #tpu.memory_space<vmem>> -> memref<4x8x129xf32, #tpu.memory_space<vmem>>
        tpu.vector_store_idx %parallel_loop3A_786[%select_n3A_81, %select_n3A_103, %parallel_loop3A_584], %parallel_loop3A_738 : memref<4x8x129xf32, #tpu.memory_space<vmem>>[vector<16xi32>, vector<16xi32>, vector<16xi32>], vector<16xf32>,
      } {sc.loop_unroll_factor = 1 : i64, sc.parallel_access}
      %add3A_506 = arith.constant 5 : i32
      %add3A_507 = arith.addi %add3A_486, %add3A_506 : i32
      %lt3A_508 = arith.constant 50 : i32
      %lt3A_509 = arith.cmpi slt, %add3A_507, %lt3A_508 : i32
      %convert_element_type3A_510 = arith.extui %lt3A_509 : i1 to i32
      %cond3A_511 = arith.constant 0 : i32
      %cond3A_512 = arith.cmpi ne, %convert_element_type3A_510, %cond3A_511 : i32
      scf.if %cond3A_512 {
        %add3A_534 = arith.constant 5 : i32
        %add3A_535 = arith.addi %add3A_486, %add3A_534 : i32
        %dma_start3A_536 = arith.constant 4 : i32
        %dma_start3A_537 = arith.constant 0 : i32
        %dma_start3A_538 = arith.constant 0 : i32
        %dma_start3A_539 = tpu.memref_slice %arg6[%dma_start3A_536, %dma_start3A_537, %dma_start3A_538] : memref<5x128x32xf32, #tpu.memory_space<vmem>> -> memref<1x128x32xf32, #tpu.memory_space<vmem>>
        %dma_start3A_540 = tpu.memref_squeeze %dma_start3A_539 : memref<1x128x32xf32, #tpu.memory_space<vmem>> -> memref<128x32xf32, #tpu.memory_space<vmem>>
        %dma_start3A_541 = arith.constant 0 : i32
        %dma_start3A_542 = tpu.memref_slice %arg5[%add3A_535, %dma_start3A_541] : memref<50x128xi32, #tpu.memory_space<vmem>> -> memref<1x128xi32, #tpu.memory_space<vmem>>
        %dma_start3A_543 = tpu.memref_squeeze %dma_start3A_542 : memref<1x128xi32, #tpu.memory_space<vmem>> -> memref<128xi32, #tpu.memory_space<vmem>>
        %dma_start3A_544 = arith.constant 0 : i32
        %dma_start3A_545 = arith.constant 0 : i32
        %dma_start3A_546 = tpu.memref_slice %arg3[%dma_start3A_544, %dma_start3A_545] : memref<1000000x32xf32, #tpu.memory_space<hbm>> -> memref<1000000x32xf32, #tpu.memory_space<hbm>>
        tpu.enqueue_indirect_dma source(%dma_start3A_546 : memref<1000000x32xf32, #tpu.memory_space<hbm>>) target(%dma_start3A_540 : memref<128x32xf32, #tpu.memory_space<vmem>>) offsets(%dma_start3A_543 : memref<128xi32, #tpu.memory_space<vmem>>) semaphore(%arg12 : memref<!tpu.dma_semaphore, #tpu.memory_space<semaphore_mem>>)
      } else {
      }
      %dma_start3A_513 = arith.constant 4 : i32
      %dma_start3A_514 = arith.constant 0 : i32
      %dma_start3A_515 = arith.constant 0 : i32
      %dma_start3A_516 = arith.constant 0 : i32
      %dma_start3A_517 = tpu.memref_slice %arg7[%dma_start3A_513, %dma_start3A_514, %dma_start3A_515, %dma_start3A_516] : memref<5x4x8x129xf32, #tpu.memory_space<vmem>> -> memref<1x4x8x128xf32, #tpu.memory_space<vmem>>
      %dma_start3A_518 = tpu.memref_squeeze %dma_start3A_517 : memref<1x4x8x128xf32, #tpu.memory_space<vmem>> -> memref<4x8x128xf32, #tpu.memory_space<vmem>>
      %dma_start3A_519 = arith.constant 0 : i32
      %dma_start3A_520 = arith.constant 0 : i32
      %dma_start3A_521 = arith.constant 0 : i32
      %dma_start3A_522 = tpu.memref_slice %arg4[%add3A_486, %dma_start3A_519, %add3A, %dma_start3A_520, %dma_start3A_521] : memref<50x4x32x8x128xf32, #tpu.memory_space<hbm>> -> memref<1x4x1x8x128xf32, #tpu.memory_space<hbm>>
      %dma_start3A_523 = tpu.memref_squeeze %dma_start3A_522 : memref<1x4x1x8x128xf32, #tpu.memory_space<hbm>> -> memref<4x8x128xf32, #tpu.memory_space<hbm>>
      %dma_start3A_524 = arith.constant 0 : i32
      %dma_start3A_525 = arith.constant 0 : i32
      %dma_start3A_526 = arith.constant 0 : i32
      %dma_start3A_527 = tpu.memref_slice %arg4[%add3A_486, %dma_start3A_524, %add3A, %dma_start3A_525, %dma_start3A_526] : memref<50x4x32x8x128xf32, #tpu.memory_space<hbm>> -> memref<1x4x1x8x128xf32, #tpu.memory_space<hbm>>
      %dma_start3A_528 = tpu.memref_squeeze %dma_start3A_527 : memref<1x4x1x8x128xf32, #tpu.memory_space<hbm>> -> memref<4x8x128xf32, #tpu.memory_space<hbm>>
      %dma_start3A_529 = arith.constant 0 : i32
      %dma_start3A_530 = arith.constant 0 : i32
      %dma_start3A_531 = arith.constant 0 : i32
      %dma_start3A_532 = tpu.memref_slice %arg7[%dma_start3A_513, %dma_start3A_529, %dma_start3A_530, %dma_start3A_531] : memref<5x4x8x129xf32, #tpu.memory_space<vmem>> -> memref<1x4x8x128xf32, #tpu.memory_space<vmem>>
      %dma_start3A_533 = tpu.memref_squeeze %dma_start3A_532 : memref<1x4x8x128xf32, #tpu.memory_space<vmem>> -> memref<4x8x128xf32, #tpu.memory_space<vmem>>
      tpu.enqueue_dma source(%dma_start3A_533 : memref<4x8x128xf32, #tpu.memory_space<vmem>>) target(%dma_start3A_528 : memref<4x8x128xf32, #tpu.memory_space<hbm>>) target_semaphore(%arg17 : memref<!tpu.dma_semaphore, #tpu.memory_space<semaphore_mem>>)
    }
    %scan3A_167 = arith.constant 10 : i32
    %dma_wait3A = arith.constant 0 : i32
    %dma_wait3A_168 = arith.constant 0 : i32
    %dma_wait3A_169 = arith.constant 0 : i32
    %dma_wait3A_170 = arith.constant 0 : i32
    %dma_wait3A_171 = arith.constant 0 : i32
    %dma_wait3A_172 = arith.constant 0 : i32
    %dma_wait3A_173 = tpu.memref_slice %arg7[%dma_wait3A, %dma_wait3A_170, %dma_wait3A_171, %dma_wait3A_172] : memref<5x4x8x129xf32, #tpu.memory_space<vmem>> -> memref<1x4x8x128xf32, #tpu.memory_space<vmem>>
    %dma_wait3A_174 = tpu.memref_squeeze %dma_wait3A_173 : memref<1x4x8x128xf32, #tpu.memory_space<vmem>> -> memref<4x8x128xf32, #tpu.memory_space<vmem>>
    %dma_wait3A_175 = arith.constant 0 : i32
    %dma_wait3A_176 = arith.constant 0 : i32
    %dma_wait3A_177 = arith.constant 0 : i32
    %dma_wait3A_178 = tpu.memref_slice %arg4[%dma_wait3A_168, %dma_wait3A_175, %dma_wait3A_169, %dma_wait3A_176, %dma_wait3A_177] : memref<50x4x32x8x128xf32, #tpu.memory_space<hbm>> -> memref<1x4x1x8x128xf32, #tpu.memory_space<hbm>>
    %dma_wait3A_179 = tpu.memref_squeeze %dma_wait3A_178 : memref<1x4x1x8x128xf32, #tpu.memory_space<hbm>> -> memref<4x8x128xf32, #tpu.memory_space<hbm>>
    %dma_wait3A_180 = arith.constant 0 : i32
    %dma_wait3A_181 = arith.constant 0 : i32
    %dma_wait3A_182 = arith.constant 0 : i32
    %dma_wait3A_183 = tpu.memref_slice %arg4[%dma_wait3A_168, %dma_wait3A_180, %dma_wait3A_169, %dma_wait3A_181, %dma_wait3A_182] : memref<50x4x32x8x128xf32, #tpu.memory_space<hbm>> -> memref<1x4x1x8x128xf32, #tpu.memory_space<hbm>>
    %dma_wait3A_184 = tpu.memref_squeeze %dma_wait3A_183 : memref<1x4x1x8x128xf32, #tpu.memory_space<hbm>> -> memref<4x8x128xf32, #tpu.memory_space<hbm>>
    %dma_wait3A_185 = arith.constant 0 : i32
    %dma_wait3A_186 = arith.constant 0 : i32
    %dma_wait3A_187 = arith.constant 0 : i32
    %dma_wait3A_188 = tpu.memref_slice %arg7[%dma_wait3A, %dma_wait3A_185, %dma_wait3A_186, %dma_wait3A_187] : memref<5x4x8x129xf32, #tpu.memory_space<vmem>> -> memref<1x4x8x128xf32, #tpu.memory_space<vmem>>
    %dma_wait3A_189 = tpu.memref_squeeze %dma_wait3A_188 : memref<1x4x8x128xf32, #tpu.memory_space<vmem>> -> memref<4x8x128xf32, #tpu.memory_space<vmem>>
    tpu.wait_dma2 semaphore(%arg13 : memref<!tpu.dma_semaphore, #tpu.memory_space<semaphore_mem>>) src(%dma_wait3A_189 : memref<4x8x128xf32, #tpu.memory_space<vmem>>) dst(%dma_wait3A_184 : memref<4x8x128xf32, #tpu.memory_space<hbm>>)
    %dma_wait3A_190 = arith.constant 1 : i32
    %dma_wait3A_191 = arith.constant 0 : i32
    %dma_wait3A_192 = arith.constant 0 : i32
    %dma_wait3A_193 = arith.constant 0 : i32
    %dma_wait3A_194 = arith.constant 0 : i32
    %dma_wait3A_195 = arith.constant 0 : i32
    %dma_wait3A_196 = tpu.memref_slice %arg7[%dma_wait3A_190, %dma_wait3A_193, %dma_wait3A_194, %dma_wait3A_195] : memref<5x4x8x129xf32, #tpu.memory_space<vmem>> -> memref<1x4x8x128xf32, #tpu.memory_space<vmem>>
    %dma_wait3A_197 = tpu.memref_squeeze %dma_wait3A_196 : memref<1x4x8x128xf32, #tpu.memory_space<vmem>> -> memref<4x8x128xf32, #tpu.memory_space<vmem>>
    %dma_wait3A_198 = arith.constant 0 : i32
    %dma_wait3A_199 = arith.constant 0 : i32
    %dma_wait3A_200 = arith.constant 0 : i32
    %dma_wait3A_201 = tpu.memref_slice %arg4[%dma_wait3A_191, %dma_wait3A_198, %dma_wait3A_192, %dma_wait3A_199, %dma_wait3A_200] : memref<50x4x32x8x128xf32, #tpu.memory_space<hbm>> -> memref<1x4x1x8x128xf32, #tpu.memory_space<hbm>>
    %dma_wait3A_202 = tpu.memref_squeeze %dma_wait3A_201 : memref<1x4x1x8x128xf32, #tpu.memory_space<hbm>> -> memref<4x8x128xf32, #tpu.memory_space<hbm>>
    %dma_wait3A_203 = arith.constant 0 : i32
    %dma_wait3A_204 = arith.constant 0 : i32
    %dma_wait3A_205 = arith.constant 0 : i32
    %dma_wait3A_206 = tpu.memref_slice %arg4[%dma_wait3A_191, %dma_wait3A_203, %dma_wait3A_192, %dma_wait3A_204, %dma_wait3A_205] : memref<50x4x32x8x128xf32, #tpu.memory_space<hbm>> -> memref<1x4x1x8x128xf32, #tpu.memory_space<hbm>>
    %dma_wait3A_207 = tpu.memref_squeeze %dma_wait3A_206 : memref<1x4x1x8x128xf32, #tpu.memory_space<hbm>> -> memref<4x8x128xf32, #tpu.memory_space<hbm>>
    %dma_wait3A_208 = arith.constant 0 : i32
    %dma_wait3A_209 = arith.constant 0 : i32
    %dma_wait3A_210 = arith.constant 0 : i32
    %dma_wait3A_211 = tpu.memref_slice %arg7[%dma_wait3A_190, %dma_wait3A_208, %dma_wait3A_209, %dma_wait3A_210] : memref<5x4x8x129xf32, #tpu.memory_space<vmem>> -> memref<1x4x8x128xf32, #tpu.memory_space<vmem>>
    %dma_wait3A_212 = tpu.memref_squeeze %dma_wait3A_211 : memref<1x4x8x128xf32, #tpu.memory_space<vmem>> -> memref<4x8x128xf32, #tpu.memory_space<vmem>>
    tpu.wait_dma2 semaphore(%arg14 : memref<!tpu.dma_semaphore, #tpu.memory_space<semaphore_mem>>) src(%dma_wait3A_212 : memref<4x8x128xf32, #tpu.memory_space<vmem>>) dst(%dma_wait3A_207 : memref<4x8x128xf32, #tpu.memory_space<hbm>>)
    %dma_wait3A_213 = arith.constant 2 : i32
    %dma_wait3A_214 = arith.constant 0 : i32
    %dma_wait3A_215 = arith.constant 0 : i32
    %dma_wait3A_216 = arith.constant 0 : i32
    %dma_wait3A_217 = arith.constant 0 : i32
    %dma_wait3A_218 = arith.constant 0 : i32
    %dma_wait3A_219 = tpu.memref_slice %arg7[%dma_wait3A_213, %dma_wait3A_216, %dma_wait3A_217, %dma_wait3A_218] : memref<5x4x8x129xf32, #tpu.memory_space<vmem>> -> memref<1x4x8x128xf32, #tpu.memory_space<vmem>>
    %dma_wait3A_220 = tpu.memref_squeeze %dma_wait3A_219 : memref<1x4x8x128xf32, #tpu.memory_space<vmem>> -> memref<4x8x128xf32, #tpu.memory_space<vmem>>
    %dma_wait3A_221 = arith.constant 0 : i32
    %dma_wait3A_222 = arith.constant 0 : i32
    %dma_wait3A_223 = arith.constant 0 : i32
    %dma_wait3A_224 = tpu.memref_slice %arg4[%dma_wait3A_214, %dma_wait3A_221, %dma_wait3A_215, %dma_wait3A_222, %dma_wait3A_223] : memref<50x4x32x8x128xf32, #tpu.memory_space<hbm>> -> memref<1x4x1x8x128xf32, #tpu.memory_space<hbm>>
    %dma_wait3A_225 = tpu.memref_squeeze %dma_wait3A_224 : memref<1x4x1x8x128xf32, #tpu.memory_space<hbm>> -> memref<4x8x128xf32, #tpu.memory_space<hbm>>
    %dma_wait3A_226 = arith.constant 0 : i32
    %dma_wait3A_227 = arith.constant 0 : i32
    %dma_wait3A_228 = arith.constant 0 : i32
    %dma_wait3A_229 = tpu.memref_slice %arg4[%dma_wait3A_214, %dma_wait3A_226, %dma_wait3A_215, %dma_wait3A_227, %dma_wait3A_228] : memref<50x4x32x8x128xf32, #tpu.memory_space<hbm>> -> memref<1x4x1x8x128xf32, #tpu.memory_space<hbm>>
    %dma_wait3A_230 = tpu.memref_squeeze %dma_wait3A_229 : memref<1x4x1x8x128xf32, #tpu.memory_space<hbm>> -> memref<4x8x128xf32, #tpu.memory_space<hbm>>
    %dma_wait3A_231 = arith.constant 0 : i32
    %dma_wait3A_232 = arith.constant 0 : i32
    %dma_wait3A_233 = arith.constant 0 : i32
    %dma_wait3A_234 = tpu.memref_slice %arg7[%dma_wait3A_213, %dma_wait3A_231, %dma_wait3A_232, %dma_wait3A_233] : memref<5x4x8x129xf32, #tpu.memory_space<vmem>> -> memref<1x4x8x128xf32, #tpu.memory_space<vmem>>
    %dma_wait3A_235 = tpu.memref_squeeze %dma_wait3A_234 : memref<1x4x8x128xf32, #tpu.memory_space<vmem>> -> memref<4x8x128xf32, #tpu.memory_space<vmem>>
    tpu.wait_dma2 semaphore(%arg15 : memref<!tpu.dma_semaphore, #tpu.memory_space<semaphore_mem>>) src(%dma_wait3A_235 : memref<4x8x128xf32, #tpu.memory_space<vmem>>) dst(%dma_wait3A_230 : memref<4x8x128xf32, #tpu.memory_space<hbm>>)
    %dma_wait3A_236 = arith.constant 3 : i32
    %dma_wait3A_237 = arith.constant 0 : i32
    %dma_wait3A_238 = arith.constant 0 : i32
    %dma_wait3A_239 = arith.constant 0 : i32
    %dma_wait3A_240 = arith.constant 0 : i32
    %dma_wait3A_241 = arith.constant 0 : i32
    %dma_wait3A_242 = tpu.memref_slice %arg7[%dma_wait3A_236, %dma_wait3A_239, %dma_wait3A_240, %dma_wait3A_241] : memref<5x4x8x129xf32, #tpu.memory_space<vmem>> -> memref<1x4x8x128xf32, #tpu.memory_space<vmem>>
    %dma_wait3A_243 = tpu.memref_squeeze %dma_wait3A_242 : memref<1x4x8x128xf32, #tpu.memory_space<vmem>> -> memref<4x8x128xf32, #tpu.memory_space<vmem>>
    %dma_wait3A_244 = arith.constant 0 : i32
    %dma_wait3A_245 = arith.constant 0 : i32
    %dma_wait3A_246 = arith.constant 0 : i32
    %dma_wait3A_247 = tpu.memref_slice %arg4[%dma_wait3A_237, %dma_wait3A_244, %dma_wait3A_238, %dma_wait3A_245, %dma_wait3A_246] : memref<50x4x32x8x128xf32, #tpu.memory_space<hbm>> -> memref<1x4x1x8x128xf32, #tpu.memory_space<hbm>>
    %dma_wait3A_248 = tpu.memref_squeeze %dma_wait3A_247 : memref<1x4x1x8x128xf32, #tpu.memory_space<hbm>> -> memref<4x8x128xf32, #tpu.memory_space<hbm>>
    %dma_wait3A_249 = arith.constant 0 : i32
    %dma_wait3A_250 = arith.constant 0 : i32
    %dma_wait3A_251 = arith.constant 0 : i32
    %dma_wait3A_252 = tpu.memref_slice %arg4[%dma_wait3A_237, %dma_wait3A_249, %dma_wait3A_238, %dma_wait3A_250, %dma_wait3A_251] : memref<50x4x32x8x128xf32, #tpu.memory_space<hbm>> -> memref<1x4x1x8x128xf32, #tpu.memory_space<hbm>>
    %dma_wait3A_253 = tpu.memref_squeeze %dma_wait3A_252 : memref<1x4x1x8x128xf32, #tpu.memory_space<hbm>> -> memref<4x8x128xf32, #tpu.memory_space<hbm>>
    %dma_wait3A_254 = arith.constant 0 : i32
    %dma_wait3A_255 = arith.constant 0 : i32
    %dma_wait3A_256 = arith.constant 0 : i32
    %dma_wait3A_257 = tpu.memref_slice %arg7[%dma_wait3A_236, %dma_wait3A_254, %dma_wait3A_255, %dma_wait3A_256] : memref<5x4x8x129xf32, #tpu.memory_space<vmem>> -> memref<1x4x8x128xf32, #tpu.memory_space<vmem>>
    %dma_wait3A_258 = tpu.memref_squeeze %dma_wait3A_257 : memref<1x4x8x128xf32, #tpu.memory_space<vmem>> -> memref<4x8x128xf32, #tpu.memory_space<vmem>>
    tpu.wait_dma2 semaphore(%arg16 : memref<!tpu.dma_semaphore, #tpu.memory_space<semaphore_mem>>) src(%dma_wait3A_258 : memref<4x8x128xf32, #tpu.memory_space<vmem>>) dst(%dma_wait3A_253 : memref<4x8x128xf32, #tpu.memory_space<hbm>>)
    %dma_wait3A_259 = arith.constant 4 : i32
    %dma_wait3A_260 = arith.constant 0 : i32
    %dma_wait3A_261 = arith.constant 0 : i32
    %dma_wait3A_262 = arith.constant 0 : i32
    %dma_wait3A_263 = arith.constant 0 : i32
    %dma_wait3A_264 = arith.constant 0 : i32
    %dma_wait3A_265 = tpu.memref_slice %arg7[%dma_wait3A_259, %dma_wait3A_262, %dma_wait3A_263, %dma_wait3A_264] : memref<5x4x8x129xf32, #tpu.memory_space<vmem>> -> memref<1x4x8x128xf32, #tpu.memory_space<vmem>>
    %dma_wait3A_266 = tpu.memref_squeeze %dma_wait3A_265 : memref<1x4x8x128xf32, #tpu.memory_space<vmem>> -> memref<4x8x128xf32, #tpu.memory_space<vmem>>
    %dma_wait3A_267 = arith.constant 0 : i32
    %dma_wait3A_268 = arith.constant 0 : i32
    %dma_wait3A_269 = arith.constant 0 : i32
    %dma_wait3A_270 = tpu.memref_slice %arg4[%dma_wait3A_260, %dma_wait3A_267, %dma_wait3A_261, %dma_wait3A_268, %dma_wait3A_269] : memref<50x4x32x8x128xf32, #tpu.memory_space<hbm>> -> memref<1x4x1x8x128xf32, #tpu.memory_space<hbm>>
    %dma_wait3A_271 = tpu.memref_squeeze %dma_wait3A_270 : memref<1x4x1x8x128xf32, #tpu.memory_space<hbm>> -> memref<4x8x128xf32, #tpu.memory_space<hbm>>
    %dma_wait3A_272 = arith.constant 0 : i32
    %dma_wait3A_273 = arith.constant 0 : i32
    %dma_wait3A_274 = arith.constant 0 : i32
    %dma_wait3A_275 = tpu.memref_slice %arg4[%dma_wait3A_260, %dma_wait3A_272, %dma_wait3A_261, %dma_wait3A_273, %dma_wait3A_274] : memref<50x4x32x8x128xf32, #tpu.memory_space<hbm>> -> memref<1x4x1x8x128xf32, #tpu.memory_space<hbm>>
    %dma_wait3A_276 = tpu.memref_squeeze %dma_wait3A_275 : memref<1x4x1x8x128xf32, #tpu.memory_space<hbm>> -> memref<4x8x128xf32, #tpu.memory_space<hbm>>
    %dma_wait3A_277 = arith.constant 0 : i32
    %dma_wait3A_278 = arith.constant 0 : i32
    %dma_wait3A_279 = arith.constant 0 : i32
    %dma_wait3A_280 = tpu.memref_slice %arg7[%dma_wait3A_259, %dma_wait3A_277, %dma_wait3A_278, %dma_wait3A_279] : memref<5x4x8x129xf32, #tpu.memory_space<vmem>> -> memref<1x4x8x128xf32, #tpu.memory_space<vmem>>
    %dma_wait3A_281 = tpu.memref_squeeze %dma_wait3A_280 : memref<1x4x8x128xf32, #tpu.memory_space<vmem>> -> memref<4x8x128xf32, #tpu.memory_space<vmem>>
    tpu.wait_dma2 semaphore(%arg17 : memref<!tpu.dma_semaphore, #tpu.memory_space<semaphore_mem>>) src(%dma_wait3A_281 : memref<4x8x128xf32, #tpu.memory_space<vmem>>) dst(%dma_wait3A_276 : memref<4x8x128xf32, #tpu.memory_space<hbm>>)
    return
  }
}

</mosaic_0001>

<sc_bundles>
// kernel: kernel.3.cloned.1.call-start
scs
__scs_entry_jumppad:
0x0: {  	(pc) =	sbr.rel $0x88, $3  }
0x1: {  	(tag) =	ssettag $0x0;
	lr =	simm.s32 $0x1  }
0x2: {  	[smem:$0x3F9F] =	sst lr;
	_ =	strace $0xD0000000  }
0x3: {  	_ = 	snop  }
0x4: {  	_ = 	snop  }
0x5: {  	_ = 	snop  }
0x6: {  	_ = 	snop  }
0x7: {  	_ = 	snop  }
__scs_overlays_trampoline_lowered:
0x8: {  	[smem:$0x3FAE] =	sst s0  }
0x9: {  	[smem:$0x3FAF] =	sst s1  }
0xa: {  	[smem:$0x3FB0] =	sst s2  }
0xb: {  	[smem:$0x3FB1] =	sst s3  }
0xc: {  	[smem:$0x3FB2] =	sst s4  }
0xd: {  	[smem:$0x3FB3] =	sst s5  }
0xe: {  	[smem:$0x3FB4] =	sst s6  }
0xf: {  	[smem:$0x3FB5] =	sst s7  }
0x10: {  	[smem:$0x3FB6] =	sst s8  }
0x11: {  	[smem:$0x3FB7] =	sst s9;
	s0 =	simm.s32 @!p0 $0x0  }
0x12: {  	s1 =	sld [smem:$0x3F9D];
	s0 =	simm.s32 @p0 $0x1  }
0x13: {  	[smem:$0x3FB8] =	sst s0;
	s0 =	simm.s32 @!p1 $0x0  }
0x14: {  	s2 =	sld [smem:$0x3F9C];
	s0 =	simm.s32 @p1 $0x1  }
0x15: {  	[smem:$0x3FB9] =	sst s0;
	s0 =	simm.s32 @!p2 $0x0  }
0x16: {  	s3 =	sld [smem:$0x3FDB];
	s0 =	simm.s32 @p2 $0x1  }
0x17: {  	s4 =	simm.s32 $0x1BF5;
	[smem:$0x3FBB] =	sst s0  }
0x18: {  	s0 =	sld [smem:$0x3F9E];
	_ =	swait.ge [sflag:s4], $0x0  }
0x19: {  	s7 =	sld [smem:$0x3F9F]  }
0x1a: {  	s8 =	sadd.s32 $0xFFFFE003, lr  }
0x1b: {  	s9 =	sadd.s32 $0xFFFFFEF7, lr;
	s5 =	simm.s32 $0xFFFFFFFF;
	p2 =	slt.u32 s8, $0xFFFFF086  }
0x1c: {  	p1 =	slt.u32 s9, $0xF7A;
	s5 =	simm.s32 @!p2 $0x0  }
0x1d: {  	s5 =	simm.s32 @p1 $0x1;
	p0 =	seq.s32 s7, s2  }
0x1e: {  	s7 =	smul.u32 @!p0 $0xF7A, s2;
	p2 =	seq.s32 @!p0 s5, $0x0  }
0x1f: {  	s9 =	smul.u32 $0xF7A, s1;
	s8 =	simm.s32 @!p0 $0x1BF5;
	p2 =	por !p2, p0  }
0x20: {  	[sflag:s8] =	ssyncset.s32 @!p0 $0xFFFFF086;
	s6 =	sadd.s32 @!p0 s3, s7;
	s7 =	simm.s32 @!p0 $0x108  }
0x21: {  	s3 =	sadd.s32 s3, s9;
	s6 =	sadd.s32 @!p0 $0x88, s6;
	s7 =	simm.s32 @p2 $0x1082  }
0x22: {  	[simem:s7], [sflag:s8] =	dma.local @!p0 [hbm:s6], $0xF7A  }
0x23: {  	s9 =	sor.u32 $0xD0000000, s2;
	s6 =	simm.s32 $0x108;
	_ =	swait.ge @!p0 [sflag:s8], $0x0  }
0x24: {  	s3 =	sadd.s32 $0x88, s3;
	s6 =	simm.s32 @!p1 $0x1082;
	[sflag:s4] =	ssyncset.s32 $0xFFFFF086  }
0x25: {  	[simem:s6], [sflag:s4] =	dma.local [hbm:s3], $0xF7A  }
0x26: {  	[smem:$0x3F9F] =	sst s1;
	(tag) =	ssettag s2;
	_ =	strace s9  }
0x27: {  	s1 =	sld [smem:$0x3FAF]  }
0x28: {  	s2 =	sld [smem:$0x3FB0]  }
0x29: {  	s4 =	sld [smem:$0x3FB2]  }
0x2a: {  	p0 =	seq.s32 s5, $0x0;
	s5 =	sld [smem:$0x3FB3]  }
0x2b: {  	s6 =	sld [smem:$0x3FB4]  }
0x2c: {  	s7 =	sld [smem:$0x3FB5]  }
0x2d: {  	s3 =	simm.s32 $0x108;
	s8 =	sld [smem:$0x3FB6]  }
0x2e: {  	s3 =	simm.s32 @!p0 $0x1082;
	s9 =	sld [smem:$0x3FB7]  }
0x2f: {  	lr =	sadd.s32 s0, s3;
	s0 =	sld [smem:$0x3FAE]  }
0x30: {  	s3 =	sld [smem:$0x3FB1]  }
0x31: {  	[smem:$0x3FBA] =	sst s10  }
0x32: {  	s10 =	sld [smem:$0x3FB8];
	_ =	sdelay $0x3  }
0x33: {  	p0 =	seq.s32 s10, $0x1;
	s10 =	sld [smem:$0x3FBA];
	_ =	sdelay $0x3  }
0x34: {  	[smem:$0x3FBA] =	sst s10  }
0x35: {  	s10 =	sld [smem:$0x3FB9];
	_ =	sdelay $0x3  }
0x36: {  	p1 =	seq.s32 s10, $0x1;
	s10 =	sld [smem:$0x3FBA];
	_ =	sdelay $0x3  }
0x37: {  	[smem:$0x3FBA] =	sst s10  }
0x38: {  	s10 =	sld [smem:$0x3FBB]  }
0x39: {  	_ = 	snop;
	(pc) =	sbr.ind lr, $3  }
0x3a: {  	_ = 	snop  }
0x3b: {  	_ = 	snop  }
0x3c: {  	p2 =	seq.s32 s10, $0x1;
	s10 =	sld [smem:$0x3FBA]  }
0x3d: {  	_ =	shalt  }
0x3e: {  	_ =	shalt  }
0x3f: {  	_ =	shalt  }
0x40: {  	_ =	shalt  }
0x41: {  	_ =	shalt  }
0x42: {  	_ =	shalt  }
0x43: {  	_ =	shalt  }
0x44: {  	_ =	shalt  }
0x45: {  	_ =	shalt  }
0x46: {  	_ =	shalt  }
0x47: {  	_ =	shalt  }
0x48: {  	_ =	shalt  }
0x49: {  	_ =	shalt  }
0x4a: {  	_ =	shalt  }
0x4b: {  	_ =	shalt  }
0x4c: {  	_ =	shalt  }
0x4d: {  	_ =	shalt  }
0x4e: {  	_ =	shalt  }
0x4f: {  	_ =	shalt  }
0x50: {  	_ =	shalt  }
0x51: {  	_ =	shalt  }
0x52: {  	_ =	shalt  }
0x53: {  	_ =	shalt  }
0x54: {  	_ =	shalt  }
0x55: {  	_ =	shalt  }
0x56: {  	_ =	shalt  }
0x57: {  	_ =	shalt  }
0x58: {  	_ =	shalt  }
0x59: {  	_ =	shalt  }
0x5a: {  	_ =	shalt  }
0x5b: {  	_ =	shalt  }
0x5c: {  	_ =	shalt  }
0x5d: {  	_ =	shalt  }
0x5e: {  	_ =	shalt  }
0x5f: {  	_ =	shalt  }
0x60: {  	_ =	shalt  }
0x61: {  	_ =	shalt  }
0x62: {  	_ =	shalt  }
0x63: {  	_ =	shalt  }
0x64: {  	_ =	shalt  }
0x65: {  	_ =	shalt  }
0x66: {  	_ =	shalt  }
0x67: {  	_ =	shalt  }
0x68: {  	_ =	shalt  }
0x69: {  	_ =	shalt  }
0x6a: {  	_ =	shalt  }
0x6b: {  	_ =	shalt  }
0x6c: {  	_ =	shalt  }
0x6d: {  	_ =	shalt  }
0x6e: {  	_ =	shalt  }
0x6f: {  	_ =	shalt  }
0x70: {  	_ =	shalt  }
0x71: {  	_ =	shalt  }
0x72: {  	_ =	shalt  }
0x73: {  	_ =	shalt  }
0x74: {  	_ =	shalt  }
0x75: {  	_ =	shalt  }
0x76: {  	_ =	shalt  }
0x77: {  	_ =	shalt  }
0x78: {  	_ =	shalt  }
0x79: {  	_ =	shalt  }
0x7a: {  	_ =	shalt  }
0x7b: {  	_ =	shalt  }
0x7c: {  	_ =	shalt  }
0x7d: {  	_ =	shalt  }
0x7e: {  	_ =	shalt  }
0x7f: {  	_ =	shalt  }
0x80: {  	_ =	shalt  }
0x81: {  	_ =	shalt  }
0x82: {  	_ =	shalt  }
0x83: {  	_ =	shalt  }
0x84: {  	_ =	shalt  }
0x85: {  	_ =	shalt  }
0x86: {  	_ =	shalt  }
0x87: {  	_ =	shalt  }
.Lfunc_end0:
.L_simem_size_0:
called_computation_lowered:
.L_overlay_start_0:
0x88: {  	s2 =	sld [smem:$0x3FD9]  }
0x89: {  	s3 =	sld [smem:$0x3FFE];
	_ =	sdelay $0x1  }
0x8a: {  	s1 =	srdreg.scid  }
0x8b: {  	s0 =	sand.u32 $0x1, s1  }
0x8c: {  	s17 =	sshll.u32 s0, $0xA;
	s2 =	sadd.s32 s3, s2  }
0x8d: {  	s2 =	sadd.s32 s2, s17  }
0x8e: {  	[smem:$0x3FC6] =	sst s2  }
0x8f: {  	_ = 	snop  }
0x90: {  	s2 =	sld [smem:$0x3FD0];
	(tm) =	ssettm $0x1  }
0x91: {  	s18 =	sld [smem:$0x3FFB];
	_ =	sdelay $0x3  }
0x92: {  	_ =	strace s18  }
0x93: {  	s3 =	sld [smem:$0x3FFC];
	_ =	sdelay $0x3  }
0x94: {  	_ =	strace s3  }
0x95: {  	s3 =	sld [smem:$0x3FFD];
	_ =	sdelay $0x3  }
0x96: {  	_ =	strace s3  }
0x97: {  	_ =	strace $0x8FFFFFFF  }
0x98: {  	s19 =	sld [smem:$0x3FDB];
	_ =	sdelay $0x1  }
0x99: {  	s4 =	simm.s32 $_scs_section_size  }
0x9a: {  	s5 =	simm.s32 $_size__tile_overlayer_lowered;
	s6 =	simm.s32 $_tile_overlayer_lowered  }
0x9b: {  	s22 =	simm.s32 $0x1BFF;
	s21 =	sshll.u32 s6, $0x1;
	s3 =	sadd.s32 s4, s19  }
0x9c: {  	s7 =	simm.s32 $0x0;
	s20 =	sshll.u32 s5, $0x1;
	s5 =	sadd.s32 s21, s3  }
0x9d: {  	[timem:s7], [sflag:s22] =	dma.local [hbm:s5], s20  }
0x9e: {  	_ =	swait.ge [sflag:s22], s20  }
0x9f: {  	s4 =	ssub.s32 $0x0, s20;
	[sflag:s22] =	ssyncset.done $0x0  }
0xa0: {  	[sflag:s22] =	ssyncadd.s32 s4;
	_ =	sdelay $0x1  }
0xa1: {  	s23 =	simm.s32 $0x1B8B  }
0xa2: {  	_ =	swait.ge [sflag:s23], $0x1  }
0xa3: {  	[sflag:s23] =	ssyncset.done $0x0  }
0xa4: {  	s25 =	simm.s32 $0x1B8E;
	s24 =	sld [smem:$0x3FFE];
	[sflag:s23] =	ssyncadd.s32 $0xFFFFFFFF  }
0xa5: {  	s26 =	simm.s32 $execute0_lowered;
	[smem:$0x3FD2] =	sst s25  }
0xa6: {  	s5 =	sshll.u32 s26, $0x1;
	_ =	strace $0x80000046;
	[dreg:$0x1] =	wrdreg $0xFFFFFFFF  }
0xa7: {  	s28 =	simm.s32 $_size_execute0_lowered;
	s3 =	sadd.s32 s3, s5;
	[dreg:$0x0] =	wrdreg $0x0  }
0xa8: {  	s5 =	sshll.u32 s28, $0x1;
	[dreg:$0x2] =	wrdreg s3  }
0xa9: {  	[dreg:$0x3] =	wrdreg s5  }
0xaa: {  	[dreg:$0x4] =	wrdreg $0xC0  }
0xab: {  	_ =	task [dreg:s7], $0x5FFFF  }
0xac: {  	[dreg:$0x1] =	wrdreg $0xFFFFFFFF  }
0xad: {  	[dreg:$0x0] =	wrdreg $0x60  }
0xae: {  	[dreg:$0x2] =	wrdreg s24  }
0xaf: {  	[dreg:$0x3] =	wrdreg s2  }
0xb0: {  	[dreg:$0x4] =	wrdreg $0x9  }
0xb1: {  	_ =	task.clear_ibuf [dreg:s7], $0x5FFFF;
	_ =	strace $0x90000046  }
0xb2: {  	s29 =	simm.s32 $0x9;
	_ =	strace $0x80000048  }
0xb3: {  	_ =	swait.ge [sflag:s29], $0x1  }
0xb4: {  	[sflag:s29] =	ssyncadd.s32 $0xFFFFFFFF  }
0xb5: {  	_ =	strace $0x90000048  }
0xb6: {  	_ =	sfence  }
0xb7: {  	s30 =	sld [smem:$0x0];
	_ =	sdelay $0x2  }
0xb8: {  	s31 =	sshll.u32 s1, $0xD;
	s1 =	sshrl.u32 s1, $0x2  }
0xb9: {  	s3 =	sand.u32 $0x4000, s31;
	s1 =	sadd.s32 s1, s30  }
0xba: {  	s0 =	sor.u32 s3, s0;
	s1 =	sshll.u32 s1, $0x11  }
0xbb: {  	s0 =	sor.u32 s1, s0  }
0xbc: {  	s0 =	sadd.s32 $0x8F2B, s0  }
0xbd: {  	[sflag:s0] =	ssyncadd.remote.s32 $0x1  }
0xbe: {  	_ =	sfence.sel $0xFFFF  }
0xbf: {  	[dreg:$0x0] =	wrdreg $0xFFFFFFFF;
	(pc) =	sbr.abs _section_cstart, $3  }
0xc0: {  	[dreg:$0x1] =	wrdreg $0xFFFFFFFF  }
0xc1: {  	_ =	task.clear_ibuf [dreg:s7], $0x2FFFF;
	_ =	strace $0x9FFFFFFF  }
0xc2: {  	(tm) =	ssettm $0x7FFFFFFF  }
0xc3: {  	_ =	shalt  }
tec
execute0_lowered:
.L_overlay_start_1:
0x0: {  	(tag) =	ssettag $0x1  }
0x1: {  	s0 =	rddreg [dreg:$0x0];
	s1 =	srdreg.scid  }
0x2: {  	s3 =	stileid.u32;
	s2 =	rddreg [dreg:$0x1];
	s22 =	simm.s32 $0x1  }
0x3: {  	s23 =	simm.s32 $0x6900;
	s15 =	simm.s32 $0x2;
	s16 =	simm.s32 $0x7A00  }
0x4: {  	s28 =	simm.s32 $0x3;
	s29 =	simm.s32 $0x8B00;
	s24 =	simm.s32 $0x4  }
0x5: {  	s30 =	simm.s32 $0x5;
	s31 =	simm.s32 $0xAD00;
	s14 =	simm.s32 $0xBC68  }
0x6: {  	s17 =	simm.s32 $0xBCF0;
	s1 =	sand.u32 $0x1, s1;
	s4 =	sshll.u32 s3, $0x1  }
0x7: {  	s18 =	simm.s32 $0xBD78;
	s3 =	simm.s32 $0x0;
	s5 =	sor.u32 s1, s4  }
0x8: {  	[smem:$0x7FF] =	sst s3;
	s1 =	ssub.s32 $0x2, s1;
	s4 =	smul.u32 $0x320, s5  }
0x9: {  	s12 =	simm.s32 $0x0;
	_ =	strace $0x80000047;
	s25 =	sshrl.u32 s1, $0x1  }
0xa: {  	s6 =	sadd.s32 s4, s0;
	s4 =	sadd.s32 $0xF42A00, s0;
	s0 =	ssub.s32 s1, s25  }
0xb: {  	v0 =	vlaneseq.u32;
	s25 =	simm.s32 $0x9C00;
	s1 =	simm.s32 $0xBB58;
	s26 =	sadd.s32 $0x600, s6  }
0xc: {  	v0 =	vmul.u32 $0x88, v0;
	s6 =	sshll.u32 s5, $0xA;
	s0 =	smax.u32 s0, $0x1;
	[dreg:$0x3] =	wrdreg s26  }
0xd: {  	s7 =	sor.u32 $0x20000, s6;
	s8 =	sor.u32 $0x40000, s6;
	s9 =	sor.u32 $0x60000, s6  }
0xe: {  	v1 =	vadd.s32 $0x880, v0;
	s10 =	sor.u32 $0x80000, s6;
	[dreg:$0x4] =	wrdreg s0;
	s0 =	simm.s32 $0xBBE0  }
.LBB2_1:
0xf: {  	[dreg:$0x5] =	wrdreg s12  }
0x10: {  	s5 =	rddreg [dreg:$0x3];
	s21 =	simm.s32 $0xB  }
0x11: {  	[tilespmem:s3], [sflag:$0xB] =	stream.linear.gather [hbm4b:s5+s3], $0x1900, $0x38;
	[tilespmem:$0xBE00] =	vst v63  }
0x12: {  	_ =	swait.ge [sflag:s21], $0x1900  }
0x13: {  	[sflag:s21] =	ssyncset.done $0x0  }
0x14: {  	s11 =	simm.s32 $0x1900;
	s5 =	simm.s32 $0x80;
	[sflag:s21] =	ssyncadd.s32 $0xFFFFE700  }
0x15: {  	[tilespmem:s11], [sflag:$0x1] =	stream.indirect.gather [hbm4b:s4+s5], $0x20, s3, s5, $0xb8;
	[tilespmem:$0xBE00] =	vst v63  }
0x16: {  	s26 =	simm.s32 $0x2900  }
0x17: {  	[tilespmem:s26], [sflag:$0x2] =	stream.indirect.gather [hbm4b:s4+s5], $0x20, s5, s5, $0xb8;
	[tilespmem:$0xBE00] =	vst v63  }
0x18: {  	s12 =	simm.s32 $0x100;
	s13 =	simm.s32 $0x3900  }
0x19: {  	[tilespmem:s13], [sflag:$0x3] =	stream.indirect.gather [hbm4b:s4+s5], $0x20, s12, s5, $0xb8;
	[tilespmem:$0xBE00] =	vst v63  }
0x1a: {  	s19 =	simm.s32 $0x180;
	s20 =	simm.s32 $0x4900  }
0x1b: {  	[tilespmem:s20], [sflag:$0x4] =	stream.indirect.gather [hbm4b:s4+s5], $0x20, s19, s5, $0xb8;
	[tilespmem:$0xBE00] =	vst v63  }
0x1c: {  	s21 =	simm.s32 $0x200;
	s26 =	simm.s32 $0x5900;
	s19 =	simm.s32 $0x0  }
0x1d: {  	[tilespmem:s26], [sflag:$0x5] =	stream.indirect.gather [hbm4b:s4+s5], $0x20, s21, s5, $0xb8;
	[tilespmem:$0xBE00] =	vst v63  }
.LBB2_2:
0x1e: {  	_ =	swait.ge [sflag:s22], $0x1000  }
0x1f: {  	p1 =	seq.s32 s19, $0x0;
	[sflag:s22] =	ssyncset.done $0x0  }
0x20: {  	s5 =	simm.s32 @!p1 $0x6;
	[sflag:s22] =	ssyncadd.s32 $0xFFFFF000  }
0x21: {  	_ =	swait.ge @!p1 [sflag:s5], $0x1000  }
0x22: {  	[sflag:s5] =	ssyncset.done @!p1 $0x0  }
0x23: {  	s20 =	simm.s32 $0x1940;
	[sflag:s5] =	ssyncadd.s32 @!p1 $0xFFFFF000  }
0x24: {  	v2 =	vld [tilespmem:s20+$0xFFFFFFC0]  }
0x25: {  	v3 =	vld [tilespmem:s20+$0xFFFFFFD0]  }
0x26: {  	s13 =	simm.s32 $0x0;
	s21 =	simm.s32 $0x1;
	s11 =	simm.s32 $0x2;
	v6 =	vld [tilespmem:s20+$0xFFFFFFE0]  }
0x27: {  	s26 =	simm.s32 $0x3;
	v4 =	vmov s13;
	v5 =	vmov s21;
	v8 =	vmov s11;
	v9 =	vld [tilespmem:s20+$0xFFFFFFF0]  }
0x28: {  	v11 =	vmov s26;
	v4 =	vand.u32 $0x7C, v4;
	v5 =	vand.u32 $0x7D, v5;
	v10 =	vld [tilespmem:s20+$0x0]  }
0x29: {  	v8 =	vand.u32 $0x7E, v8;
	v17 =	vadd.s32 v0, v4;
	v15 =	vadd.s32 v1, v4;
	v4 =	vld [tilespmem:s20+$0x20]  }
0x2a: {  	v18 =	vand.u32 $0x7F, v11;
	v16 =	vadd.s32 v0, v5;
	v13 =	vadd.s32 v1, v5;
	v5 =	vld [tilespmem:s20+$0x30]  }
0x2b: {  	v14 =	vadd.s32 v0, v8;
	v12 =	vadd.s32 v1, v8;
	v7 =	vld [tilespmem:s20+$0x10];
	v19 =	vmul.f32 v2, v2  }
0x2c: {  	v11 =	vadd.s32 v0, v18;
	v20 =	vmul.f32 v3, v3;
	v21 =	vmul.f32 v6, v6  }
0x2d: {  	v8 =	vadd.s32 v1, v18;
	v22 =	vmul.f32 v9, v9;
	v23 =	vmul.f32 v10, v10  }
0x2e: {  	v24 =	vmul.f32 v4, v4;
	v18 =	vadd.f32 v19, v2;
	v19 =	vadd.f32 v20, v3  }
0x2f: {  	v25 =	vmul.f32 v5, v5;
	v21 =	vadd.f32 v21, v6;
	v22 =	vadd.f32 v22, v9  }
0x30: {  	v20 =	vmul.f32 v7, v7;
	v23 =	vadd.f32 v23, v10;
	v24 =	vadd.f32 v24, v4  }
0x31: {  	v25 =	vadd.f32 v25, v5;
	v18 =	vmul.f32 v18, v18;
	v19 =	vmul.f32 v19, v19  }
0x32: {  	v20 =	vadd.f32 v20, v7;
	v21 =	vmul.f32 v21, v21;
	v22 =	vmul.f32 v22, v22  }
0x33: {  	v24 =	vmul.f32 v24, v24;
	v26 =	vadd.f32 v18, v2;
	v18 =	vmul.f32 v23, v23  }
0x34: {  	v20 =	vmul.f32 v20, v20;
	v27 =	vadd.f32 v19, v3;
	v21 =	vadd.f32 v21, v6  }
0x35: {  	v25 =	vmul.f32 v25, v25;
	v22 =	vadd.f32 v22, v9;
	v18 =	vadd.f32 v18, v10  }
0x36: {  	v23 =	vadd.f32 v20, v7;
	v19 =	vmul.f32 v26, v26;
	v20 =	vmul.f32 v27, v27  }
0x37: {  	s5 =	simm.s32 $0x4;
	v24 =	vadd.f32 v24, v4;
	v21 =	vmul.f32 v21, v21;
	v22 =	vmul.f32 v22, v22  }
.LBB2_3:
0x38: {  	p0 =	sne.s32 s5, $0x7C;
	v25 =	vadd.f32 v25, v5;
	v18 =	vmul.f32 v18, v18;
	v23 =	vmul.f32 v23, v23  }
0x39: {  	v19 =	vadd.f32 v19, v2;
	v20 =	vadd.f32 v20, v3;
	v24 =	vmul.f32 v24, v24  }
0x3a: {  	v21 =	vadd.f32 v21, v6;
	v22 =	vadd.f32 v22, v9;
	v25 =	vmul.f32 v25, v25  }
0x3b: {  	v18 =	vadd.f32 v18, v10;
	v23 =	vadd.f32 v23, v7;
	v19 =	vmul.f32 v19, v19  }
0x3c: {  	v20 =	vmul.f32 v20, v20;
	v24 =	vadd.f32 v24, v4;
	v21 =	vmul.f32 v21, v21  }
0x3d: {  	v22 =	vmul.f32 v22, v22;
	v25 =	vadd.f32 v25, v5;
	v18 =	vmul.f32 v18, v18  }
0x3e: {  	v19 =	vadd.f32 v19, v2;
	v20 =	vadd.f32 v20, v3;
	v23 =	vmul.f32 v23, v23  }
0x3f: {  	v21 =	vadd.f32 v21, v6;
	v22 =	vadd.f32 v22, v9;
	v24 =	vmul.f32 v24, v24  }
0x40: {  	v18 =	vadd.f32 v18, v10;
	v23 =	vadd.f32 v23, v7;
	v25 =	vmul.f32 v25, v25  }
0x41: {  	v19 =	vmul.f32 v19, v19;
	v20 =	vmul.f32 v20, v20;
	v24 =	vadd.f32 v24, v4  }
0x42: {  	v21 =	vmul.f32 v21, v21;
	v22 =	vmul.f32 v22, v22;
	v25 =	vadd.f32 v25, v5  }
0x43: {  	v19 =	vadd.f32 v19, v2;
	v18 =	vmul.f32 v18, v18;
	v23 =	vmul.f32 v23, v23  }
0x44: {  	v20 =	vadd.f32 v20, v3;
	v21 =	vadd.f32 v21, v6;
	v24 =	vmul.f32 v24, v24  }
0x45: {  	v22 =	vadd.f32 v22, v9;
	v18 =	vadd.f32 v18, v10;
	v25 =	vmul.f32 v25, v25  }
0x46: {  	v23 =	vadd.f32 v23, v7;
	v19 =	vmul.f32 v19, v19;
	v20 =	vmul.f32 v20, v20  }
0x47: {  	v24 =	vadd.f32 v24, v4;
	v21 =	vmul.f32 v21, v21;
	v22 =	vmul.f32 v22, v22  }
0x48: {  	v25 =	vadd.f32 v25, v5;
	v18 =	vmul.f32 v18, v18;
	v23 =	vmul.f32 v23, v23  }
0x49: {  	v19 =	vadd.f32 v19, v2;
	v20 =	vadd.f32 v20, v3;
	v24 =	vmul.f32 v24, v24  }
0x4a: {  	v21 =	vadd.f32 v21, v6;
	v22 =	vadd.f32 v22, v9;
	v25 =	vmul.f32 v25, v25  }
0x4b: {  	v18 =	vadd.f32 v18, v10;
	v23 =	vadd.f32 v23, v7;
	v19 =	vmul.f32 v19, v19  }
0x4c: {  	v20 =	vmul.f32 v20, v20;
	v24 =	vadd.f32 v24, v4;
	v21 =	vmul.f32 v21, v21  }
0x4d: {  	v22 =	vmul.f32 v22, v22;
	v25 =	vadd.f32 v25, v5;
	v18 =	vmul.f32 v18, v18  }
0x4e: {  	v19 =	vadd.f32 v19, v2;
	v20 =	vadd.f32 v20, v3;
	v23 =	vmul.f32 v23, v23  }
0x4f: {  	v21 =	vadd.f32 v21, v6;
	v22 =	vadd.f32 v22, v9;
	v24 =	vmul.f32 v24, v24  }
0x50: {  	v18 =	vadd.f32 v18, v10;
	v23 =	vadd.f32 v23, v7;
	v25 =	vmul.f32 v25, v25  }
0x51: {  	v19 =	vmul.f32 v19, v19;
	v20 =	vmul.f32 v20, v20;
	v24 =	vadd.f32 v24, v4  }
0x52: {  	v21 =	vmul.f32 v21, v21;
	v22 =	vmul.f32 v22, v22;
	v25 =	vadd.f32 v25, v5  }
0x53: {  	v19 =	vadd.f32 v19, v2;
	v18 =	vmul.f32 v18, v18;
	v23 =	vmul.f32 v23, v23  }
0x54: {  	v20 =	vadd.f32 v20, v3;
	v24 =	vmul.f32 v24, v24;
	v25 =	vmul.f32 v25, v25  }
0x55: {  	v21 =	vadd.f32 v21, v6;
	v22 =	vadd.f32 v22, v9;
	v19 =	vmul.f32 v19, v19  }
0x56: {  	v18 =	vadd.f32 v18, v10;
	v23 =	vadd.f32 v23, v7;
	v20 =	vmul.f32 v20, v20  }
0x57: {  	v24 =	vadd.f32 v24, v4;
	v2 =	vadd.f32 v19, v2;
	v19 =	vmul.f32 v21, v21  }
0x58: {  	v21 =	vadd.f32 v25, v5;
	v3 =	vadd.f32 v20, v3;
	v20 =	vmul.f32 v22, v22  }
0x59: {  	s20 =	sadd.s32 $0x80, s20;
	v18 =	vmul.f32 v18, v18;
	v6 =	vadd.f32 v19, v6;
	[tilespmem:v17+s23+$0x0] =	vst.idx.msk $0xffff, v2  }
0x5a: {  	v9 =	vadd.f32 v20, v9;
	v17 =	vmul.f32 v23, v23;
	v2 =	vld [tilespmem:s20+$0xFFFFFFC0];
	[tilespmem:v15+s23+$0x0] =	vst.idx.msk $0xffff, v3  }
0x5b: {  	v10 =	vadd.f32 v18, v10;
	v18 =	vmul.f32 v24, v24;
	v15 =	vmov s5;
	v3 =	vld [tilespmem:s20+$0xFFFFFFD0];
	[tilespmem:v16+s23+$0x0] =	vst.idx.msk $0xffff, v6  }
0x5c: {  	s11 =	sadd.s32 $0x1, s5;
	s21 =	sadd.s32 $0x2, s5;
	v15 =	vand.u32 $0x7C, v15;
	v7 =	vadd.f32 v17, v7;
	v16 =	vmul.f32 v21, v21;
	v6 =	vld [tilespmem:s20+$0xFFFFFFE0];
	[tilespmem:v13+s23+$0x0] =	vst.idx.msk $0xffff, v9  }
0x5d: {  	v19 =	vmov s21;
	v4 =	vadd.f32 v18, v4;
	v13 =	vmov s11;
	s11 =	sadd.s32 $0x3, s5;
	v9 =	vld [tilespmem:s20+$0xFFFFFFF0];
	[tilespmem:v14+s23+$0x0] =	vst.idx.msk $0xffff, v10  }
0x5e: {  	v17 =	vadd.s32 v0, v15;
	v14 =	vmov s11;
	v5 =	vadd.f32 v16, v5;
	v10 =	vld [tilespmem:s20+$0x0];
	[tilespmem:v12+s23+$0x0] =	vst.idx.msk $0xffff, v7  }
0x5f: {  	v18 =	vand.u32 $0x7E, v19;
	v15 =	vadd.s32 v1, v15;
	v12 =	vand.u32 $0x7D, v13;
	v7 =	vld [tilespmem:s20+$0x10];
	[tilespmem:v11+s23+$0x0] =	vst.idx.msk $0xffff, v4  }
0x60: {  	v19 =	vand.u32 $0x7F, v14;
	v16 =	vadd.s32 v0, v12;
	v13 =	vadd.s32 v1, v12;
	v4 =	vld [tilespmem:s20+$0x20];
	[tilespmem:v8+s23+$0x0] =	vst.idx.msk $0xffff, v5  }
0x61: {  	v14 =	vadd.s32 v0, v18;
	v20 =	vmul.f32 v2, v2;
	v12 =	vadd.s32 v1, v18;
	v5 =	vld [tilespmem:s20+$0x30]  }
0x62: {  	v11 =	vadd.s32 v0, v19;
	v18 =	vmul.f32 v3, v3;
	v21 =	vmul.f32 v6, v6  }
0x63: {  	v8 =	vadd.s32 v1, v19;
	v22 =	vmul.f32 v9, v9;
	v23 =	vmul.f32 v10, v10  }
0x64: {  	v19 =	vadd.f32 v20, v2;
	v18 =	vadd.f32 v18, v3;
	v20 =	vmul.f32 v7, v7  }
0x65: {  	v21 =	vadd.f32 v21, v6;
	v22 =	vadd.f32 v22, v9;
	v24 =	vmul.f32 v4, v4  }
0x66: {  	v23 =	vadd.f32 v23, v10;
	v20 =	vadd.f32 v20, v7;
	v25 =	vmul.f32 v5, v5  }
0x67: {  	v19 =	vmul.f32 v19, v19;
	v18 =	vmul.f32 v18, v18;
	v24 =	vadd.f32 v24, v4  }
0x68: {  	v21 =	vmul.f32 v21, v21;
	v22 =	vmul.f32 v22, v22;
	v25 =	vadd.f32 v25, v5  }
.Ltmp0:
0x69: {  	v19 =	vadd.f32 v19, v2;
	v23 =	vmul.f32 v23, v23;
	v20 =	vmul.f32 v20, v20;
	(pc) =	sbr.rel @p0 .LBB2_3-.Ltmp0, $4  }
0x6a: {  	v26 =	vadd.f32 v18, v3;
	v21 =	vadd.f32 v21, v6;
	v24 =	vmul.f32 v24, v24  }
0x6b: {  	v22 =	vadd.f32 v22, v9;
	v18 =	vadd.f32 v23, v10;
	v25 =	vmul.f32 v25, v25  }
0x6c: {  	v19 =	vmul.f32 v19, v19;
	v23 =	vadd.f32 v20, v7;
	v20 =	vmul.f32 v26, v26  }
0x6d: {  	s5 =	sadd.s32 $0x4, s5;
	v21 =	vmul.f32 v21, v21;
	v22 =	vmul.f32 v22, v22;
	v24 =	vadd.f32 v24, v4  }
0x6e: {  	v25 =	vadd.f32 v25, v5;
	v18 =	vmul.f32 v18, v18;
	v23 =	vmul.f32 v23, v23  }
0x6f: {  	v19 =	vadd.f32 v19, v2;
	v20 =	vadd.f32 v20, v3;
	v24 =	vmul.f32 v24, v24  }
0x70: {  	v21 =	vadd.f32 v21, v6;
	v22 =	vadd.f32 v22, v9;
	v25 =	vmul.f32 v25, v25  }
0x71: {  	v18 =	vadd.f32 v18, v10;
	v23 =	vadd.f32 v23, v7;
	v19 =	vmul.f32 v19, v19  }
0x72: {  	v20 =	vmul.f32 v20, v20;
	v24 =	vadd.f32 v24, v4;
	v21 =	vmul.f32 v21, v21  }
0x73: {  	v22 =	vmul.f32 v22, v22;
	v25 =	vadd.f32 v25, v5;
	v18 =	vmul.f32 v18, v18  }
0x74: {  	v19 =	vadd.f32 v19, v2;
	v20 =	vadd.f32 v20, v3;
	v23 =	vmul.f32 v23, v23  }
0x75: {  	v21 =	vadd.f32 v21, v6;
	v22 =	vadd.f32 v22, v9;
	v24 =	vmul.f32 v24, v24  }
0x76: {  	v18 =	vadd.f32 v18, v10;
	v23 =	vadd.f32 v23, v7;
	v25 =	vmul.f32 v25, v25  }
0x77: {  	v19 =	vmul.f32 v19, v19;
	v20 =	vmul.f32 v20, v20;
	v24 =	vadd.f32 v24, v4  }
0x78: {  	v21 =	vmul.f32 v21, v21;
	v22 =	vmul.f32 v22, v22;
	v25 =	vadd.f32 v25, v5  }
0x79: {  	v19 =	vadd.f32 v19, v2;
	v18 =	vmul.f32 v18, v18;
	v23 =	vmul.f32 v23, v23  }
0x7a: {  	v20 =	vadd.f32 v20, v3;
	v21 =	vadd.f32 v21, v6;
	v24 =	vmul.f32 v24, v24  }
0x7b: {  	v22 =	vadd.f32 v22, v9;
	v18 =	vadd.f32 v18, v10;
	v25 =	vmul.f32 v25, v25  }
0x7c: {  	v23 =	vadd.f32 v23, v7;
	v19 =	vmul.f32 v19, v19;
	v20 =	vmul.f32 v20, v20  }
0x7d: {  	v24 =	vadd.f32 v24, v4;
	v21 =	vmul.f32 v21, v21;
	v22 =	vmul.f32 v22, v22  }
0x7e: {  	v25 =	vadd.f32 v25, v5;
	v18 =	vmul.f32 v18, v18;
	v23 =	vmul.f32 v23, v23  }
0x7f: {  	v19 =	vadd.f32 v19, v2;
	v20 =	vadd.f32 v20, v3;
	v24 =	vmul.f32 v24, v24  }
0x80: {  	v21 =	vadd.f32 v21, v6;
	v22 =	vadd.f32 v22, v9;
	v25 =	vmul.f32 v25, v25  }
0x81: {  	v18 =	vadd.f32 v18, v10;
	v23 =	vadd.f32 v23, v7;
	v19 =	vmul.f32 v19, v19  }
0x82: {  	v20 =	vmul.f32 v20, v20;
	v24 =	vadd.f32 v24, v4;
	v21 =	vmul.f32 v21, v21  }
0x83: {  	v22 =	vmul.f32 v22, v22;
	v25 =	vadd.f32 v25, v5;
	v18 =	vmul.f32 v18, v18  }
0x84: {  	v19 =	vadd.f32 v19, v2;
	v20 =	vadd.f32 v20, v3;
	v23 =	vmul.f32 v23, v23  }
0x85: {  	v21 =	vadd.f32 v21, v6;
	v22 =	vadd.f32 v22, v9;
	v24 =	vmul.f32 v24, v24  }
0x86: {  	v18 =	vadd.f32 v18, v10;
	v23 =	vadd.f32 v23, v7;
	v25 =	vmul.f32 v25, v25  }
0x87: {  	v19 =	vmul.f32 v19, v19;
	v20 =	vmul.f32 v20, v20;
	v24 =	vadd.f32 v24, v4  }
0x88: {  	v21 =	vmul.f32 v21, v21;
	v22 =	vmul.f32 v22, v22;
	v25 =	vadd.f32 v25, v5  }
0x89: {  	v19 =	vadd.f32 v19, v2;
	v18 =	vmul.f32 v18, v18;
	v23 =	vmul.f32 v23, v23  }
0x8a: {  	v20 =	vadd.f32 v20, v3;
	v24 =	vmul.f32 v24, v24;
	v21 =	vadd.f32 v21, v6  }
0x8b: {  	v22 =	vadd.f32 v22, v9;
	v25 =	vmul.f32 v25, v25;
	v19 =	vmul.f32 v19, v19  }
0x8c: {  	v18 =	vadd.f32 v18, v10;
	v23 =	vadd.f32 v23, v7;
	v20 =	vmul.f32 v20, v20  }
0x8d: {  	v24 =	vadd.f32 v24, v4;
	v2 =	vadd.f32 v19, v2;
	v19 =	vmul.f32 v21, v21  }
0x8e: {  	v21 =	vadd.f32 v25, v5;
	v3 =	vadd.f32 v20, v3;
	v20 =	vmul.f32 v22, v22  }
0x8f: {  	v18 =	vmul.f32 v18, v18;
	v6 =	vadd.f32 v19, v6;
	[tilespmem:v17+s23+$0x0] =	vst.idx.msk $0xffff, v2  }
0x90: {  	v2 =	vadd.f32 v20, v9;
	v9 =	vmul.f32 v23, v23;
	[tilespmem:v15+s23+$0x0] =	vst.idx.msk $0xffff, v3  }
0x91: {  	v3 =	vadd.f32 v18, v10;
	v10 =	vmul.f32 v24, v24;
	[tilespmem:v16+s23+$0x0] =	vst.idx.msk $0xffff, v6  }
0x92: {  	p0 =	seq.s32 s19, $0x9;
	v6 =	vadd.f32 v9, v7;
	v7 =	vmul.f32 v21, v21;
	[tilespmem:v13+s23+$0x0] =	vst.idx.msk $0xffff, v2  }
0x93: {  	s5 =	smul.u32 @!p0 $0xA00, s19;
	v2 =	vadd.f32 v10, v4;
	[tilespmem:v14+s23+$0x0] =	vst.idx.msk $0xffff, v3  }
0x94: {  	v3 =	vadd.f32 v7, v5;
	[tilespmem:v12+s23+$0x0] =	vst.idx.msk $0xffff, v6  }
0x95: {  	s21 =	smul.u32 $0xA0000, s19;
	s20 =	sshra.s32 @!p0 s5, $0x2;
	[tilespmem:v11+s23+$0x0] =	vst.idx.msk $0xffff, v2  }
0x96: {  	s11 =	simm.s32 @!p0 $0x80;
	s12 =	simm.s32 @!p0 $0x1900;
	s5 =	sadd.s32 @!p0 $0x280, s20;
	[tilespmem:v8+s23+$0x0] =	vst.idx.msk $0xffff, v3  }
0x97: {  	[tilespmem:s12], [sflag:$0x1] =	stream.indirect.gather @!p0 [hbm4b:s4+s11], $0x20, s5, s11, $0xb8;
	[tilespmem:$0xBE00] =	vst v63  }
0x98: {  	s12 =	sor.u32 s6, s21  }
0x99: {  	s5 =	sshrl.u32 s12, $0x3  }
0x9a: {  	s5 =	sadd.s32 s2, s5  }
0x9b: {  	[hbm4b:s5+s3] =	stream.linear.scatter [tilespmem:s23], [sflag:$0x6], $0x80, $0x38;
	[tilespmem:$0xBE00] =	vst v63  }
0x9c: {  	s26 =	simm.s32 $0x6988;
	s13 =	sadd.s32 $0x10, s5  }
0x9d: {  	[hbm4b:s13+s3] =	stream.linear.scatter [tilespmem:s26], [sflag:$0x6], $0x80, $0x38;
	[tilespmem:$0xBE00] =	vst v63  }
0x9e: {  	s13 =	sadd.s32 $0x20, s5;
	s26 =	simm.s32 $0x6A10  }
0x9f: {  	[hbm4b:s13+s3] =	stream.linear.scatter [tilespmem:s26], [sflag:$0x6], $0x80, $0x38;
	[tilespmem:$0xBE00] =	vst v63  }
0xa0: {  	s13 =	sadd.s32 $0x30, s5;
	s26 =	simm.s32 $0x6A98  }
0xa1: {  	[hbm4b:s13+s3] =	stream.linear.scatter [tilespmem:s26], [sflag:$0x6], $0x80, $0x38;
	[tilespmem:$0xBE00] =	vst v63  }
0xa2: {  	s13 =	sadd.s32 $0x40, s5;
	s26 =	simm.s32 $0x6B20  }
0xa3: {  	[hbm4b:s13+s3] =	stream.linear.scatter [tilespmem:s26], [sflag:$0x6], $0x80, $0x38;
	[tilespmem:$0xBE00] =	vst v63  }
0xa4: {  	s13 =	sadd.s32 $0x50, s5;
	s26 =	simm.s32 $0x6BA8  }
0xa5: {  	[hbm4b:s13+s3] =	stream.linear.scatter [tilespmem:s26], [sflag:$0x6], $0x80, $0x38;
	[tilespmem:$0xBE00] =	vst v63  }
0xa6: {  	s13 =	sadd.s32 $0x60, s5;
	s26 =	simm.s32 $0x6C30  }
0xa7: {  	[hbm4b:s13+s3] =	stream.linear.scatter [tilespmem:s26], [sflag:$0x6], $0x80, $0x38;
	[tilespmem:$0xBE00] =	vst v63  }
0xa8: {  	s13 =	sadd.s32 $0x70, s5;
	s26 =	simm.s32 $0x6CB8  }
0xa9: {  	[hbm4b:s13+s3] =	stream.linear.scatter [tilespmem:s26], [sflag:$0x6], $0x80, $0x38;
	[tilespmem:$0xBE00] =	vst v63  }
0xaa: {  	s13 =	sadd.s32 $0x1000, s5;
	s26 =	simm.s32 $0x6D40  }
0xab: {  	[hbm4b:s13+s3] =	stream.linear.scatter [tilespmem:s26], [sflag:$0x6], $0x80, $0x38;
	[tilespmem:$0xBE00] =	vst v63  }
0xac: {  	s13 =	sadd.s32 $0x1010, s5;
	s26 =	simm.s32 $0x6DC8  }
0xad: {  	[hbm4b:s13+s3] =	stream.linear.scatter [tilespmem:s26], [sflag:$0x6], $0x80, $0x38;
	[tilespmem:$0xBE00] =	vst v63  }
0xae: {  	s13 =	sadd.s32 $0x1020, s5;
	s26 =	simm.s32 $0x6E50  }
0xaf: {  	[hbm4b:s13+s3] =	stream.linear.scatter [tilespmem:s26], [sflag:$0x6], $0x80, $0x38;
	[tilespmem:$0xBE00] =	vst v63  }
0xb0: {  	s13 =	sadd.s32 $0x1030, s5;
	s26 =	simm.s32 $0x6ED8  }
0xb1: {  	[hbm4b:s13+s3] =	stream.linear.scatter [tilespmem:s26], [sflag:$0x6], $0x80, $0x38;
	[tilespmem:$0xBE00] =	vst v63  }
0xb2: {  	s13 =	sadd.s32 $0x1040, s5;
	s26 =	simm.s32 $0x6F60  }
0xb3: {  	[hbm4b:s13+s3] =	stream.linear.scatter [tilespmem:s26], [sflag:$0x6], $0x80, $0x38;
	[tilespmem:$0xBE00] =	vst v63  }
0xb4: {  	s13 =	sadd.s32 $0x1050, s5;
	s26 =	simm.s32 $0x6FE8  }
0xb5: {  	[hbm4b:s13+s3] =	stream.linear.scatter [tilespmem:s26], [sflag:$0x6], $0x80, $0x38;
	[tilespmem:$0xBE00] =	vst v63  }
0xb6: {  	s13 =	sadd.s32 $0x1060, s5;
	s26 =	simm.s32 $0x7070  }
0xb7: {  	[hbm4b:s13+s3] =	stream.linear.scatter [tilespmem:s26], [sflag:$0x6], $0x80, $0x38;
	[tilespmem:$0xBE00] =	vst v63  }
0xb8: {  	s13 =	sadd.s32 $0x1070, s5;
	s26 =	simm.s32 $0x70F8  }
0xb9: {  	[hbm4b:s13+s3] =	stream.linear.scatter [tilespmem:s26], [sflag:$0x6], $0x80, $0x38;
	[tilespmem:$0xBE00] =	vst v63  }
0xba: {  	s13 =	sadd.s32 $0x2000, s5;
	s26 =	simm.s32 $0x7180  }
0xbb: {  	[hbm4b:s13+s3] =	stream.linear.scatter [tilespmem:s26], [sflag:$0x6], $0x80, $0x38;
	[tilespmem:$0xBE00] =	vst v63  }
0xbc: {  	s13 =	sadd.s32 $0x2010, s5;
	s26 =	simm.s32 $0x7208  }
0xbd: {  	[hbm4b:s13+s3] =	stream.linear.scatter [tilespmem:s26], [sflag:$0x6], $0x80, $0x38;
	[tilespmem:$0xBE00] =	vst v63  }
0xbe: {  	s13 =	sadd.s32 $0x2020, s5;
	s26 =	simm.s32 $0x7290  }
0xbf: {  	[hbm4b:s13+s3] =	stream.linear.scatter [tilespmem:s26], [sflag:$0x6], $0x80, $0x38;
	[tilespmem:$0xBE00] =	vst v63  }
0xc0: {  	s13 =	sadd.s32 $0x2030, s5;
	s26 =	simm.s32 $0x7318  }
0xc1: {  	[hbm4b:s13+s3] =	stream.linear.scatter [tilespmem:s26], [sflag:$0x6], $0x80, $0x38;
	[tilespmem:$0xBE00] =	vst v63  }
0xc2: {  	s13 =	sadd.s32 $0x2040, s5;
	s26 =	simm.s32 $0x73A0  }
0xc3: {  	[hbm4b:s13+s3] =	stream.linear.scatter [tilespmem:s26], [sflag:$0x6], $0x80, $0x38;
	[tilespmem:$0xBE00] =	vst v63  }
0xc4: {  	s13 =	sadd.s32 $0x2050, s5;
	s26 =	simm.s32 $0x7428  }
0xc5: {  	[hbm4b:s13+s3] =	stream.linear.scatter [tilespmem:s26], [sflag:$0x6], $0x80, $0x38;
	[tilespmem:$0xBE00] =	vst v63  }
0xc6: {  	s13 =	sadd.s32 $0x2060, s5;
	s26 =	simm.s32 $0x74B0  }
0xc7: {  	[hbm4b:s13+s3] =	stream.linear.scatter [tilespmem:s26], [sflag:$0x6], $0x80, $0x38;
	[tilespmem:$0xBE00] =	vst v63  }
0xc8: {  	s13 =	sadd.s32 $0x2070, s5;
	s26 =	simm.s32 $0x7538  }
0xc9: {  	[hbm4b:s13+s3] =	stream.linear.scatter [tilespmem:s26], [sflag:$0x6], $0x80, $0x38;
	[tilespmem:$0xBE00] =	vst v63  }
0xca: {  	s13 =	sadd.s32 $0x3000, s5;
	s26 =	simm.s32 $0x75C0  }
0xcb: {  	[hbm4b:s13+s3] =	stream.linear.scatter [tilespmem:s26], [sflag:$0x6], $0x80, $0x38;
	[tilespmem:$0xBE00] =	vst v63  }
0xcc: {  	s13 =	sadd.s32 $0x3010, s5;
	s26 =	simm.s32 $0x7648  }
0xcd: {  	[hbm4b:s13+s3] =	stream.linear.scatter [tilespmem:s26], [sflag:$0x6], $0x80, $0x38;
	[tilespmem:$0xBE00] =	vst v63  }
0xce: {  	s13 =	sadd.s32 $0x3020, s5;
	s26 =	simm.s32 $0x76D0  }
0xcf: {  	[hbm4b:s13+s3] =	stream.linear.scatter [tilespmem:s26], [sflag:$0x6], $0x80, $0x38;
	[tilespmem:$0xBE00] =	vst v63  }
0xd0: {  	s13 =	sadd.s32 $0x3030, s5;
	s26 =	simm.s32 $0x7758  }
0xd1: {  	[hbm4b:s13+s3] =	stream.linear.scatter [tilespmem:s26], [sflag:$0x6], $0x80, $0x38;
	[tilespmem:$0xBE00] =	vst v63  }
0xd2: {  	s13 =	sadd.s32 $0x3040, s5;
	s26 =	simm.s32 $0x77E0  }
0xd3: {  	[hbm4b:s13+s3] =	stream.linear.scatter [tilespmem:s26], [sflag:$0x6], $0x80, $0x38;
	[tilespmem:$0xBE00] =	vst v63  }
0xd4: {  	s13 =	sadd.s32 $0x3050, s5;
	s26 =	simm.s32 $0x7868  }
0xd5: {  	[hbm4b:s13+s3] =	stream.linear.scatter [tilespmem:s26], [sflag:$0x6], $0x80, $0x38;
	[tilespmem:$0xBE00] =	vst v63  }
0xd6: {  	s13 =	sadd.s32 $0x3060, s5;
	s26 =	simm.s32 $0x78F0  }
0xd7: {  	[hbm4b:s13+s3] =	stream.linear.scatter [tilespmem:s26], [sflag:$0x6], $0x80, $0x38;
	[tilespmem:$0xBE00] =	vst v63  }
0xd8: {  	s5 =	sadd.s32 $0x3070, s5;
	s13 =	simm.s32 $0x7978  }
0xd9: {  	[hbm4b:s5+s3] =	stream.linear.scatter [tilespmem:s13], [sflag:$0x6], $0x80, $0x38;
	[tilespmem:$0xBE00] =	vst v63  }
0xda: {  	_ =	swait.ge [sflag:s15], $0x1000  }
0xdb: {  	[sflag:s15] =	ssyncset.done $0x0  }
0xdc: {  	s5 =	simm.s32 @!p1 $0x7;
	[sflag:s15] =	ssyncadd.s32 $0xFFFFF000  }
0xdd: {  	_ =	swait.ge @!p1 [sflag:s5], $0x1000  }
0xde: {  	[sflag:s5] =	ssyncset.done @!p1 $0x0  }
0xdf: {  	[sflag:s5] =	ssyncadd.s32 @!p1 $0xFFFFF000;
	s5 =	simm.s32 $0x2970  }
0xe0: {  	v2 =	vld [tilespmem:s5+$0xFFFFFF90]  }
0xe1: {  	s12 =	simm.s32 $0x1;
	v3 =	vld [tilespmem:s5+$0xFFFFFFA0]  }
0xe2: {  	v7 =	vmov s12;
	s26 =	simm.s32 $0x0;
	v4 =	vld [tilespmem:s5+$0xFFFFFFB0]  }
0xe3: {  	v7 =	vand.u32 $0x7D, v7;
	v5 =	vmov s26;
	v8 =	vld [tilespmem:s5+$0xFFFFFFC0]  }
0xe4: {  	v16 =	vadd.s32 v0, v7;
	v13 =	vadd.s32 v1, v7;
	s26 =	simm.s32 $0x3;
	s13 =	simm.s32 $0x2;
	v5 =	vand.u32 $0x7C, v5;
	v9 =	vld [tilespmem:s5+$0xFFFFFFD0]  }
0xe5: {  	v11 =	vmov s26;
	v10 =	vmov s13;
	v17 =	vadd.s32 v0, v5;
	v6 =	vld [tilespmem:s5+$0xFFFFFFE0]  }
0xe6: {  	v15 =	vadd.s32 v1, v5;
	v12 =	vand.u32 $0x7F, v11;
	v10 =	vand.u32 $0x7E, v10;
	v5 =	vld [tilespmem:s5+$0xFFFFFFF0]  }
0xe7: {  	v11 =	vadd.s32 v0, v12;
	v12 =	vadd.s32 v1, v12;
	v7 =	vld [tilespmem:s5+$0x0];
	v18 =	vmul.f32 v2, v2  }
0xe8: {  	v14 =	vadd.s32 v0, v10;
	v19 =	vmul.f32 v3, v3;
	v20 =	vmul.f32 v4, v4  }
0xe9: {  	v10 =	vadd.s32 v1, v10;
	v21 =	vmul.f32 v8, v8;
	v22 =	vmul.f32 v9, v9  }
0xea: {  	v23 =	vmul.f32 v6, v6;
	v18 =	vadd.f32 v18, v2;
	v19 =	vadd.f32 v19, v3  }
0xeb: {  	v24 =	vmul.f32 v5, v5;
	v20 =	vadd.f32 v20, v4;
	v21 =	vadd.f32 v21, v8  }
0xec: {  	v25 =	vmul.f32 v7, v7;
	v22 =	vadd.f32 v22, v9;
	v23 =	vadd.f32 v23, v6  }
0xed: {  	v24 =	vadd.f32 v24, v5;
	v18 =	vmul.f32 v18, v18;
	v19 =	vmul.f32 v19, v19  }
0xee: {  	v25 =	vadd.f32 v25, v7;
	v20 =	vmul.f32 v20, v20;
	v21 =	vmul.f32 v21, v21  }
0xef: {  	v24 =	vmul.f32 v24, v24;
	v26 =	vadd.f32 v18, v2;
	v18 =	vmul.f32 v22, v22  }
0xf0: {  	v22 =	vmul.f32 v23, v23;
	v27 =	vadd.f32 v19, v3;
	v28 =	vadd.f32 v20, v4  }
0xf1: {  	v25 =	vmul.f32 v25, v25;
	v29 =	vadd.f32 v21, v8;
	v18 =	vadd.f32 v18, v9  }
0xf2: {  	v23 =	vadd.f32 v22, v6;
	v19 =	vmul.f32 v26, v26;
	v20 =	vmul.f32 v27, v27  }
0xf3: {  	s11 =	simm.s32 $0x4;
	v24 =	vadd.f32 v24, v5;
	v21 =	vmul.f32 v28, v28;
	v22 =	vmul.f32 v29, v29  }
.LBB2_5:
0xf4: {  	p2 =	sne.s32 s11, $0x7C;
	v25 =	vadd.f32 v25, v7;
	v18 =	vmul.f32 v18, v18;
	v23 =	vmul.f32 v23, v23  }
0xf5: {  	v19 =	vadd.f32 v19, v2;
	v20 =	vadd.f32 v20, v3;
	v24 =	vmul.f32 v24, v24  }
0xf6: {  	v21 =	vadd.f32 v21, v4;
	v22 =	vadd.f32 v22, v8;
	v25 =	vmul.f32 v25, v25  }
0xf7: {  	v18 =	vadd.f32 v18, v9;
	v23 =	vadd.f32 v23, v6;
	v19 =	vmul.f32 v19, v19  }
0xf8: {  	v20 =	vmul.f32 v20, v20;
	v24 =	vadd.f32 v24, v5;
	v21 =	vmul.f32 v21, v21  }
0xf9: {  	v22 =	vmul.f32 v22, v22;
	v25 =	vadd.f32 v25, v7;
	v18 =	vmul.f32 v18, v18  }
0xfa: {  	v19 =	vadd.f32 v19, v2;
	v20 =	vadd.f32 v20, v3;
	v23 =	vmul.f32 v23, v23  }
0xfb: {  	v21 =	vadd.f32 v21, v4;
	v22 =	vadd.f32 v22, v8;
	v24 =	vmul.f32 v24, v24  }
0xfc: {  	v18 =	vadd.f32 v18, v9;
	v23 =	vadd.f32 v23, v6;
	v25 =	vmul.f32 v25, v25  }
0xfd: {  	v19 =	vmul.f32 v19, v19;
	v20 =	vmul.f32 v20, v20;
	v24 =	vadd.f32 v24, v5  }
0xfe: {  	v21 =	vmul.f32 v21, v21;
	v22 =	vmul.f32 v22, v22;
	v25 =	vadd.f32 v25, v7  }
0xff: {  	v19 =	vadd.f32 v19, v2;
	v18 =	vmul.f32 v18, v18;
	v23 =	vmul.f32 v23, v23  }
0x100: {  	v20 =	vadd.f32 v20, v3;
	v21 =	vadd.f32 v21, v4;
	v24 =	vmul.f32 v24, v24  }
0x101: {  	v22 =	vadd.f32 v22, v8;
	v18 =	vadd.f32 v18, v9;
	v25 =	vmul.f32 v25, v25  }
0x102: {  	v23 =	vadd.f32 v23, v6;
	v19 =	vmul.f32 v19, v19;
	v20 =	vmul.f32 v20, v20  }
0x103: {  	v24 =	vadd.f32 v24, v5;
	v21 =	vmul.f32 v21, v21;
	v22 =	vmul.f32 v22, v22  }
0x104: {  	v25 =	vadd.f32 v25, v7;
	v18 =	vmul.f32 v18, v18;
	v23 =	vmul.f32 v23, v23  }
0x105: {  	v19 =	vadd.f32 v19, v2;
	v20 =	vadd.f32 v20, v3;
	v24 =	vmul.f32 v24, v24  }
0x106: {  	v21 =	vadd.f32 v21, v4;
	v22 =	vadd.f32 v22, v8;
	v25 =	vmul.f32 v25, v25  }
0x107: {  	v18 =	vadd.f32 v18, v9;
	v23 =	vadd.f32 v23, v6;
	v19 =	vmul.f32 v19, v19  }
0x108: {  	v20 =	vmul.f32 v20, v20;
	v24 =	vadd.f32 v24, v5;
	v21 =	vmul.f32 v21, v21  }
0x109: {  	v22 =	vmul.f32 v22, v22;
	v25 =	vadd.f32 v25, v7;
	v18 =	vmul.f32 v18, v18  }
0x10a: {  	v19 =	vadd.f32 v19, v2;
	v20 =	vadd.f32 v20, v3;
	v23 =	vmul.f32 v23, v23  }
0x10b: {  	v21 =	vadd.f32 v21, v4;
	v22 =	vadd.f32 v22, v8;
	v24 =	vmul.f32 v24, v24  }
0x10c: {  	v18 =	vadd.f32 v18, v9;
	v23 =	vadd.f32 v23, v6;
	v25 =	vmul.f32 v25, v25  }
0x10d: {  	v19 =	vmul.f32 v19, v19;
	v20 =	vmul.f32 v20, v20;
	v24 =	vadd.f32 v24, v5  }
0x10e: {  	v21 =	vmul.f32 v21, v21;
	v22 =	vmul.f32 v22, v22;
	v25 =	vadd.f32 v25, v7  }
0x10f: {  	v19 =	vadd.f32 v19, v2;
	v18 =	vmul.f32 v18, v18;
	v23 =	vmul.f32 v23, v23  }
0x110: {  	v20 =	vadd.f32 v20, v3;
	v24 =	vmul.f32 v24, v24;
	v25 =	vmul.f32 v25, v25  }
0x111: {  	v21 =	vadd.f32 v21, v4;
	v22 =	vadd.f32 v22, v8;
	v19 =	vmul.f32 v19, v19  }
0x112: {  	v18 =	vadd.f32 v18, v9;
	v23 =	vadd.f32 v23, v6;
	v20 =	vmul.f32 v20, v20  }
0x113: {  	v24 =	vadd.f32 v24, v5;
	v2 =	vadd.f32 v19, v2;
	v19 =	vmul.f32 v21, v21  }
0x114: {  	v21 =	vadd.f32 v25, v7;
	v3 =	vadd.f32 v20, v3;
	v20 =	vmul.f32 v22, v22  }
0x115: {  	s5 =	sadd.s32 $0x80, s5;
	v18 =	vmul.f32 v18, v18;
	v4 =	vadd.f32 v19, v4;
	[tilespmem:v17+s16+$0x0] =	vst.idx.msk $0xffff, v2  }
0x116: {  	v8 =	vadd.f32 v20, v8;
	v17 =	vmul.f32 v23, v23;
	v2 =	vld [tilespmem:s5+$0xFFFFFF90];
	[tilespmem:v15+s16+$0x0] =	vst.idx.msk $0xffff, v3  }
0x117: {  	v9 =	vadd.f32 v18, v9;
	v18 =	vmul.f32 v24, v24;
	v15 =	vmov s11;
	v3 =	vld [tilespmem:s5+$0xFFFFFFA0];
	[tilespmem:v16+s16+$0x0] =	vst.idx.msk $0xffff, v4  }
0x118: {  	s12 =	sadd.s32 $0x1, s11;
	s13 =	sadd.s32 $0x2, s11;
	v15 =	vand.u32 $0x7C, v15;
	v6 =	vadd.f32 v17, v6;
	v16 =	vmul.f32 v21, v21;
	v4 =	vld [tilespmem:s5+$0xFFFFFFB0];
	[tilespmem:v13+s16+$0x0] =	vst.idx.msk $0xffff, v8  }
0x119: {  	v19 =	vmov s13;
	v5 =	vadd.f32 v18, v5;
	v13 =	vmov s12;
	s12 =	sadd.s32 $0x3, s11;
	v8 =	vld [tilespmem:s5+$0xFFFFFFC0];
	[tilespmem:v14+s16+$0x0] =	vst.idx.msk $0xffff, v9  }
0x11a: {  	v17 =	vadd.s32 v0, v15;
	v14 =	vmov s12;
	v7 =	vadd.f32 v16, v7;
	v9 =	vld [tilespmem:s5+$0xFFFFFFD0];
	[tilespmem:v10+s16+$0x0] =	vst.idx.msk $0xffff, v6  }
0x11b: {  	v18 =	vand.u32 $0x7E, v19;
	v15 =	vadd.s32 v1, v15;
	v10 =	vand.u32 $0x7D, v13;
	v6 =	vld [tilespmem:s5+$0xFFFFFFE0];
	[tilespmem:v11+s16+$0x0] =	vst.idx.msk $0xffff, v5  }
0x11c: {  	v19 =	vand.u32 $0x7F, v14;
	v16 =	vadd.s32 v0, v10;
	v13 =	vadd.s32 v1, v10;
	v5 =	vld [tilespmem:s5+$0xFFFFFFF0];
	[tilespmem:v12+s16+$0x0] =	vst.idx.msk $0xffff, v7  }
0x11d: {  	v14 =	vadd.s32 v0, v18;
	v20 =	vmul.f32 v2, v2;
	v10 =	vadd.s32 v1, v18;
	v7 =	vld [tilespmem:s5+$0x0]  }
0x11e: {  	v11 =	vadd.s32 v0, v19;
	v18 =	vmul.f32 v3, v3;
	v21 =	vmul.f32 v4, v4  }
0x11f: {  	v12 =	vadd.s32 v1, v19;
	v22 =	vmul.f32 v8, v8;
	v23 =	vmul.f32 v9, v9  }
0x120: {  	v19 =	vadd.f32 v20, v2;
	v18 =	vadd.f32 v18, v3;
	v20 =	vmul.f32 v6, v6  }
0x121: {  	v21 =	vadd.f32 v21, v4;
	v22 =	vadd.f32 v22, v8;
	v24 =	vmul.f32 v5, v5  }
0x122: {  	v23 =	vadd.f32 v23, v9;
	v20 =	vadd.f32 v20, v6;
	v25 =	vmul.f32 v7, v7  }
0x123: {  	v19 =	vmul.f32 v19, v19;
	v18 =	vmul.f32 v18, v18;
	v24 =	vadd.f32 v24, v5  }
0x124: {  	v21 =	vmul.f32 v21, v21;
	v22 =	vmul.f32 v22, v22;
	v25 =	vadd.f32 v25, v7  }
.Ltmp1:
0x125: {  	v19 =	vadd.f32 v19, v2;
	v23 =	vmul.f32 v23, v23;
	v20 =	vmul.f32 v20, v20;
	(pc) =	sbr.rel @p2 .LBB2_5-.Ltmp1, $4  }
0x126: {  	v26 =	vadd.f32 v18, v3;
	v21 =	vadd.f32 v21, v4;
	v24 =	vmul.f32 v24, v24  }
0x127: {  	v22 =	vadd.f32 v22, v8;
	v18 =	vadd.f32 v23, v9;
	v25 =	vmul.f32 v25, v25  }
0x128: {  	v19 =	vmul.f32 v19, v19;
	v23 =	vadd.f32 v20, v6;
	v20 =	vmul.f32 v26, v26  }
0x129: {  	s11 =	sadd.s32 $0x4, s11;
	v21 =	vmul.f32 v21, v21;
	v22 =	vmul.f32 v22, v22;
	v24 =	vadd.f32 v24, v5  }
0x12a: {  	v25 =	vadd.f32 v25, v7;
	v18 =	vmul.f32 v18, v18;
	v23 =	vmul.f32 v23, v23  }
0x12b: {  	v19 =	vadd.f32 v19, v2;
	v20 =	vadd.f32 v20, v3;
	v24 =	vmul.f32 v24, v24  }
0x12c: {  	v21 =	vadd.f32 v21, v4;
	v22 =	vadd.f32 v22, v8;
	v25 =	vmul.f32 v25, v25  }
0x12d: {  	v18 =	vadd.f32 v18, v9;
	v23 =	vadd.f32 v23, v6;
	v19 =	vmul.f32 v19, v19  }
0x12e: {  	v20 =	vmul.f32 v20, v20;
	v24 =	vadd.f32 v24, v5;
	v21 =	vmul.f32 v21, v21  }
0x12f: {  	v22 =	vmul.f32 v22, v22;
	v25 =	vadd.f32 v25, v7;
	v18 =	vmul.f32 v18, v18  }
0x130: {  	v19 =	vadd.f32 v19, v2;
	v20 =	vadd.f32 v20, v3;
	v23 =	vmul.f32 v23, v23  }
0x131: {  	v21 =	vadd.f32 v21, v4;
	v22 =	vadd.f32 v22, v8;
	v24 =	vmul.f32 v24, v24  }
0x132: {  	v18 =	vadd.f32 v18, v9;
	v23 =	vadd.f32 v23, v6;
	v25 =	vmul.f32 v25, v25  }
0x133: {  	v19 =	vmul.f32 v19, v19;
	v20 =	vmul.f32 v20, v20;
	v24 =	vadd.f32 v24, v5  }
0x134: {  	v21 =	vmul.f32 v21, v21;
	v22 =	vmul.f32 v22, v22;
	v25 =	vadd.f32 v25, v7  }
0x135: {  	v19 =	vadd.f32 v19, v2;
	v18 =	vmul.f32 v18, v18;
	v23 =	vmul.f32 v23, v23  }
0x136: {  	v20 =	vadd.f32 v20, v3;
	v21 =	vadd.f32 v21, v4;
	v24 =	vmul.f32 v24, v24  }
0x137: {  	v22 =	vadd.f32 v22, v8;
	v18 =	vadd.f32 v18, v9;
	v25 =	vmul.f32 v25, v25  }
0x138: {  	v23 =	vadd.f32 v23, v6;
	v19 =	vmul.f32 v19, v19;
	v20 =	vmul.f32 v20, v20  }
0x139: {  	v24 =	vadd.f32 v24, v5;
	v21 =	vmul.f32 v21, v21;
	v22 =	vmul.f32 v22, v22  }
0x13a: {  	v25 =	vadd.f32 v25, v7;
	v18 =	vmul.f32 v18, v18;
	v23 =	vmul.f32 v23, v23  }
0x13b: {  	v19 =	vadd.f32 v19, v2;
	v20 =	vadd.f32 v20, v3;
	v24 =	vmul.f32 v24, v24  }
0x13c: {  	v21 =	vadd.f32 v21, v4;
	v22 =	vadd.f32 v22, v8;
	v25 =	vmul.f32 v25, v25  }
0x13d: {  	v18 =	vadd.f32 v18, v9;
	v23 =	vadd.f32 v23, v6;
	v19 =	vmul.f32 v19, v19  }
0x13e: {  	v20 =	vmul.f32 v20, v20;
	v24 =	vadd.f32 v24, v5;
	v21 =	vmul.f32 v21, v21  }
0x13f: {  	v22 =	vmul.f32 v22, v22;
	v25 =	vadd.f32 v25, v7;
	v18 =	vmul.f32 v18, v18  }
0x140: {  	v19 =	vadd.f32 v19, v2;
	v20 =	vadd.f32 v20, v3;
	v23 =	vmul.f32 v23, v23  }
0x141: {  	v21 =	vadd.f32 v21, v4;
	v22 =	vadd.f32 v22, v8;
	v24 =	vmul.f32 v24, v24  }
0x142: {  	v18 =	vadd.f32 v18, v9;
	v23 =	vadd.f32 v23, v6;
	v25 =	vmul.f32 v25, v25  }
0x143: {  	v19 =	vmul.f32 v19, v19;
	v20 =	vmul.f32 v20, v20;
	v24 =	vadd.f32 v24, v5  }
0x144: {  	v21 =	vmul.f32 v21, v21;
	v22 =	vmul.f32 v22, v22;
	v25 =	vadd.f32 v25, v7  }
0x145: {  	v19 =	vadd.f32 v19, v2;
	v18 =	vmul.f32 v18, v18;
	v23 =	vmul.f32 v23, v23  }
0x146: {  	v20 =	vadd.f32 v20, v3;
	v24 =	vmul.f32 v24, v24;
	v21 =	vadd.f32 v21, v4  }
0x147: {  	v22 =	vadd.f32 v22, v8;
	v25 =	vmul.f32 v25, v25;
	v19 =	vmul.f32 v19, v19  }
0x148: {  	v18 =	vadd.f32 v18, v9;
	v23 =	vadd.f32 v23, v6;
	v20 =	vmul.f32 v20, v20  }
0x149: {  	v24 =	vadd.f32 v24, v5;
	v2 =	vadd.f32 v19, v2;
	v19 =	vmul.f32 v21, v21  }
0x14a: {  	v21 =	vadd.f32 v25, v7;
	v3 =	vadd.f32 v20, v3;
	v20 =	vmul.f32 v22, v22  }
0x14b: {  	v18 =	vmul.f32 v18, v18;
	v4 =	vadd.f32 v19, v4;
	[tilespmem:v17+s16+$0x0] =	vst.idx.msk $0xffff, v2  }
0x14c: {  	v2 =	vadd.f32 v20, v8;
	v8 =	vmul.f32 v23, v23;
	[tilespmem:v15+s16+$0x0] =	vst.idx.msk $0xffff, v3  }
0x14d: {  	v3 =	vadd.f32 v18, v9;
	v9 =	vmul.f32 v24, v24;
	[tilespmem:v16+s16+$0x0] =	vst.idx.msk $0xffff, v4  }
0x14e: {  	v4 =	vadd.f32 v8, v6;
	v6 =	vmul.f32 v21, v21;
	[tilespmem:v13+s16+$0x0] =	vst.idx.msk $0xffff, v2  }
0x14f: {  	v2 =	vadd.f32 v9, v5;
	[tilespmem:v14+s16+$0x0] =	vst.idx.msk $0xffff, v3  }
0x150: {  	v3 =	vadd.f32 v6, v7;
	[tilespmem:v10+s16+$0x0] =	vst.idx.msk $0xffff, v4  }
0x151: {  	[tilespmem:v11+s16+$0x0] =	vst.idx.msk $0xffff, v2  }
0x152: {  	s5 =	sadd.s32 @!p0 $0x300, s20;
	s11 =	simm.s32 @!p0 $0x80;
	s12 =	simm.s32 @!p0 $0x2900;
	[tilespmem:v12+s16+$0x0] =	vst.idx.msk $0xffff, v3  }
0x153: {  	[tilespmem:s12], [sflag:$0x2] =	stream.indirect.gather @!p0 [hbm4b:s4+s11], $0x20, s5, s11, $0xb8;
	[tilespmem:$0xBE00] =	vst v63  }
0x154: {  	s12 =	sadd.s32 s7, s21  }
0x155: {  	s5 =	sshrl.u32 s12, $0x3  }
0x156: {  	s5 =	sadd.s32 s2, s5  }
0x157: {  	[hbm4b:s5+s3] =	stream.linear.scatter [tilespmem:s16], [sflag:$0x7], $0x80, $0x38;
	[tilespmem:$0xBE00] =	vst v63  }
0x158: {  	s26 =	simm.s32 $0x7A88;
	s13 =	sadd.s32 $0x10, s5  }
0x159: {  	[hbm4b:s13+s3] =	stream.linear.scatter [tilespmem:s26], [sflag:$0x7], $0x80, $0x38;
	[tilespmem:$0xBE00] =	vst v63  }
0x15a: {  	s13 =	sadd.s32 $0x20, s5;
	s26 =	simm.s32 $0x7B10  }
0x15b: {  	[hbm4b:s13+s3] =	stream.linear.scatter [tilespmem:s26], [sflag:$0x7], $0x80, $0x38;
	[tilespmem:$0xBE00] =	vst v63  }
0x15c: {  	s13 =	sadd.s32 $0x30, s5;
	s26 =	simm.s32 $0x7B98  }
0x15d: {  	[hbm4b:s13+s3] =	stream.linear.scatter [tilespmem:s26], [sflag:$0x7], $0x80, $0x38;
	[tilespmem:$0xBE00] =	vst v63  }
0x15e: {  	s13 =	sadd.s32 $0x40, s5;
	s26 =	simm.s32 $0x7C20  }
0x15f: {  	[hbm4b:s13+s3] =	stream.linear.scatter [tilespmem:s26], [sflag:$0x7], $0x80, $0x38;
	[tilespmem:$0xBE00] =	vst v63  }
0x160: {  	s13 =	sadd.s32 $0x50, s5;
	s26 =	simm.s32 $0x7CA8  }
0x161: {  	[hbm4b:s13+s3] =	stream.linear.scatter [tilespmem:s26], [sflag:$0x7], $0x80, $0x38;
	[tilespmem:$0xBE00] =	vst v63  }
0x162: {  	s13 =	sadd.s32 $0x60, s5;
	s26 =	simm.s32 $0x7D30  }
0x163: {  	[hbm4b:s13+s3] =	stream.linear.scatter [tilespmem:s26], [sflag:$0x7], $0x80, $0x38;
	[tilespmem:$0xBE00] =	vst v63  }
0x164: {  	s13 =	sadd.s32 $0x70, s5;
	s26 =	simm.s32 $0x7DB8  }
0x165: {  	[hbm4b:s13+s3] =	stream.linear.scatter [tilespmem:s26], [sflag:$0x7], $0x80, $0x38;
	[tilespmem:$0xBE00] =	vst v63  }
0x166: {  	s13 =	sadd.s32 $0x1000, s5;
	s26 =	simm.s32 $0x7E40  }
0x167: {  	[hbm4b:s13+s3] =	stream.linear.scatter [tilespmem:s26], [sflag:$0x7], $0x80, $0x38;
	[tilespmem:$0xBE00] =	vst v63  }
0x168: {  	s13 =	sadd.s32 $0x1010, s5;
	s26 =	simm.s32 $0x7EC8  }
0x169: {  	[hbm4b:s13+s3] =	stream.linear.scatter [tilespmem:s26], [sflag:$0x7], $0x80, $0x38;
	[tilespmem:$0xBE00] =	vst v63  }
0x16a: {  	s13 =	sadd.s32 $0x1020, s5;
	s26 =	simm.s32 $0x7F50  }
0x16b: {  	[hbm4b:s13+s3] =	stream.linear.scatter [tilespmem:s26], [sflag:$0x7], $0x80, $0x38;
	[tilespmem:$0xBE00] =	vst v63  }
0x16c: {  	s13 =	sadd.s32 $0x1030, s5;
	s26 =	simm.s32 $0x7FD8  }
0x16d: {  	[hbm4b:s13+s3] =	stream.linear.scatter [tilespmem:s26], [sflag:$0x7], $0x80, $0x38;
	[tilespmem:$0xBE00] =	vst v63  }
0x16e: {  	s13 =	sadd.s32 $0x1040, s5;
	s26 =	simm.s32 $0x8060  }
0x16f: {  	[hbm4b:s13+s3] =	stream.linear.scatter [tilespmem:s26], [sflag:$0x7], $0x80, $0x38;
	[tilespmem:$0xBE00] =	vst v63  }
0x170: {  	s13 =	sadd.s32 $0x1050, s5;
	s26 =	simm.s32 $0x80E8  }
0x171: {  	[hbm4b:s13+s3] =	stream.linear.scatter [tilespmem:s26], [sflag:$0x7], $0x80, $0x38;
	[tilespmem:$0xBE00] =	vst v63  }
0x172: {  	s13 =	sadd.s32 $0x1060, s5;
	s26 =	simm.s32 $0x8170  }
0x173: {  	[hbm4b:s13+s3] =	stream.linear.scatter [tilespmem:s26], [sflag:$0x7], $0x80, $0x38;
	[tilespmem:$0xBE00] =	vst v63  }
0x174: {  	s13 =	sadd.s32 $0x1070, s5;
	s26 =	simm.s32 $0x81F8  }
0x175: {  	[hbm4b:s13+s3] =	stream.linear.scatter [tilespmem:s26], [sflag:$0x7], $0x80, $0x38;
	[tilespmem:$0xBE00] =	vst v63  }
0x176: {  	s13 =	sadd.s32 $0x2000, s5;
	s26 =	simm.s32 $0x8280  }
0x177: {  	[hbm4b:s13+s3] =	stream.linear.scatter [tilespmem:s26], [sflag:$0x7], $0x80, $0x38;
	[tilespmem:$0xBE00] =	vst v63  }
0x178: {  	s13 =	sadd.s32 $0x2010, s5;
	s26 =	simm.s32 $0x8308  }
0x179: {  	[hbm4b:s13+s3] =	stream.linear.scatter [tilespmem:s26], [sflag:$0x7], $0x80, $0x38;
	[tilespmem:$0xBE00] =	vst v63  }
0x17a: {  	s13 =	sadd.s32 $0x2020, s5;
	s26 =	simm.s32 $0x8390  }
0x17b: {  	[hbm4b:s13+s3] =	stream.linear.scatter [tilespmem:s26], [sflag:$0x7], $0x80, $0x38;
	[tilespmem:$0xBE00] =	vst v63  }
0x17c: {  	s13 =	sadd.s32 $0x2030, s5;
	s26 =	simm.s32 $0x8418  }
0x17d: {  	[hbm4b:s13+s3] =	stream.linear.scatter [tilespmem:s26], [sflag:$0x7], $0x80, $0x38;
	[tilespmem:$0xBE00] =	vst v63  }
0x17e: {  	s13 =	sadd.s32 $0x2040, s5;
	s26 =	simm.s32 $0x84A0  }
0x17f: {  	[hbm4b:s13+s3] =	stream.linear.scatter [tilespmem:s26], [sflag:$0x7], $0x80, $0x38;
	[tilespmem:$0xBE00] =	vst v63  }
0x180: {  	s13 =	sadd.s32 $0x2050, s5;
	s26 =	simm.s32 $0x8528  }
0x181: {  	[hbm4b:s13+s3] =	stream.linear.scatter [tilespmem:s26], [sflag:$0x7], $0x80, $0x38;
	[tilespmem:$0xBE00] =	vst v63  }
0x182: {  	s13 =	sadd.s32 $0x2060, s5;
	s26 =	simm.s32 $0x85B0  }
0x183: {  	[hbm4b:s13+s3] =	stream.linear.scatter [tilespmem:s26], [sflag:$0x7], $0x80, $0x38;
	[tilespmem:$0xBE00] =	vst v63  }
0x184: {  	s13 =	sadd.s32 $0x2070, s5;
	s26 =	simm.s32 $0x8638  }
0x185: {  	[hbm4b:s13+s3] =	stream.linear.scatter [tilespmem:s26], [sflag:$0x7], $0x80, $0x38;
	[tilespmem:$0xBE00] =	vst v63  }
0x186: {  	s13 =	sadd.s32 $0x3000, s5;
	s26 =	simm.s32 $0x86C0  }
0x187: {  	[hbm4b:s13+s3] =	stream.linear.scatter [tilespmem:s26], [sflag:$0x7], $0x80, $0x38;
	[tilespmem:$0xBE00] =	vst v63  }
0x188: {  	s13 =	sadd.s32 $0x3010, s5;
	s26 =	simm.s32 $0x8748  }
0x189: {  	[hbm4b:s13+s3] =	stream.linear.scatter [tilespmem:s26], [sflag:$0x7], $0x80, $0x38;
	[tilespmem:$0xBE00] =	vst v63  }
0x18a: {  	s13 =	sadd.s32 $0x3020, s5;
	s26 =	simm.s32 $0x87D0  }
0x18b: {  	[hbm4b:s13+s3] =	stream.linear.scatter [tilespmem:s26], [sflag:$0x7], $0x80, $0x38;
	[tilespmem:$0xBE00] =	vst v63  }
0x18c: {  	s13 =	sadd.s32 $0x3030, s5;
	s26 =	simm.s32 $0x8858  }
0x18d: {  	[hbm4b:s13+s3] =	stream.linear.scatter [tilespmem:s26], [sflag:$0x7], $0x80, $0x38;
	[tilespmem:$0xBE00] =	vst v63  }
0x18e: {  	s13 =	sadd.s32 $0x3040, s5;
	s26 =	simm.s32 $0x88E0  }
0x18f: {  	[hbm4b:s13+s3] =	stream.linear.scatter [tilespmem:s26], [sflag:$0x7], $0x80, $0x38;
	[tilespmem:$0xBE00] =	vst v63  }
0x190: {  	s13 =	sadd.s32 $0x3050, s5;
	s26 =	simm.s32 $0x8968  }
0x191: {  	[hbm4b:s13+s3] =	stream.linear.scatter [tilespmem:s26], [sflag:$0x7], $0x80, $0x38;
	[tilespmem:$0xBE00] =	vst v63  }
0x192: {  	s13 =	sadd.s32 $0x3060, s5;
	s26 =	simm.s32 $0x89F0  }
0x193: {  	[hbm4b:s13+s3] =	stream.linear.scatter [tilespmem:s26], [sflag:$0x7], $0x80, $0x38;
	[tilespmem:$0xBE00] =	vst v63  }
0x194: {  	s5 =	sadd.s32 $0x3070, s5;
	s13 =	simm.s32 $0x8A78  }
0x195: {  	[hbm4b:s5+s3] =	stream.linear.scatter [tilespmem:s13], [sflag:$0x7], $0x80, $0x38;
	[tilespmem:$0xBE00] =	vst v63  }
0x196: {  	_ =	swait.ge [sflag:s28], $0x1000  }
0x197: {  	[sflag:s28] =	ssyncset.done $0x0  }
0x198: {  	s5 =	simm.s32 @!p1 $0x8;
	[sflag:s28] =	ssyncadd.s32 $0xFFFFF000  }
0x199: {  	_ =	swait.ge @!p1 [sflag:s5], $0x1000  }
0x19a: {  	[sflag:s5] =	ssyncset.done @!p1 $0x0  }
0x19b: {  	[sflag:s5] =	ssyncadd.s32 @!p1 $0xFFFFF000;
	s5 =	simm.s32 $0x3970  }
0x19c: {  	v2 =	vld [tilespmem:s5+$0xFFFFFF90]  }
0x19d: {  	s12 =	simm.s32 $0x1;
	v3 =	vld [tilespmem:s5+$0xFFFFFFA0]  }
0x19e: {  	v7 =	vmov s12;
	s26 =	simm.s32 $0x0;
	v4 =	vld [tilespmem:s5+$0xFFFFFFB0]  }
0x19f: {  	v7 =	vand.u32 $0x7D, v7;
	v5 =	vmov s26;
	v8 =	vld [tilespmem:s5+$0xFFFFFFC0]  }
0x1a0: {  	v16 =	vadd.s32 v0, v7;
	v13 =	vadd.s32 v1, v7;
	s26 =	simm.s32 $0x3;
	s13 =	simm.s32 $0x2;
	v5 =	vand.u32 $0x7C, v5;
	v9 =	vld [tilespmem:s5+$0xFFFFFFD0]  }
0x1a1: {  	v11 =	vmov s26;
	v10 =	vmov s13;
	v17 =	vadd.s32 v0, v5;
	v6 =	vld [tilespmem:s5+$0xFFFFFFE0]  }
0x1a2: {  	v15 =	vadd.s32 v1, v5;
	v12 =	vand.u32 $0x7F, v11;
	v10 =	vand.u32 $0x7E, v10;
	v5 =	vld [tilespmem:s5+$0xFFFFFFF0]  }
0x1a3: {  	v11 =	vadd.s32 v0, v12;
	v12 =	vadd.s32 v1, v12;
	v7 =	vld [tilespmem:s5+$0x0];
	v18 =	vmul.f32 v2, v2  }
0x1a4: {  	v14 =	vadd.s32 v0, v10;
	v19 =	vmul.f32 v3, v3;
	v20 =	vmul.f32 v4, v4  }
0x1a5: {  	v10 =	vadd.s32 v1, v10;
	v21 =	vmul.f32 v8, v8;
	v22 =	vmul.f32 v9, v9  }
0x1a6: {  	v23 =	vmul.f32 v6, v6;
	v18 =	vadd.f32 v18, v2;
	v19 =	vadd.f32 v19, v3  }
0x1a7: {  	v24 =	vmul.f32 v5, v5;
	v20 =	vadd.f32 v20, v4;
	v21 =	vadd.f32 v21, v8  }
0x1a8: {  	v25 =	vmul.f32 v7, v7;
	v22 =	vadd.f32 v22, v9;
	v23 =	vadd.f32 v23, v6  }
0x1a9: {  	v24 =	vadd.f32 v24, v5;
	v18 =	vmul.f32 v18, v18;
	v19 =	vmul.f32 v19, v19  }
0x1aa: {  	v25 =	vadd.f32 v25, v7;
	v20 =	vmul.f32 v20, v20;
	v21 =	vmul.f32 v21, v21  }
0x1ab: {  	v24 =	vmul.f32 v24, v24;
	v26 =	vadd.f32 v18, v2;
	v18 =	vmul.f32 v22, v22  }
0x1ac: {  	v22 =	vmul.f32 v23, v23;
	v27 =	vadd.f32 v19, v3;
	v28 =	vadd.f32 v20, v4  }
0x1ad: {  	v25 =	vmul.f32 v25, v25;
	v29 =	vadd.f32 v21, v8;
	v18 =	vadd.f32 v18, v9  }
0x1ae: {  	v23 =	vadd.f32 v22, v6;
	v19 =	vmul.f32 v26, v26;
	v20 =	vmul.f32 v27, v27  }
0x1af: {  	s11 =	simm.s32 $0x4;
	v24 =	vadd.f32 v24, v5;
	v21 =	vmul.f32 v28, v28;
	v22 =	vmul.f32 v29, v29  }
.LBB2_7:
0x1b0: {  	p2 =	sne.s32 s11, $0x7C;
	v25 =	vadd.f32 v25, v7;
	v18 =	vmul.f32 v18, v18;
	v23 =	vmul.f32 v23, v23  }
0x1b1: {  	v19 =	vadd.f32 v19, v2;
	v20 =	vadd.f32 v20, v3;
	v24 =	vmul.f32 v24, v24  }
0x1b2: {  	v21 =	vadd.f32 v21, v4;
	v22 =	vadd.f32 v22, v8;
	v25 =	vmul.f32 v25, v25  }
0x1b3: {  	v18 =	vadd.f32 v18, v9;
	v23 =	vadd.f32 v23, v6;
	v19 =	vmul.f32 v19, v19  }
0x1b4: {  	v20 =	vmul.f32 v20, v20;
	v24 =	vadd.f32 v24, v5;
	v21 =	vmul.f32 v21, v21  }
0x1b5: {  	v22 =	vmul.f32 v22, v22;
	v25 =	vadd.f32 v25, v7;
	v18 =	vmul.f32 v18, v18  }
0x1b6: {  	v19 =	vadd.f32 v19, v2;
	v20 =	vadd.f32 v20, v3;
	v23 =	vmul.f32 v23, v23  }
0x1b7: {  	v21 =	vadd.f32 v21, v4;
	v22 =	vadd.f32 v22, v8;
	v24 =	vmul.f32 v24, v24  }
0x1b8: {  	v18 =	vadd.f32 v18, v9;
	v23 =	vadd.f32 v23, v6;
	v25 =	vmul.f32 v25, v25  }
0x1b9: {  	v19 =	vmul.f32 v19, v19;
	v20 =	vmul.f32 v20, v20;
	v24 =	vadd.f32 v24, v5  }
0x1ba: {  	v21 =	vmul.f32 v21, v21;
	v22 =	vmul.f32 v22, v22;
	v25 =	vadd.f32 v25, v7  }
0x1bb: {  	v19 =	vadd.f32 v19, v2;
	v18 =	vmul.f32 v18, v18;
	v23 =	vmul.f32 v23, v23  }
0x1bc: {  	v20 =	vadd.f32 v20, v3;
	v21 =	vadd.f32 v21, v4;
	v24 =	vmul.f32 v24, v24  }
0x1bd: {  	v22 =	vadd.f32 v22, v8;
	v18 =	vadd.f32 v18, v9;
	v25 =	vmul.f32 v25, v25  }
0x1be: {  	v23 =	vadd.f32 v23, v6;
	v19 =	vmul.f32 v19, v19;
	v20 =	vmul.f32 v20, v20  }
0x1bf: {  	v24 =	vadd.f32 v24, v5;
	v21 =	vmul.f32 v21, v21;
	v22 =	vmul.f32 v22, v22  }
0x1c0: {  	v25 =	vadd.f32 v25, v7;
	v18 =	vmul.f32 v18, v18;
	v23 =	vmul.f32 v23, v23  }
0x1c1: {  	v19 =	vadd.f32 v19, v2;
	v20 =	vadd.f32 v20, v3;
	v24 =	vmul.f32 v24, v24  }
0x1c2: {  	v21 =	vadd.f32 v21, v4;
	v22 =	vadd.f32 v22, v8;
	v25 =	vmul.f32 v25, v25  }
0x1c3: {  	v18 =	vadd.f32 v18, v9;
	v23 =	vadd.f32 v23, v6;
	v19 =	vmul.f32 v19, v19  }
0x1c4: {  	v20 =	vmul.f32 v20, v20;
	v24 =	vadd.f32 v24, v5;
	v21 =	vmul.f32 v21, v21  }
0x1c5: {  	v22 =	vmul.f32 v22, v22;
	v25 =	vadd.f32 v25, v7;
	v18 =	vmul.f32 v18, v18  }
0x1c6: {  	v19 =	vadd.f32 v19, v2;
	v20 =	vadd.f32 v20, v3;
	v23 =	vmul.f32 v23, v23  }
0x1c7: {  	v21 =	vadd.f32 v21, v4;
	v22 =	vadd.f32 v22, v8;
	v24 =	vmul.f32 v24, v24  }
0x1c8: {  	v18 =	vadd.f32 v18, v9;
	v23 =	vadd.f32 v23, v6;
	v25 =	vmul.f32 v25, v25  }
0x1c9: {  	v19 =	vmul.f32 v19, v19;
	v20 =	vmul.f32 v20, v20;
	v24 =	vadd.f32 v24, v5  }
0x1ca: {  	v21 =	vmul.f32 v21, v21;
	v22 =	vmul.f32 v22, v22;
	v25 =	vadd.f32 v25, v7  }
0x1cb: {  	v19 =	vadd.f32 v19, v2;
	v18 =	vmul.f32 v18, v18;
	v23 =	vmul.f32 v23, v23  }
0x1cc: {  	v20 =	vadd.f32 v20, v3;
	v24 =	vmul.f32 v24, v24;
	v25 =	vmul.f32 v25, v25  }
0x1cd: {  	v21 =	vadd.f32 v21, v4;
	v22 =	vadd.f32 v22, v8;
	v19 =	vmul.f32 v19, v19  }
0x1ce: {  	v18 =	vadd.f32 v18, v9;
	v23 =	vadd.f32 v23, v6;
	v20 =	vmul.f32 v20, v20  }
0x1cf: {  	v24 =	vadd.f32 v24, v5;
	v2 =	vadd.f32 v19, v2;
	v19 =	vmul.f32 v21, v21  }
0x1d0: {  	v21 =	vadd.f32 v25, v7;
	v3 =	vadd.f32 v20, v3;
	v20 =	vmul.f32 v22, v22  }
0x1d1: {  	s5 =	sadd.s32 $0x80, s5;
	v18 =	vmul.f32 v18, v18;
	v4 =	vadd.f32 v19, v4;
	[tilespmem:v17+s29+$0x0] =	vst.idx.msk $0xffff, v2  }
0x1d2: {  	v8 =	vadd.f32 v20, v8;
	v17 =	vmul.f32 v23, v23;
	v2 =	vld [tilespmem:s5+$0xFFFFFF90];
	[tilespmem:v15+s29+$0x0] =	vst.idx.msk $0xffff, v3  }
0x1d3: {  	v9 =	vadd.f32 v18, v9;
	v18 =	vmul.f32 v24, v24;
	v15 =	vmov s11;
	v3 =	vld [tilespmem:s5+$0xFFFFFFA0];
	[tilespmem:v16+s29+$0x0] =	vst.idx.msk $0xffff, v4  }
0x1d4: {  	s12 =	sadd.s32 $0x1, s11;
	s13 =	sadd.s32 $0x2, s11;
	v15 =	vand.u32 $0x7C, v15;
	v6 =	vadd.f32 v17, v6;
	v16 =	vmul.f32 v21, v21;
	v4 =	vld [tilespmem:s5+$0xFFFFFFB0];
	[tilespmem:v13+s29+$0x0] =	vst.idx.msk $0xffff, v8  }
0x1d5: {  	v19 =	vmov s13;
	v5 =	vadd.f32 v18, v5;
	v13 =	vmov s12;
	s12 =	sadd.s32 $0x3, s11;
	v8 =	vld [tilespmem:s5+$0xFFFFFFC0];
	[tilespmem:v14+s29+$0x0] =	vst.idx.msk $0xffff, v9  }
0x1d6: {  	v17 =	vadd.s32 v0, v15;
	v14 =	vmov s12;
	v7 =	vadd.f32 v16, v7;
	v9 =	vld [tilespmem:s5+$0xFFFFFFD0];
	[tilespmem:v10+s29+$0x0] =	vst.idx.msk $0xffff, v6  }
0x1d7: {  	v18 =	vand.u32 $0x7E, v19;
	v15 =	vadd.s32 v1, v15;
	v10 =	vand.u32 $0x7D, v13;
	v6 =	vld [tilespmem:s5+$0xFFFFFFE0];
	[tilespmem:v11+s29+$0x0] =	vst.idx.msk $0xffff, v5  }
0x1d8: {  	v19 =	vand.u32 $0x7F, v14;
	v16 =	vadd.s32 v0, v10;
	v13 =	vadd.s32 v1, v10;
	v5 =	vld [tilespmem:s5+$0xFFFFFFF0];
	[tilespmem:v12+s29+$0x0] =	vst.idx.msk $0xffff, v7  }
0x1d9: {  	v14 =	vadd.s32 v0, v18;
	v20 =	vmul.f32 v2, v2;
	v10 =	vadd.s32 v1, v18;
	v7 =	vld [tilespmem:s5+$0x0]  }
0x1da: {  	v11 =	vadd.s32 v0, v19;
	v18 =	vmul.f32 v3, v3;
	v21 =	vmul.f32 v4, v4  }
0x1db: {  	v12 =	vadd.s32 v1, v19;
	v22 =	vmul.f32 v8, v8;
	v23 =	vmul.f32 v9, v9  }
0x1dc: {  	v19 =	vadd.f32 v20, v2;
	v18 =	vadd.f32 v18, v3;
	v20 =	vmul.f32 v6, v6  }
0x1dd: {  	v21 =	vadd.f32 v21, v4;
	v22 =	vadd.f32 v22, v8;
	v24 =	vmul.f32 v5, v5  }
0x1de: {  	v23 =	vadd.f32 v23, v9;
	v20 =	vadd.f32 v20, v6;
	v25 =	vmul.f32 v7, v7  }
0x1df: {  	v19 =	vmul.f32 v19, v19;
	v18 =	vmul.f32 v18, v18;
	v24 =	vadd.f32 v24, v5  }
0x1e0: {  	v21 =	vmul.f32 v21, v21;
	v22 =	vmul.f32 v22, v22;
	v25 =	vadd.f32 v25, v7  }
.Ltmp2:
0x1e1: {  	v19 =	vadd.f32 v19, v2;
	v23 =	vmul.f32 v23, v23;
	v20 =	vmul.f32 v20, v20;
	(pc) =	sbr.rel @p2 .LBB2_7-.Ltmp2, $4  }
0x1e2: {  	v26 =	vadd.f32 v18, v3;
	v21 =	vadd.f32 v21, v4;
	v24 =	vmul.f32 v24, v24  }
0x1e3: {  	v22 =	vadd.f32 v22, v8;
	v18 =	vadd.f32 v23, v9;
	v25 =	vmul.f32 v25, v25  }
0x1e4: {  	v19 =	vmul.f32 v19, v19;
	v23 =	vadd.f32 v20, v6;
	v20 =	vmul.f32 v26, v26  }
0x1e5: {  	s11 =	sadd.s32 $0x4, s11;
	v21 =	vmul.f32 v21, v21;
	v22 =	vmul.f32 v22, v22;
	v24 =	vadd.f32 v24, v5  }
0x1e6: {  	v25 =	vadd.f32 v25, v7;
	v18 =	vmul.f32 v18, v18;
	v23 =	vmul.f32 v23, v23  }
0x1e7: {  	v19 =	vadd.f32 v19, v2;
	v20 =	vadd.f32 v20, v3;
	v24 =	vmul.f32 v24, v24  }
0x1e8: {  	v21 =	vadd.f32 v21, v4;
	v22 =	vadd.f32 v22, v8;
	v25 =	vmul.f32 v25, v25  }
0x1e9: {  	v18 =	vadd.f32 v18, v9;
	v23 =	vadd.f32 v23, v6;
	v19 =	vmul.f32 v19, v19  }
0x1ea: {  	v20 =	vmul.f32 v20, v20;
	v24 =	vadd.f32 v24, v5;
	v21 =	vmul.f32 v21, v21  }
0x1eb: {  	v22 =	vmul.f32 v22, v22;
	v25 =	vadd.f32 v25, v7;
	v18 =	vmul.f32 v18, v18  }
0x1ec: {  	v19 =	vadd.f32 v19, v2;
	v20 =	vadd.f32 v20, v3;
	v23 =	vmul.f32 v23, v23  }
0x1ed: {  	v21 =	vadd.f32 v21, v4;
	v22 =	vadd.f32 v22, v8;
	v24 =	vmul.f32 v24, v24  }
0x1ee: {  	v18 =	vadd.f32 v18, v9;
	v23 =	vadd.f32 v23, v6;
	v25 =	vmul.f32 v25, v25  }
0x1ef: {  	v19 =	vmul.f32 v19, v19;
	v20 =	vmul.f32 v20, v20;
	v24 =	vadd.f32 v24, v5  }
0x1f0: {  	v21 =	vmul.f32 v21, v21;
	v22 =	vmul.f32 v22, v22;
	v25 =	vadd.f32 v25, v7  }
0x1f1: {  	v19 =	vadd.f32 v19, v2;
	v18 =	vmul.f32 v18, v18;
	v23 =	vmul.f32 v23, v23  }
0x1f2: {  	v20 =	vadd.f32 v20, v3;
	v21 =	vadd.f32 v21, v4;
	v24 =	vmul.f32 v24, v24  }
0x1f3: {  	v22 =	vadd.f32 v22, v8;
	v18 =	vadd.f32 v18, v9;
	v25 =	vmul.f32 v25, v25  }
0x1f4: {  	v23 =	vadd.f32 v23, v6;
	v19 =	vmul.f32 v19, v19;
	v20 =	vmul.f32 v20, v20  }
0x1f5: {  	v24 =	vadd.f32 v24, v5;
	v21 =	vmul.f32 v21, v21;
	v22 =	vmul.f32 v22, v22  }
0x1f6: {  	v25 =	vadd.f32 v25, v7;
	v18 =	vmul.f32 v18, v18;
	v23 =	vmul.f32 v23, v23  }
0x1f7: {  	v19 =	vadd.f32 v19, v2;
	v20 =	vadd.f32 v20, v3;
	v24 =	vmul.f32 v24, v24  }
0x1f8: {  	v21 =	vadd.f32 v21, v4;
	v22 =	vadd.f32 v22, v8;
	v25 =	vmul.f32 v25, v25  }
0x1f9: {  	v18 =	vadd.f32 v18, v9;
	v23 =	vadd.f32 v23, v6;
	v19 =	vmul.f32 v19, v19  }
0x1fa: {  	v20 =	vmul.f32 v20, v20;
	v24 =	vadd.f32 v24, v5;
	v21 =	vmul.f32 v21, v21  }
0x1fb: {  	v22 =	vmul.f32 v22, v22;
	v25 =	vadd.f32 v25, v7;
	v18 =	vmul.f32 v18, v18  }
0x1fc: {  	v19 =	vadd.f32 v19, v2;
	v20 =	vadd.f32 v20, v3;
	v23 =	vmul.f32 v23, v23  }
0x1fd: {  	v21 =	vadd.f32 v21, v4;
	v22 =	vadd.f32 v22, v8;
	v24 =	vmul.f32 v24, v24  }
0x1fe: {  	v18 =	vadd.f32 v18, v9;
	v23 =	vadd.f32 v23, v6;
	v25 =	vmul.f32 v25, v25  }
0x1ff: {  	v19 =	vmul.f32 v19, v19;
	v20 =	vmul.f32 v20, v20;
	v24 =	vadd.f32 v24, v5  }
0x200: {  	v21 =	vmul.f32 v21, v21;
	v22 =	vmul.f32 v22, v22;
	v25 =	vadd.f32 v25, v7  }
0x201: {  	v19 =	vadd.f32 v19, v2;
	v18 =	vmul.f32 v18, v18;
	v23 =	vmul.f32 v23, v23  }
0x202: {  	v20 =	vadd.f32 v20, v3;
	v24 =	vmul.f32 v24, v24;
	v21 =	vadd.f32 v21, v4  }
0x203: {  	v22 =	vadd.f32 v22, v8;
	v25 =	vmul.f32 v25, v25;
	v19 =	vmul.f32 v19, v19  }
0x204: {  	v18 =	vadd.f32 v18, v9;
	v23 =	vadd.f32 v23, v6;
	v20 =	vmul.f32 v20, v20  }
0x205: {  	v24 =	vadd.f32 v24, v5;
	v2 =	vadd.f32 v19, v2;
	v19 =	vmul.f32 v21, v21  }
0x206: {  	v21 =	vadd.f32 v25, v7;
	v3 =	vadd.f32 v20, v3;
	v20 =	vmul.f32 v22, v22  }
0x207: {  	v18 =	vmul.f32 v18, v18;
	v4 =	vadd.f32 v19, v4;
	[tilespmem:v17+s29+$0x0] =	vst.idx.msk $0xffff, v2  }
0x208: {  	v2 =	vadd.f32 v20, v8;
	v8 =	vmul.f32 v23, v23;
	[tilespmem:v15+s29+$0x0] =	vst.idx.msk $0xffff, v3  }
0x209: {  	v3 =	vadd.f32 v18, v9;
	v9 =	vmul.f32 v24, v24;
	[tilespmem:v16+s29+$0x0] =	vst.idx.msk $0xffff, v4  }
0x20a: {  	v4 =	vadd.f32 v8, v6;
	v6 =	vmul.f32 v21, v21;
	[tilespmem:v13+s29+$0x0] =	vst.idx.msk $0xffff, v2  }
0x20b: {  	v2 =	vadd.f32 v9, v5;
	[tilespmem:v14+s29+$0x0] =	vst.idx.msk $0xffff, v3  }
0x20c: {  	v3 =	vadd.f32 v6, v7;
	[tilespmem:v10+s29+$0x0] =	vst.idx.msk $0xffff, v4  }
0x20d: {  	[tilespmem:v11+s29+$0x0] =	vst.idx.msk $0xffff, v2  }
0x20e: {  	s5 =	sadd.s32 @!p0 $0x380, s20;
	s11 =	simm.s32 @!p0 $0x80;
	s12 =	simm.s32 @!p0 $0x3900;
	[tilespmem:v12+s29+$0x0] =	vst.idx.msk $0xffff, v3  }
0x20f: {  	[tilespmem:s12], [sflag:$0x3] =	stream.indirect.gather @!p0 [hbm4b:s4+s11], $0x20, s5, s11, $0xb8;
	[tilespmem:$0xBE00] =	vst v63  }
0x210: {  	s12 =	sadd.s32 s8, s21  }
0x211: {  	s5 =	sshrl.u32 s12, $0x3  }
0x212: {  	s5 =	sadd.s32 s2, s5  }
0x213: {  	[hbm4b:s5+s3] =	stream.linear.scatter [tilespmem:s29], [sflag:$0x8], $0x80, $0x38;
	[tilespmem:$0xBE00] =	vst v63  }
0x214: {  	s26 =	simm.s32 $0x8B88;
	s13 =	sadd.s32 $0x10, s5  }
0x215: {  	[hbm4b:s13+s3] =	stream.linear.scatter [tilespmem:s26], [sflag:$0x8], $0x80, $0x38;
	[tilespmem:$0xBE00] =	vst v63  }
0x216: {  	s13 =	sadd.s32 $0x20, s5;
	s26 =	simm.s32 $0x8C10  }
0x217: {  	[hbm4b:s13+s3] =	stream.linear.scatter [tilespmem:s26], [sflag:$0x8], $0x80, $0x38;
	[tilespmem:$0xBE00] =	vst v63  }
0x218: {  	s13 =	sadd.s32 $0x30, s5;
	s26 =	simm.s32 $0x8C98  }
0x219: {  	[hbm4b:s13+s3] =	stream.linear.scatter [tilespmem:s26], [sflag:$0x8], $0x80, $0x38;
	[tilespmem:$0xBE00] =	vst v63  }
0x21a: {  	s13 =	sadd.s32 $0x40, s5;
	s26 =	simm.s32 $0x8D20  }
0x21b: {  	[hbm4b:s13+s3] =	stream.linear.scatter [tilespmem:s26], [sflag:$0x8], $0x80, $0x38;
	[tilespmem:$0xBE00] =	vst v63  }
0x21c: {  	s13 =	sadd.s32 $0x50, s5;
	s26 =	simm.s32 $0x8DA8  }
0x21d: {  	[hbm4b:s13+s3] =	stream.linear.scatter [tilespmem:s26], [sflag:$0x8], $0x80, $0x38;
	[tilespmem:$0xBE00] =	vst v63  }
0x21e: {  	s13 =	sadd.s32 $0x60, s5;
	s26 =	simm.s32 $0x8E30  }
0x21f: {  	[hbm4b:s13+s3] =	stream.linear.scatter [tilespmem:s26], [sflag:$0x8], $0x80, $0x38;
	[tilespmem:$0xBE00] =	vst v63  }
0x220: {  	s13 =	sadd.s32 $0x70, s5;
	s26 =	simm.s32 $0x8EB8  }
0x221: {  	[hbm4b:s13+s3] =	stream.linear.scatter [tilespmem:s26], [sflag:$0x8], $0x80, $0x38;
	[tilespmem:$0xBE00] =	vst v63  }
0x222: {  	s13 =	sadd.s32 $0x1000, s5;
	s26 =	simm.s32 $0x8F40  }
0x223: {  	[hbm4b:s13+s3] =	stream.linear.scatter [tilespmem:s26], [sflag:$0x8], $0x80, $0x38;
	[tilespmem:$0xBE00] =	vst v63  }
0x224: {  	s13 =	sadd.s32 $0x1010, s5;
	s26 =	simm.s32 $0x8FC8  }
0x225: {  	[hbm4b:s13+s3] =	stream.linear.scatter [tilespmem:s26], [sflag:$0x8], $0x80, $0x38;
	[tilespmem:$0xBE00] =	vst v63  }
0x226: {  	s13 =	sadd.s32 $0x1020, s5;
	s26 =	simm.s32 $0x9050  }
0x227: {  	[hbm4b:s13+s3] =	stream.linear.scatter [tilespmem:s26], [sflag:$0x8], $0x80, $0x38;
	[tilespmem:$0xBE00] =	vst v63  }
0x228: {  	s13 =	sadd.s32 $0x1030, s5;
	s26 =	simm.s32 $0x90D8  }
0x229: {  	[hbm4b:s13+s3] =	stream.linear.scatter [tilespmem:s26], [sflag:$0x8], $0x80, $0x38;
	[tilespmem:$0xBE00] =	vst v63  }
0x22a: {  	s13 =	sadd.s32 $0x1040, s5;
	s26 =	simm.s32 $0x9160  }
0x22b: {  	[hbm4b:s13+s3] =	stream.linear.scatter [tilespmem:s26], [sflag:$0x8], $0x80, $0x38;
	[tilespmem:$0xBE00] =	vst v63  }
0x22c: {  	s13 =	sadd.s32 $0x1050, s5;
	s26 =	simm.s32 $0x91E8  }
0x22d: {  	[hbm4b:s13+s3] =	stream.linear.scatter [tilespmem:s26], [sflag:$0x8], $0x80, $0x38;
	[tilespmem:$0xBE00] =	vst v63  }
0x22e: {  	s13 =	sadd.s32 $0x1060, s5;
	s26 =	simm.s32 $0x9270  }
0x22f: {  	[hbm4b:s13+s3] =	stream.linear.scatter [tilespmem:s26], [sflag:$0x8], $0x80, $0x38;
	[tilespmem:$0xBE00] =	vst v63  }
0x230: {  	s13 =	sadd.s32 $0x1070, s5;
	s26 =	simm.s32 $0x92F8  }
0x231: {  	[hbm4b:s13+s3] =	stream.linear.scatter [tilespmem:s26], [sflag:$0x8], $0x80, $0x38;
	[tilespmem:$0xBE00] =	vst v63  }
0x232: {  	s13 =	sadd.s32 $0x2000, s5;
	s26 =	simm.s32 $0x9380  }
0x233: {  	[hbm4b:s13+s3] =	stream.linear.scatter [tilespmem:s26], [sflag:$0x8], $0x80, $0x38;
	[tilespmem:$0xBE00] =	vst v63  }
0x234: {  	s13 =	sadd.s32 $0x2010, s5;
	s26 =	simm.s32 $0x9408  }
0x235: {  	[hbm4b:s13+s3] =	stream.linear.scatter [tilespmem:s26], [sflag:$0x8], $0x80, $0x38;
	[tilespmem:$0xBE00] =	vst v63  }
0x236: {  	s13 =	sadd.s32 $0x2020, s5;
	s26 =	simm.s32 $0x9490  }
0x237: {  	[hbm4b:s13+s3] =	stream.linear.scatter [tilespmem:s26], [sflag:$0x8], $0x80, $0x38;
	[tilespmem:$0xBE00] =	vst v63  }
0x238: {  	s13 =	sadd.s32 $0x2030, s5;
	s26 =	simm.s32 $0x9518  }
0x239: {  	[hbm4b:s13+s3] =	stream.linear.scatter [tilespmem:s26], [sflag:$0x8], $0x80, $0x38;
	[tilespmem:$0xBE00] =	vst v63  }
0x23a: {  	s13 =	sadd.s32 $0x2040, s5;
	s26 =	simm.s32 $0x95A0  }
0x23b: {  	[hbm4b:s13+s3] =	stream.linear.scatter [tilespmem:s26], [sflag:$0x8], $0x80, $0x38;
	[tilespmem:$0xBE00] =	vst v63  }
0x23c: {  	s13 =	sadd.s32 $0x2050, s5;
	s26 =	simm.s32 $0x9628  }
0x23d: {  	[hbm4b:s13+s3] =	stream.linear.scatter [tilespmem:s26], [sflag:$0x8], $0x80, $0x38;
	[tilespmem:$0xBE00] =	vst v63  }
0x23e: {  	s13 =	sadd.s32 $0x2060, s5;
	s26 =	simm.s32 $0x96B0  }
0x23f: {  	[hbm4b:s13+s3] =	stream.linear.scatter [tilespmem:s26], [sflag:$0x8], $0x80, $0x38;
	[tilespmem:$0xBE00] =	vst v63  }
0x240: {  	s13 =	sadd.s32 $0x2070, s5;
	s26 =	simm.s32 $0x9738  }
0x241: {  	[hbm4b:s13+s3] =	stream.linear.scatter [tilespmem:s26], [sflag:$0x8], $0x80, $0x38;
	[tilespmem:$0xBE00] =	vst v63  }
0x242: {  	s13 =	sadd.s32 $0x3000, s5;
	s26 =	simm.s32 $0x97C0  }
0x243: {  	[hbm4b:s13+s3] =	stream.linear.scatter [tilespmem:s26], [sflag:$0x8], $0x80, $0x38;
	[tilespmem:$0xBE00] =	vst v63  }
0x244: {  	s13 =	sadd.s32 $0x3010, s5;
	s26 =	simm.s32 $0x9848  }
0x245: {  	[hbm4b:s13+s3] =	stream.linear.scatter [tilespmem:s26], [sflag:$0x8], $0x80, $0x38;
	[tilespmem:$0xBE00] =	vst v63  }
0x246: {  	s13 =	sadd.s32 $0x3020, s5;
	s26 =	simm.s32 $0x98D0  }
0x247: {  	[hbm4b:s13+s3] =	stream.linear.scatter [tilespmem:s26], [sflag:$0x8], $0x80, $0x38;
	[tilespmem:$0xBE00] =	vst v63  }
0x248: {  	s13 =	sadd.s32 $0x3030, s5;
	s26 =	simm.s32 $0x9958  }
0x249: {  	[hbm4b:s13+s3] =	stream.linear.scatter [tilespmem:s26], [sflag:$0x8], $0x80, $0x38;
	[tilespmem:$0xBE00] =	vst v63  }
0x24a: {  	s13 =	sadd.s32 $0x3040, s5;
	s26 =	simm.s32 $0x99E0  }
0x24b: {  	[hbm4b:s13+s3] =	stream.linear.scatter [tilespmem:s26], [sflag:$0x8], $0x80, $0x38;
	[tilespmem:$0xBE00] =	vst v63  }
0x24c: {  	s13 =	sadd.s32 $0x3050, s5;
	s26 =	simm.s32 $0x9A68  }
0x24d: {  	[hbm4b:s13+s3] =	stream.linear.scatter [tilespmem:s26], [sflag:$0x8], $0x80, $0x38;
	[tilespmem:$0xBE00] =	vst v63  }
0x24e: {  	s13 =	sadd.s32 $0x3060, s5;
	s26 =	simm.s32 $0x9AF0  }
0x24f: {  	[hbm4b:s13+s3] =	stream.linear.scatter [tilespmem:s26], [sflag:$0x8], $0x80, $0x38;
	[tilespmem:$0xBE00] =	vst v63  }
0x250: {  	s5 =	sadd.s32 $0x3070, s5;
	s13 =	simm.s32 $0x9B78  }
0x251: {  	[hbm4b:s5+s3] =	stream.linear.scatter [tilespmem:s13], [sflag:$0x8], $0x80, $0x38;
	[tilespmem:$0xBE00] =	vst v63  }
0x252: {  	_ =	swait.ge [sflag:s24], $0x1000  }
0x253: {  	[sflag:s24] =	ssyncset.done $0x0  }
0x254: {  	s5 =	simm.s32 @!p1 $0x9;
	[sflag:s24] =	ssyncadd.s32 $0xFFFFF000  }
0x255: {  	_ =	swait.ge @!p1 [sflag:s5], $0x1000  }
0x256: {  	[sflag:s5] =	ssyncset.done @!p1 $0x0  }
0x257: {  	[sflag:s5] =	ssyncadd.s32 @!p1 $0xFFFFF000;
	s5 =	simm.s32 $0x4970  }
0x258: {  	v2 =	vld [tilespmem:s5+$0xFFFFFF90]  }
0x259: {  	s12 =	simm.s32 $0x1;
	v3 =	vld [tilespmem:s5+$0xFFFFFFA0]  }
0x25a: {  	v7 =	vmov s12;
	s26 =	simm.s32 $0x0;
	v4 =	vld [tilespmem:s5+$0xFFFFFFB0]  }
0x25b: {  	v7 =	vand.u32 $0x7D, v7;
	v5 =	vmov s26;
	v8 =	vld [tilespmem:s5+$0xFFFFFFC0]  }
0x25c: {  	v16 =	vadd.s32 v0, v7;
	v13 =	vadd.s32 v1, v7;
	s26 =	simm.s32 $0x3;
	s13 =	simm.s32 $0x2;
	v5 =	vand.u32 $0x7C, v5;
	v9 =	vld [tilespmem:s5+$0xFFFFFFD0]  }
0x25d: {  	v11 =	vmov s26;
	v10 =	vmov s13;
	v17 =	vadd.s32 v0, v5;
	v6 =	vld [tilespmem:s5+$0xFFFFFFE0]  }
0x25e: {  	v15 =	vadd.s32 v1, v5;
	v12 =	vand.u32 $0x7F, v11;
	v10 =	vand.u32 $0x7E, v10;
	v5 =	vld [tilespmem:s5+$0xFFFFFFF0]  }
0x25f: {  	v11 =	vadd.s32 v0, v12;
	v12 =	vadd.s32 v1, v12;
	v7 =	vld [tilespmem:s5+$0x0];
	v18 =	vmul.f32 v2, v2  }
0x260: {  	v14 =	vadd.s32 v0, v10;
	v19 =	vmul.f32 v3, v3;
	v20 =	vmul.f32 v4, v4  }
0x261: {  	v10 =	vadd.s32 v1, v10;
	v21 =	vmul.f32 v8, v8;
	v22 =	vmul.f32 v9, v9  }
0x262: {  	v23 =	vmul.f32 v6, v6;
	v18 =	vadd.f32 v18, v2;
	v19 =	vadd.f32 v19, v3  }
0x263: {  	v24 =	vmul.f32 v5, v5;
	v20 =	vadd.f32 v20, v4;
	v21 =	vadd.f32 v21, v8  }
0x264: {  	v25 =	vmul.f32 v7, v7;
	v22 =	vadd.f32 v22, v9;
	v23 =	vadd.f32 v23, v6  }
0x265: {  	v24 =	vadd.f32 v24, v5;
	v18 =	vmul.f32 v18, v18;
	v19 =	vmul.f32 v19, v19  }
0x266: {  	v25 =	vadd.f32 v25, v7;
	v20 =	vmul.f32 v20, v20;
	v21 =	vmul.f32 v21, v21  }
0x267: {  	v24 =	vmul.f32 v24, v24;
	v26 =	vadd.f32 v18, v2;
	v18 =	vmul.f32 v22, v22  }
0x268: {  	v22 =	vmul.f32 v23, v23;
	v27 =	vadd.f32 v19, v3;
	v28 =	vadd.f32 v20, v4  }
0x269: {  	v25 =	vmul.f32 v25, v25;
	v29 =	vadd.f32 v21, v8;
	v18 =	vadd.f32 v18, v9  }
0x26a: {  	v23 =	vadd.f32 v22, v6;
	v19 =	vmul.f32 v26, v26;
	v20 =	vmul.f32 v27, v27  }
0x26b: {  	s11 =	simm.s32 $0x4;
	v24 =	vadd.f32 v24, v5;
	v21 =	vmul.f32 v28, v28;
	v22 =	vmul.f32 v29, v29  }
.LBB2_9:
0x26c: {  	p2 =	sne.s32 s11, $0x7C;
	v25 =	vadd.f32 v25, v7;
	v18 =	vmul.f32 v18, v18;
	v23 =	vmul.f32 v23, v23  }
0x26d: {  	v19 =	vadd.f32 v19, v2;
	v20 =	vadd.f32 v20, v3;
	v24 =	vmul.f32 v24, v24  }
0x26e: {  	v21 =	vadd.f32 v21, v4;
	v22 =	vadd.f32 v22, v8;
	v25 =	vmul.f32 v25, v25  }
0x26f: {  	v18 =	vadd.f32 v18, v9;
	v23 =	vadd.f32 v23, v6;
	v19 =	vmul.f32 v19, v19  }
0x270: {  	v20 =	vmul.f32 v20, v20;
	v24 =	vadd.f32 v24, v5;
	v21 =	vmul.f32 v21, v21  }
0x271: {  	v22 =	vmul.f32 v22, v22;
	v25 =	vadd.f32 v25, v7;
	v18 =	vmul.f32 v18, v18  }
0x272: {  	v19 =	vadd.f32 v19, v2;
	v20 =	vadd.f32 v20, v3;
	v23 =	vmul.f32 v23, v23  }
0x273: {  	v21 =	vadd.f32 v21, v4;
	v22 =	vadd.f32 v22, v8;
	v24 =	vmul.f32 v24, v24  }
0x274: {  	v18 =	vadd.f32 v18, v9;
	v23 =	vadd.f32 v23, v6;
	v25 =	vmul.f32 v25, v25  }
0x275: {  	v19 =	vmul.f32 v19, v19;
	v20 =	vmul.f32 v20, v20;
	v24 =	vadd.f32 v24, v5  }
0x276: {  	v21 =	vmul.f32 v21, v21;
	v22 =	vmul.f32 v22, v22;
	v25 =	vadd.f32 v25, v7  }
0x277: {  	v19 =	vadd.f32 v19, v2;
	v18 =	vmul.f32 v18, v18;
	v23 =	vmul.f32 v23, v23  }
0x278: {  	v20 =	vadd.f32 v20, v3;
	v21 =	vadd.f32 v21, v4;
	v24 =	vmul.f32 v24, v24  }
0x279: {  	v22 =	vadd.f32 v22, v8;
	v18 =	vadd.f32 v18, v9;
	v25 =	vmul.f32 v25, v25  }
0x27a: {  	v23 =	vadd.f32 v23, v6;
	v19 =	vmul.f32 v19, v19;
	v20 =	vmul.f32 v20, v20  }
0x27b: {  	v24 =	vadd.f32 v24, v5;
	v21 =	vmul.f32 v21, v21;
	v22 =	vmul.f32 v22, v22  }
0x27c: {  	v25 =	vadd.f32 v25, v7;
	v18 =	vmul.f32 v18, v18;
	v23 =	vmul.f32 v23, v23  }
0x27d: {  	v19 =	vadd.f32 v19, v2;
	v20 =	vadd.f32 v20, v3;
	v24 =	vmul.f32 v24, v24  }
0x27e: {  	v21 =	vadd.f32 v21, v4;
	v22 =	vadd.f32 v22, v8;
	v25 =	vmul.f32 v25, v25  }
0x27f: {  	v18 =	vadd.f32 v18, v9;
	v23 =	vadd.f32 v23, v6;
	v19 =	vmul.f32 v19, v19  }
0x280: {  	v20 =	vmul.f32 v20, v20;
	v24 =	vadd.f32 v24, v5;
	v21 =	vmul.f32 v21, v21  }
0x281: {  	v22 =	vmul.f32 v22, v22;
	v25 =	vadd.f32 v25, v7;
	v18 =	vmul.f32 v18, v18  }
0x282: {  	v19 =	vadd.f32 v19, v2;
	v20 =	vadd.f32 v20, v3;
	v23 =	vmul.f32 v23, v23  }
0x283: {  	v21 =	vadd.f32 v21, v4;
	v22 =	vadd.f32 v22, v8;
	v24 =	vmul.f32 v24, v24  }
0x284: {  	v18 =	vadd.f32 v18, v9;
	v23 =	vadd.f32 v23, v6;
	v25 =	vmul.f32 v25, v25  }
0x285: {  	v19 =	vmul.f32 v19, v19;
	v20 =	vmul.f32 v20, v20;
	v24 =	vadd.f32 v24, v5  }
0x286: {  	v21 =	vmul.f32 v21, v21;
	v22 =	vmul.f32 v22, v22;
	v25 =	vadd.f32 v25, v7  }
0x287: {  	v19 =	vadd.f32 v19, v2;
	v18 =	vmul.f32 v18, v18;
	v23 =	vmul.f32 v23, v23  }
0x288: {  	v20 =	vadd.f32 v20, v3;
	v24 =	vmul.f32 v24, v24;
	v25 =	vmul.f32 v25, v25  }
0x289: {  	v21 =	vadd.f32 v21, v4;
	v22 =	vadd.f32 v22, v8;
	v19 =	vmul.f32 v19, v19  }
0x28a: {  	v18 =	vadd.f32 v18, v9;
	v23 =	vadd.f32 v23, v6;
	v20 =	vmul.f32 v20, v20  }
0x28b: {  	v24 =	vadd.f32 v24, v5;
	v2 =	vadd.f32 v19, v2;
	v19 =	vmul.f32 v21, v21  }
0x28c: {  	v21 =	vadd.f32 v25, v7;
	v3 =	vadd.f32 v20, v3;
	v20 =	vmul.f32 v22, v22  }
0x28d: {  	s5 =	sadd.s32 $0x80, s5;
	v18 =	vmul.f32 v18, v18;
	v4 =	vadd.f32 v19, v4;
	[tilespmem:v17+s25+$0x0] =	vst.idx.msk $0xffff, v2  }
0x28e: {  	v8 =	vadd.f32 v20, v8;
	v17 =	vmul.f32 v23, v23;
	v2 =	vld [tilespmem:s5+$0xFFFFFF90];
	[tilespmem:v15+s25+$0x0] =	vst.idx.msk $0xffff, v3  }
0x28f: {  	v9 =	vadd.f32 v18, v9;
	v18 =	vmul.f32 v24, v24;
	v15 =	vmov s11;
	v3 =	vld [tilespmem:s5+$0xFFFFFFA0];
	[tilespmem:v16+s25+$0x0] =	vst.idx.msk $0xffff, v4  }
0x290: {  	s12 =	sadd.s32 $0x1, s11;
	s13 =	sadd.s32 $0x2, s11;
	v15 =	vand.u32 $0x7C, v15;
	v6 =	vadd.f32 v17, v6;
	v16 =	vmul.f32 v21, v21;
	v4 =	vld [tilespmem:s5+$0xFFFFFFB0];
	[tilespmem:v13+s25+$0x0] =	vst.idx.msk $0xffff, v8  }
0x291: {  	v19 =	vmov s13;
	v5 =	vadd.f32 v18, v5;
	v13 =	vmov s12;
	s12 =	sadd.s32 $0x3, s11;
	v8 =	vld [tilespmem:s5+$0xFFFFFFC0];
	[tilespmem:v14+s25+$0x0] =	vst.idx.msk $0xffff, v9  }
0x292: {  	v17 =	vadd.s32 v0, v15;
	v14 =	vmov s12;
	v7 =	vadd.f32 v16, v7;
	v9 =	vld [tilespmem:s5+$0xFFFFFFD0];
	[tilespmem:v10+s25+$0x0] =	vst.idx.msk $0xffff, v6  }
0x293: {  	v18 =	vand.u32 $0x7E, v19;
	v15 =	vadd.s32 v1, v15;
	v10 =	vand.u32 $0x7D, v13;
	v6 =	vld [tilespmem:s5+$0xFFFFFFE0];
	[tilespmem:v11+s25+$0x0] =	vst.idx.msk $0xffff, v5  }
0x294: {  	v19 =	vand.u32 $0x7F, v14;
	v16 =	vadd.s32 v0, v10;
	v13 =	vadd.s32 v1, v10;
	v5 =	vld [tilespmem:s5+$0xFFFFFFF0];
	[tilespmem:v12+s25+$0x0] =	vst.idx.msk $0xffff, v7  }
0x295: {  	v14 =	vadd.s32 v0, v18;
	v20 =	vmul.f32 v2, v2;
	v10 =	vadd.s32 v1, v18;
	v7 =	vld [tilespmem:s5+$0x0]  }
0x296: {  	v11 =	vadd.s32 v0, v19;
	v18 =	vmul.f32 v3, v3;
	v21 =	vmul.f32 v4, v4  }
0x297: {  	v12 =	vadd.s32 v1, v19;
	v22 =	vmul.f32 v8, v8;
	v23 =	vmul.f32 v9, v9  }
0x298: {  	v19 =	vadd.f32 v20, v2;
	v18 =	vadd.f32 v18, v3;
	v20 =	vmul.f32 v6, v6  }
0x299: {  	v21 =	vadd.f32 v21, v4;
	v22 =	vadd.f32 v22, v8;
	v24 =	vmul.f32 v5, v5  }
0x29a: {  	v23 =	vadd.f32 v23, v9;
	v20 =	vadd.f32 v20, v6;
	v25 =	vmul.f32 v7, v7  }
0x29b: {  	v19 =	vmul.f32 v19, v19;
	v18 =	vmul.f32 v18, v18;
	v24 =	vadd.f32 v24, v5  }
0x29c: {  	v21 =	vmul.f32 v21, v21;
	v22 =	vmul.f32 v22, v22;
	v25 =	vadd.f32 v25, v7  }
.Ltmp3:
0x29d: {  	v19 =	vadd.f32 v19, v2;
	v23 =	vmul.f32 v23, v23;
	v20 =	vmul.f32 v20, v20;
	(pc) =	sbr.rel @p2 .LBB2_9-.Ltmp3, $4  }
0x29e: {  	v26 =	vadd.f32 v18, v3;
	v21 =	vadd.f32 v21, v4;
	v24 =	vmul.f32 v24, v24  }
0x29f: {  	v22 =	vadd.f32 v22, v8;
	v18 =	vadd.f32 v23, v9;
	v25 =	vmul.f32 v25, v25  }
0x2a0: {  	v19 =	vmul.f32 v19, v19;
	v23 =	vadd.f32 v20, v6;
	v20 =	vmul.f32 v26, v26  }
0x2a1: {  	s11 =	sadd.s32 $0x4, s11;
	v21 =	vmul.f32 v21, v21;
	v22 =	vmul.f32 v22, v22;
	v24 =	vadd.f32 v24, v5  }
0x2a2: {  	v25 =	vadd.f32 v25, v7;
	v18 =	vmul.f32 v18, v18;
	v23 =	vmul.f32 v23, v23  }
0x2a3: {  	v19 =	vadd.f32 v19, v2;
	v20 =	vadd.f32 v20, v3;
	v24 =	vmul.f32 v24, v24  }
0x2a4: {  	v21 =	vadd.f32 v21, v4;
	v22 =	vadd.f32 v22, v8;
	v25 =	vmul.f32 v25, v25  }
0x2a5: {  	v18 =	vadd.f32 v18, v9;
	v23 =	vadd.f32 v23, v6;
	v19 =	vmul.f32 v19, v19  }
0x2a6: {  	v20 =	vmul.f32 v20, v20;
	v24 =	vadd.f32 v24, v5;
	v21 =	vmul.f32 v21, v21  }
0x2a7: {  	v22 =	vmul.f32 v22, v22;
	v25 =	vadd.f32 v25, v7;
	v18 =	vmul.f32 v18, v18  }
0x2a8: {  	v19 =	vadd.f32 v19, v2;
	v20 =	vadd.f32 v20, v3;
	v23 =	vmul.f32 v23, v23  }
0x2a9: {  	v21 =	vadd.f32 v21, v4;
	v22 =	vadd.f32 v22, v8;
	v24 =	vmul.f32 v24, v24  }
0x2aa: {  	v18 =	vadd.f32 v18, v9;
	v23 =	vadd.f32 v23, v6;
	v25 =	vmul.f32 v25, v25  }
0x2ab: {  	v19 =	vmul.f32 v19, v19;
	v20 =	vmul.f32 v20, v20;
	v24 =	vadd.f32 v24, v5  }
0x2ac: {  	v21 =	vmul.f32 v21, v21;
	v22 =	vmul.f32 v22, v22;
	v25 =	vadd.f32 v25, v7  }
0x2ad: {  	v19 =	vadd.f32 v19, v2;
	v18 =	vmul.f32 v18, v18;
	v23 =	vmul.f32 v23, v23  }
0x2ae: {  	v20 =	vadd.f32 v20, v3;
	v21 =	vadd.f32 v21, v4;
	v24 =	vmul.f32 v24, v24  }
0x2af: {  	v22 =	vadd.f32 v22, v8;
	v18 =	vadd.f32 v18, v9;
	v25 =	vmul.f32 v25, v25  }
0x2b0: {  	v23 =	vadd.f32 v23, v6;
	v19 =	vmul.f32 v19, v19;
	v20 =	vmul.f32 v20, v20  }
0x2b1: {  	v24 =	vadd.f32 v24, v5;
	v21 =	vmul.f32 v21, v21;
	v22 =	vmul.f32 v22, v22  }
0x2b2: {  	v25 =	vadd.f32 v25, v7;
	v18 =	vmul.f32 v18, v18;
	v23 =	vmul.f32 v23, v23  }
0x2b3: {  	v19 =	vadd.f32 v19, v2;
	v20 =	vadd.f32 v20, v3;
	v24 =	vmul.f32 v24, v24  }
0x2b4: {  	v21 =	vadd.f32 v21, v4;
	v22 =	vadd.f32 v22, v8;
	v25 =	vmul.f32 v25, v25  }
0x2b5: {  	v18 =	vadd.f32 v18, v9;
	v23 =	vadd.f32 v23, v6;
	v19 =	vmul.f32 v19, v19  }
0x2b6: {  	v20 =	vmul.f32 v20, v20;
	v24 =	vadd.f32 v24, v5;
	v21 =	vmul.f32 v21, v21  }
0x2b7: {  	v22 =	vmul.f32 v22, v22;
	v25 =	vadd.f32 v25, v7;
	v18 =	vmul.f32 v18, v18  }
0x2b8: {  	v19 =	vadd.f32 v19, v2;
	v20 =	vadd.f32 v20, v3;
	v23 =	vmul.f32 v23, v23  }
0x2b9: {  	v21 =	vadd.f32 v21, v4;
	v22 =	vadd.f32 v22, v8;
	v24 =	vmul.f32 v24, v24  }
0x2ba: {  	v18 =	vadd.f32 v18, v9;
	v23 =	vadd.f32 v23, v6;
	v25 =	vmul.f32 v25, v25  }
0x2bb: {  	v19 =	vmul.f32 v19, v19;
	v20 =	vmul.f32 v20, v20;
	v24 =	vadd.f32 v24, v5  }
0x2bc: {  	v21 =	vmul.f32 v21, v21;
	v22 =	vmul.f32 v22, v22;
	v25 =	vadd.f32 v25, v7  }
0x2bd: {  	v19 =	vadd.f32 v19, v2;
	v18 =	vmul.f32 v18, v18;
	v23 =	vmul.f32 v23, v23  }
0x2be: {  	v20 =	vadd.f32 v20, v3;
	v24 =	vmul.f32 v24, v24;
	v21 =	vadd.f32 v21, v4  }
0x2bf: {  	v22 =	vadd.f32 v22, v8;
	v25 =	vmul.f32 v25, v25;
	v19 =	vmul.f32 v19, v19  }
0x2c0: {  	v18 =	vadd.f32 v18, v9;
	v23 =	vadd.f32 v23, v6;
	v20 =	vmul.f32 v20, v20  }
0x2c1: {  	v24 =	vadd.f32 v24, v5;
	v2 =	vadd.f32 v19, v2;
	v19 =	vmul.f32 v21, v21  }
0x2c2: {  	v21 =	vadd.f32 v25, v7;
	v3 =	vadd.f32 v20, v3;
	v20 =	vmul.f32 v22, v22  }
0x2c3: {  	v18 =	vmul.f32 v18, v18;
	v4 =	vadd.f32 v19, v4;
	[tilespmem:v17+s25+$0x0] =	vst.idx.msk $0xffff, v2  }
0x2c4: {  	v2 =	vadd.f32 v20, v8;
	v8 =	vmul.f32 v23, v23;
	[tilespmem:v15+s25+$0x0] =	vst.idx.msk $0xffff, v3  }
0x2c5: {  	v3 =	vadd.f32 v18, v9;
	v9 =	vmul.f32 v24, v24;
	[tilespmem:v16+s25+$0x0] =	vst.idx.msk $0xffff, v4  }
0x2c6: {  	v4 =	vadd.f32 v8, v6;
	v6 =	vmul.f32 v21, v21;
	[tilespmem:v13+s25+$0x0] =	vst.idx.msk $0xffff, v2  }
0x2c7: {  	v2 =	vadd.f32 v9, v5;
	[tilespmem:v14+s25+$0x0] =	vst.idx.msk $0xffff, v3  }
0x2c8: {  	v3 =	vadd.f32 v6, v7;
	[tilespmem:v10+s25+$0x0] =	vst.idx.msk $0xffff, v4  }
0x2c9: {  	[tilespmem:v11+s25+$0x0] =	vst.idx.msk $0xffff, v2  }
0x2ca: {  	s5 =	sadd.s32 @!p0 $0x400, s20;
	s11 =	simm.s32 @!p0 $0x80;
	s12 =	simm.s32 @!p0 $0x4900;
	[tilespmem:v12+s25+$0x0] =	vst.idx.msk $0xffff, v3  }
0x2cb: {  	[tilespmem:s12], [sflag:$0x4] =	stream.indirect.gather @!p0 [hbm4b:s4+s11], $0x20, s5, s11, $0xb8;
	[tilespmem:$0xBE00] =	vst v63  }
0x2cc: {  	s12 =	sadd.s32 s9, s21  }
0x2cd: {  	s5 =	sshrl.u32 s12, $0x3  }
0x2ce: {  	s5 =	sadd.s32 s2, s5  }
0x2cf: {  	[hbm4b:s5+s3] =	stream.linear.scatter [tilespmem:s25], [sflag:$0x9], $0x80, $0x38;
	[tilespmem:$0xBE00] =	vst v63  }
0x2d0: {  	s26 =	simm.s32 $0x9C88;
	s13 =	sadd.s32 $0x10, s5  }
0x2d1: {  	[hbm4b:s13+s3] =	stream.linear.scatter [tilespmem:s26], [sflag:$0x9], $0x80, $0x38;
	[tilespmem:$0xBE00] =	vst v63  }
0x2d2: {  	s13 =	sadd.s32 $0x20, s5;
	s26 =	simm.s32 $0x9D10  }
0x2d3: {  	[hbm4b:s13+s3] =	stream.linear.scatter [tilespmem:s26], [sflag:$0x9], $0x80, $0x38;
	[tilespmem:$0xBE00] =	vst v63  }
0x2d4: {  	s13 =	sadd.s32 $0x30, s5;
	s26 =	simm.s32 $0x9D98  }
0x2d5: {  	[hbm4b:s13+s3] =	stream.linear.scatter [tilespmem:s26], [sflag:$0x9], $0x80, $0x38;
	[tilespmem:$0xBE00] =	vst v63  }
0x2d6: {  	s13 =	sadd.s32 $0x40, s5;
	s26 =	simm.s32 $0x9E20  }
0x2d7: {  	[hbm4b:s13+s3] =	stream.linear.scatter [tilespmem:s26], [sflag:$0x9], $0x80, $0x38;
	[tilespmem:$0xBE00] =	vst v63  }
0x2d8: {  	s13 =	sadd.s32 $0x50, s5;
	s26 =	simm.s32 $0x9EA8  }
0x2d9: {  	[hbm4b:s13+s3] =	stream.linear.scatter [tilespmem:s26], [sflag:$0x9], $0x80, $0x38;
	[tilespmem:$0xBE00] =	vst v63  }
0x2da: {  	s13 =	sadd.s32 $0x60, s5;
	s26 =	simm.s32 $0x9F30  }
0x2db: {  	[hbm4b:s13+s3] =	stream.linear.scatter [tilespmem:s26], [sflag:$0x9], $0x80, $0x38;
	[tilespmem:$0xBE00] =	vst v63  }
0x2dc: {  	s13 =	sadd.s32 $0x70, s5;
	s26 =	simm.s32 $0x9FB8  }
0x2dd: {  	[hbm4b:s13+s3] =	stream.linear.scatter [tilespmem:s26], [sflag:$0x9], $0x80, $0x38;
	[tilespmem:$0xBE00] =	vst v63  }
0x2de: {  	s13 =	sadd.s32 $0x1000, s5;
	s26 =	simm.s32 $0xA040  }
0x2df: {  	[hbm4b:s13+s3] =	stream.linear.scatter [tilespmem:s26], [sflag:$0x9], $0x80, $0x38;
	[tilespmem:$0xBE00] =	vst v63  }
0x2e0: {  	s13 =	sadd.s32 $0x1010, s5;
	s26 =	simm.s32 $0xA0C8  }
0x2e1: {  	[hbm4b:s13+s3] =	stream.linear.scatter [tilespmem:s26], [sflag:$0x9], $0x80, $0x38;
	[tilespmem:$0xBE00] =	vst v63  }
0x2e2: {  	s13 =	sadd.s32 $0x1020, s5;
	s26 =	simm.s32 $0xA150  }
0x2e3: {  	[hbm4b:s13+s3] =	stream.linear.scatter [tilespmem:s26], [sflag:$0x9], $0x80, $0x38;
	[tilespmem:$0xBE00] =	vst v63  }
0x2e4: {  	s13 =	sadd.s32 $0x1030, s5;
	s26 =	simm.s32 $0xA1D8  }
0x2e5: {  	[hbm4b:s13+s3] =	stream.linear.scatter [tilespmem:s26], [sflag:$0x9], $0x80, $0x38;
	[tilespmem:$0xBE00] =	vst v63  }
0x2e6: {  	s13 =	sadd.s32 $0x1040, s5;
	s26 =	simm.s32 $0xA260  }
0x2e7: {  	[hbm4b:s13+s3] =	stream.linear.scatter [tilespmem:s26], [sflag:$0x9], $0x80, $0x38;
	[tilespmem:$0xBE00] =	vst v63  }
0x2e8: {  	s13 =	sadd.s32 $0x1050, s5;
	s26 =	simm.s32 $0xA2E8  }
0x2e9: {  	[hbm4b:s13+s3] =	stream.linear.scatter [tilespmem:s26], [sflag:$0x9], $0x80, $0x38;
	[tilespmem:$0xBE00] =	vst v63  }
0x2ea: {  	s13 =	sadd.s32 $0x1060, s5;
	s26 =	simm.s32 $0xA370  }
0x2eb: {  	[hbm4b:s13+s3] =	stream.linear.scatter [tilespmem:s26], [sflag:$0x9], $0x80, $0x38;
	[tilespmem:$0xBE00] =	vst v63  }
0x2ec: {  	s13 =	sadd.s32 $0x1070, s5;
	s26 =	simm.s32 $0xA3F8  }
0x2ed: {  	[hbm4b:s13+s3] =	stream.linear.scatter [tilespmem:s26], [sflag:$0x9], $0x80, $0x38;
	[tilespmem:$0xBE00] =	vst v63  }
0x2ee: {  	s13 =	sadd.s32 $0x2000, s5;
	s26 =	simm.s32 $0xA480  }
0x2ef: {  	[hbm4b:s13+s3] =	stream.linear.scatter [tilespmem:s26], [sflag:$0x9], $0x80, $0x38;
	[tilespmem:$0xBE00] =	vst v63  }
0x2f0: {  	s13 =	sadd.s32 $0x2010, s5;
	s26 =	simm.s32 $0xA508  }
0x2f1: {  	[hbm4b:s13+s3] =	stream.linear.scatter [tilespmem:s26], [sflag:$0x9], $0x80, $0x38;
	[tilespmem:$0xBE00] =	vst v63  }
0x2f2: {  	s13 =	sadd.s32 $0x2020, s5;
	s26 =	simm.s32 $0xA590  }
0x2f3: {  	[hbm4b:s13+s3] =	stream.linear.scatter [tilespmem:s26], [sflag:$0x9], $0x80, $0x38;
	[tilespmem:$0xBE00] =	vst v63  }
0x2f4: {  	s13 =	sadd.s32 $0x2030, s5;
	s26 =	simm.s32 $0xA618  }
0x2f5: {  	[hbm4b:s13+s3] =	stream.linear.scatter [tilespmem:s26], [sflag:$0x9], $0x80, $0x38;
	[tilespmem:$0xBE00] =	vst v63  }
0x2f6: {  	s13 =	sadd.s32 $0x2040, s5;
	s26 =	simm.s32 $0xA6A0  }
0x2f7: {  	[hbm4b:s13+s3] =	stream.linear.scatter [tilespmem:s26], [sflag:$0x9], $0x80, $0x38;
	[tilespmem:$0xBE00] =	vst v63  }
0x2f8: {  	s13 =	sadd.s32 $0x2050, s5;
	s26 =	simm.s32 $0xA728  }
0x2f9: {  	[hbm4b:s13+s3] =	stream.linear.scatter [tilespmem:s26], [sflag:$0x9], $0x80, $0x38;
	[tilespmem:$0xBE00] =	vst v63  }
0x2fa: {  	s13 =	sadd.s32 $0x2060, s5;
	s26 =	simm.s32 $0xA7B0  }
0x2fb: {  	[hbm4b:s13+s3] =	stream.linear.scatter [tilespmem:s26], [sflag:$0x9], $0x80, $0x38;
	[tilespmem:$0xBE00] =	vst v63  }
0x2fc: {  	s13 =	sadd.s32 $0x2070, s5;
	s26 =	simm.s32 $0xA838  }
0x2fd: {  	[hbm4b:s13+s3] =	stream.linear.scatter [tilespmem:s26], [sflag:$0x9], $0x80, $0x38;
	[tilespmem:$0xBE00] =	vst v63  }
0x2fe: {  	s13 =	sadd.s32 $0x3000, s5;
	s26 =	simm.s32 $0xA8C0  }
0x2ff: {  	[hbm4b:s13+s3] =	stream.linear.scatter [tilespmem:s26], [sflag:$0x9], $0x80, $0x38;
	[tilespmem:$0xBE00] =	vst v63  }
0x300: {  	s13 =	sadd.s32 $0x3010, s5;
	s26 =	simm.s32 $0xA948  }
0x301: {  	[hbm4b:s13+s3] =	stream.linear.scatter [tilespmem:s26], [sflag:$0x9], $0x80, $0x38;
	[tilespmem:$0xBE00] =	vst v63  }
0x302: {  	s13 =	sadd.s32 $0x3020, s5;
	s26 =	simm.s32 $0xA9D0  }
0x303: {  	[hbm4b:s13+s3] =	stream.linear.scatter [tilespmem:s26], [sflag:$0x9], $0x80, $0x38;
	[tilespmem:$0xBE00] =	vst v63  }
0x304: {  	s13 =	sadd.s32 $0x3030, s5;
	s26 =	simm.s32 $0xAA58  }
0x305: {  	[hbm4b:s13+s3] =	stream.linear.scatter [tilespmem:s26], [sflag:$0x9], $0x80, $0x38;
	[tilespmem:$0xBE00] =	vst v63  }
0x306: {  	s13 =	sadd.s32 $0x3040, s5;
	s26 =	simm.s32 $0xAAE0  }
0x307: {  	[hbm4b:s13+s3] =	stream.linear.scatter [tilespmem:s26], [sflag:$0x9], $0x80, $0x38;
	[tilespmem:$0xBE00] =	vst v63  }
0x308: {  	s13 =	sadd.s32 $0x3050, s5;
	s26 =	simm.s32 $0xAB68  }
0x309: {  	[hbm4b:s13+s3] =	stream.linear.scatter [tilespmem:s26], [sflag:$0x9], $0x80, $0x38;
	[tilespmem:$0xBE00] =	vst v63  }
0x30a: {  	s13 =	sadd.s32 $0x3060, s5;
	s26 =	simm.s32 $0xABF0  }
0x30b: {  	[hbm4b:s13+s3] =	stream.linear.scatter [tilespmem:s26], [sflag:$0x9], $0x80, $0x38;
	[tilespmem:$0xBE00] =	vst v63  }
0x30c: {  	s5 =	sadd.s32 $0x3070, s5;
	s13 =	simm.s32 $0xAC78  }
0x30d: {  	[hbm4b:s5+s3] =	stream.linear.scatter [tilespmem:s13], [sflag:$0x9], $0x80, $0x38;
	[tilespmem:$0xBE00] =	vst v63  }
0x30e: {  	_ =	swait.ge [sflag:s30], $0x1000  }
0x30f: {  	[sflag:s30] =	ssyncset.done $0x0  }
0x310: {  	s5 =	simm.s32 @!p1 $0xA;
	[sflag:s30] =	ssyncadd.s32 $0xFFFFF000  }
0x311: {  	_ =	swait.ge @!p1 [sflag:s5], $0x1000  }
0x312: {  	[sflag:s5] =	ssyncset.done @!p1 $0x0  }
0x313: {  	s11 =	simm.s32 $0x0;
	[sflag:s5] =	ssyncadd.s32 @!p1 $0xFFFFF000  }
0x314: {  	v4 =	vld [tilespmem:s11+$0x5900]  }
0x315: {  	s26 =	simm.s32 $0x0;
	v5 =	vld [tilespmem:s11+$0x5910]  }
0x316: {  	v6 =	vmov s26;
	s26 =	simm.s32 $0x2;
	v7 =	vld [tilespmem:s11+$0x5920]  }
0x317: {  	s13 =	simm.s32 $0x1;
	v12 =	vmov s26;
	v13 =	vand.u32 $0x7C, v6;
	v10 =	vld [tilespmem:s11+$0x5930]  }
0x318: {  	v9 =	vmov s13;
	v17 =	vadd.s32 v0, v13;
	v12 =	vand.u32 $0x7E, v12;
	v11 =	vld [tilespmem:s11+$0x5940]  }
0x319: {  	v15 =	vadd.s32 v1, v13;
	v14 =	vand.u32 $0x7D, v9;
	v13 =	vadd.s32 v0, v12;
	s5 =	simm.s32 $0x3;
	v8 =	vld [tilespmem:s11+$0x5950]  }
0x31a: {  	v12 =	vadd.s32 v1, v12;
	v16 =	vadd.s32 v0, v14;
	v2 =	vmov s5;
	v6 =	vld [tilespmem:s11+$0x5960]  }
0x31b: {  	v14 =	vadd.s32 v1, v14;
	v9 =	vld [tilespmem:s11+$0x5970];
	v3 =	vand.u32 $0x7F, v2;
	v18 =	vmul.f32 v4, v4  }
0x31c: {  	v2 =	vadd.s32 v0, v3;
	v19 =	vmul.f32 v5, v5;
	v20 =	vmul.f32 v7, v7  }
0x31d: {  	v3 =	vadd.s32 v1, v3;
	v21 =	vmul.f32 v10, v10;
	v22 =	vmul.f32 v11, v11  }
0x31e: {  	v23 =	vmul.f32 v8, v8;
	v18 =	vadd.f32 v18, v4;
	v19 =	vadd.f32 v19, v5  }
0x31f: {  	v24 =	vmul.f32 v6, v6;
	v20 =	vadd.f32 v20, v7;
	v21 =	vadd.f32 v21, v10  }
0x320: {  	v25 =	vmul.f32 v9, v9;
	v22 =	vadd.f32 v22, v11;
	v23 =	vadd.f32 v23, v8  }
0x321: {  	v24 =	vadd.f32 v24, v6;
	v18 =	vmul.f32 v18, v18;
	v19 =	vmul.f32 v19, v19  }
0x322: {  	v25 =	vadd.f32 v25, v9;
	v20 =	vmul.f32 v20, v20;
	v21 =	vmul.f32 v21, v21  }
0x323: {  	v27 =	vmul.f32 v22, v22;
	v23 =	vmul.f32 v23, v23;
	v26 =	vadd.f32 v18, v4  }
0x324: {  	v24 =	vmul.f32 v24, v24;
	v28 =	vadd.f32 v19, v5;
	v18 =	vadd.f32 v20, v7  }
0x325: {  	v25 =	vmul.f32 v25, v25;
	v22 =	vadd.f32 v21, v10;
	v19 =	vadd.f32 v27, v11  }
0x326: {  	s11 =	simm.s32 $0x200;
	v23 =	vadd.f32 v23, v8;
	v20 =	vmul.f32 v26, v26;
	v21 =	vmul.f32 v28, v28  }
.LBB2_11:
0x327: {  	p1 =	sne.s32 s11, $0x3E00;
	v24 =	vadd.f32 v24, v6;
	v18 =	vmul.f32 v18, v18;
	v22 =	vmul.f32 v22, v22  }
0x328: {  	v25 =	vadd.f32 v25, v9;
	v19 =	vmul.f32 v19, v19;
	v23 =	vmul.f32 v23, v23  }
0x329: {  	v20 =	vadd.f32 v20, v4;
	v21 =	vadd.f32 v21, v5;
	v24 =	vmul.f32 v24, v24  }
0x32a: {  	v18 =	vadd.f32 v18, v7;
	v22 =	vadd.f32 v22, v10;
	v25 =	vmul.f32 v25, v25  }
0x32b: {  	v19 =	vadd.f32 v19, v11;
	v23 =	vadd.f32 v23, v8;
	v20 =	vmul.f32 v20, v20  }
0x32c: {  	v21 =	vmul.f32 v21, v21;
	v24 =	vadd.f32 v24, v6;
	v18 =	vmul.f32 v18, v18  }
0x32d: {  	v25 =	vadd.f32 v25, v9;
	v22 =	vmul.f32 v22, v22;
	v19 =	vmul.f32 v19, v19  }
0x32e: {  	v20 =	vadd.f32 v20, v4;
	v21 =	vadd.f32 v21, v5;
	v23 =	vmul.f32 v23, v23  }
0x32f: {  	v18 =	vadd.f32 v18, v7;
	v22 =	vadd.f32 v22, v10;
	v24 =	vmul.f32 v24, v24  }
0x330: {  	v19 =	vadd.f32 v19, v11;
	v25 =	vmul.f32 v25, v25;
	v23 =	vadd.f32 v23, v8  }
0x331: {  	v20 =	vmul.f32 v20, v20;
	v21 =	vmul.f32 v21, v21;
	v24 =	vadd.f32 v24, v6  }
0x332: {  	v25 =	vadd.f32 v25, v9;
	v18 =	vmul.f32 v18, v18;
	v22 =	vmul.f32 v22, v22  }
0x333: {  	v19 =	vmul.f32 v19, v19;
	v20 =	vadd.f32 v20, v4;
	v23 =	vmul.f32 v23, v23  }
0x334: {  	v21 =	vadd.f32 v21, v5;
	v18 =	vadd.f32 v18, v7;
	v24 =	vmul.f32 v24, v24  }
0x335: {  	v22 =	vadd.f32 v22, v10;
	v19 =	vadd.f32 v19, v11;
	v25 =	vmul.f32 v25, v25  }
0x336: {  	v23 =	vadd.f32 v23, v8;
	v20 =	vmul.f32 v20, v20;
	v21 =	vmul.f32 v21, v21  }
0x337: {  	v24 =	vadd.f32 v24, v6;
	v18 =	vmul.f32 v18, v18;
	v22 =	vmul.f32 v22, v22  }
0x338: {  	v25 =	vadd.f32 v25, v9;
	v19 =	vmul.f32 v19, v19;
	v23 =	vmul.f32 v23, v23  }
0x339: {  	v20 =	vadd.f32 v20, v4;
	v21 =	vadd.f32 v21, v5;
	v24 =	vmul.f32 v24, v24  }
0x33a: {  	v18 =	vadd.f32 v18, v7;
	v22 =	vadd.f32 v22, v10;
	v25 =	vmul.f32 v25, v25  }
0x33b: {  	v19 =	vadd.f32 v19, v11;
	v23 =	vadd.f32 v23, v8;
	v20 =	vmul.f32 v20, v20  }
0x33c: {  	v21 =	vmul.f32 v21, v21;
	v24 =	vadd.f32 v24, v6;
	v18 =	vmul.f32 v18, v18  }
0x33d: {  	v25 =	vadd.f32 v25, v9;
	v22 =	vmul.f32 v22, v22;
	v19 =	vmul.f32 v19, v19  }
0x33e: {  	v20 =	vadd.f32 v20, v4;
	v21 =	vadd.f32 v21, v5;
	v23 =	vmul.f32 v23, v23  }
0x33f: {  	v18 =	vadd.f32 v18, v7;
	v22 =	vadd.f32 v22, v10;
	v24 =	vmul.f32 v24, v24  }
0x340: {  	v19 =	vadd.f32 v19, v11;
	v25 =	vmul.f32 v25, v25;
	v23 =	vadd.f32 v23, v8  }
0x341: {  	v20 =	vmul.f32 v20, v20;
	v21 =	vmul.f32 v21, v21;
	v24 =	vadd.f32 v24, v6  }
0x342: {  	v25 =	vadd.f32 v25, v9;
	v18 =	vmul.f32 v18, v18;
	v22 =	vmul.f32 v22, v22  }
0x343: {  	v19 =	vmul.f32 v19, v19;
	v20 =	vadd.f32 v20, v4;
	v23 =	vmul.f32 v23, v23  }
0x344: {  	v21 =	vadd.f32 v21, v5;
	v24 =	vmul.f32 v24, v24;
	v25 =	vmul.f32 v25, v25  }
0x345: {  	v18 =	vadd.f32 v18, v7;
	v22 =	vadd.f32 v22, v10;
	v20 =	vmul.f32 v20, v20  }
0x346: {  	v19 =	vadd.f32 v19, v11;
	v23 =	vadd.f32 v23, v8;
	v21 =	vmul.f32 v21, v21  }
0x347: {  	v24 =	vadd.f32 v24, v6;
	v18 =	vmul.f32 v18, v18;
	v4 =	vadd.f32 v20, v4  }
0x348: {  	v20 =	vadd.f32 v25, v9;
	v5 =	vadd.f32 v21, v5;
	v21 =	vmul.f32 v22, v22  }
0x349: {  	s12 =	sshra.s32 s11, $0x2;
	v7 =	vadd.f32 v18, v7;
	v18 =	vmul.f32 v19, v19;
	[tilespmem:v17+s31+$0x0] =	vst.idx.msk $0xffff, v4  }
0x34a: {  	s5 =	sadd.s32 $0x4, s5;
	v10 =	vadd.f32 v21, v10;
	v17 =	vmul.f32 v23, v23;
	v4 =	vld [tilespmem:s12+$0x5900];
	[tilespmem:v15+s31+$0x0] =	vst.idx.msk $0xffff, v5  }
0x34b: {  	v11 =	vadd.f32 v18, v11;
	v18 =	vmul.f32 v24, v24;
	v15 =	vmov s5;
	v5 =	vld [tilespmem:s12+$0x5910];
	[tilespmem:v16+s31+$0x0] =	vst.idx.msk $0xffff, v7  }
0x34c: {  	s13 =	sadd.s32 $0xFFFFFFFD, s5;
	s26 =	sadd.s32 $0xFFFFFFFE, s5;
	v15 =	vand.u32 $0x7F, v15;
	v8 =	vadd.f32 v17, v8;
	v16 =	vmul.f32 v20, v20;
	v7 =	vld [tilespmem:s12+$0x5920];
	[tilespmem:v14+s31+$0x0] =	vst.idx.msk $0xffff, v10  }
0x34d: {  	v6 =	vadd.f32 v18, v6;
	v17 =	vmov s26;
	v14 =	vmov s13;
	s13 =	sadd.s32 $0xFFFFFFFF, s5;
	v10 =	vld [tilespmem:s12+$0x5930];
	[tilespmem:v13+s31+$0x0] =	vst.idx.msk $0xffff, v11  }
0x34e: {  	v18 =	vadd.s32 v0, v15;
	v13 =	vmov s13;
	v9 =	vadd.f32 v16, v9;
	v11 =	vld [tilespmem:s12+$0x5940];
	[tilespmem:v12+s31+$0x0] =	vst.idx.msk $0xffff, v8  }
0x34f: {  	v19 =	vadd.s32 v1, v15;
	v12 =	vand.u32 $0x7C, v14;
	v14 =	vand.u32 $0x7D, v17;
	v8 =	vld [tilespmem:s12+$0x5950];
	[tilespmem:v2+s31+$0x0] =	vst.idx.msk $0xffff, v6;
	v2 =	vmovc v18  }
0x350: {  	v17 =	vadd.s32 v0, v12;
	v15 =	vadd.s32 v1, v12;
	v12 =	vand.u32 $0x7E, v13;
	v6 =	vld [tilespmem:s12+$0x5960];
	[tilespmem:v3+s31+$0x0] =	vst.idx.msk $0xffff, v9  }
0x351: {  	v18 =	vmul.f32 v4, v4;
	v16 =	vadd.s32 v0, v14;
	v14 =	vadd.s32 v1, v14;
	v3 =	vmovc v19;
	v9 =	vld [tilespmem:s12+$0x5970]  }
0x352: {  	v19 =	vmul.f32 v5, v5;
	v13 =	vadd.s32 v0, v12;
	v20 =	vmul.f32 v7, v7  }
0x353: {  	v12 =	vadd.s32 v1, v12;
	v21 =	vmul.f32 v10, v10;
	v22 =	vmul.f32 v11, v11  }
0x354: {  	v18 =	vadd.f32 v18, v4;
	v19 =	vadd.f32 v19, v5;
	v23 =	vmul.f32 v8, v8  }
0x355: {  	v20 =	vadd.f32 v20, v7;
	v21 =	vadd.f32 v21, v10;
	v24 =	vmul.f32 v6, v6  }
0x356: {  	v22 =	vadd.f32 v22, v11;
	v23 =	vadd.f32 v23, v8;
	v25 =	vmul.f32 v9, v9  }
0x357: {  	v18 =	vmul.f32 v18, v18;
	v19 =	vmul.f32 v19, v19;
	v24 =	vadd.f32 v24, v6  }
.Ltmp4:
0x358: {  	v20 =	vmul.f32 v20, v20;
	v21 =	vmul.f32 v21, v21;
	v25 =	vadd.f32 v25, v9;
	(pc) =	sbr.rel @p1 .LBB2_11-.Ltmp4, $4  }
0x359: {  	v26 =	vadd.f32 v18, v4;
	v27 =	vmul.f32 v22, v22;
	v23 =	vmul.f32 v23, v23  }
0x35a: {  	v28 =	vadd.f32 v19, v5;
	v18 =	vadd.f32 v20, v7;
	v24 =	vmul.f32 v24, v24  }
0x35b: {  	v22 =	vadd.f32 v21, v10;
	v19 =	vadd.f32 v27, v11;
	v25 =	vmul.f32 v25, v25  }
0x35c: {  	s11 =	sadd.s32 $0x200, s11;
	v20 =	vmul.f32 v26, v26;
	v21 =	vmul.f32 v28, v28;
	v23 =	vadd.f32 v23, v8  }
0x35d: {  	v24 =	vadd.f32 v24, v6;
	v18 =	vmul.f32 v18, v18;
	v22 =	vmul.f32 v22, v22  }
0x35e: {  	v25 =	vadd.f32 v25, v9;
	v19 =	vmul.f32 v19, v19;
	v23 =	vmul.f32 v23, v23  }
0x35f: {  	v20 =	vadd.f32 v20, v4;
	v21 =	vadd.f32 v21, v5;
	v24 =	vmul.f32 v24, v24  }
0x360: {  	v18 =	vadd.f32 v18, v7;
	v22 =	vadd.f32 v22, v10;
	v25 =	vmul.f32 v25, v25  }
0x361: {  	v19 =	vadd.f32 v19, v11;
	v23 =	vadd.f32 v23, v8;
	v20 =	vmul.f32 v20, v20  }
0x362: {  	v21 =	vmul.f32 v21, v21;
	v24 =	vadd.f32 v24, v6;
	v18 =	vmul.f32 v18, v18  }
0x363: {  	v25 =	vadd.f32 v25, v9;
	v22 =	vmul.f32 v22, v22;
	v19 =	vmul.f32 v19, v19  }
0x364: {  	v20 =	vadd.f32 v20, v4;
	v21 =	vadd.f32 v21, v5;
	v23 =	vmul.f32 v23, v23  }
0x365: {  	v18 =	vadd.f32 v18, v7;
	v22 =	vadd.f32 v22, v10;
	v24 =	vmul.f32 v24, v24  }
0x366: {  	v19 =	vadd.f32 v19, v11;
	v25 =	vmul.f32 v25, v25;
	v23 =	vadd.f32 v23, v8  }
0x367: {  	v20 =	vmul.f32 v20, v20;
	v21 =	vmul.f32 v21, v21;
	v24 =	vadd.f32 v24, v6  }
0x368: {  	v25 =	vadd.f32 v25, v9;
	v18 =	vmul.f32 v18, v18;
	v22 =	vmul.f32 v22, v22  }
0x369: {  	v19 =	vmul.f32 v19, v19;
	v20 =	vadd.f32 v20, v4;
	v23 =	vmul.f32 v23, v23  }
0x36a: {  	v21 =	vadd.f32 v21, v5;
	v18 =	vadd.f32 v18, v7;
	v24 =	vmul.f32 v24, v24  }
0x36b: {  	v22 =	vadd.f32 v22, v10;
	v19 =	vadd.f32 v19, v11;
	v25 =	vmul.f32 v25, v25  }
0x36c: {  	v23 =	vadd.f32 v23, v8;
	v20 =	vmul.f32 v20, v20;
	v21 =	vmul.f32 v21, v21  }
0x36d: {  	v24 =	vadd.f32 v24, v6;
	v18 =	vmul.f32 v18, v18;
	v22 =	vmul.f32 v22, v22  }
0x36e: {  	v25 =	vadd.f32 v25, v9;
	v19 =	vmul.f32 v19, v19;
	v23 =	vmul.f32 v23, v23  }
0x36f: {  	v20 =	vadd.f32 v20, v4;
	v21 =	vadd.f32 v21, v5;
	v24 =	vmul.f32 v24, v24  }
0x370: {  	v18 =	vadd.f32 v18, v7;
	v22 =	vadd.f32 v22, v10;
	v25 =	vmul.f32 v25, v25  }
0x371: {  	v19 =	vadd.f32 v19, v11;
	v23 =	vadd.f32 v23, v8;
	v20 =	vmul.f32 v20, v20  }
0x372: {  	v21 =	vmul.f32 v21, v21;
	v24 =	vadd.f32 v24, v6;
	v18 =	vmul.f32 v18, v18  }
0x373: {  	v25 =	vadd.f32 v25, v9;
	v22 =	vmul.f32 v22, v22;
	v19 =	vmul.f32 v19, v19  }
0x374: {  	v20 =	vadd.f32 v20, v4;
	v21 =	vadd.f32 v21, v5;
	v23 =	vmul.f32 v23, v23  }
0x375: {  	v18 =	vadd.f32 v18, v7;
	v22 =	vadd.f32 v22, v10;
	v24 =	vmul.f32 v24, v24  }
0x376: {  	v19 =	vadd.f32 v19, v11;
	v25 =	vmul.f32 v25, v25;
	v23 =	vadd.f32 v23, v8  }
0x377: {  	v20 =	vmul.f32 v20, v20;
	v21 =	vmul.f32 v21, v21;
	v24 =	vadd.f32 v24, v6  }
0x378: {  	v25 =	vadd.f32 v25, v9;
	v18 =	vmul.f32 v18, v18;
	v22 =	vmul.f32 v22, v22  }
0x379: {  	v19 =	vmul.f32 v19, v19;
	v20 =	vadd.f32 v20, v4;
	v23 =	vmul.f32 v23, v23  }
0x37a: {  	v21 =	vadd.f32 v21, v5;
	v24 =	vmul.f32 v24, v24;
	v25 =	vmul.f32 v25, v25  }
0x37b: {  	v18 =	vadd.f32 v18, v7;
	v22 =	vadd.f32 v22, v10;
	v20 =	vmul.f32 v20, v20  }
0x37c: {  	v19 =	vadd.f32 v19, v11;
	v23 =	vadd.f32 v23, v8;
	v21 =	vmul.f32 v21, v21  }
0x37d: {  	v24 =	vadd.f32 v24, v6;
	v18 =	vmul.f32 v18, v18;
	v50 =	vadd.f32 v20, v4  }
0x37e: {  	v51 =	vadd.f32 v25, v9;
	v53 =	vmul.f32 v22, v22;
	v52 =	vadd.f32 v21, v5  }
0x37f: {  	v55 =	vmul.f32 v19, v19;
	v54 =	vadd.f32 v18, v7;
	[tilespmem:v17+s31+$0x0] =	vst.idx.msk $0xffff, v50  }
0x380: {  	v57 =	vmul.f32 v23, v23;
	v56 =	vadd.f32 v53, v10;
	[tilespmem:v15+s31+$0x0] =	vst.idx.msk $0xffff, v52  }
0x381: {  	v58 =	vadd.f32 v55, v11;
	v59 =	vmul.f32 v24, v24;
	[tilespmem:v16+s31+$0x0] =	vst.idx.msk $0xffff, v54  }
0x382: {  	v61 =	vmul.f32 v51, v51;
	v60 =	vadd.f32 v57, v8;
	[tilespmem:v14+s31+$0x0] =	vst.idx.msk $0xffff, v56  }
0x383: {  	v62 =	vadd.f32 v59, v6;
	[tilespmem:v13+s31+$0x0] =	vst.idx.msk $0xffff, v58  }
0x384: {  	v63 =	vadd.f32 v61, v9;
	[tilespmem:v12+s31+$0x0] =	vst.idx.msk $0xffff, v60  }
0x385: {  	[tilespmem:v2+s31+$0x0] =	vst.idx.msk $0xffff, v62  }
0x386: {  	s5 =	sadd.s32 @!p0 $0x480, s20;
	s11 =	simm.s32 @!p0 $0x80;
	s12 =	simm.s32 @!p0 $0x5900;
	[tilespmem:v3+s31+$0x0] =	vst.idx.msk $0xffff, v63  }
0x387: {  	[tilespmem:s12], [sflag:$0x5] =	stream.indirect.gather @!p0 [hbm4b:s4+s11], $0x20, s5, s11, $0xb8;
	[tilespmem:$0xBE00] =	vst v63  }
0x388: {  	s12 =	sadd.s32 s10, s21  }
0x389: {  	s5 =	sshrl.u32 s12, $0x3  }
0x38a: {  	s5 =	sadd.s32 s2, s5  }
0x38b: {  	[hbm4b:s5+s3] =	stream.linear.scatter [tilespmem:s31], [sflag:$0xA], $0x80, $0x38;
	[tilespmem:$0xBE00] =	vst v63  }
0x38c: {  	s20 =	simm.s32 $0xAD88;
	s13 =	sadd.s32 $0x10, s5  }
0x38d: {  	[hbm4b:s13+s3] =	stream.linear.scatter [tilespmem:s20], [sflag:$0xA], $0x80, $0x38;
	[tilespmem:$0xBE00] =	vst v63  }
0x38e: {  	s26 =	simm.s32 $0xAE10;
	s21 =	sadd.s32 $0x20, s5  }
0x38f: {  	[hbm4b:s21+s3] =	stream.linear.scatter [tilespmem:s26], [sflag:$0xA], $0x80, $0x38;
	[tilespmem:$0xBE00] =	vst v63  }
0x390: {  	s13 =	sadd.s32 $0x30, s5;
	s20 =	simm.s32 $0xAE98  }
0x391: {  	[hbm4b:s13+s3] =	stream.linear.scatter [tilespmem:s20], [sflag:$0xA], $0x80, $0x38;
	[tilespmem:$0xBE00] =	vst v63  }
0x392: {  	s21 =	sadd.s32 $0x40, s5;
	s26 =	simm.s32 $0xAF20  }
0x393: {  	[hbm4b:s21+s3] =	stream.linear.scatter [tilespmem:s26], [sflag:$0xA], $0x80, $0x38;
	[tilespmem:$0xBE00] =	vst v63  }
0x394: {  	s13 =	sadd.s32 $0x50, s5;
	s20 =	simm.s32 $0xAFA8  }
0x395: {  	[hbm4b:s13+s3] =	stream.linear.scatter [tilespmem:s20], [sflag:$0xA], $0x80, $0x38;
	[tilespmem:$0xBE00] =	vst v63  }
0x396: {  	s21 =	sadd.s32 $0x60, s5;
	s26 =	simm.s32 $0xB030  }
0x397: {  	[hbm4b:s21+s3] =	stream.linear.scatter [tilespmem:s26], [sflag:$0xA], $0x80, $0x38;
	[tilespmem:$0xBE00] =	vst v63  }
0x398: {  	s13 =	sadd.s32 $0x70, s5;
	s20 =	simm.s32 $0xB0B8  }
0x399: {  	[hbm4b:s13+s3] =	stream.linear.scatter [tilespmem:s20], [sflag:$0xA], $0x80, $0x38;
	[tilespmem:$0xBE00] =	vst v63  }
0x39a: {  	s21 =	sadd.s32 $0x1000, s5;
	s26 =	simm.s32 $0xB140  }
0x39b: {  	[hbm4b:s21+s3] =	stream.linear.scatter [tilespmem:s26], [sflag:$0xA], $0x80, $0x38;
	[tilespmem:$0xBE00] =	vst v63  }
0x39c: {  	s13 =	sadd.s32 $0x1010, s5;
	s20 =	simm.s32 $0xB1C8  }
0x39d: {  	[hbm4b:s13+s3] =	stream.linear.scatter [tilespmem:s20], [sflag:$0xA], $0x80, $0x38;
	[tilespmem:$0xBE00] =	vst v63  }
0x39e: {  	s21 =	sadd.s32 $0x1020, s5;
	s26 =	simm.s32 $0xB250  }
0x39f: {  	[hbm4b:s21+s3] =	stream.linear.scatter [tilespmem:s26], [sflag:$0xA], $0x80, $0x38;
	[tilespmem:$0xBE00] =	vst v63  }
0x3a0: {  	s13 =	sadd.s32 $0x1030, s5;
	s20 =	simm.s32 $0xB2D8  }
0x3a1: {  	[hbm4b:s13+s3] =	stream.linear.scatter [tilespmem:s20], [sflag:$0xA], $0x80, $0x38;
	[tilespmem:$0xBE00] =	vst v63  }
0x3a2: {  	s21 =	sadd.s32 $0x1040, s5;
	s26 =	simm.s32 $0xB360  }
0x3a3: {  	[hbm4b:s21+s3] =	stream.linear.scatter [tilespmem:s26], [sflag:$0xA], $0x80, $0x38;
	[tilespmem:$0xBE00] =	vst v63  }
0x3a4: {  	s13 =	sadd.s32 $0x1050, s5;
	s20 =	simm.s32 $0xB3E8  }
0x3a5: {  	[hbm4b:s13+s3] =	stream.linear.scatter [tilespmem:s20], [sflag:$0xA], $0x80, $0x38;
	[tilespmem:$0xBE00] =	vst v63  }
0x3a6: {  	s21 =	sadd.s32 $0x1060, s5;
	s26 =	simm.s32 $0xB470  }
0x3a7: {  	[hbm4b:s21+s3] =	stream.linear.scatter [tilespmem:s26], [sflag:$0xA], $0x80, $0x38;
	[tilespmem:$0xBE00] =	vst v63  }
0x3a8: {  	s13 =	sadd.s32 $0x1070, s5;
	s20 =	simm.s32 $0xB4F8  }
0x3a9: {  	[hbm4b:s13+s3] =	stream.linear.scatter [tilespmem:s20], [sflag:$0xA], $0x80, $0x38;
	[tilespmem:$0xBE00] =	vst v63  }
0x3aa: {  	s21 =	sadd.s32 $0x2000, s5;
	s26 =	simm.s32 $0xB580  }
0x3ab: {  	[hbm4b:s21+s3] =	stream.linear.scatter [tilespmem:s26], [sflag:$0xA], $0x80, $0x38;
	[tilespmem:$0xBE00] =	vst v63  }
0x3ac: {  	s13 =	sadd.s32 $0x2010, s5;
	s20 =	simm.s32 $0xB608  }
0x3ad: {  	[hbm4b:s13+s3] =	stream.linear.scatter [tilespmem:s20], [sflag:$0xA], $0x80, $0x38;
	[tilespmem:$0xBE00] =	vst v63  }
0x3ae: {  	s21 =	sadd.s32 $0x2020, s5;
	s26 =	simm.s32 $0xB690  }
0x3af: {  	[hbm4b:s21+s3] =	stream.linear.scatter [tilespmem:s26], [sflag:$0xA], $0x80, $0x38;
	[tilespmem:$0xBE00] =	vst v63  }
0x3b0: {  	s13 =	sadd.s32 $0x2030, s5;
	s20 =	simm.s32 $0xB718  }
0x3b1: {  	[hbm4b:s13+s3] =	stream.linear.scatter [tilespmem:s20], [sflag:$0xA], $0x80, $0x38;
	[tilespmem:$0xBE00] =	vst v63  }
0x3b2: {  	s21 =	sadd.s32 $0x2040, s5;
	s26 =	simm.s32 $0xB7A0  }
0x3b3: {  	[hbm4b:s21+s3] =	stream.linear.scatter [tilespmem:s26], [sflag:$0xA], $0x80, $0x38;
	[tilespmem:$0xBE00] =	vst v63  }
0x3b4: {  	s13 =	sadd.s32 $0x2050, s5;
	s20 =	simm.s32 $0xB828  }
0x3b5: {  	[hbm4b:s13+s3] =	stream.linear.scatter [tilespmem:s20], [sflag:$0xA], $0x80, $0x38;
	[tilespmem:$0xBE00] =	vst v63  }
0x3b6: {  	s21 =	sadd.s32 $0x2060, s5;
	s26 =	simm.s32 $0xB8B0  }
0x3b7: {  	[hbm4b:s21+s3] =	stream.linear.scatter [tilespmem:s26], [sflag:$0xA], $0x80, $0x38;
	[tilespmem:$0xBE00] =	vst v63  }
0x3b8: {  	s13 =	sadd.s32 $0x2070, s5;
	s20 =	simm.s32 $0xB938  }
0x3b9: {  	[hbm4b:s13+s3] =	stream.linear.scatter [tilespmem:s20], [sflag:$0xA], $0x80, $0x38;
	[tilespmem:$0xBE00] =	vst v63  }
0x3ba: {  	s21 =	sadd.s32 $0x3000, s5;
	s26 =	simm.s32 $0xB9C0  }
0x3bb: {  	[hbm4b:s21+s3] =	stream.linear.scatter [tilespmem:s26], [sflag:$0xA], $0x80, $0x38;
	[tilespmem:$0xBE00] =	vst v63  }
0x3bc: {  	s13 =	sadd.s32 $0x3010, s5;
	s20 =	simm.s32 $0xBA48  }
0x3bd: {  	[hbm4b:s13+s3] =	stream.linear.scatter [tilespmem:s20], [sflag:$0xA], $0x80, $0x38;
	[tilespmem:$0xBE00] =	vst v63  }
0x3be: {  	s21 =	sadd.s32 $0x3020, s5;
	s26 =	simm.s32 $0xBAD0  }
0x3bf: {  	[hbm4b:s21+s3] =	stream.linear.scatter [tilespmem:s26], [sflag:$0xA], $0x80, $0x38;
	[tilespmem:$0xBE00] =	vst v63  }
0x3c0: {  	s13 =	sadd.s32 $0x3030, s5  }
0x3c1: {  	[hbm4b:s13+s3] =	stream.linear.scatter [tilespmem:s1], [sflag:$0xA], $0x80, $0x38;
	[tilespmem:$0xBE00] =	vst v63  }
0x3c2: {  	s19 =	sadd.s32 $0x1, s19;
	s20 =	sadd.s32 $0x3040, s5  }
0x3c3: {  	[hbm4b:s20+s3] =	stream.linear.scatter [tilespmem:s0], [sflag:$0xA], $0x80, $0x38;
	[tilespmem:$0xBE00] =	vst v63  }
0x3c4: {  	p0 =	sne.s32 s19, $0xA;
	s21 =	sadd.s32 $0x3050, s5  }
0x3c5: {  	[hbm4b:s21+s3] =	stream.linear.scatter [tilespmem:s14], [sflag:$0xA], $0x80, $0x38;
	[tilespmem:$0xBE00] =	vst v63  }
.Ltmp5:
0x3c6: {  	_ = 	snop;
	(pc) =	sbr.rel @p0 .LBB2_2-.Ltmp5, $4  }
0x3c7: {  	s26 =	sadd.s32 $0x3060, s5  }
0x3c8: {  	[hbm4b:s26+s3] =	stream.linear.scatter [tilespmem:s17], [sflag:$0xA], $0x80, $0x38;
	[tilespmem:$0xBE00] =	vst v63  }
0x3c9: {  	s5 =	sadd.s32 $0x3070, s5  }
0x3ca: {  	[hbm4b:s5+s3] =	stream.linear.scatter [tilespmem:s18], [sflag:$0xA], $0x80, $0x38;
	[tilespmem:$0xBE00] =	vst v63  }
0x3cb: {  	s5 =	simm.s32 $0x6  }
0x3cc: {  	_ =	swait.ge [sflag:s5], $0x1000  }
0x3cd: {  	[sflag:s5] =	ssyncset.done $0x0  }
0x3ce: {  	s19 =	simm.s32 $0x7;
	[sflag:s5] =	ssyncadd.s32 $0xFFFFF000  }
0x3cf: {  	_ =	swait.ge [sflag:s19], $0x1000  }
0x3d0: {  	[sflag:s19] =	ssyncset.done $0x0  }
0x3d1: {  	s20 =	simm.s32 $0x8;
	[sflag:s19] =	ssyncadd.s32 $0xFFFFF000  }
0x3d2: {  	_ =	swait.ge [sflag:s20], $0x1000  }
0x3d3: {  	[sflag:s20] =	ssyncset.done $0x0  }
0x3d4: {  	s21 =	simm.s32 $0x9;
	[sflag:s20] =	ssyncadd.s32 $0xFFFFF000  }
0x3d5: {  	_ =	swait.ge [sflag:s21], $0x1000  }
0x3d6: {  	[sflag:s21] =	ssyncset.done $0x0  }
0x3d7: {  	s11 =	simm.s32 $0xA;
	[sflag:s21] =	ssyncadd.s32 $0xFFFFF000  }
0x3d8: {  	_ =	swait.ge [sflag:s11], $0x1000  }
0x3d9: {  	s12 =	rddreg [dreg:$0x5]  }
0x3da: {  	s26 =	rddreg [dreg:$0x4];
	s12 =	sadd.s32 $0x1, s12  }
0x3db: {  	p0 =	sne.s32 s12, s26  }
.Ltmp6:
0x3dc: {  	_ = 	snop;
	(pc) =	sbr.rel @p0 .LBB2_1-.Ltmp6, $3  }
0x3dd: {  	_ =	sdelay $0x1  }
0x3de: {  	[sflag:s11] =	ssyncset.done $0x0  }
0x3df: {  	[sflag:s11] =	ssyncadd.s32 $0xFFFFF000  }
0x3e0: {  	_ =	sfence.sel $0x180000  }
0x3e1: {  	[bflag:$0x0] =	sbarrier.arrive $0xFFFF  }
0x3e2: {  	_ =	strace $0x90000047  }
0x3e3: {  	s0 =	stileid.u32;
	[bflag:$0x2] =	sbarrier.arrive $0xFFFF  }
0x3e4: {  	p0 =	sne.s32 s0, $0x0;
	s0 =	rddreg [dreg:$0x2]  }
0x3e5: {  	s0 =	sadd.s32 @!p0 $0x100000, s0  }
0x3e6: {  	[sflag:s0] =	ssyncadd.tile.s32 @!p0 $0x1;
	_ =	shalt  }
.Lfunc_end2:
_tile_overlayer_lowered:
.L_overlay_start_2:
0x3e7: {  	(tag) =	ssettag $0x2  }
0x3e8: {  	s0 =	rddreg [dreg:$0x0];
	s2 =	stileid.u32  }
0x3e9: {  	s1 =	rddreg [dreg:$0x1];
	p0 =	sne.s32 s2, $0x0  }
0x3ea: {  	s3 =	rddreg [dreg:$0x2];
	[bflag:$0x3] =	sbarrier.arrive $0xFFFF;
	s2 =	simm.s32 @!p0 $0x1C0B  }
0x3eb: {  	[timem:s3], [sflag:s2] =	dma.local @!p0 [hbm:s0], s1  }
0x3ec: {  	s0 =	simm.s32 @!p0 $0xB  }
0x3ed: {  	_ =	swait.ge @!p0 [sflag:s0], s1  }
0x3ee: {  	s1 =	ssub.s32 @!p0 $0x0, s1;
	[sflag:s0] =	ssyncset.done @!p0 $0x0  }
0x3ef: {  	[sflag:s0] =	ssyncadd.s32 @!p0 s1  }
0x3f0: {  	[bflag:$0x3] =	sbarrier.arrive $0xFFFF  }
0x3f1: {  	_ =	shalt  }

</sc_bundles>
